<compile_context>
chip_gen: v7x
topology: tpu7x:2x2x1
jax: 0.10.2.dev20260603
libtpu: 0.0.44.dev20260713+nightly
codegen_flags: <defaults>
</compile_context>

<pallas_src>
import functools

import jax
import jax.numpy as jnp
from jax import lax
from jax.experimental import pallas as pl
from jax.experimental.pallas import tpu as pltpu
from jax.experimental.pallas import tpu_sc as plsc
from jax.experimental.layout import Layout, with_layout_constraint

D_MODEL = 64
SCALE = 8.0
_L = 16
_NC = 2
_NS = 16
_NW = _NC * _NS
_TR = 8
_TC = 128


@functools.lru_cache(maxsize=None)
def _make_kernel(R, C, V):
    rpw = R // _NW
    cb_n = C // _TR
    db_n = D_MODEL // _TR
    mesh = plsc.VectorSubcoreMesh(core_axis_name="c", subcore_axis_name="s")

    @functools.partial(
        pl.kernel,
        mesh=mesh,
        out_type=jax.ShapeDtypeStruct(
            (C, db_n, _NW, _TR, rpw), jnp.float32
        ),
        scratch_types=[
            pltpu.VMEM((cb_n, 1, _TR, rpw), jnp.int32),
            pltpu.VMEM((2, rpw, D_MODEL), jnp.float32),
            pltpu.VMEM((2, 1, db_n, 1, _TR, rpw + 1), jnp.float32),
            pltpu.SemaphoreType.DMA,
            pltpu.SemaphoreType.DMA,
            pltpu.SemaphoreType.DMA,
            pltpu.SemaphoreType.DMA,
        ],
        compiler_params=pltpu.CompilerParams(
            use_tc_tiling_on_sc=False, needs_layout_passes=False
        ),
    )
    def k(xq_hbm, lut_hbm, out_hbm, idx_v, rows_v, trows_v, g0, g1, s0, s1):
        wid = lax.axis_index("s") * _NC + lax.axis_index("c")
        pltpu.sync_copy(xq_hbm.at[:, pl.ds(wid, 1)], idx_v)
        gsem = (g0, g1)
        ssem = (s0, s1)

        def gather_copy(c, b):
            idx_ref = idx_v.at[c // _TR, 0, c % _TR]
            return pltpu.make_async_copy(
                lut_hbm.at[idx_ref], rows_v.at[b], gsem[b]
            )

        def store_copy(c, b):
            src = trows_v.at[
                b,
                pl.ds(0, 1),
                pl.ds(0, db_n),
                pl.ds(0, 1),
                pl.ds(0, _TR),
                pl.ds(0, rpw),
            ]
            return pltpu.make_async_copy(
                src,
                out_hbm.at[pl.ds(c, 1), pl.ds(0, db_n), pl.ds(wid, 1)],
                ssem[b],
            )

        riota = lax.iota(jnp.int32, _L)
        zvec = jnp.zeros((_L,), jnp.int32)
        dbvecs = [(riota + j * _L) // _TR for j in range(D_MODEL // _L)]
        divecs = [(riota + j * _L) % _TR for j in range(D_MODEL // _L)]

        gather_copy(0, 0).start()
        gather_copy(1, 1).start()

        def outer(o, carry):
            for b in range(2):
                c = o * 2 + b
                gather_copy(c, b).wait()

                @pl.when(c >= 2)
                def _():
                    store_copy(c - 2, b).wait()

                tref = trows_v.at[b]

                def tr_body(r0, carry2):
                    for ru in range(16):
                        r = r0 * 16 + ru
                        rsplat = jnp.full((_L,), 0, jnp.int32) + r
                        for j in range(D_MODEL // _L):
                            vals = rows_v[b, r, pl.ds(j * _L, _L)] * SCALE
                            plsc.store_scatter(
                                tref,
                                [zvec, dbvecs[j], zvec, divecs[j], rsplat],
                                vals,
                            )
                    return carry2

                lax.fori_loop(0, rpw // 16, tr_body, 0)
                store_copy(c, b).start()

                @pl.when(c + 2 < C)
                def _():
                    gather_copy(c + 2, b).start()

            return carry

        lax.fori_loop(0, C // 2, outer, 0)
        store_copy(C - 2, 0).wait()
        store_copy(C - 1, 1).wait()

    return k


def kernel(x, lut):
    R, C = x.shape
    V = lut.shape[0]
    rpw = R // _NW
    cb_n = C // _TR
    db_n = D_MODEL // _TR

    x2 = x.astype(jnp.int32).T
    x2 = with_layout_constraint(
        x2, Layout(major_to_minor=(0, 1), tiling=((_TR, _TC),))
    )
    x3 = x2.reshape(cb_n, _TR, _NW, rpw)
    x3 = with_layout_constraint(
        x3, Layout(major_to_minor=(0, 2, 1, 3), tiling=())
    )
    x4 = x3.transpose(0, 2, 1, 3)
    x4 = with_layout_constraint(
        x4, Layout(major_to_minor=(0, 1, 2, 3), tiling=())
    )

    o5 = _make_kernel(R, C, V)(x4, lut)

    t = o5.transpose(2, 4, 0, 1, 3)
    t = with_layout_constraint(
        t, Layout(major_to_minor=(2, 3, 0, 4, 1), tiling=())
    )
    return t.reshape(R, C, D_MODEL)

# --- scband reference (transcript-rebuilt; emitter-appended) ---
"""Pipeline reference for scband-embeddings-575525618167 (READ-ONLY COPY).

The authoritative reference and input builder live on the scoring server;
editing this copy changes nothing except your own understanding.
"""

import jax, jax.numpy as jnp
import numpy as np
import math

D_MODEL = 64
VOCAB = 1000000

def setup_inputs(seed: int = 0) -> dict:
    key = jax.random.key(seed)
    k1, k2 = jax.random.split(key)
    x = jax.random.randint(k1, (4096, 200), 0, VOCAB, dtype=jnp.int64 if jax.config.jax_enable_x64 else jnp.int32)
    lut = jax.random.normal(k2, (VOCAB, D_MODEL), dtype=jnp.float32)
    return {"x": x, "lut": lut}

def reference(x, lut):
    # Embeddings.forward: lut(x) * sqrt(d_model)
    emb = jnp.take(lut, x, axis=0)
    return emb * math.sqrt(D_MODEL)

if __name__ == "__main__":
    import jax
    _d = setup_inputs()
    print(jax.jit(kernel)(*tuple(_d.values())))

</pallas_src>

<mosaic_0001>
#map = affine_map<(d0, d1) -> (0, 0, 0, 0)>
#map1 = affine_map<(d0, d1) -> (0, 0)>
#map2 = affine_map<(d0, d1) -> (0, 0, 0, 0, 0)>
module attributes {stable_mosaic.version = 14 : i64} {
  func.func @k(%arg0: i32, %arg1: i32, %arg2: memref<25x32x8x128xi32, #tpu.memory_space<hbm>>, %arg3: memref<1000000x64xf32, #tpu.memory_space<hbm>>, %arg4: memref<200x8x32x8x128xf32, #tpu.memory_space<hbm>>, %arg5: memref<25x1x8x128xi32, #tpu.memory_space<vmem>>, %arg6: memref<2x128x64xf32, #tpu.memory_space<vmem>>, %arg7: memref<2x1x8x1x8x129xf32, #tpu.memory_space<vmem>>, %arg8: memref<!tpu.dma_semaphore, #tpu.memory_space<semaphore_mem>>, %arg9: memref<!tpu.dma_semaphore, #tpu.memory_space<semaphore_mem>>, %arg10: memref<!tpu.dma_semaphore, #tpu.memory_space<semaphore_mem>>, %arg11: memref<!tpu.dma_semaphore, #tpu.memory_space<semaphore_mem>>) attributes {dimension_semantics = [#tpu.dimension_semantics<core_parallel>, #tpu.dimension_semantics<subcore_parallel>], iteration_bounds = array<i64: 2, 16>, scalar_prefetch = 0 : i64, scratch_operands = 7 : i64, tpu.core_type = #tpu.core_type<sc_vector_subcore>, window_params = [{transform_indices = #map}, {transform_indices = #map1}, {transform_indices = #map2}]} {
    %mul3A = arith.constant 2 : i32
    %mul3A_0 = arith.muli %arg1, %mul3A : i32
    %add3A = arith.addi %mul3A_0, %arg0 : i32
    "tpu.region"() ({
      %run_scoped3A = tpu.sem_alloc : memref<!tpu.dma_semaphore, #tpu.memory_space<semaphore_mem>>
      %dma_start3A_309 = arith.constant 0 : i32
      %dma_start3A_310 = arith.constant 0 : i32
      %dma_start3A_311 = arith.constant 0 : i32
      %dma_start3A_312 = tpu.memref_slice %arg2[%dma_start3A_309, %add3A, %dma_start3A_310, %dma_start3A_311] : memref<25x32x8x128xi32, #tpu.memory_space<hbm>> -> memref<25x1x8x128xi32, #tpu.memory_space<hbm>>
      %dma_start3A_313 = arith.constant 0 : i32
      %dma_start3A_314 = arith.constant 0 : i32
      %dma_start3A_315 = arith.constant 0 : i32
      %dma_start3A_316 = tpu.memref_slice %arg2[%dma_start3A_313, %add3A, %dma_start3A_314, %dma_start3A_315] : memref<25x32x8x128xi32, #tpu.memory_space<hbm>> -> memref<25x1x8x128xi32, #tpu.memory_space<hbm>>
      tpu.enqueue_dma source(%dma_start3A_316 : memref<25x1x8x128xi32, #tpu.memory_space<hbm>>) target(%arg5 : memref<25x1x8x128xi32, #tpu.memory_space<vmem>>) target_semaphore(%run_scoped3A : memref<!tpu.dma_semaphore, #tpu.memory_space<semaphore_mem>>)
      %dma_wait3A_317 = arith.constant 0 : i32
      %dma_wait3A_318 = arith.constant 0 : i32
      %dma_wait3A_319 = arith.constant 0 : i32
      %dma_wait3A_320 = tpu.memref_slice %arg2[%dma_wait3A_317, %add3A, %dma_wait3A_318, %dma_wait3A_319] : memref<25x32x8x128xi32, #tpu.memory_space<hbm>> -> memref<25x1x8x128xi32, #tpu.memory_space<hbm>>
      %dma_wait3A_321 = arith.constant 0 : i32
      %dma_wait3A_322 = arith.constant 0 : i32
      %dma_wait3A_323 = arith.constant 0 : i32
      %dma_wait3A_324 = tpu.memref_slice %arg2[%dma_wait3A_321, %add3A, %dma_wait3A_322, %dma_wait3A_323] : memref<25x32x8x128xi32, #tpu.memory_space<hbm>> -> memref<25x1x8x128xi32, #tpu.memory_space<hbm>>
      tpu.wait_dma2 semaphore(%run_scoped3A : memref<!tpu.dma_semaphore, #tpu.memory_space<semaphore_mem>>) src(%dma_wait3A_324 : memref<25x1x8x128xi32, #tpu.memory_space<hbm>>) dst(%arg5 : memref<25x1x8x128xi32, #tpu.memory_space<vmem>>)
      tpu.yield
    }) : () -> ()
    %iota3A = tpu.iota {dimensions = array<i32: 0>} : vector<16xi32>
    %broadcast_in_dim3A = arith.constant 0 : i32
    %broadcast_in_dim3A_1 = vector.broadcast %broadcast_in_dim3A : i32 to vector<16xi32>
    %add3A_2 = arith.constant 0 : i32
    %add3A_3 = vector.broadcast %add3A_2 : i32 to vector<16xi32>
    %add3A_4 = arith.addi %iota3A, %add3A_3 : vector<16xi32>
    %jit3A = arith.constant 8 : i32
    %div3A = vector.broadcast %jit3A : i32 to vector<16xi32>
    %div3A_5 = arith.divsi %add3A_4, %div3A : vector<16xi32>
    %sign3A = arith.constant 0 : i32
    %sign3A_6 = vector.broadcast %sign3A : i32 to vector<16xi32>
    %sign3A_7 = arith.cmpi sgt, %add3A_4, %sign3A_6 : vector<16xi32>
    %sign3A_8 = arith.extui %sign3A_7 : vector<16xi1> to vector<16xi32>
    %sign3A_9 = arith.constant 0 : i32
    %sign3A_10 = vector.broadcast %sign3A_9 : i32 to vector<16xi32>
    %sign3A_11 = arith.cmpi slt, %add3A_4, %sign3A_10 : vector<16xi32>
    %sign3A_12 = arith.extui %sign3A_11 : vector<16xi1> to vector<16xi32>
    %sign3A_13 = arith.subi %sign3A_8, %sign3A_12 : vector<16xi32>
    %sign3A_14 = arith.constant 0 : i32
    %sign3A_15 = arith.cmpi sgt, %jit3A, %sign3A_14 : i32
    %sign3A_16 = arith.extui %sign3A_15 : i1 to i32
    %sign3A_17 = arith.constant 0 : i32
    %sign3A_18 = arith.cmpi slt, %jit3A, %sign3A_17 : i32
    %sign3A_19 = arith.extui %sign3A_18 : i1 to i32
    %sign3A_20 = arith.subi %sign3A_16, %sign3A_19 : i32
    %ne3A = vector.broadcast %sign3A_20 : i32 to vector<16xi32>
    %ne3A_21 = arith.cmpi ne, %sign3A_13, %ne3A : vector<16xi32>
    %rem3A = vector.broadcast %jit3A : i32 to vector<16xi32>
    %rem3A_22 = arith.remsi %add3A_4, %rem3A : vector<16xi32>
    %ne3A_23 = arith.constant 0 : i32
    %ne3A_24 = vector.broadcast %ne3A_23 : i32 to vector<16xi32>
    %ne3A_25 = arith.cmpi ne, %rem3A_22, %ne3A_24 : vector<16xi32>
    %and3A = arith.andi %ne3A_21, %ne3A_25 : vector<16xi1>
    %sub3A = arith.constant 1 : i32
    %sub3A_26 = vector.broadcast %sub3A : i32 to vector<16xi32>
    %sub3A_27 = arith.subi %div3A_5, %sub3A_26 : vector<16xi32>
    %select_n3A = arith.select %and3A, %sub3A_27, %div3A_5 : vector<16xi1>, vector<16xi32>
    %add3A_28 = arith.constant 16 : i32
    %add3A_29 = vector.broadcast %add3A_28 : i32 to vector<16xi32>
    %add3A_30 = arith.addi %iota3A, %add3A_29 : vector<16xi32>
    %jit3A_31 = arith.constant 8 : i32
    %div3A_32 = vector.broadcast %jit3A_31 : i32 to vector<16xi32>
    %div3A_33 = arith.divsi %add3A_30, %div3A_32 : vector<16xi32>
    %sign3A_34 = arith.constant 0 : i32
    %sign3A_35 = vector.broadcast %sign3A_34 : i32 to vector<16xi32>
    %sign3A_36 = arith.cmpi sgt, %add3A_30, %sign3A_35 : vector<16xi32>
    %sign3A_37 = arith.extui %sign3A_36 : vector<16xi1> to vector<16xi32>
    %sign3A_38 = arith.constant 0 : i32
    %sign3A_39 = vector.broadcast %sign3A_38 : i32 to vector<16xi32>
    %sign3A_40 = arith.cmpi slt, %add3A_30, %sign3A_39 : vector<16xi32>
    %sign3A_41 = arith.extui %sign3A_40 : vector<16xi1> to vector<16xi32>
    %sign3A_42 = arith.subi %sign3A_37, %sign3A_41 : vector<16xi32>
    %sign3A_43 = arith.constant 0 : i32
    %sign3A_44 = arith.cmpi sgt, %jit3A_31, %sign3A_43 : i32
    %sign3A_45 = arith.extui %sign3A_44 : i1 to i32
    %sign3A_46 = arith.constant 0 : i32
    %sign3A_47 = arith.cmpi slt, %jit3A_31, %sign3A_46 : i32
    %sign3A_48 = arith.extui %sign3A_47 : i1 to i32
    %sign3A_49 = arith.subi %sign3A_45, %sign3A_48 : i32
    %ne3A_50 = vector.broadcast %sign3A_49 : i32 to vector<16xi32>
    %ne3A_51 = arith.cmpi ne, %sign3A_42, %ne3A_50 : vector<16xi32>
    %rem3A_52 = vector.broadcast %jit3A_31 : i32 to vector<16xi32>
    %rem3A_53 = arith.remsi %add3A_30, %rem3A_52 : vector<16xi32>
    %ne3A_54 = arith.constant 0 : i32
    %ne3A_55 = vector.broadcast %ne3A_54 : i32 to vector<16xi32>
    %ne3A_56 = arith.cmpi ne, %rem3A_53, %ne3A_55 : vector<16xi32>
    %and3A_57 = arith.andi %ne3A_51, %ne3A_56 : vector<16xi1>
    %sub3A_58 = arith.constant 1 : i32
    %sub3A_59 = vector.broadcast %sub3A_58 : i32 to vector<16xi32>
    %sub3A_60 = arith.subi %div3A_33, %sub3A_59 : vector<16xi32>
    %select_n3A_61 = arith.select %and3A_57, %sub3A_60, %div3A_33 : vector<16xi1>, vector<16xi32>
    %add3A_62 = arith.constant 32 : i32
    %add3A_63 = vector.broadcast %add3A_62 : i32 to vector<16xi32>
    %add3A_64 = arith.addi %iota3A, %add3A_63 : vector<16xi32>
    %jit3A_65 = arith.constant 8 : i32
    %div3A_66 = vector.broadcast %jit3A_65 : i32 to vector<16xi32>
    %div3A_67 = arith.divsi %add3A_64, %div3A_66 : vector<16xi32>
    %sign3A_68 = arith.constant 0 : i32
    %sign3A_69 = vector.broadcast %sign3A_68 : i32 to vector<16xi32>
    %sign3A_70 = arith.cmpi sgt, %add3A_64, %sign3A_69 : vector<16xi32>
    %sign3A_71 = arith.extui %sign3A_70 : vector<16xi1> to vector<16xi32>
    %sign3A_72 = arith.constant 0 : i32
    %sign3A_73 = vector.broadcast %sign3A_72 : i32 to vector<16xi32>
    %sign3A_74 = arith.cmpi slt, %add3A_64, %sign3A_73 : vector<16xi32>
    %sign3A_75 = arith.extui %sign3A_74 : vector<16xi1> to vector<16xi32>
    %sign3A_76 = arith.subi %sign3A_71, %sign3A_75 : vector<16xi32>
    %sign3A_77 = arith.constant 0 : i32
    %sign3A_78 = arith.cmpi sgt, %jit3A_65, %sign3A_77 : i32
    %sign3A_79 = arith.extui %sign3A_78 : i1 to i32
    %sign3A_80 = arith.constant 0 : i32
    %sign3A_81 = arith.cmpi slt, %jit3A_65, %sign3A_80 : i32
    %sign3A_82 = arith.extui %sign3A_81 : i1 to i32
    %sign3A_83 = arith.subi %sign3A_79, %sign3A_82 : i32
    %ne3A_84 = vector.broadcast %sign3A_83 : i32 to vector<16xi32>
    %ne3A_85 = arith.cmpi ne, %sign3A_76, %ne3A_84 : vector<16xi32>
    %rem3A_86 = vector.broadcast %jit3A_65 : i32 to vector<16xi32>
    %rem3A_87 = arith.remsi %add3A_64, %rem3A_86 : vector<16xi32>
    %ne3A_88 = arith.constant 0 : i32
    %ne3A_89 = vector.broadcast %ne3A_88 : i32 to vector<16xi32>
    %ne3A_90 = arith.cmpi ne, %rem3A_87, %ne3A_89 : vector<16xi32>
    %and3A_91 = arith.andi %ne3A_85, %ne3A_90 : vector<16xi1>
    %sub3A_92 = arith.constant 1 : i32
    %sub3A_93 = vector.broadcast %sub3A_92 : i32 to vector<16xi32>
    %sub3A_94 = arith.subi %div3A_67, %sub3A_93 : vector<16xi32>
    %select_n3A_95 = arith.select %and3A_91, %sub3A_94, %div3A_67 : vector<16xi1>, vector<16xi32>
    %add3A_96 = arith.constant 48 : i32
    %add3A_97 = vector.broadcast %add3A_96 : i32 to vector<16xi32>
    %add3A_98 = arith.addi %iota3A, %add3A_97 : vector<16xi32>
    %jit3A_99 = arith.constant 8 : i32
    %div3A_100 = vector.broadcast %jit3A_99 : i32 to vector<16xi32>
    %div3A_101 = arith.divsi %add3A_98, %div3A_100 : vector<16xi32>
    %sign3A_102 = arith.constant 0 : i32
    %sign3A_103 = vector.broadcast %sign3A_102 : i32 to vector<16xi32>
    %sign3A_104 = arith.cmpi sgt, %add3A_98, %sign3A_103 : vector<16xi32>
    %sign3A_105 = arith.extui %sign3A_104 : vector<16xi1> to vector<16xi32>
    %sign3A_106 = arith.constant 0 : i32
    %sign3A_107 = vector.broadcast %sign3A_106 : i32 to vector<16xi32>
    %sign3A_108 = arith.cmpi slt, %add3A_98, %sign3A_107 : vector<16xi32>
    %sign3A_109 = arith.extui %sign3A_108 : vector<16xi1> to vector<16xi32>
    %sign3A_110 = arith.subi %sign3A_105, %sign3A_109 : vector<16xi32>
    %sign3A_111 = arith.constant 0 : i32
    %sign3A_112 = arith.cmpi sgt, %jit3A_99, %sign3A_111 : i32
    %sign3A_113 = arith.extui %sign3A_112 : i1 to i32
    %sign3A_114 = arith.constant 0 : i32
    %sign3A_115 = arith.cmpi slt, %jit3A_99, %sign3A_114 : i32
    %sign3A_116 = arith.extui %sign3A_115 : i1 to i32
    %sign3A_117 = arith.subi %sign3A_113, %sign3A_116 : i32
    %ne3A_118 = vector.broadcast %sign3A_117 : i32 to vector<16xi32>
    %ne3A_119 = arith.cmpi ne, %sign3A_110, %ne3A_118 : vector<16xi32>
    %rem3A_120 = vector.broadcast %jit3A_99 : i32 to vector<16xi32>
    %rem3A_121 = arith.remsi %add3A_98, %rem3A_120 : vector<16xi32>
    %ne3A_122 = arith.constant 0 : i32
    %ne3A_123 = vector.broadcast %ne3A_122 : i32 to vector<16xi32>
    %ne3A_124 = arith.cmpi ne, %rem3A_121, %ne3A_123 : vector<16xi32>
    %and3A_125 = arith.andi %ne3A_119, %ne3A_124 : vector<16xi1>
    %sub3A_126 = arith.constant 1 : i32
    %sub3A_127 = vector.broadcast %sub3A_126 : i32 to vector<16xi32>
    %sub3A_128 = arith.subi %div3A_101, %sub3A_127 : vector<16xi32>
    %select_n3A_129 = arith.select %and3A_125, %sub3A_128, %div3A_101 : vector<16xi1>, vector<16xi32>
    %add3A_130 = arith.constant 0 : i32
    %add3A_131 = vector.broadcast %add3A_130 : i32 to vector<16xi32>
    %add3A_132 = arith.addi %iota3A, %add3A_131 : vector<16xi32>
    %jit3A_133 = arith.constant 8 : i32
    %eq3A = arith.constant 0 : i32
    %eq3A_134 = arith.cmpi eq, %jit3A_133, %eq3A : i32
    %jit3A_135 = arith.constant 1 : i32
    %select_n3A_136 = arith.select %eq3A_134, %jit3A_135, %jit3A_133 : i32
    %rem3A_137 = vector.broadcast %select_n3A_136 : i32 to vector<16xi32>
    %rem3A_138 = arith.remsi %add3A_132, %rem3A_137 : vector<16xi32>
    %ne3A_139 = arith.constant 0 : i32
    %ne3A_140 = vector.broadcast %ne3A_139 : i32 to vector<16xi32>
    %ne3A_141 = arith.cmpi ne, %rem3A_138, %ne3A_140 : vector<16xi32>
    %lt3A = arith.constant 0 : i32
    %lt3A_142 = vector.broadcast %lt3A : i32 to vector<16xi32>
    %lt3A_143 = arith.cmpi slt, %rem3A_138, %lt3A_142 : vector<16xi32>
    %lt3A_144 = arith.constant 0 : i32
    %lt3A_145 = arith.cmpi slt, %select_n3A_136, %lt3A_144 : i32
    %ne3A_146 = vector.broadcast %lt3A_145 : i1 to vector<16xi1>
    %ne3A_147 = vector.broadcast %ne3A_146 : vector<16xi1> to vector<16xi1>
    %ne3A_148 = arith.xori %lt3A_143, %ne3A_147 : vector<16xi1>
    %and3A_149 = arith.andi %ne3A_148, %ne3A_141 : vector<16xi1>
    %add3A_150 = vector.broadcast %select_n3A_136 : i32 to vector<16xi32>
    %add3A_151 = arith.addi %rem3A_138, %add3A_150 : vector<16xi32>
    %select_n3A_152 = arith.select %and3A_149, %add3A_151, %rem3A_138 : vector<16xi1>, vector<16xi32>
    %add3A_153 = arith.constant 16 : i32
    %add3A_154 = vector.broadcast %add3A_153 : i32 to vector<16xi32>
    %add3A_155 = arith.addi %iota3A, %add3A_154 : vector<16xi32>
    %jit3A_156 = arith.constant 8 : i32
    %eq3A_157 = arith.constant 0 : i32
    %eq3A_158 = arith.cmpi eq, %jit3A_156, %eq3A_157 : i32
    %jit3A_159 = arith.constant 1 : i32
    %select_n3A_160 = arith.select %eq3A_158, %jit3A_159, %jit3A_156 : i32
    %rem3A_161 = vector.broadcast %select_n3A_160 : i32 to vector<16xi32>
    %rem3A_162 = arith.remsi %add3A_155, %rem3A_161 : vector<16xi32>
    %ne3A_163 = arith.constant 0 : i32
    %ne3A_164 = vector.broadcast %ne3A_163 : i32 to vector<16xi32>
    %ne3A_165 = arith.cmpi ne, %rem3A_162, %ne3A_164 : vector<16xi32>
    %lt3A_166 = arith.constant 0 : i32
    %lt3A_167 = vector.broadcast %lt3A_166 : i32 to vector<16xi32>
    %lt3A_168 = arith.cmpi slt, %rem3A_162, %lt3A_167 : vector<16xi32>
    %lt3A_169 = arith.constant 0 : i32
    %lt3A_170 = arith.cmpi slt, %select_n3A_160, %lt3A_169 : i32
    %ne3A_171 = vector.broadcast %lt3A_170 : i1 to vector<16xi1>
    %ne3A_172 = vector.broadcast %ne3A_171 : vector<16xi1> to vector<16xi1>
    %ne3A_173 = arith.xori %lt3A_168, %ne3A_172 : vector<16xi1>
    %and3A_174 = arith.andi %ne3A_173, %ne3A_165 : vector<16xi1>
    %add3A_175 = vector.broadcast %select_n3A_160 : i32 to vector<16xi32>
    %add3A_176 = arith.addi %rem3A_162, %add3A_175 : vector<16xi32>
    %select_n3A_177 = arith.select %and3A_174, %add3A_176, %rem3A_162 : vector<16xi1>, vector<16xi32>
    %add3A_178 = arith.constant 32 : i32
    %add3A_179 = vector.broadcast %add3A_178 : i32 to vector<16xi32>
    %add3A_180 = arith.addi %iota3A, %add3A_179 : vector<16xi32>
    %jit3A_181 = arith.constant 8 : i32
    %eq3A_182 = arith.constant 0 : i32
    %eq3A_183 = arith.cmpi eq, %jit3A_181, %eq3A_182 : i32
    %jit3A_184 = arith.constant 1 : i32
    %select_n3A_185 = arith.select %eq3A_183, %jit3A_184, %jit3A_181 : i32
    %rem3A_186 = vector.broadcast %select_n3A_185 : i32 to vector<16xi32>
    %rem3A_187 = arith.remsi %add3A_180, %rem3A_186 : vector<16xi32>
    %ne3A_188 = arith.constant 0 : i32
    %ne3A_189 = vector.broadcast %ne3A_188 : i32 to vector<16xi32>
    %ne3A_190 = arith.cmpi ne, %rem3A_187, %ne3A_189 : vector<16xi32>
    %lt3A_191 = arith.constant 0 : i32
    %lt3A_192 = vector.broadcast %lt3A_191 : i32 to vector<16xi32>
    %lt3A_193 = arith.cmpi slt, %rem3A_187, %lt3A_192 : vector<16xi32>
    %lt3A_194 = arith.constant 0 : i32
    %lt3A_195 = arith.cmpi slt, %select_n3A_185, %lt3A_194 : i32
    %ne3A_196 = vector.broadcast %lt3A_195 : i1 to vector<16xi1>
    %ne3A_197 = vector.broadcast %ne3A_196 : vector<16xi1> to vector<16xi1>
    %ne3A_198 = arith.xori %lt3A_193, %ne3A_197 : vector<16xi1>
    %and3A_199 = arith.andi %ne3A_198, %ne3A_190 : vector<16xi1>
    %add3A_200 = vector.broadcast %select_n3A_185 : i32 to vector<16xi32>
    %add3A_201 = arith.addi %rem3A_187, %add3A_200 : vector<16xi32>
    %select_n3A_202 = arith.select %and3A_199, %add3A_201, %rem3A_187 : vector<16xi1>, vector<16xi32>
    %add3A_203 = arith.constant 48 : i32
    %add3A_204 = vector.broadcast %add3A_203 : i32 to vector<16xi32>
    %add3A_205 = arith.addi %iota3A, %add3A_204 : vector<16xi32>
    %jit3A_206 = arith.constant 8 : i32
    %eq3A_207 = arith.constant 0 : i32
    %eq3A_208 = arith.cmpi eq, %jit3A_206, %eq3A_207 : i32
    %jit3A_209 = arith.constant 1 : i32
    %select_n3A_210 = arith.select %eq3A_208, %jit3A_209, %jit3A_206 : i32
    %rem3A_211 = vector.broadcast %select_n3A_210 : i32 to vector<16xi32>
    %rem3A_212 = arith.remsi %add3A_205, %rem3A_211 : vector<16xi32>
    %ne3A_213 = arith.constant 0 : i32
    %ne3A_214 = vector.broadcast %ne3A_213 : i32 to vector<16xi32>
    %ne3A_215 = arith.cmpi ne, %rem3A_212, %ne3A_214 : vector<16xi32>
    %lt3A_216 = arith.constant 0 : i32
    %lt3A_217 = vector.broadcast %lt3A_216 : i32 to vector<16xi32>
    %lt3A_218 = arith.cmpi slt, %rem3A_212, %lt3A_217 : vector<16xi32>
    %lt3A_219 = arith.constant 0 : i32
    %lt3A_220 = arith.cmpi slt, %select_n3A_210, %lt3A_219 : i32
    %ne3A_221 = vector.broadcast %lt3A_220 : i1 to vector<16xi1>
    %ne3A_222 = vector.broadcast %ne3A_221 : vector<16xi1> to vector<16xi1>
    %ne3A_223 = arith.xori %lt3A_218, %ne3A_222 : vector<16xi1>
    %and3A_224 = arith.andi %ne3A_223, %ne3A_215 : vector<16xi1>
    %add3A_225 = vector.broadcast %select_n3A_210 : i32 to vector<16xi32>
    %add3A_226 = arith.addi %rem3A_212, %add3A_225 : vector<16xi32>
    %select_n3A_227 = arith.select %and3A_224, %add3A_226, %rem3A_212 : vector<16xi1>, vector<16xi32>
    %dma_start3A = arith.constant 0 : i32
    %dma_start3A_228 = arith.constant 0 : i32
    %dma_start3A_229 = arith.constant 0 : i32
    %dma_start3A_230 = arith.constant 0 : i32
    %dma_start3A_231 = arith.constant 0 : i32
    %dma_start3A_232 = arith.constant 0 : i32
    %dma_start3A_233 = tpu.memref_slice %arg6[%dma_start3A_230, %dma_start3A_231, %dma_start3A_232] : memref<2x128x64xf32, #tpu.memory_space<vmem>> -> memref<1x128x64xf32, #tpu.memory_space<vmem>>
    %dma_start3A_234 = tpu.memref_squeeze %dma_start3A_233 : memref<1x128x64xf32, #tpu.memory_space<vmem>> -> memref<128x64xf32, #tpu.memory_space<vmem>>
    %dma_start3A_235 = arith.constant 0 : i32
    %dma_start3A_236 = tpu.memref_slice %arg5[%dma_start3A, %dma_start3A_228, %dma_start3A_229, %dma_start3A_235] : memref<25x1x8x128xi32, #tpu.memory_space<vmem>> -> memref<1x1x1x128xi32, #tpu.memory_space<vmem>>
    %dma_start3A_237 = tpu.memref_squeeze %dma_start3A_236 : memref<1x1x1x128xi32, #tpu.memory_space<vmem>> -> memref<128xi32, #tpu.memory_space<vmem>>
    %dma_start3A_238 = arith.constant 0 : i32
    %dma_start3A_239 = arith.constant 0 : i32
    %dma_start3A_240 = tpu.memref_slice %arg3[%dma_start3A_238, %dma_start3A_239] : memref<1000000x64xf32, #tpu.memory_space<hbm>> -> memref<1000000x64xf32, #tpu.memory_space<hbm>>
    tpu.enqueue_indirect_dma source(%dma_start3A_240 : memref<1000000x64xf32, #tpu.memory_space<hbm>>) target(%dma_start3A_234 : memref<128x64xf32, #tpu.memory_space<vmem>>) offsets(%dma_start3A_237 : memref<128xi32, #tpu.memory_space<vmem>>) semaphore(%arg8 : memref<!tpu.dma_semaphore, #tpu.memory_space<semaphore_mem>>)
    %dma_start3A_241 = arith.constant 0 : i32
    %dma_start3A_242 = arith.constant 0 : i32
    %dma_start3A_243 = arith.constant 1 : i32
    %dma_start3A_244 = arith.constant 1 : i32
    %dma_start3A_245 = arith.constant 0 : i32
    %dma_start3A_246 = arith.constant 0 : i32
    %dma_start3A_247 = tpu.memref_slice %arg6[%dma_start3A_244, %dma_start3A_245, %dma_start3A_246] : memref<2x128x64xf32, #tpu.memory_space<vmem>> -> memref<1x128x64xf32, #tpu.memory_space<vmem>>
    %dma_start3A_248 = tpu.memref_squeeze %dma_start3A_247 : memref<1x128x64xf32, #tpu.memory_space<vmem>> -> memref<128x64xf32, #tpu.memory_space<vmem>>
    %dma_start3A_249 = arith.constant 0 : i32
    %dma_start3A_250 = tpu.memref_slice %arg5[%dma_start3A_241, %dma_start3A_242, %dma_start3A_243, %dma_start3A_249] : memref<25x1x8x128xi32, #tpu.memory_space<vmem>> -> memref<1x1x1x128xi32, #tpu.memory_space<vmem>>
    %dma_start3A_251 = tpu.memref_squeeze %dma_start3A_250 : memref<1x1x1x128xi32, #tpu.memory_space<vmem>> -> memref<128xi32, #tpu.memory_space<vmem>>
    %dma_start3A_252 = arith.constant 0 : i32
    %dma_start3A_253 = arith.constant 0 : i32
    %dma_start3A_254 = tpu.memref_slice %arg3[%dma_start3A_252, %dma_start3A_253] : memref<1000000x64xf32, #tpu.memory_space<hbm>> -> memref<1000000x64xf32, #tpu.memory_space<hbm>>
    tpu.enqueue_indirect_dma source(%dma_start3A_254 : memref<1000000x64xf32, #tpu.memory_space<hbm>>) target(%dma_start3A_248 : memref<128x64xf32, #tpu.memory_space<vmem>>) offsets(%dma_start3A_251 : memref<128xi32, #tpu.memory_space<vmem>>) semaphore(%arg9 : memref<!tpu.dma_semaphore, #tpu.memory_space<semaphore_mem>>)
    %scan3A = arith.constant 0 : i32
    %scan3A_255 = arith.constant 0 : i32
    %scan3A_256 = arith.constant 100 : i32
    %scan3A_257 = arith.addi %scan3A_255, %scan3A_256 : i32
    %scan3A_258 = arith.constant 1 : i32
    scf.for %scan3A_309 = %scan3A_255 to %scan3A_257 step %scan3A_258  : i32 {
      %mul3A_310 = arith.constant 2 : i32
      %mul3A_311 = arith.muli %scan3A_309, %mul3A_310 : i32
      %add3A_312 = arith.constant 0 : i32
      %add3A_313 = arith.addi %mul3A_311, %add3A_312 : i32
      %jit3A_314 = arith.constant 8 : i32
      %div3A_315 = arith.divsi %add3A_313, %jit3A_314 : i32
      %sign3A_316 = arith.constant 0 : i32
      %sign3A_317 = arith.cmpi sgt, %add3A_313, %sign3A_316 : i32
      %sign3A_318 = arith.extui %sign3A_317 : i1 to i32
      %sign3A_319 = arith.constant 0 : i32
      %sign3A_320 = arith.cmpi slt, %add3A_313, %sign3A_319 : i32
      %sign3A_321 = arith.extui %sign3A_320 : i1 to i32
      %sign3A_322 = arith.subi %sign3A_318, %sign3A_321 : i32
      %sign3A_323 = arith.constant 0 : i32
      %sign3A_324 = arith.cmpi sgt, %jit3A_314, %sign3A_323 : i32
      %sign3A_325 = arith.extui %sign3A_324 : i1 to i32
      %sign3A_326 = arith.constant 0 : i32
      %sign3A_327 = arith.cmpi slt, %jit3A_314, %sign3A_326 : i32
      %sign3A_328 = arith.extui %sign3A_327 : i1 to i32
      %sign3A_329 = arith.subi %sign3A_325, %sign3A_328 : i32
      %ne3A_330 = arith.cmpi ne, %sign3A_322, %sign3A_329 : i32
      %rem3A_331 = arith.remsi %add3A_313, %jit3A_314 : i32
      %ne3A_332 = arith.constant 0 : i32
      %ne3A_333 = arith.cmpi ne, %rem3A_331, %ne3A_332 : i32
      %and3A_334 = arith.andi %ne3A_330, %ne3A_333 : i1
      %sub3A_335 = arith.constant 1 : i32
      %sub3A_336 = arith.subi %div3A_315, %sub3A_335 : i32
      %select_n3A_337 = arith.select %and3A_334, %sub3A_336, %div3A_315 : i32
      %jit3A_338 = arith.constant 8 : i32
      %eq3A_339 = arith.constant 0 : i32
      %eq3A_340 = arith.cmpi eq, %jit3A_338, %eq3A_339 : i32
      %jit3A_341 = arith.constant 1 : i32
      %select_n3A_342 = arith.select %eq3A_340, %jit3A_341, %jit3A_338 : i32
      %rem3A_343 = arith.remsi %add3A_313, %select_n3A_342 : i32
      %ne3A_344 = arith.constant 0 : i32
      %ne3A_345 = arith.cmpi ne, %rem3A_343, %ne3A_344 : i32
      %lt3A_346 = arith.constant 0 : i32
      %lt3A_347 = arith.cmpi slt, %rem3A_343, %lt3A_346 : i32
      %lt3A_348 = arith.constant 0 : i32
      %lt3A_349 = arith.cmpi slt, %select_n3A_342, %lt3A_348 : i32
      %ne3A_350 = arith.xori %lt3A_347, %lt3A_349 : i1
      %and3A_351 = arith.andi %ne3A_350, %ne3A_345 : i1
      %add3A_352 = arith.addi %rem3A_343, %select_n3A_342 : i32
      %select_n3A_353 = arith.select %and3A_351, %add3A_352, %rem3A_343 : i32
      %dma_wait3A_354 = arith.constant 0 : i32
      %dma_wait3A_355 = arith.constant 0 : i32
      %dma_wait3A_356 = arith.constant 0 : i32
      %dma_wait3A_357 = arith.constant 0 : i32
      %dma_wait3A_358 = tpu.memref_slice %arg6[%dma_wait3A_355, %dma_wait3A_356, %dma_wait3A_357] : memref<2x128x64xf32, #tpu.memory_space<vmem>> -> memref<1x128x64xf32, #tpu.memory_space<vmem>>
      %dma_wait3A_359 = tpu.memref_squeeze %dma_wait3A_358 : memref<1x128x64xf32, #tpu.memory_space<vmem>> -> memref<128x64xf32, #tpu.memory_space<vmem>>
      %dma_wait3A_360 = arith.constant 0 : i32
      %dma_wait3A_361 = tpu.memref_slice %arg5[%select_n3A_337, %dma_wait3A_354, %select_n3A_353, %dma_wait3A_360] : memref<25x1x8x128xi32, #tpu.memory_space<vmem>> -> memref<1x1x1x128xi32, #tpu.memory_space<vmem>>
      %dma_wait3A_362 = tpu.memref_squeeze %dma_wait3A_361 : memref<1x1x1x128xi32, #tpu.memory_space<vmem>> -> memref<128xi32, #tpu.memory_space<vmem>>
      %dma_wait3A_363 = arith.constant 0 : i32
      %dma_wait3A_364 = arith.constant 0 : i32
      %dma_wait3A_365 = tpu.memref_slice %arg3[%dma_wait3A_363, %dma_wait3A_364] : memref<1000000x64xf32, #tpu.memory_space<hbm>> -> memref<1000000x64xf32, #tpu.memory_space<hbm>>
      tpu.wait_indirect_dma semaphore(%arg8 : memref<!tpu.dma_semaphore, #tpu.memory_space<semaphore_mem>>) src(%dma_wait3A_365 : memref<1000000x64xf32, #tpu.memory_space<hbm>>) dst(%dma_wait3A_359 : memref<128x64xf32, #tpu.memory_space<vmem>>)
      %ge3A = arith.constant 2 : i32
      %ge3A_366 = arith.cmpi sge, %add3A_313, %ge3A : i32
      %convert_element_type3A = arith.extui %ge3A_366 : i1 to i32
      %cond3A = arith.constant 0 : i32
      %cond3A_367 = arith.cmpi ne, %convert_element_type3A, %cond3A : i32
      scf.if %cond3A_367 {
        %sub3A_503 = arith.constant 2 : i32
        %sub3A_504 = arith.subi %add3A_313, %sub3A_503 : i32
        %dma_wait3A_505 = arith.constant 0 : i32
        %dma_wait3A_506 = arith.constant 0 : i32
        %dma_wait3A_507 = arith.constant 0 : i32
        %dma_wait3A_508 = arith.constant 0 : i32
        %dma_wait3A_509 = arith.constant 0 : i32
        %dma_wait3A_510 = arith.constant 0 : i32
        %dma_wait3A_511 = tpu.memref_slice %arg7[%dma_wait3A_505, %dma_wait3A_506, %dma_wait3A_507, %dma_wait3A_508, %dma_wait3A_509, %dma_wait3A_510] : memref<2x1x8x1x8x129xf32, #tpu.memory_space<vmem>> -> memref<1x1x8x1x8x128xf32, #tpu.memory_space<vmem>>
        %dma_wait3A_512 = tpu.memref_squeeze %dma_wait3A_511 : memref<1x1x8x1x8x128xf32, #tpu.memory_space<vmem>> -> memref<1x8x1x8x128xf32, #tpu.memory_space<vmem>>
        %dma_wait3A_513 = arith.constant 0 : i32
        %dma_wait3A_514 = arith.constant 0 : i32
        %dma_wait3A_515 = arith.constant 0 : i32
        %dma_wait3A_516 = tpu.memref_slice %arg4[%sub3A_504, %dma_wait3A_513, %add3A, %dma_wait3A_514, %dma_wait3A_515] : memref<200x8x32x8x128xf32, #tpu.memory_space<hbm>> -> memref<1x8x1x8x128xf32, #tpu.memory_space<hbm>>
        %dma_wait3A_517 = arith.constant 0 : i32
        %dma_wait3A_518 = arith.constant 0 : i32
        %dma_wait3A_519 = arith.constant 0 : i32
        %dma_wait3A_520 = tpu.memref_slice %arg4[%sub3A_504, %dma_wait3A_517, %add3A, %dma_wait3A_518, %dma_wait3A_519] : memref<200x8x32x8x128xf32, #tpu.memory_space<hbm>> -> memref<1x8x1x8x128xf32, #tpu.memory_space<hbm>>
        %dma_wait3A_521 = arith.constant 0 : i32
        %dma_wait3A_522 = arith.constant 0 : i32
        %dma_wait3A_523 = arith.constant 0 : i32
        %dma_wait3A_524 = arith.constant 0 : i32
        %dma_wait3A_525 = arith.constant 0 : i32
        %dma_wait3A_526 = tpu.memref_slice %arg7[%dma_wait3A_505, %dma_wait3A_521, %dma_wait3A_522, %dma_wait3A_523, %dma_wait3A_524, %dma_wait3A_525] : memref<2x1x8x1x8x129xf32, #tpu.memory_space<vmem>> -> memref<1x1x8x1x8x128xf32, #tpu.memory_space<vmem>>
        %dma_wait3A_527 = tpu.memref_squeeze %dma_wait3A_526 : memref<1x1x8x1x8x128xf32, #tpu.memory_space<vmem>> -> memref<1x8x1x8x128xf32, #tpu.memory_space<vmem>>
        tpu.wait_dma2 semaphore(%arg10 : memref<!tpu.dma_semaphore, #tpu.memory_space<semaphore_mem>>) src(%dma_wait3A_527 : memref<1x8x1x8x128xf32, #tpu.memory_space<vmem>>) dst(%dma_wait3A_520 : memref<1x8x1x8x128xf32, #tpu.memory_space<hbm>>)
      } else {
      }
      %scan3A_368 = arith.constant 0 : i32
      %scan3A_369 = arith.constant 0 : i32
      %scan3A_370 = arith.constant 0 : i32
      %scan3A_371 = arith.constant 8 : i32
      %scan3A_372 = arith.addi %scan3A_370, %scan3A_371 : i32
      %scan3A_373 = arith.constant 1 : i32
      scf.for %scan3A_503 = %scan3A_370 to %scan3A_372 step %scan3A_373  : i32 {
        %mul3A_504 = arith.constant 16 : i32
        %mul3A_505 = arith.muli %scan3A_503, %mul3A_504 : i32
        %add3A_506 = arith.constant 0 : i32
        %add3A_507 = arith.addi %mul3A_505, %add3A_506 : i32
        %broadcast_in_dim3A_508 = arith.constant 0 : i32
        %broadcast_in_dim3A_509 = vector.broadcast %broadcast_in_dim3A_508 : i32 to vector<16xi32>
        %add3A_510 = vector.broadcast %add3A_507 : i32 to vector<16xi32>
        %add3A_511 = arith.addi %broadcast_in_dim3A_509, %add3A_510 : vector<16xi32>
        %get3A = arith.constant 0 : i32
        %get3A_512 = arith.index_cast %get3A : i32 to index
        %get3A_513 = arith.index_cast %add3A_507 : i32 to index
        %get3A_514 = arith.constant 0 : index
        %get3A_515 = tpu.vector_load %arg6[%get3A_512, %get3A_513, %get3A_514] {strides = array<i32>} : memref<2x128x64xf32, #tpu.memory_space<vmem>>, vector<16xf32>,
        %mul3A_516 = arith.constant 8.000000e+00 : f32
        %mul3A_517 = vector.broadcast %mul3A_516 : f32 to vector<16xf32>
        %mul3A_518 = arith.mulf %get3A_515, %mul3A_517 : vector<16xf32>
        %scatter3A = arith.constant 0 : i32
        %scatter3A_519 = arith.constant 0 : i32
        %scatter3A_520 = arith.constant 0 : i32
        %scatter3A_521 = arith.constant 0 : i32
        %scatter3A_522 = arith.constant 0 : i32
        %scatter3A_523 = tpu.memref_slice %arg7[%scan3A_369, %scatter3A, %scatter3A_519, %scatter3A_520, %scatter3A_521, %scatter3A_522] : memref<2x1x8x1x8x129xf32, #tpu.memory_space<vmem>> -> memref<1x1x8x1x8x129xf32, #tpu.memory_space<vmem>>
        %scatter3A_524 = tpu.memref_squeeze %scatter3A_523 : memref<1x1x8x1x8x129xf32, #tpu.memory_space<vmem>> -> memref<1x8x1x8x129xf32, #tpu.memory_space<vmem>>
        tpu.vector_store_idx %scatter3A_524[%broadcast_in_dim3A_1, %select_n3A, %broadcast_in_dim3A_1, %select_n3A_152, %add3A_511], %mul3A_518 : memref<1x8x1x8x129xf32, #tpu.memory_space<vmem>>[vector<16xi32>, vector<16xi32>, vector<16xi32>, vector<16xi32>, vector<16xi32>], vector<16xf32>,
        %get3A_525 = arith.constant 0 : i32
        %get3A_526 = arith.index_cast %get3A_525 : i32 to index
        %get3A_527 = arith.index_cast %add3A_507 : i32 to index
        %get3A_528 = arith.constant 16 : index
        %get3A_529 = tpu.vector_load %arg6[%get3A_526, %get3A_527, %get3A_528] {strides = array<i32>} : memref<2x128x64xf32, #tpu.memory_space<vmem>>, vector<16xf32>,
        %mul3A_530 = arith.constant 8.000000e+00 : f32
        %mul3A_531 = vector.broadcast %mul3A_530 : f32 to vector<16xf32>
        %mul3A_532 = arith.mulf %get3A_529, %mul3A_531 : vector<16xf32>
        %scatter3A_533 = arith.constant 0 : i32
        %scatter3A_534 = arith.constant 0 : i32
        %scatter3A_535 = arith.constant 0 : i32
        %scatter3A_536 = arith.constant 0 : i32
        %scatter3A_537 = arith.constant 0 : i32
        %scatter3A_538 = tpu.memref_slice %arg7[%scan3A_369, %scatter3A_533, %scatter3A_534, %scatter3A_535, %scatter3A_536, %scatter3A_537] : memref<2x1x8x1x8x129xf32, #tpu.memory_space<vmem>> -> memref<1x1x8x1x8x129xf32, #tpu.memory_space<vmem>>
        %scatter3A_539 = tpu.memref_squeeze %scatter3A_538 : memref<1x1x8x1x8x129xf32, #tpu.memory_space<vmem>> -> memref<1x8x1x8x129xf32, #tpu.memory_space<vmem>>
        tpu.vector_store_idx %scatter3A_539[%broadcast_in_dim3A_1, %select_n3A_61, %broadcast_in_dim3A_1, %select_n3A_177, %add3A_511], %mul3A_532 : memref<1x8x1x8x129xf32, #tpu.memory_space<vmem>>[vector<16xi32>, vector<16xi32>, vector<16xi32>, vector<16xi32>, vector<16xi32>], vector<16xf32>,
        %get3A_540 = arith.constant 0 : i32
        %get3A_541 = arith.index_cast %get3A_540 : i32 to index
        %get3A_542 = arith.index_cast %add3A_507 : i32 to index
        %get3A_543 = arith.constant 32 : index
        %get3A_544 = tpu.vector_load %arg6[%get3A_541, %get3A_542, %get3A_543] {strides = array<i32>} : memref<2x128x64xf32, #tpu.memory_space<vmem>>, vector<16xf32>,
        %mul3A_545 = arith.constant 8.000000e+00 : f32
        %mul3A_546 = vector.broadcast %mul3A_545 : f32 to vector<16xf32>
        %mul3A_547 = arith.mulf %get3A_544, %mul3A_546 : vector<16xf32>
        %scatter3A_548 = arith.constant 0 : i32
        %scatter3A_549 = arith.constant 0 : i32
        %scatter3A_550 = arith.constant 0 : i32
        %scatter3A_551 = arith.constant 0 : i32
        %scatter3A_552 = arith.constant 0 : i32
        %scatter3A_553 = tpu.memref_slice %arg7[%scan3A_369, %scatter3A_548, %scatter3A_549, %scatter3A_550, %scatter3A_551, %scatter3A_552] : memref<2x1x8x1x8x129xf32, #tpu.memory_space<vmem>> -> memref<1x1x8x1x8x129xf32, #tpu.memory_space<vmem>>
        %scatter3A_554 = tpu.memref_squeeze %scatter3A_553 : memref<1x1x8x1x8x129xf32, #tpu.memory_space<vmem>> -> memref<1x8x1x8x129xf32, #tpu.memory_space<vmem>>
        tpu.vector_store_idx %scatter3A_554[%broadcast_in_dim3A_1, %select_n3A_95, %broadcast_in_dim3A_1, %select_n3A_202, %add3A_511], %mul3A_547 : memref<1x8x1x8x129xf32, #tpu.memory_space<vmem>>[vector<16xi32>, vector<16xi32>, vector<16xi32>, vector<16xi32>, vector<16xi32>], vector<16xf32>,
        %get3A_555 = arith.constant 0 : i32
        %get3A_556 = arith.index_cast %get3A_555 : i32 to index
        %get3A_557 = arith.index_cast %add3A_507 : i32 to index
        %get3A_558 = arith.constant 48 : index
        %get3A_559 = tpu.vector_load %arg6[%get3A_556, %get3A_557, %get3A_558] {strides = array<i32>} : memref<2x128x64xf32, #tpu.memory_space<vmem>>, vector<16xf32>,
        %mul3A_560 = arith.constant 8.000000e+00 : f32
        %mul3A_561 = vector.broadcast %mul3A_560 : f32 to vector<16xf32>
        %mul3A_562 = arith.mulf %get3A_559, %mul3A_561 : vector<16xf32>
        %scatter3A_563 = arith.constant 0 : i32
        %scatter3A_564 = arith.constant 0 : i32
        %scatter3A_565 = arith.constant 0 : i32
        %scatter3A_566 = arith.constant 0 : i32
        %scatter3A_567 = arith.constant 0 : i32
        %scatter3A_568 = tpu.memref_slice %arg7[%scan3A_369, %scatter3A_563, %scatter3A_564, %scatter3A_565, %scatter3A_566, %scatter3A_567] : memref<2x1x8x1x8x129xf32, #tpu.memory_space<vmem>> -> memref<1x1x8x1x8x129xf32, #tpu.memory_space<vmem>>
        %scatter3A_569 = tpu.memref_squeeze %scatter3A_568 : memref<1x1x8x1x8x129xf32, #tpu.memory_space<vmem>> -> memref<1x8x1x8x129xf32, #tpu.memory_space<vmem>>
        tpu.vector_store_idx %scatter3A_569[%broadcast_in_dim3A_1, %select_n3A_129, %broadcast_in_dim3A_1, %select_n3A_227, %add3A_511], %mul3A_562 : memref<1x8x1x8x129xf32, #tpu.memory_space<vmem>>[vector<16xi32>, vector<16xi32>, vector<16xi32>, vector<16xi32>, vector<16xi32>], vector<16xf32>,
        %mul3A_570 = arith.constant 16 : i32
        %mul3A_571 = arith.muli %scan3A_503, %mul3A_570 : i32
        %add3A_572 = arith.constant 1 : i32
        %add3A_573 = arith.addi %mul3A_571, %add3A_572 : i32
        %broadcast_in_dim3A_574 = arith.constant 0 : i32
        %broadcast_in_dim3A_575 = vector.broadcast %broadcast_in_dim3A_574 : i32 to vector<16xi32>
        %add3A_576 = vector.broadcast %add3A_573 : i32 to vector<16xi32>
        %add3A_577 = arith.addi %broadcast_in_dim3A_575, %add3A_576 : vector<16xi32>
        %get3A_578 = arith.constant 0 : i32
        %get3A_579 = arith.index_cast %get3A_578 : i32 to index
        %get3A_580 = arith.index_cast %add3A_573 : i32 to index
        %get3A_581 = arith.constant 0 : index
        %get3A_582 = tpu.vector_load %arg6[%get3A_579, %get3A_580, %get3A_581] {strides = array<i32>} : memref<2x128x64xf32, #tpu.memory_space<vmem>>, vector<16xf32>,
        %mul3A_583 = arith.constant 8.000000e+00 : f32
        %mul3A_584 = vector.broadcast %mul3A_583 : f32 to vector<16xf32>
        %mul3A_585 = arith.mulf %get3A_582, %mul3A_584 : vector<16xf32>
        %scatter3A_586 = arith.constant 0 : i32
        %scatter3A_587 = arith.constant 0 : i32
        %scatter3A_588 = arith.constant 0 : i32
        %scatter3A_589 = arith.constant 0 : i32
        %scatter3A_590 = arith.constant 0 : i32
        %scatter3A_591 = tpu.memref_slice %arg7[%scan3A_369, %scatter3A_586, %scatter3A_587, %scatter3A_588, %scatter3A_589, %scatter3A_590] : memref<2x1x8x1x8x129xf32, #tpu.memory_space<vmem>> -> memref<1x1x8x1x8x129xf32, #tpu.memory_space<vmem>>
        %scatter3A_592 = tpu.memref_squeeze %scatter3A_591 : memref<1x1x8x1x8x129xf32, #tpu.memory_space<vmem>> -> memref<1x8x1x8x129xf32, #tpu.memory_space<vmem>>
        tpu.vector_store_idx %scatter3A_592[%broadcast_in_dim3A_1, %select_n3A, %broadcast_in_dim3A_1, %select_n3A_152, %add3A_577], %mul3A_585 : memref<1x8x1x8x129xf32, #tpu.memory_space<vmem>>[vector<16xi32>, vector<16xi32>, vector<16xi32>, vector<16xi32>, vector<16xi32>], vector<16xf32>,
        %get3A_593 = arith.constant 0 : i32
        %get3A_594 = arith.index_cast %get3A_593 : i32 to index
        %get3A_595 = arith.index_cast %add3A_573 : i32 to index
        %get3A_596 = arith.constant 16 : index
        %get3A_597 = tpu.vector_load %arg6[%get3A_594, %get3A_595, %get3A_596] {strides = array<i32>} : memref<2x128x64xf32, #tpu.memory_space<vmem>>, vector<16xf32>,
        %mul3A_598 = arith.constant 8.000000e+00 : f32
        %mul3A_599 = vector.broadcast %mul3A_598 : f32 to vector<16xf32>
        %mul3A_600 = arith.mulf %get3A_597, %mul3A_599 : vector<16xf32>
        %scatter3A_601 = arith.constant 0 : i32
        %scatter3A_602 = arith.constant 0 : i32
        %scatter3A_603 = arith.constant 0 : i32
        %scatter3A_604 = arith.constant 0 : i32
        %scatter3A_605 = arith.constant 0 : i32
        %scatter3A_606 = tpu.memref_slice %arg7[%scan3A_369, %scatter3A_601, %scatter3A_602, %scatter3A_603, %scatter3A_604, %scatter3A_605] : memref<2x1x8x1x8x129xf32, #tpu.memory_space<vmem>> -> memref<1x1x8x1x8x129xf32, #tpu.memory_space<vmem>>
        %scatter3A_607 = tpu.memref_squeeze %scatter3A_606 : memref<1x1x8x1x8x129xf32, #tpu.memory_space<vmem>> -> memref<1x8x1x8x129xf32, #tpu.memory_space<vmem>>
        tpu.vector_store_idx %scatter3A_607[%broadcast_in_dim3A_1, %select_n3A_61, %broadcast_in_dim3A_1, %select_n3A_177, %add3A_577], %mul3A_600 : memref<1x8x1x8x129xf32, #tpu.memory_space<vmem>>[vector<16xi32>, vector<16xi32>, vector<16xi32>, vector<16xi32>, vector<16xi32>], vector<16xf32>,
        %get3A_608 = arith.constant 0 : i32
        %get3A_609 = arith.index_cast %get3A_608 : i32 to index
        %get3A_610 = arith.index_cast %add3A_573 : i32 to index
        %get3A_611 = arith.constant 32 : index
        %get3A_612 = tpu.vector_load %arg6[%get3A_609, %get3A_610, %get3A_611] {strides = array<i32>} : memref<2x128x64xf32, #tpu.memory_space<vmem>>, vector<16xf32>,
        %mul3A_613 = arith.constant 8.000000e+00 : f32
        %mul3A_614 = vector.broadcast %mul3A_613 : f32 to vector<16xf32>
        %mul3A_615 = arith.mulf %get3A_612, %mul3A_614 : vector<16xf32>
        %scatter3A_616 = arith.constant 0 : i32
        %scatter3A_617 = arith.constant 0 : i32
        %scatter3A_618 = arith.constant 0 : i32
        %scatter3A_619 = arith.constant 0 : i32
        %scatter3A_620 = arith.constant 0 : i32
        %scatter3A_621 = tpu.memref_slice %arg7[%scan3A_369, %scatter3A_616, %scatter3A_617, %scatter3A_618, %scatter3A_619, %scatter3A_620] : memref<2x1x8x1x8x129xf32, #tpu.memory_space<vmem>> -> memref<1x1x8x1x8x129xf32, #tpu.memory_space<vmem>>
        %scatter3A_622 = tpu.memref_squeeze %scatter3A_621 : memref<1x1x8x1x8x129xf32, #tpu.memory_space<vmem>> -> memref<1x8x1x8x129xf32, #tpu.memory_space<vmem>>
        tpu.vector_store_idx %scatter3A_622[%broadcast_in_dim3A_1, %select_n3A_95, %broadcast_in_dim3A_1, %select_n3A_202, %add3A_577], %mul3A_615 : memref<1x8x1x8x129xf32, #tpu.memory_space<vmem>>[vector<16xi32>, vector<16xi32>, vector<16xi32>, vector<16xi32>, vector<16xi32>], vector<16xf32>,
        %get3A_623 = arith.constant 0 : i32
        %get3A_624 = arith.index_cast %get3A_623 : i32 to index
        %get3A_625 = arith.index_cast %add3A_573 : i32 to index
        %get3A_626 = arith.constant 48 : index
        %get3A_627 = tpu.vector_load %arg6[%get3A_624, %get3A_625, %get3A_626] {strides = array<i32>} : memref<2x128x64xf32, #tpu.memory_space<vmem>>, vector<16xf32>,
        %mul3A_628 = arith.constant 8.000000e+00 : f32
        %mul3A_629 = vector.broadcast %mul3A_628 : f32 to vector<16xf32>
        %mul3A_630 = arith.mulf %get3A_627, %mul3A_629 : vector<16xf32>
        %scatter3A_631 = arith.constant 0 : i32
        %scatter3A_632 = arith.constant 0 : i32
        %scatter3A_633 = arith.constant 0 : i32
        %scatter3A_634 = arith.constant 0 : i32
        %scatter3A_635 = arith.constant 0 : i32
        %scatter3A_636 = tpu.memref_slice %arg7[%scan3A_369, %scatter3A_631, %scatter3A_632, %scatter3A_633, %scatter3A_634, %scatter3A_635] : memref<2x1x8x1x8x129xf32, #tpu.memory_space<vmem>> -> memref<1x1x8x1x8x129xf32, #tpu.memory_space<vmem>>
        %scatter3A_637 = tpu.memref_squeeze %scatter3A_636 : memref<1x1x8x1x8x129xf32, #tpu.memory_space<vmem>> -> memref<1x8x1x8x129xf32, #tpu.memory_space<vmem>>
        tpu.vector_store_idx %scatter3A_637[%broadcast_in_dim3A_1, %select_n3A_129, %broadcast_in_dim3A_1, %select_n3A_227, %add3A_577], %mul3A_630 : memref<1x8x1x8x129xf32, #tpu.memory_space<vmem>>[vector<16xi32>, vector<16xi32>, vector<16xi32>, vector<16xi32>, vector<16xi32>], vector<16xf32>,
        %mul3A_638 = arith.constant 16 : i32
        %mul3A_639 = arith.muli %scan3A_503, %mul3A_638 : i32
        %add3A_640 = arith.constant 2 : i32
        %add3A_641 = arith.addi %mul3A_639, %add3A_640 : i32
        %broadcast_in_dim3A_642 = arith.constant 0 : i32
        %broadcast_in_dim3A_643 = vector.broadcast %broadcast_in_dim3A_642 : i32 to vector<16xi32>
        %add3A_644 = vector.broadcast %add3A_641 : i32 to vector<16xi32>
        %add3A_645 = arith.addi %broadcast_in_dim3A_643, %add3A_644 : vector<16xi32>
        %get3A_646 = arith.constant 0 : i32
        %get3A_647 = arith.index_cast %get3A_646 : i32 to index
        %get3A_648 = arith.index_cast %add3A_641 : i32 to index
        %get3A_649 = arith.constant 0 : index
        %get3A_650 = tpu.vector_load %arg6[%get3A_647, %get3A_648, %get3A_649] {strides = array<i32>} : memref<2x128x64xf32, #tpu.memory_space<vmem>>, vector<16xf32>,
        %mul3A_651 = arith.constant 8.000000e+00 : f32
        %mul3A_652 = vector.broadcast %mul3A_651 : f32 to vector<16xf32>
        %mul3A_653 = arith.mulf %get3A_650, %mul3A_652 : vector<16xf32>
        %scatter3A_654 = arith.constant 0 : i32
        %scatter3A_655 = arith.constant 0 : i32
        %scatter3A_656 = arith.constant 0 : i32
        %scatter3A_657 = arith.constant 0 : i32
        %scatter3A_658 = arith.constant 0 : i32
        %scatter3A_659 = tpu.memref_slice %arg7[%scan3A_369, %scatter3A_654, %scatter3A_655, %scatter3A_656, %scatter3A_657, %scatter3A_658] : memref<2x1x8x1x8x129xf32, #tpu.memory_space<vmem>> -> memref<1x1x8x1x8x129xf32, #tpu.memory_space<vmem>>
        %scatter3A_660 = tpu.memref_squeeze %scatter3A_659 : memref<1x1x8x1x8x129xf32, #tpu.memory_space<vmem>> -> memref<1x8x1x8x129xf32, #tpu.memory_space<vmem>>
        tpu.vector_store_idx %scatter3A_660[%broadcast_in_dim3A_1, %select_n3A, %broadcast_in_dim3A_1, %select_n3A_152, %add3A_645], %mul3A_653 : memref<1x8x1x8x129xf32, #tpu.memory_space<vmem>>[vector<16xi32>, vector<16xi32>, vector<16xi32>, vector<16xi32>, vector<16xi32>], vector<16xf32>,
        %get3A_661 = arith.constant 0 : i32
        %get3A_662 = arith.index_cast %get3A_661 : i32 to index
        %get3A_663 = arith.index_cast %add3A_641 : i32 to index
        %get3A_664 = arith.constant 16 : index
        %get3A_665 = tpu.vector_load %arg6[%get3A_662, %get3A_663, %get3A_664] {strides = array<i32>} : memref<2x128x64xf32, #tpu.memory_space<vmem>>, vector<16xf32>,
        %mul3A_666 = arith.constant 8.000000e+00 : f32
        %mul3A_667 = vector.broadcast %mul3A_666 : f32 to vector<16xf32>
        %mul3A_668 = arith.mulf %get3A_665, %mul3A_667 : vector<16xf32>
        %scatter3A_669 = arith.constant 0 : i32
        %scatter3A_670 = arith.constant 0 : i32
        %scatter3A_671 = arith.constant 0 : i32
        %scatter3A_672 = arith.constant 0 : i32
        %scatter3A_673 = arith.constant 0 : i32
        %scatter3A_674 = tpu.memref_slice %arg7[%scan3A_369, %scatter3A_669, %scatter3A_670, %scatter3A_671, %scatter3A_672, %scatter3A_673] : memref<2x1x8x1x8x129xf32, #tpu.memory_space<vmem>> -> memref<1x1x8x1x8x129xf32, #tpu.memory_space<vmem>>
        %scatter3A_675 = tpu.memref_squeeze %scatter3A_674 : memref<1x1x8x1x8x129xf32, #tpu.memory_space<vmem>> -> memref<1x8x1x8x129xf32, #tpu.memory_space<vmem>>
        tpu.vector_store_idx %scatter3A_675[%broadcast_in_dim3A_1, %select_n3A_61, %broadcast_in_dim3A_1, %select_n3A_177, %add3A_645], %mul3A_668 : memref<1x8x1x8x129xf32, #tpu.memory_space<vmem>>[vector<16xi32>, vector<16xi32>, vector<16xi32>, vector<16xi32>, vector<16xi32>], vector<16xf32>,
        %get3A_676 = arith.constant 0 : i32
        %get3A_677 = arith.index_cast %get3A_676 : i32 to index
        %get3A_678 = arith.index_cast %add3A_641 : i32 to index
        %get3A_679 = arith.constant 32 : index
        %get3A_680 = tpu.vector_load %arg6[%get3A_677, %get3A_678, %get3A_679] {strides = array<i32>} : memref<2x128x64xf32, #tpu.memory_space<vmem>>, vector<16xf32>,
        %mul3A_681 = arith.constant 8.000000e+00 : f32
        %mul3A_682 = vector.broadcast %mul3A_681 : f32 to vector<16xf32>
        %mul3A_683 = arith.mulf %get3A_680, %mul3A_682 : vector<16xf32>
        %scatter3A_684 = arith.constant 0 : i32
        %scatter3A_685 = arith.constant 0 : i32
        %scatter3A_686 = arith.constant 0 : i32
        %scatter3A_687 = arith.constant 0 : i32
        %scatter3A_688 = arith.constant 0 : i32
        %scatter3A_689 = tpu.memref_slice %arg7[%scan3A_369, %scatter3A_684, %scatter3A_685, %scatter3A_686, %scatter3A_687, %scatter3A_688] : memref<2x1x8x1x8x129xf32, #tpu.memory_space<vmem>> -> memref<1x1x8x1x8x129xf32, #tpu.memory_space<vmem>>
        %scatter3A_690 = tpu.memref_squeeze %scatter3A_689 : memref<1x1x8x1x8x129xf32, #tpu.memory_space<vmem>> -> memref<1x8x1x8x129xf32, #tpu.memory_space<vmem>>
        tpu.vector_store_idx %scatter3A_690[%broadcast_in_dim3A_1, %select_n3A_95, %broadcast_in_dim3A_1, %select_n3A_202, %add3A_645], %mul3A_683 : memref<1x8x1x8x129xf32, #tpu.memory_space<vmem>>[vector<16xi32>, vector<16xi32>, vector<16xi32>, vector<16xi32>, vector<16xi32>], vector<16xf32>,
        %get3A_691 = arith.constant 0 : i32
        %get3A_692 = arith.index_cast %get3A_691 : i32 to index
        %get3A_693 = arith.index_cast %add3A_641 : i32 to index
        %get3A_694 = arith.constant 48 : index
        %get3A_695 = tpu.vector_load %arg6[%get3A_692, %get3A_693, %get3A_694] {strides = array<i32>} : memref<2x128x64xf32, #tpu.memory_space<vmem>>, vector<16xf32>,
        %mul3A_696 = arith.constant 8.000000e+00 : f32
        %mul3A_697 = vector.broadcast %mul3A_696 : f32 to vector<16xf32>
        %mul3A_698 = arith.mulf %get3A_695, %mul3A_697 : vector<16xf32>
        %scatter3A_699 = arith.constant 0 : i32
        %scatter3A_700 = arith.constant 0 : i32
        %scatter3A_701 = arith.constant 0 : i32
        %scatter3A_702 = arith.constant 0 : i32
        %scatter3A_703 = arith.constant 0 : i32
        %scatter3A_704 = tpu.memref_slice %arg7[%scan3A_369, %scatter3A_699, %scatter3A_700, %scatter3A_701, %scatter3A_702, %scatter3A_703] : memref<2x1x8x1x8x129xf32, #tpu.memory_space<vmem>> -> memref<1x1x8x1x8x129xf32, #tpu.memory_space<vmem>>
        %scatter3A_705 = tpu.memref_squeeze %scatter3A_704 : memref<1x1x8x1x8x129xf32, #tpu.memory_space<vmem>> -> memref<1x8x1x8x129xf32, #tpu.memory_space<vmem>>
        tpu.vector_store_idx %scatter3A_705[%broadcast_in_dim3A_1, %select_n3A_129, %broadcast_in_dim3A_1, %select_n3A_227, %add3A_645], %mul3A_698 : memref<1x8x1x8x129xf32, #tpu.memory_space<vmem>>[vector<16xi32>, vector<16xi32>, vector<16xi32>, vector<16xi32>, vector<16xi32>], vector<16xf32>,
        %mul3A_706 = arith.constant 16 : i32
        %mul3A_707 = arith.muli %scan3A_503, %mul3A_706 : i32
        %add3A_708 = arith.constant 3 : i32
        %add3A_709 = arith.addi %mul3A_707, %add3A_708 : i32
        %broadcast_in_dim3A_710 = arith.constant 0 : i32
        %broadcast_in_dim3A_711 = vector.broadcast %broadcast_in_dim3A_710 : i32 to vector<16xi32>
        %add3A_712 = vector.broadcast %add3A_709 : i32 to vector<16xi32>
        %add3A_713 = arith.addi %broadcast_in_dim3A_711, %add3A_712 : vector<16xi32>
        %get3A_714 = arith.constant 0 : i32
        %get3A_715 = arith.index_cast %get3A_714 : i32 to index
        %get3A_716 = arith.index_cast %add3A_709 : i32 to index
        %get3A_717 = arith.constant 0 : index
        %get3A_718 = tpu.vector_load %arg6[%get3A_715, %get3A_716, %get3A_717] {strides = array<i32>} : memref<2x128x64xf32, #tpu.memory_space<vmem>>, vector<16xf32>,
        %mul3A_719 = arith.constant 8.000000e+00 : f32
        %mul3A_720 = vector.broadcast %mul3A_719 : f32 to vector<16xf32>
        %mul3A_721 = arith.mulf %get3A_718, %mul3A_720 : vector<16xf32>
        %scatter3A_722 = arith.constant 0 : i32
        %scatter3A_723 = arith.constant 0 : i32
        %scatter3A_724 = arith.constant 0 : i32
        %scatter3A_725 = arith.constant 0 : i32
        %scatter3A_726 = arith.constant 0 : i32
        %scatter3A_727 = tpu.memref_slice %arg7[%scan3A_369, %scatter3A_722, %scatter3A_723, %scatter3A_724, %scatter3A_725, %scatter3A_726] : memref<2x1x8x1x8x129xf32, #tpu.memory_space<vmem>> -> memref<1x1x8x1x8x129xf32, #tpu.memory_space<vmem>>
        %scatter3A_728 = tpu.memref_squeeze %scatter3A_727 : memref<1x1x8x1x8x129xf32, #tpu.memory_space<vmem>> -> memref<1x8x1x8x129xf32, #tpu.memory_space<vmem>>
        tpu.vector_store_idx %scatter3A_728[%broadcast_in_dim3A_1, %select_n3A, %broadcast_in_dim3A_1, %select_n3A_152, %add3A_713], %mul3A_721 : memref<1x8x1x8x129xf32, #tpu.memory_space<vmem>>[vector<16xi32>, vector<16xi32>, vector<16xi32>, vector<16xi32>, vector<16xi32>], vector<16xf32>,
        %get3A_729 = arith.constant 0 : i32
        %get3A_730 = arith.index_cast %get3A_729 : i32 to index
        %get3A_731 = arith.index_cast %add3A_709 : i32 to index
        %get3A_732 = arith.constant 16 : index
        %get3A_733 = tpu.vector_load %arg6[%get3A_730, %get3A_731, %get3A_732] {strides = array<i32>} : memref<2x128x64xf32, #tpu.memory_space<vmem>>, vector<16xf32>,
        %mul3A_734 = arith.constant 8.000000e+00 : f32
        %mul3A_735 = vector.broadcast %mul3A_734 : f32 to vector<16xf32>
        %mul3A_736 = arith.mulf %get3A_733, %mul3A_735 : vector<16xf32>
        %scatter3A_737 = arith.constant 0 : i32
        %scatter3A_738 = arith.constant 0 : i32
        %scatter3A_739 = arith.constant 0 : i32
        %scatter3A_740 = arith.constant 0 : i32
        %scatter3A_741 = arith.constant 0 : i32
        %scatter3A_742 = tpu.memref_slice %arg7[%scan3A_369, %scatter3A_737, %scatter3A_738, %scatter3A_739, %scatter3A_740, %scatter3A_741] : memref<2x1x8x1x8x129xf32, #tpu.memory_space<vmem>> -> memref<1x1x8x1x8x129xf32, #tpu.memory_space<vmem>>
        %scatter3A_743 = tpu.memref_squeeze %scatter3A_742 : memref<1x1x8x1x8x129xf32, #tpu.memory_space<vmem>> -> memref<1x8x1x8x129xf32, #tpu.memory_space<vmem>>
        tpu.vector_store_idx %scatter3A_743[%broadcast_in_dim3A_1, %select_n3A_61, %broadcast_in_dim3A_1, %select_n3A_177, %add3A_713], %mul3A_736 : memref<1x8x1x8x129xf32, #tpu.memory_space<vmem>>[vector<16xi32>, vector<16xi32>, vector<16xi32>, vector<16xi32>, vector<16xi32>], vector<16xf32>,
        %get3A_744 = arith.constant 0 : i32
        %get3A_745 = arith.index_cast %get3A_744 : i32 to index
        %get3A_746 = arith.index_cast %add3A_709 : i32 to index
        %get3A_747 = arith.constant 32 : index
        %get3A_748 = tpu.vector_load %arg6[%get3A_745, %get3A_746, %get3A_747] {strides = array<i32>} : memref<2x128x64xf32, #tpu.memory_space<vmem>>, vector<16xf32>,
        %mul3A_749 = arith.constant 8.000000e+00 : f32
        %mul3A_750 = vector.broadcast %mul3A_749 : f32 to vector<16xf32>
        %mul3A_751 = arith.mulf %get3A_748, %mul3A_750 : vector<16xf32>
        %scatter3A_752 = arith.constant 0 : i32
        %scatter3A_753 = arith.constant 0 : i32
        %scatter3A_754 = arith.constant 0 : i32
        %scatter3A_755 = arith.constant 0 : i32
        %scatter3A_756 = arith.constant 0 : i32
        %scatter3A_757 = tpu.memref_slice %arg7[%scan3A_369, %scatter3A_752, %scatter3A_753, %scatter3A_754, %scatter3A_755, %scatter3A_756] : memref<2x1x8x1x8x129xf32, #tpu.memory_space<vmem>> -> memref<1x1x8x1x8x129xf32, #tpu.memory_space<vmem>>
        %scatter3A_758 = tpu.memref_squeeze %scatter3A_757 : memref<1x1x8x1x8x129xf32, #tpu.memory_space<vmem>> -> memref<1x8x1x8x129xf32, #tpu.memory_space<vmem>>
        tpu.vector_store_idx %scatter3A_758[%broadcast_in_dim3A_1, %select_n3A_95, %broadcast_in_dim3A_1, %select_n3A_202, %add3A_713], %mul3A_751 : memref<1x8x1x8x129xf32, #tpu.memory_space<vmem>>[vector<16xi32>, vector<16xi32>, vector<16xi32>, vector<16xi32>, vector<16xi32>], vector<16xf32>,
        %get3A_759 = arith.constant 0 : i32
        %get3A_760 = arith.index_cast %get3A_759 : i32 to index
        %get3A_761 = arith.index_cast %add3A_709 : i32 to index
        %get3A_762 = arith.constant 48 : index
        %get3A_763 = tpu.vector_load %arg6[%get3A_760, %get3A_761, %get3A_762] {strides = array<i32>} : memref<2x128x64xf32, #tpu.memory_space<vmem>>, vector<16xf32>,
        %mul3A_764 = arith.constant 8.000000e+00 : f32
        %mul3A_765 = vector.broadcast %mul3A_764 : f32 to vector<16xf32>
        %mul3A_766 = arith.mulf %get3A_763, %mul3A_765 : vector<16xf32>
        %scatter3A_767 = arith.constant 0 : i32
        %scatter3A_768 = arith.constant 0 : i32
        %scatter3A_769 = arith.constant 0 : i32
        %scatter3A_770 = arith.constant 0 : i32
        %scatter3A_771 = arith.constant 0 : i32
        %scatter3A_772 = tpu.memref_slice %arg7[%scan3A_369, %scatter3A_767, %scatter3A_768, %scatter3A_769, %scatter3A_770, %scatter3A_771] : memref<2x1x8x1x8x129xf32, #tpu.memory_space<vmem>> -> memref<1x1x8x1x8x129xf32, #tpu.memory_space<vmem>>
        %scatter3A_773 = tpu.memref_squeeze %scatter3A_772 : memref<1x1x8x1x8x129xf32, #tpu.memory_space<vmem>> -> memref<1x8x1x8x129xf32, #tpu.memory_space<vmem>>
        tpu.vector_store_idx %scatter3A_773[%broadcast_in_dim3A_1, %select_n3A_129, %broadcast_in_dim3A_1, %select_n3A_227, %add3A_713], %mul3A_766 : memref<1x8x1x8x129xf32, #tpu.memory_space<vmem>>[vector<16xi32>, vector<16xi32>, vector<16xi32>, vector<16xi32>, vector<16xi32>], vector<16xf32>,
        %mul3A_774 = arith.constant 16 : i32
        %mul3A_775 = arith.muli %scan3A_503, %mul3A_774 : i32
        %add3A_776 = arith.constant 4 : i32
        %add3A_777 = arith.addi %mul3A_775, %add3A_776 : i32
        %broadcast_in_dim3A_778 = arith.constant 0 : i32
        %broadcast_in_dim3A_779 = vector.broadcast %broadcast_in_dim3A_778 : i32 to vector<16xi32>
        %add3A_780 = vector.broadcast %add3A_777 : i32 to vector<16xi32>
        %add3A_781 = arith.addi %broadcast_in_dim3A_779, %add3A_780 : vector<16xi32>
        %get3A_782 = arith.constant 0 : i32
        %get3A_783 = arith.index_cast %get3A_782 : i32 to index
        %get3A_784 = arith.index_cast %add3A_777 : i32 to index
        %get3A_785 = arith.constant 0 : index
        %get3A_786 = tpu.vector_load %arg6[%get3A_783, %get3A_784, %get3A_785] {strides = array<i32>} : memref<2x128x64xf32, #tpu.memory_space<vmem>>, vector<16xf32>,
        %mul3A_787 = arith.constant 8.000000e+00 : f32
        %mul3A_788 = vector.broadcast %mul3A_787 : f32 to vector<16xf32>
        %mul3A_789 = arith.mulf %get3A_786, %mul3A_788 : vector<16xf32>
        %scatter3A_790 = arith.constant 0 : i32
        %scatter3A_791 = arith.constant 0 : i32
        %scatter3A_792 = arith.constant 0 : i32
        %scatter3A_793 = arith.constant 0 : i32
        %scatter3A_794 = arith.constant 0 : i32
        %scatter3A_795 = tpu.memref_slice %arg7[%scan3A_369, %scatter3A_790, %scatter3A_791, %scatter3A_792, %scatter3A_793, %scatter3A_794] : memref<2x1x8x1x8x129xf32, #tpu.memory_space<vmem>> -> memref<1x1x8x1x8x129xf32, #tpu.memory_space<vmem>>
        %scatter3A_796 = tpu.memref_squeeze %scatter3A_795 : memref<1x1x8x1x8x129xf32, #tpu.memory_space<vmem>> -> memref<1x8x1x8x129xf32, #tpu.memory_space<vmem>>
        tpu.vector_store_idx %scatter3A_796[%broadcast_in_dim3A_1, %select_n3A, %broadcast_in_dim3A_1, %select_n3A_152, %add3A_781], %mul3A_789 : memref<1x8x1x8x129xf32, #tpu.memory_space<vmem>>[vector<16xi32>, vector<16xi32>, vector<16xi32>, vector<16xi32>, vector<16xi32>], vector<16xf32>,
        %get3A_797 = arith.constant 0 : i32
        %get3A_798 = arith.index_cast %get3A_797 : i32 to index
        %get3A_799 = arith.index_cast %add3A_777 : i32 to index
        %get3A_800 = arith.constant 16 : index
        %get3A_801 = tpu.vector_load %arg6[%get3A_798, %get3A_799, %get3A_800] {strides = array<i32>} : memref<2x128x64xf32, #tpu.memory_space<vmem>>, vector<16xf32>,
        %mul3A_802 = arith.constant 8.000000e+00 : f32
        %mul3A_803 = vector.broadcast %mul3A_802 : f32 to vector<16xf32>
        %mul3A_804 = arith.mulf %get3A_801, %mul3A_803 : vector<16xf32>
        %scatter3A_805 = arith.constant 0 : i32
        %scatter3A_806 = arith.constant 0 : i32
        %scatter3A_807 = arith.constant 0 : i32
        %scatter3A_808 = arith.constant 0 : i32
        %scatter3A_809 = arith.constant 0 : i32
        %scatter3A_810 = tpu.memref_slice %arg7[%scan3A_369, %scatter3A_805, %scatter3A_806, %scatter3A_807, %scatter3A_808, %scatter3A_809] : memref<2x1x8x1x8x129xf32, #tpu.memory_space<vmem>> -> memref<1x1x8x1x8x129xf32, #tpu.memory_space<vmem>>
        %scatter3A_811 = tpu.memref_squeeze %scatter3A_810 : memref<1x1x8x1x8x129xf32, #tpu.memory_space<vmem>> -> memref<1x8x1x8x129xf32, #tpu.memory_space<vmem>>
        tpu.vector_store_idx %scatter3A_811[%broadcast_in_dim3A_1, %select_n3A_61, %broadcast_in_dim3A_1, %select_n3A_177, %add3A_781], %mul3A_804 : memref<1x8x1x8x129xf32, #tpu.memory_space<vmem>>[vector<16xi32>, vector<16xi32>, vector<16xi32>, vector<16xi32>, vector<16xi32>], vector<16xf32>,
        %get3A_812 = arith.constant 0 : i32
        %get3A_813 = arith.index_cast %get3A_812 : i32 to index
        %get3A_814 = arith.index_cast %add3A_777 : i32 to index
        %get3A_815 = arith.constant 32 : index
        %get3A_816 = tpu.vector_load %arg6[%get3A_813, %get3A_814, %get3A_815] {strides = array<i32>} : memref<2x128x64xf32, #tpu.memory_space<vmem>>, vector<16xf32>,
        %mul3A_817 = arith.constant 8.000000e+00 : f32
        %mul3A_818 = vector.broadcast %mul3A_817 : f32 to vector<16xf32>
        %mul3A_819 = arith.mulf %get3A_816, %mul3A_818 : vector<16xf32>
        %scatter3A_820 = arith.constant 0 : i32
        %scatter3A_821 = arith.constant 0 : i32
        %scatter3A_822 = arith.constant 0 : i32
        %scatter3A_823 = arith.constant 0 : i32
        %scatter3A_824 = arith.constant 0 : i32
        %scatter3A_825 = tpu.memref_slice %arg7[%scan3A_369, %scatter3A_820, %scatter3A_821, %scatter3A_822, %scatter3A_823, %scatter3A_824] : memref<2x1x8x1x8x129xf32, #tpu.memory_space<vmem>> -> memref<1x1x8x1x8x129xf32, #tpu.memory_space<vmem>>
        %scatter3A_826 = tpu.memref_squeeze %scatter3A_825 : memref<1x1x8x1x8x129xf32, #tpu.memory_space<vmem>> -> memref<1x8x1x8x129xf32, #tpu.memory_space<vmem>>
        tpu.vector_store_idx %scatter3A_826[%broadcast_in_dim3A_1, %select_n3A_95, %broadcast_in_dim3A_1, %select_n3A_202, %add3A_781], %mul3A_819 : memref<1x8x1x8x129xf32, #tpu.memory_space<vmem>>[vector<16xi32>, vector<16xi32>, vector<16xi32>, vector<16xi32>, vector<16xi32>], vector<16xf32>,
        %get3A_827 = arith.constant 0 : i32
        %get3A_828 = arith.index_cast %get3A_827 : i32 to index
        %get3A_829 = arith.index_cast %add3A_777 : i32 to index
        %get3A_830 = arith.constant 48 : index
        %get3A_831 = tpu.vector_load %arg6[%get3A_828, %get3A_829, %get3A_830] {strides = array<i32>} : memref<2x128x64xf32, #tpu.memory_space<vmem>>, vector<16xf32>,
        %mul3A_832 = arith.constant 8.000000e+00 : f32
        %mul3A_833 = vector.broadcast %mul3A_832 : f32 to vector<16xf32>
        %mul3A_834 = arith.mulf %get3A_831, %mul3A_833 : vector<16xf32>
        %scatter3A_835 = arith.constant 0 : i32
        %scatter3A_836 = arith.constant 0 : i32
        %scatter3A_837 = arith.constant 0 : i32
        %scatter3A_838 = arith.constant 0 : i32
        %scatter3A_839 = arith.constant 0 : i32
        %scatter3A_840 = tpu.memref_slice %arg7[%scan3A_369, %scatter3A_835, %scatter3A_836, %scatter3A_837, %scatter3A_838, %scatter3A_839] : memref<2x1x8x1x8x129xf32, #tpu.memory_space<vmem>> -> memref<1x1x8x1x8x129xf32, #tpu.memory_space<vmem>>
        %scatter3A_841 = tpu.memref_squeeze %scatter3A_840 : memref<1x1x8x1x8x129xf32, #tpu.memory_space<vmem>> -> memref<1x8x1x8x129xf32, #tpu.memory_space<vmem>>
        tpu.vector_store_idx %scatter3A_841[%broadcast_in_dim3A_1, %select_n3A_129, %broadcast_in_dim3A_1, %select_n3A_227, %add3A_781], %mul3A_834 : memref<1x8x1x8x129xf32, #tpu.memory_space<vmem>>[vector<16xi32>, vector<16xi32>, vector<16xi32>, vector<16xi32>, vector<16xi32>], vector<16xf32>,
        %mul3A_842 = arith.constant 16 : i32
        %mul3A_843 = arith.muli %scan3A_503, %mul3A_842 : i32
        %add3A_844 = arith.constant 5 : i32
        %add3A_845 = arith.addi %mul3A_843, %add3A_844 : i32
        %broadcast_in_dim3A_846 = arith.constant 0 : i32
        %broadcast_in_dim3A_847 = vector.broadcast %broadcast_in_dim3A_846 : i32 to vector<16xi32>
        %add3A_848 = vector.broadcast %add3A_845 : i32 to vector<16xi32>
        %add3A_849 = arith.addi %broadcast_in_dim3A_847, %add3A_848 : vector<16xi32>
        %get3A_850 = arith.constant 0 : i32
        %get3A_851 = arith.index_cast %get3A_850 : i32 to index
        %get3A_852 = arith.index_cast %add3A_845 : i32 to index
        %get3A_853 = arith.constant 0 : index
        %get3A_854 = tpu.vector_load %arg6[%get3A_851, %get3A_852, %get3A_853] {strides = array<i32>} : memref<2x128x64xf32, #tpu.memory_space<vmem>>, vector<16xf32>,
        %mul3A_855 = arith.constant 8.000000e+00 : f32
        %mul3A_856 = vector.broadcast %mul3A_855 : f32 to vector<16xf32>
        %mul3A_857 = arith.mulf %get3A_854, %mul3A_856 : vector<16xf32>
        %scatter3A_858 = arith.constant 0 : i32
        %scatter3A_859 = arith.constant 0 : i32
        %scatter3A_860 = arith.constant 0 : i32
        %scatter3A_861 = arith.constant 0 : i32
        %scatter3A_862 = arith.constant 0 : i32
        %scatter3A_863 = tpu.memref_slice %arg7[%scan3A_369, %scatter3A_858, %scatter3A_859, %scatter3A_860, %scatter3A_861, %scatter3A_862] : memref<2x1x8x1x8x129xf32, #tpu.memory_space<vmem>> -> memref<1x1x8x1x8x129xf32, #tpu.memory_space<vmem>>
        %scatter3A_864 = tpu.memref_squeeze %scatter3A_863 : memref<1x1x8x1x8x129xf32, #tpu.memory_space<vmem>> -> memref<1x8x1x8x129xf32, #tpu.memory_space<vmem>>
        tpu.vector_store_idx %scatter3A_864[%broadcast_in_dim3A_1, %select_n3A, %broadcast_in_dim3A_1, %select_n3A_152, %add3A_849], %mul3A_857 : memref<1x8x1x8x129xf32, #tpu.memory_space<vmem>>[vector<16xi32>, vector<16xi32>, vector<16xi32>, vector<16xi32>, vector<16xi32>], vector<16xf32>,
        %get3A_865 = arith.constant 0 : i32
        %get3A_866 = arith.index_cast %get3A_865 : i32 to index
        %get3A_867 = arith.index_cast %add3A_845 : i32 to index
        %get3A_868 = arith.constant 16 : index
        %get3A_869 = tpu.vector_load %arg6[%get3A_866, %get3A_867, %get3A_868] {strides = array<i32>} : memref<2x128x64xf32, #tpu.memory_space<vmem>>, vector<16xf32>,
        %mul3A_870 = arith.constant 8.000000e+00 : f32
        %mul3A_871 = vector.broadcast %mul3A_870 : f32 to vector<16xf32>
        %mul3A_872 = arith.mulf %get3A_869, %mul3A_871 : vector<16xf32>
        %scatter3A_873 = arith.constant 0 : i32
        %scatter3A_874 = arith.constant 0 : i32
        %scatter3A_875 = arith.constant 0 : i32
        %scatter3A_876 = arith.constant 0 : i32
        %scatter3A_877 = arith.constant 0 : i32
        %scatter3A_878 = tpu.memref_slice %arg7[%scan3A_369, %scatter3A_873, %scatter3A_874, %scatter3A_875, %scatter3A_876, %scatter3A_877] : memref<2x1x8x1x8x129xf32, #tpu.memory_space<vmem>> -> memref<1x1x8x1x8x129xf32, #tpu.memory_space<vmem>>
        %scatter3A_879 = tpu.memref_squeeze %scatter3A_878 : memref<1x1x8x1x8x129xf32, #tpu.memory_space<vmem>> -> memref<1x8x1x8x129xf32, #tpu.memory_space<vmem>>
        tpu.vector_store_idx %scatter3A_879[%broadcast_in_dim3A_1, %select_n3A_61, %broadcast_in_dim3A_1, %select_n3A_177, %add3A_849], %mul3A_872 : memref<1x8x1x8x129xf32, #tpu.memory_space<vmem>>[vector<16xi32>, vector<16xi32>, vector<16xi32>, vector<16xi32>, vector<16xi32>], vector<16xf32>,
        %get3A_880 = arith.constant 0 : i32
        %get3A_881 = arith.index_cast %get3A_880 : i32 to index
        %get3A_882 = arith.index_cast %add3A_845 : i32 to index
        %get3A_883 = arith.constant 32 : index
        %get3A_884 = tpu.vector_load %arg6[%get3A_881, %get3A_882, %get3A_883] {strides = array<i32>} : memref<2x128x64xf32, #tpu.memory_space<vmem>>, vector<16xf32>,
        %mul3A_885 = arith.constant 8.000000e+00 : f32
        %mul3A_886 = vector.broadcast %mul3A_885 : f32 to vector<16xf32>
        %mul3A_887 = arith.mulf %get3A_884, %mul3A_886 : vector<16xf32>
        %scatter3A_888 = arith.constant 0 : i32
        %scatter3A_889 = arith.constant 0 : i32
        %scatter3A_890 = arith.constant 0 : i32
        %scatter3A_891 = arith.constant 0 : i32
        %scatter3A_892 = arith.constant 0 : i32
        %scatter3A_893 = tpu.memref_slice %arg7[%scan3A_369, %scatter3A_888, %scatter3A_889, %scatter3A_890, %scatter3A_891, %scatter3A_892] : memref<2x1x8x1x8x129xf32, #tpu.memory_space<vmem>> -> memref<1x1x8x1x8x129xf32, #tpu.memory_space<vmem>>
        %scatter3A_894 = tpu.memref_squeeze %scatter3A_893 : memref<1x1x8x1x8x129xf32, #tpu.memory_space<vmem>> -> memref<1x8x1x8x129xf32, #tpu.memory_space<vmem>>
        tpu.vector_store_idx %scatter3A_894[%broadcast_in_dim3A_1, %select_n3A_95, %broadcast_in_dim3A_1, %select_n3A_202, %add3A_849], %mul3A_887 : memref<1x8x1x8x129xf32, #tpu.memory_space<vmem>>[vector<16xi32>, vector<16xi32>, vector<16xi32>, vector<16xi32>, vector<16xi32>], vector<16xf32>,
        %get3A_895 = arith.constant 0 : i32
        %get3A_896 = arith.index_cast %get3A_895 : i32 to index
        %get3A_897 = arith.index_cast %add3A_845 : i32 to index
        %get3A_898 = arith.constant 48 : index
        %get3A_899 = tpu.vector_load %arg6[%get3A_896, %get3A_897, %get3A_898] {strides = array<i32>} : memref<2x128x64xf32, #tpu.memory_space<vmem>>, vector<16xf32>,
        %mul3A_900 = arith.constant 8.000000e+00 : f32
        %mul3A_901 = vector.broadcast %mul3A_900 : f32 to vector<16xf32>
        %mul3A_902 = arith.mulf %get3A_899, %mul3A_901 : vector<16xf32>
        %scatter3A_903 = arith.constant 0 : i32
        %scatter3A_904 = arith.constant 0 : i32
        %scatter3A_905 = arith.constant 0 : i32
        %scatter3A_906 = arith.constant 0 : i32
        %scatter3A_907 = arith.constant 0 : i32
        %scatter3A_908 = tpu.memref_slice %arg7[%scan3A_369, %scatter3A_903, %scatter3A_904, %scatter3A_905, %scatter3A_906, %scatter3A_907] : memref<2x1x8x1x8x129xf32, #tpu.memory_space<vmem>> -> memref<1x1x8x1x8x129xf32, #tpu.memory_space<vmem>>
        %scatter3A_909 = tpu.memref_squeeze %scatter3A_908 : memref<1x1x8x1x8x129xf32, #tpu.memory_space<vmem>> -> memref<1x8x1x8x129xf32, #tpu.memory_space<vmem>>
        tpu.vector_store_idx %scatter3A_909[%broadcast_in_dim3A_1, %select_n3A_129, %broadcast_in_dim3A_1, %select_n3A_227, %add3A_849], %mul3A_902 : memref<1x8x1x8x129xf32, #tpu.memory_space<vmem>>[vector<16xi32>, vector<16xi32>, vector<16xi32>, vector<16xi32>, vector<16xi32>], vector<16xf32>,
        %mul3A_910 = arith.constant 16 : i32
        %mul3A_911 = arith.muli %scan3A_503, %mul3A_910 : i32
        %add3A_912 = arith.constant 6 : i32
        %add3A_913 = arith.addi %mul3A_911, %add3A_912 : i32
        %broadcast_in_dim3A_914 = arith.constant 0 : i32
        %broadcast_in_dim3A_915 = vector.broadcast %broadcast_in_dim3A_914 : i32 to vector<16xi32>
        %add3A_916 = vector.broadcast %add3A_913 : i32 to vector<16xi32>
        %add3A_917 = arith.addi %broadcast_in_dim3A_915, %add3A_916 : vector<16xi32>
        %get3A_918 = arith.constant 0 : i32
        %get3A_919 = arith.index_cast %get3A_918 : i32 to index
        %get3A_920 = arith.index_cast %add3A_913 : i32 to index
        %get3A_921 = arith.constant 0 : index
        %get3A_922 = tpu.vector_load %arg6[%get3A_919, %get3A_920, %get3A_921] {strides = array<i32>} : memref<2x128x64xf32, #tpu.memory_space<vmem>>, vector<16xf32>,
        %mul3A_923 = arith.constant 8.000000e+00 : f32
        %mul3A_924 = vector.broadcast %mul3A_923 : f32 to vector<16xf32>
        %mul3A_925 = arith.mulf %get3A_922, %mul3A_924 : vector<16xf32>
        %scatter3A_926 = arith.constant 0 : i32
        %scatter3A_927 = arith.constant 0 : i32
        %scatter3A_928 = arith.constant 0 : i32
        %scatter3A_929 = arith.constant 0 : i32
        %scatter3A_930 = arith.constant 0 : i32
        %scatter3A_931 = tpu.memref_slice %arg7[%scan3A_369, %scatter3A_926, %scatter3A_927, %scatter3A_928, %scatter3A_929, %scatter3A_930] : memref<2x1x8x1x8x129xf32, #tpu.memory_space<vmem>> -> memref<1x1x8x1x8x129xf32, #tpu.memory_space<vmem>>
        %scatter3A_932 = tpu.memref_squeeze %scatter3A_931 : memref<1x1x8x1x8x129xf32, #tpu.memory_space<vmem>> -> memref<1x8x1x8x129xf32, #tpu.memory_space<vmem>>
        tpu.vector_store_idx %scatter3A_932[%broadcast_in_dim3A_1, %select_n3A, %broadcast_in_dim3A_1, %select_n3A_152, %add3A_917], %mul3A_925 : memref<1x8x1x8x129xf32, #tpu.memory_space<vmem>>[vector<16xi32>, vector<16xi32>, vector<16xi32>, vector<16xi32>, vector<16xi32>], vector<16xf32>,
        %get3A_933 = arith.constant 0 : i32
        %get3A_934 = arith.index_cast %get3A_933 : i32 to index
        %get3A_935 = arith.index_cast %add3A_913 : i32 to index
        %get3A_936 = arith.constant 16 : index
        %get3A_937 = tpu.vector_load %arg6[%get3A_934, %get3A_935, %get3A_936] {strides = array<i32>} : memref<2x128x64xf32, #tpu.memory_space<vmem>>, vector<16xf32>,
        %mul3A_938 = arith.constant 8.000000e+00 : f32
        %mul3A_939 = vector.broadcast %mul3A_938 : f32 to vector<16xf32>
        %mul3A_940 = arith.mulf %get3A_937, %mul3A_939 : vector<16xf32>
        %scatter3A_941 = arith.constant 0 : i32
        %scatter3A_942 = arith.constant 0 : i32
        %scatter3A_943 = arith.constant 0 : i32
        %scatter3A_944 = arith.constant 0 : i32
        %scatter3A_945 = arith.constant 0 : i32
        %scatter3A_946 = tpu.memref_slice %arg7[%scan3A_369, %scatter3A_941, %scatter3A_942, %scatter3A_943, %scatter3A_944, %scatter3A_945] : memref<2x1x8x1x8x129xf32, #tpu.memory_space<vmem>> -> memref<1x1x8x1x8x129xf32, #tpu.memory_space<vmem>>
        %scatter3A_947 = tpu.memref_squeeze %scatter3A_946 : memref<1x1x8x1x8x129xf32, #tpu.memory_space<vmem>> -> memref<1x8x1x8x129xf32, #tpu.memory_space<vmem>>
        tpu.vector_store_idx %scatter3A_947[%broadcast_in_dim3A_1, %select_n3A_61, %broadcast_in_dim3A_1, %select_n3A_177, %add3A_917], %mul3A_940 : memref<1x8x1x8x129xf32, #tpu.memory_space<vmem>>[vector<16xi32>, vector<16xi32>, vector<16xi32>, vector<16xi32>, vector<16xi32>], vector<16xf32>,
        %get3A_948 = arith.constant 0 : i32
        %get3A_949 = arith.index_cast %get3A_948 : i32 to index
        %get3A_950 = arith.index_cast %add3A_913 : i32 to index
        %get3A_951 = arith.constant 32 : index
        %get3A_952 = tpu.vector_load %arg6[%get3A_949, %get3A_950, %get3A_951] {strides = array<i32>} : memref<2x128x64xf32, #tpu.memory_space<vmem>>, vector<16xf32>,
        %mul3A_953 = arith.constant 8.000000e+00 : f32
        %mul3A_954 = vector.broadcast %mul3A_953 : f32 to vector<16xf32>
        %mul3A_955 = arith.mulf %get3A_952, %mul3A_954 : vector<16xf32>
        %scatter3A_956 = arith.constant 0 : i32
        %scatter3A_957 = arith.constant 0 : i32
        %scatter3A_958 = arith.constant 0 : i32
        %scatter3A_959 = arith.constant 0 : i32
        %scatter3A_960 = arith.constant 0 : i32
        %scatter3A_961 = tpu.memref_slice %arg7[%scan3A_369, %scatter3A_956, %scatter3A_957, %scatter3A_958, %scatter3A_959, %scatter3A_960] : memref<2x1x8x1x8x129xf32, #tpu.memory_space<vmem>> -> memref<1x1x8x1x8x129xf32, #tpu.memory_space<vmem>>
        %scatter3A_962 = tpu.memref_squeeze %scatter3A_961 : memref<1x1x8x1x8x129xf32, #tpu.memory_space<vmem>> -> memref<1x8x1x8x129xf32, #tpu.memory_space<vmem>>
        tpu.vector_store_idx %scatter3A_962[%broadcast_in_dim3A_1, %select_n3A_95, %broadcast_in_dim3A_1, %select_n3A_202, %add3A_917], %mul3A_955 : memref<1x8x1x8x129xf32, #tpu.memory_space<vmem>>[vector<16xi32>, vector<16xi32>, vector<16xi32>, vector<16xi32>, vector<16xi32>], vector<16xf32>,
        %get3A_963 = arith.constant 0 : i32
        %get3A_964 = arith.index_cast %get3A_963 : i32 to index
        %get3A_965 = arith.index_cast %add3A_913 : i32 to index
        %get3A_966 = arith.constant 48 : index
        %get3A_967 = tpu.vector_load %arg6[%get3A_964, %get3A_965, %get3A_966] {strides = array<i32>} : memref<2x128x64xf32, #tpu.memory_space<vmem>>, vector<16xf32>,
        %mul3A_968 = arith.constant 8.000000e+00 : f32
        %mul3A_969 = vector.broadcast %mul3A_968 : f32 to vector<16xf32>
        %mul3A_970 = arith.mulf %get3A_967, %mul3A_969 : vector<16xf32>
        %scatter3A_971 = arith.constant 0 : i32
        %scatter3A_972 = arith.constant 0 : i32
        %scatter3A_973 = arith.constant 0 : i32
        %scatter3A_974 = arith.constant 0 : i32
        %scatter3A_975 = arith.constant 0 : i32
        %scatter3A_976 = tpu.memref_slice %arg7[%scan3A_369, %scatter3A_971, %scatter3A_972, %scatter3A_973, %scatter3A_974, %scatter3A_975] : memref<2x1x8x1x8x129xf32, #tpu.memory_space<vmem>> -> memref<1x1x8x1x8x129xf32, #tpu.memory_space<vmem>>
        %scatter3A_977 = tpu.memref_squeeze %scatter3A_976 : memref<1x1x8x1x8x129xf32, #tpu.memory_space<vmem>> -> memref<1x8x1x8x129xf32, #tpu.memory_space<vmem>>
        tpu.vector_store_idx %scatter3A_977[%broadcast_in_dim3A_1, %select_n3A_129, %broadcast_in_dim3A_1, %select_n3A_227, %add3A_917], %mul3A_970 : memref<1x8x1x8x129xf32, #tpu.memory_space<vmem>>[vector<16xi32>, vector<16xi32>, vector<16xi32>, vector<16xi32>, vector<16xi32>], vector<16xf32>,
        %mul3A_978 = arith.constant 16 : i32
        %mul3A_979 = arith.muli %scan3A_503, %mul3A_978 : i32
        %add3A_980 = arith.constant 7 : i32
        %add3A_981 = arith.addi %mul3A_979, %add3A_980 : i32
        %broadcast_in_dim3A_982 = arith.constant 0 : i32
        %broadcast_in_dim3A_983 = vector.broadcast %broadcast_in_dim3A_982 : i32 to vector<16xi32>
        %add3A_984 = vector.broadcast %add3A_981 : i32 to vector<16xi32>
        %add3A_985 = arith.addi %broadcast_in_dim3A_983, %add3A_984 : vector<16xi32>
        %get3A_986 = arith.constant 0 : i32
        %get3A_987 = arith.index_cast %get3A_986 : i32 to index
        %get3A_988 = arith.index_cast %add3A_981 : i32 to index
        %get3A_989 = arith.constant 0 : index
        %get3A_990 = tpu.vector_load %arg6[%get3A_987, %get3A_988, %get3A_989] {strides = array<i32>} : memref<2x128x64xf32, #tpu.memory_space<vmem>>, vector<16xf32>,
        %mul3A_991 = arith.constant 8.000000e+00 : f32
        %mul3A_992 = vector.broadcast %mul3A_991 : f32 to vector<16xf32>
        %mul3A_993 = arith.mulf %get3A_990, %mul3A_992 : vector<16xf32>
        %scatter3A_994 = arith.constant 0 : i32
        %scatter3A_995 = arith.constant 0 : i32
        %scatter3A_996 = arith.constant 0 : i32
        %scatter3A_997 = arith.constant 0 : i32
        %scatter3A_998 = arith.constant 0 : i32
        %scatter3A_999 = tpu.memref_slice %arg7[%scan3A_369, %scatter3A_994, %scatter3A_995, %scatter3A_996, %scatter3A_997, %scatter3A_998] : memref<2x1x8x1x8x129xf32, #tpu.memory_space<vmem>> -> memref<1x1x8x1x8x129xf32, #tpu.memory_space<vmem>>
        %scatter3A_1000 = tpu.memref_squeeze %scatter3A_999 : memref<1x1x8x1x8x129xf32, #tpu.memory_space<vmem>> -> memref<1x8x1x8x129xf32, #tpu.memory_space<vmem>>
        tpu.vector_store_idx %scatter3A_1000[%broadcast_in_dim3A_1, %select_n3A, %broadcast_in_dim3A_1, %select_n3A_152, %add3A_985], %mul3A_993 : memref<1x8x1x8x129xf32, #tpu.memory_space<vmem>>[vector<16xi32>, vector<16xi32>, vector<16xi32>, vector<16xi32>, vector<16xi32>], vector<16xf32>,
        %get3A_1001 = arith.constant 0 : i32
        %get3A_1002 = arith.index_cast %get3A_1001 : i32 to index
        %get3A_1003 = arith.index_cast %add3A_981 : i32 to index
        %get3A_1004 = arith.constant 16 : index
        %get3A_1005 = tpu.vector_load %arg6[%get3A_1002, %get3A_1003, %get3A_1004] {strides = array<i32>} : memref<2x128x64xf32, #tpu.memory_space<vmem>>, vector<16xf32>,
        %mul3A_1006 = arith.constant 8.000000e+00 : f32
        %mul3A_1007 = vector.broadcast %mul3A_1006 : f32 to vector<16xf32>
        %mul3A_1008 = arith.mulf %get3A_1005, %mul3A_1007 : vector<16xf32>
        %scatter3A_1009 = arith.constant 0 : i32
        %scatter3A_1010 = arith.constant 0 : i32
        %scatter3A_1011 = arith.constant 0 : i32
        %scatter3A_1012 = arith.constant 0 : i32
        %scatter3A_1013 = arith.constant 0 : i32
        %scatter3A_1014 = tpu.memref_slice %arg7[%scan3A_369, %scatter3A_1009, %scatter3A_1010, %scatter3A_1011, %scatter3A_1012, %scatter3A_1013] : memref<2x1x8x1x8x129xf32, #tpu.memory_space<vmem>> -> memref<1x1x8x1x8x129xf32, #tpu.memory_space<vmem>>
        %scatter3A_1015 = tpu.memref_squeeze %scatter3A_1014 : memref<1x1x8x1x8x129xf32, #tpu.memory_space<vmem>> -> memref<1x8x1x8x129xf32, #tpu.memory_space<vmem>>
        tpu.vector_store_idx %scatter3A_1015[%broadcast_in_dim3A_1, %select_n3A_61, %broadcast_in_dim3A_1, %select_n3A_177, %add3A_985], %mul3A_1008 : memref<1x8x1x8x129xf32, #tpu.memory_space<vmem>>[vector<16xi32>, vector<16xi32>, vector<16xi32>, vector<16xi32>, vector<16xi32>], vector<16xf32>,
        %get3A_1016 = arith.constant 0 : i32
        %get3A_1017 = arith.index_cast %get3A_1016 : i32 to index
        %get3A_1018 = arith.index_cast %add3A_981 : i32 to index
        %get3A_1019 = arith.constant 32 : index
        %get3A_1020 = tpu.vector_load %arg6[%get3A_1017, %get3A_1018, %get3A_1019] {strides = array<i32>} : memref<2x128x64xf32, #tpu.memory_space<vmem>>, vector<16xf32>,
        %mul3A_1021 = arith.constant 8.000000e+00 : f32
        %mul3A_1022 = vector.broadcast %mul3A_1021 : f32 to vector<16xf32>
        %mul3A_1023 = arith.mulf %get3A_1020, %mul3A_1022 : vector<16xf32>
        %scatter3A_1024 = arith.constant 0 : i32
        %scatter3A_1025 = arith.constant 0 : i32
        %scatter3A_1026 = arith.constant 0 : i32
        %scatter3A_1027 = arith.constant 0 : i32
        %scatter3A_1028 = arith.constant 0 : i32
        %scatter3A_1029 = tpu.memref_slice %arg7[%scan3A_369, %scatter3A_1024, %scatter3A_1025, %scatter3A_1026, %scatter3A_1027, %scatter3A_1028] : memref<2x1x8x1x8x129xf32, #tpu.memory_space<vmem>> -> memref<1x1x8x1x8x129xf32, #tpu.memory_space<vmem>>
        %scatter3A_1030 = tpu.memref_squeeze %scatter3A_1029 : memref<1x1x8x1x8x129xf32, #tpu.memory_space<vmem>> -> memref<1x8x1x8x129xf32, #tpu.memory_space<vmem>>
        tpu.vector_store_idx %scatter3A_1030[%broadcast_in_dim3A_1, %select_n3A_95, %broadcast_in_dim3A_1, %select_n3A_202, %add3A_985], %mul3A_1023 : memref<1x8x1x8x129xf32, #tpu.memory_space<vmem>>[vector<16xi32>, vector<16xi32>, vector<16xi32>, vector<16xi32>, vector<16xi32>], vector<16xf32>,
        %get3A_1031 = arith.constant 0 : i32
        %get3A_1032 = arith.index_cast %get3A_1031 : i32 to index
        %get3A_1033 = arith.index_cast %add3A_981 : i32 to index
        %get3A_1034 = arith.constant 48 : index
        %get3A_1035 = tpu.vector_load %arg6[%get3A_1032, %get3A_1033, %get3A_1034] {strides = array<i32>} : memref<2x128x64xf32, #tpu.memory_space<vmem>>, vector<16xf32>,
        %mul3A_1036 = arith.constant 8.000000e+00 : f32
        %mul3A_1037 = vector.broadcast %mul3A_1036 : f32 to vector<16xf32>
        %mul3A_1038 = arith.mulf %get3A_1035, %mul3A_1037 : vector<16xf32>
        %scatter3A_1039 = arith.constant 0 : i32
        %scatter3A_1040 = arith.constant 0 : i32
        %scatter3A_1041 = arith.constant 0 : i32
        %scatter3A_1042 = arith.constant 0 : i32
        %scatter3A_1043 = arith.constant 0 : i32
        %scatter3A_1044 = tpu.memref_slice %arg7[%scan3A_369, %scatter3A_1039, %scatter3A_1040, %scatter3A_1041, %scatter3A_1042, %scatter3A_1043] : memref<2x1x8x1x8x129xf32, #tpu.memory_space<vmem>> -> memref<1x1x8x1x8x129xf32, #tpu.memory_space<vmem>>
        %scatter3A_1045 = tpu.memref_squeeze %scatter3A_1044 : memref<1x1x8x1x8x129xf32, #tpu.memory_space<vmem>> -> memref<1x8x1x8x129xf32, #tpu.memory_space<vmem>>
        tpu.vector_store_idx %scatter3A_1045[%broadcast_in_dim3A_1, %select_n3A_129, %broadcast_in_dim3A_1, %select_n3A_227, %add3A_985], %mul3A_1038 : memref<1x8x1x8x129xf32, #tpu.memory_space<vmem>>[vector<16xi32>, vector<16xi32>, vector<16xi32>, vector<16xi32>, vector<16xi32>], vector<16xf32>,
        %mul3A_1046 = arith.constant 16 : i32
        %mul3A_1047 = arith.muli %scan3A_503, %mul3A_1046 : i32
        %add3A_1048 = arith.constant 8 : i32
        %add3A_1049 = arith.addi %mul3A_1047, %add3A_1048 : i32
        %broadcast_in_dim3A_1050 = arith.constant 0 : i32
        %broadcast_in_dim3A_1051 = vector.broadcast %broadcast_in_dim3A_1050 : i32 to vector<16xi32>
        %add3A_1052 = vector.broadcast %add3A_1049 : i32 to vector<16xi32>
        %add3A_1053 = arith.addi %broadcast_in_dim3A_1051, %add3A_1052 : vector<16xi32>
        %get3A_1054 = arith.constant 0 : i32
        %get3A_1055 = arith.index_cast %get3A_1054 : i32 to index
        %get3A_1056 = arith.index_cast %add3A_1049 : i32 to index
        %get3A_1057 = arith.constant 0 : index
        %get3A_1058 = tpu.vector_load %arg6[%get3A_1055, %get3A_1056, %get3A_1057] {strides = array<i32>} : memref<2x128x64xf32, #tpu.memory_space<vmem>>, vector<16xf32>,
        %mul3A_1059 = arith.constant 8.000000e+00 : f32
        %mul3A_1060 = vector.broadcast %mul3A_1059 : f32 to vector<16xf32>
        %mul3A_1061 = arith.mulf %get3A_1058, %mul3A_1060 : vector<16xf32>
        %scatter3A_1062 = arith.constant 0 : i32
        %scatter3A_1063 = arith.constant 0 : i32
        %scatter3A_1064 = arith.constant 0 : i32
        %scatter3A_1065 = arith.constant 0 : i32
        %scatter3A_1066 = arith.constant 0 : i32
        %scatter3A_1067 = tpu.memref_slice %arg7[%scan3A_369, %scatter3A_1062, %scatter3A_1063, %scatter3A_1064, %scatter3A_1065, %scatter3A_1066] : memref<2x1x8x1x8x129xf32, #tpu.memory_space<vmem>> -> memref<1x1x8x1x8x129xf32, #tpu.memory_space<vmem>>
        %scatter3A_1068 = tpu.memref_squeeze %scatter3A_1067 : memref<1x1x8x1x8x129xf32, #tpu.memory_space<vmem>> -> memref<1x8x1x8x129xf32, #tpu.memory_space<vmem>>
        tpu.vector_store_idx %scatter3A_1068[%broadcast_in_dim3A_1, %select_n3A, %broadcast_in_dim3A_1, %select_n3A_152, %add3A_1053], %mul3A_1061 : memref<1x8x1x8x129xf32, #tpu.memory_space<vmem>>[vector<16xi32>, vector<16xi32>, vector<16xi32>, vector<16xi32>, vector<16xi32>], vector<16xf32>,
        %get3A_1069 = arith.constant 0 : i32
        %get3A_1070 = arith.index_cast %get3A_1069 : i32 to index
        %get3A_1071 = arith.index_cast %add3A_1049 : i32 to index
        %get3A_1072 = arith.constant 16 : index
        %get3A_1073 = tpu.vector_load %arg6[%get3A_1070, %get3A_1071, %get3A_1072] {strides = array<i32>} : memref<2x128x64xf32, #tpu.memory_space<vmem>>, vector<16xf32>,
        %mul3A_1074 = arith.constant 8.000000e+00 : f32
        %mul3A_1075 = vector.broadcast %mul3A_1074 : f32 to vector<16xf32>
        %mul3A_1076 = arith.mulf %get3A_1073, %mul3A_1075 : vector<16xf32>
        %scatter3A_1077 = arith.constant 0 : i32
        %scatter3A_1078 = arith.constant 0 : i32
        %scatter3A_1079 = arith.constant 0 : i32
        %scatter3A_1080 = arith.constant 0 : i32
        %scatter3A_1081 = arith.constant 0 : i32
        %scatter3A_1082 = tpu.memref_slice %arg7[%scan3A_369, %scatter3A_1077, %scatter3A_1078, %scatter3A_1079, %scatter3A_1080, %scatter3A_1081] : memref<2x1x8x1x8x129xf32, #tpu.memory_space<vmem>> -> memref<1x1x8x1x8x129xf32, #tpu.memory_space<vmem>>
        %scatter3A_1083 = tpu.memref_squeeze %scatter3A_1082 : memref<1x1x8x1x8x129xf32, #tpu.memory_space<vmem>> -> memref<1x8x1x8x129xf32, #tpu.memory_space<vmem>>
        tpu.vector_store_idx %scatter3A_1083[%broadcast_in_dim3A_1, %select_n3A_61, %broadcast_in_dim3A_1, %select_n3A_177, %add3A_1053], %mul3A_1076 : memref<1x8x1x8x129xf32, #tpu.memory_space<vmem>>[vector<16xi32>, vector<16xi32>, vector<16xi32>, vector<16xi32>, vector<16xi32>], vector<16xf32>,
        %get3A_1084 = arith.constant 0 : i32
        %get3A_1085 = arith.index_cast %get3A_1084 : i32 to index
        %get3A_1086 = arith.index_cast %add3A_1049 : i32 to index
        %get3A_1087 = arith.constant 32 : index
        %get3A_1088 = tpu.vector_load %arg6[%get3A_1085, %get3A_1086, %get3A_1087] {strides = array<i32>} : memref<2x128x64xf32, #tpu.memory_space<vmem>>, vector<16xf32>,
        %mul3A_1089 = arith.constant 8.000000e+00 : f32
        %mul3A_1090 = vector.broadcast %mul3A_1089 : f32 to vector<16xf32>
        %mul3A_1091 = arith.mulf %get3A_1088, %mul3A_1090 : vector<16xf32>
        %scatter3A_1092 = arith.constant 0 : i32
        %scatter3A_1093 = arith.constant 0 : i32
        %scatter3A_1094 = arith.constant 0 : i32
        %scatter3A_1095 = arith.constant 0 : i32
        %scatter3A_1096 = arith.constant 0 : i32
        %scatter3A_1097 = tpu.memref_slice %arg7[%scan3A_369, %scatter3A_1092, %scatter3A_1093, %scatter3A_1094, %scatter3A_1095, %scatter3A_1096] : memref<2x1x8x1x8x129xf32, #tpu.memory_space<vmem>> -> memref<1x1x8x1x8x129xf32, #tpu.memory_space<vmem>>
        %scatter3A_1098 = tpu.memref_squeeze %scatter3A_1097 : memref<1x1x8x1x8x129xf32, #tpu.memory_space<vmem>> -> memref<1x8x1x8x129xf32, #tpu.memory_space<vmem>>
        tpu.vector_store_idx %scatter3A_1098[%broadcast_in_dim3A_1, %select_n3A_95, %broadcast_in_dim3A_1, %select_n3A_202, %add3A_1053], %mul3A_1091 : memref<1x8x1x8x129xf32, #tpu.memory_space<vmem>>[vector<16xi32>, vector<16xi32>, vector<16xi32>, vector<16xi32>, vector<16xi32>], vector<16xf32>,
        %get3A_1099 = arith.constant 0 : i32
        %get3A_1100 = arith.index_cast %get3A_1099 : i32 to index
        %get3A_1101 = arith.index_cast %add3A_1049 : i32 to index
        %get3A_1102 = arith.constant 48 : index
        %get3A_1103 = tpu.vector_load %arg6[%get3A_1100, %get3A_1101, %get3A_1102] {strides = array<i32>} : memref<2x128x64xf32, #tpu.memory_space<vmem>>, vector<16xf32>,
        %mul3A_1104 = arith.constant 8.000000e+00 : f32
        %mul3A_1105 = vector.broadcast %mul3A_1104 : f32 to vector<16xf32>
        %mul3A_1106 = arith.mulf %get3A_1103, %mul3A_1105 : vector<16xf32>
        %scatter3A_1107 = arith.constant 0 : i32
        %scatter3A_1108 = arith.constant 0 : i32
        %scatter3A_1109 = arith.constant 0 : i32
        %scatter3A_1110 = arith.constant 0 : i32
        %scatter3A_1111 = arith.constant 0 : i32
        %scatter3A_1112 = tpu.memref_slice %arg7[%scan3A_369, %scatter3A_1107, %scatter3A_1108, %scatter3A_1109, %scatter3A_1110, %scatter3A_1111] : memref<2x1x8x1x8x129xf32, #tpu.memory_space<vmem>> -> memref<1x1x8x1x8x129xf32, #tpu.memory_space<vmem>>
        %scatter3A_1113 = tpu.memref_squeeze %scatter3A_1112 : memref<1x1x8x1x8x129xf32, #tpu.memory_space<vmem>> -> memref<1x8x1x8x129xf32, #tpu.memory_space<vmem>>
        tpu.vector_store_idx %scatter3A_1113[%broadcast_in_dim3A_1, %select_n3A_129, %broadcast_in_dim3A_1, %select_n3A_227, %add3A_1053], %mul3A_1106 : memref<1x8x1x8x129xf32, #tpu.memory_space<vmem>>[vector<16xi32>, vector<16xi32>, vector<16xi32>, vector<16xi32>, vector<16xi32>], vector<16xf32>,
        %mul3A_1114 = arith.constant 16 : i32
        %mul3A_1115 = arith.muli %scan3A_503, %mul3A_1114 : i32
        %add3A_1116 = arith.constant 9 : i32
        %add3A_1117 = arith.addi %mul3A_1115, %add3A_1116 : i32
        %broadcast_in_dim3A_1118 = arith.constant 0 : i32
        %broadcast_in_dim3A_1119 = vector.broadcast %broadcast_in_dim3A_1118 : i32 to vector<16xi32>
        %add3A_1120 = vector.broadcast %add3A_1117 : i32 to vector<16xi32>
        %add3A_1121 = arith.addi %broadcast_in_dim3A_1119, %add3A_1120 : vector<16xi32>
        %get3A_1122 = arith.constant 0 : i32
        %get3A_1123 = arith.index_cast %get3A_1122 : i32 to index
        %get3A_1124 = arith.index_cast %add3A_1117 : i32 to index
        %get3A_1125 = arith.constant 0 : index
        %get3A_1126 = tpu.vector_load %arg6[%get3A_1123, %get3A_1124, %get3A_1125] {strides = array<i32>} : memref<2x128x64xf32, #tpu.memory_space<vmem>>, vector<16xf32>,
        %mul3A_1127 = arith.constant 8.000000e+00 : f32
        %mul3A_1128 = vector.broadcast %mul3A_1127 : f32 to vector<16xf32>
        %mul3A_1129 = arith.mulf %get3A_1126, %mul3A_1128 : vector<16xf32>
        %scatter3A_1130 = arith.constant 0 : i32
        %scatter3A_1131 = arith.constant 0 : i32
        %scatter3A_1132 = arith.constant 0 : i32
        %scatter3A_1133 = arith.constant 0 : i32
        %scatter3A_1134 = arith.constant 0 : i32
        %scatter3A_1135 = tpu.memref_slice %arg7[%scan3A_369, %scatter3A_1130, %scatter3A_1131, %scatter3A_1132, %scatter3A_1133, %scatter3A_1134] : memref<2x1x8x1x8x129xf32, #tpu.memory_space<vmem>> -> memref<1x1x8x1x8x129xf32, #tpu.memory_space<vmem>>
        %scatter3A_1136 = tpu.memref_squeeze %scatter3A_1135 : memref<1x1x8x1x8x129xf32, #tpu.memory_space<vmem>> -> memref<1x8x1x8x129xf32, #tpu.memory_space<vmem>>
        tpu.vector_store_idx %scatter3A_1136[%broadcast_in_dim3A_1, %select_n3A, %broadcast_in_dim3A_1, %select_n3A_152, %add3A_1121], %mul3A_1129 : memref<1x8x1x8x129xf32, #tpu.memory_space<vmem>>[vector<16xi32>, vector<16xi32>, vector<16xi32>, vector<16xi32>, vector<16xi32>], vector<16xf32>,
        %get3A_1137 = arith.constant 0 : i32
        %get3A_1138 = arith.index_cast %get3A_1137 : i32 to index
        %get3A_1139 = arith.index_cast %add3A_1117 : i32 to index
        %get3A_1140 = arith.constant 16 : index
        %get3A_1141 = tpu.vector_load %arg6[%get3A_1138, %get3A_1139, %get3A_1140] {strides = array<i32>} : memref<2x128x64xf32, #tpu.memory_space<vmem>>, vector<16xf32>,
        %mul3A_1142 = arith.constant 8.000000e+00 : f32
        %mul3A_1143 = vector.broadcast %mul3A_1142 : f32 to vector<16xf32>
        %mul3A_1144 = arith.mulf %get3A_1141, %mul3A_1143 : vector<16xf32>
        %scatter3A_1145 = arith.constant 0 : i32
        %scatter3A_1146 = arith.constant 0 : i32
        %scatter3A_1147 = arith.constant 0 : i32
        %scatter3A_1148 = arith.constant 0 : i32
        %scatter3A_1149 = arith.constant 0 : i32
        %scatter3A_1150 = tpu.memref_slice %arg7[%scan3A_369, %scatter3A_1145, %scatter3A_1146, %scatter3A_1147, %scatter3A_1148, %scatter3A_1149] : memref<2x1x8x1x8x129xf32, #tpu.memory_space<vmem>> -> memref<1x1x8x1x8x129xf32, #tpu.memory_space<vmem>>
        %scatter3A_1151 = tpu.memref_squeeze %scatter3A_1150 : memref<1x1x8x1x8x129xf32, #tpu.memory_space<vmem>> -> memref<1x8x1x8x129xf32, #tpu.memory_space<vmem>>
        tpu.vector_store_idx %scatter3A_1151[%broadcast_in_dim3A_1, %select_n3A_61, %broadcast_in_dim3A_1, %select_n3A_177, %add3A_1121], %mul3A_1144 : memref<1x8x1x8x129xf32, #tpu.memory_space<vmem>>[vector<16xi32>, vector<16xi32>, vector<16xi32>, vector<16xi32>, vector<16xi32>], vector<16xf32>,
        %get3A_1152 = arith.constant 0 : i32
        %get3A_1153 = arith.index_cast %get3A_1152 : i32 to index
        %get3A_1154 = arith.index_cast %add3A_1117 : i32 to index
        %get3A_1155 = arith.constant 32 : index
        %get3A_1156 = tpu.vector_load %arg6[%get3A_1153, %get3A_1154, %get3A_1155] {strides = array<i32>} : memref<2x128x64xf32, #tpu.memory_space<vmem>>, vector<16xf32>,
        %mul3A_1157 = arith.constant 8.000000e+00 : f32
        %mul3A_1158 = vector.broadcast %mul3A_1157 : f32 to vector<16xf32>
        %mul3A_1159 = arith.mulf %get3A_1156, %mul3A_1158 : vector<16xf32>
        %scatter3A_1160 = arith.constant 0 : i32
        %scatter3A_1161 = arith.constant 0 : i32
        %scatter3A_1162 = arith.constant 0 : i32
        %scatter3A_1163 = arith.constant 0 : i32
        %scatter3A_1164 = arith.constant 0 : i32
        %scatter3A_1165 = tpu.memref_slice %arg7[%scan3A_369, %scatter3A_1160, %scatter3A_1161, %scatter3A_1162, %scatter3A_1163, %scatter3A_1164] : memref<2x1x8x1x8x129xf32, #tpu.memory_space<vmem>> -> memref<1x1x8x1x8x129xf32, #tpu.memory_space<vmem>>
        %scatter3A_1166 = tpu.memref_squeeze %scatter3A_1165 : memref<1x1x8x1x8x129xf32, #tpu.memory_space<vmem>> -> memref<1x8x1x8x129xf32, #tpu.memory_space<vmem>>
        tpu.vector_store_idx %scatter3A_1166[%broadcast_in_dim3A_1, %select_n3A_95, %broadcast_in_dim3A_1, %select_n3A_202, %add3A_1121], %mul3A_1159 : memref<1x8x1x8x129xf32, #tpu.memory_space<vmem>>[vector<16xi32>, vector<16xi32>, vector<16xi32>, vector<16xi32>, vector<16xi32>], vector<16xf32>,
        %get3A_1167 = arith.constant 0 : i32
        %get3A_1168 = arith.index_cast %get3A_1167 : i32 to index
        %get3A_1169 = arith.index_cast %add3A_1117 : i32 to index
        %get3A_1170 = arith.constant 48 : index
        %get3A_1171 = tpu.vector_load %arg6[%get3A_1168, %get3A_1169, %get3A_1170] {strides = array<i32>} : memref<2x128x64xf32, #tpu.memory_space<vmem>>, vector<16xf32>,
        %mul3A_1172 = arith.constant 8.000000e+00 : f32
        %mul3A_1173 = vector.broadcast %mul3A_1172 : f32 to vector<16xf32>
        %mul3A_1174 = arith.mulf %get3A_1171, %mul3A_1173 : vector<16xf32>
        %scatter3A_1175 = arith.constant 0 : i32
        %scatter3A_1176 = arith.constant 0 : i32
        %scatter3A_1177 = arith.constant 0 : i32
        %scatter3A_1178 = arith.constant 0 : i32
        %scatter3A_1179 = arith.constant 0 : i32
        %scatter3A_1180 = tpu.memref_slice %arg7[%scan3A_369, %scatter3A_1175, %scatter3A_1176, %scatter3A_1177, %scatter3A_1178, %scatter3A_1179] : memref<2x1x8x1x8x129xf32, #tpu.memory_space<vmem>> -> memref<1x1x8x1x8x129xf32, #tpu.memory_space<vmem>>
        %scatter3A_1181 = tpu.memref_squeeze %scatter3A_1180 : memref<1x1x8x1x8x129xf32, #tpu.memory_space<vmem>> -> memref<1x8x1x8x129xf32, #tpu.memory_space<vmem>>
        tpu.vector_store_idx %scatter3A_1181[%broadcast_in_dim3A_1, %select_n3A_129, %broadcast_in_dim3A_1, %select_n3A_227, %add3A_1121], %mul3A_1174 : memref<1x8x1x8x129xf32, #tpu.memory_space<vmem>>[vector<16xi32>, vector<16xi32>, vector<16xi32>, vector<16xi32>, vector<16xi32>], vector<16xf32>,
        %mul3A_1182 = arith.constant 16 : i32
        %mul3A_1183 = arith.muli %scan3A_503, %mul3A_1182 : i32
        %add3A_1184 = arith.constant 10 : i32
        %add3A_1185 = arith.addi %mul3A_1183, %add3A_1184 : i32
        %broadcast_in_dim3A_1186 = arith.constant 0 : i32
        %broadcast_in_dim3A_1187 = vector.broadcast %broadcast_in_dim3A_1186 : i32 to vector<16xi32>
        %add3A_1188 = vector.broadcast %add3A_1185 : i32 to vector<16xi32>
        %add3A_1189 = arith.addi %broadcast_in_dim3A_1187, %add3A_1188 : vector<16xi32>
        %get3A_1190 = arith.constant 0 : i32
        %get3A_1191 = arith.index_cast %get3A_1190 : i32 to index
        %get3A_1192 = arith.index_cast %add3A_1185 : i32 to index
        %get3A_1193 = arith.constant 0 : index
        %get3A_1194 = tpu.vector_load %arg6[%get3A_1191, %get3A_1192, %get3A_1193] {strides = array<i32>} : memref<2x128x64xf32, #tpu.memory_space<vmem>>, vector<16xf32>,
        %mul3A_1195 = arith.constant 8.000000e+00 : f32
        %mul3A_1196 = vector.broadcast %mul3A_1195 : f32 to vector<16xf32>
        %mul3A_1197 = arith.mulf %get3A_1194, %mul3A_1196 : vector<16xf32>
        %scatter3A_1198 = arith.constant 0 : i32
        %scatter3A_1199 = arith.constant 0 : i32
        %scatter3A_1200 = arith.constant 0 : i32
        %scatter3A_1201 = arith.constant 0 : i32
        %scatter3A_1202 = arith.constant 0 : i32
        %scatter3A_1203 = tpu.memref_slice %arg7[%scan3A_369, %scatter3A_1198, %scatter3A_1199, %scatter3A_1200, %scatter3A_1201, %scatter3A_1202] : memref<2x1x8x1x8x129xf32, #tpu.memory_space<vmem>> -> memref<1x1x8x1x8x129xf32, #tpu.memory_space<vmem>>
        %scatter3A_1204 = tpu.memref_squeeze %scatter3A_1203 : memref<1x1x8x1x8x129xf32, #tpu.memory_space<vmem>> -> memref<1x8x1x8x129xf32, #tpu.memory_space<vmem>>
        tpu.vector_store_idx %scatter3A_1204[%broadcast_in_dim3A_1, %select_n3A, %broadcast_in_dim3A_1, %select_n3A_152, %add3A_1189], %mul3A_1197 : memref<1x8x1x8x129xf32, #tpu.memory_space<vmem>>[vector<16xi32>, vector<16xi32>, vector<16xi32>, vector<16xi32>, vector<16xi32>], vector<16xf32>,
        %get3A_1205 = arith.constant 0 : i32
        %get3A_1206 = arith.index_cast %get3A_1205 : i32 to index
        %get3A_1207 = arith.index_cast %add3A_1185 : i32 to index
        %get3A_1208 = arith.constant 16 : index
        %get3A_1209 = tpu.vector_load %arg6[%get3A_1206, %get3A_1207, %get3A_1208] {strides = array<i32>} : memref<2x128x64xf32, #tpu.memory_space<vmem>>, vector<16xf32>,
        %mul3A_1210 = arith.constant 8.000000e+00 : f32
        %mul3A_1211 = vector.broadcast %mul3A_1210 : f32 to vector<16xf32>
        %mul3A_1212 = arith.mulf %get3A_1209, %mul3A_1211 : vector<16xf32>
        %scatter3A_1213 = arith.constant 0 : i32
        %scatter3A_1214 = arith.constant 0 : i32
        %scatter3A_1215 = arith.constant 0 : i32
        %scatter3A_1216 = arith.constant 0 : i32
        %scatter3A_1217 = arith.constant 0 : i32
        %scatter3A_1218 = tpu.memref_slice %arg7[%scan3A_369, %scatter3A_1213, %scatter3A_1214, %scatter3A_1215, %scatter3A_1216, %scatter3A_1217] : memref<2x1x8x1x8x129xf32, #tpu.memory_space<vmem>> -> memref<1x1x8x1x8x129xf32, #tpu.memory_space<vmem>>
        %scatter3A_1219 = tpu.memref_squeeze %scatter3A_1218 : memref<1x1x8x1x8x129xf32, #tpu.memory_space<vmem>> -> memref<1x8x1x8x129xf32, #tpu.memory_space<vmem>>
        tpu.vector_store_idx %scatter3A_1219[%broadcast_in_dim3A_1, %select_n3A_61, %broadcast_in_dim3A_1, %select_n3A_177, %add3A_1189], %mul3A_1212 : memref<1x8x1x8x129xf32, #tpu.memory_space<vmem>>[vector<16xi32>, vector<16xi32>, vector<16xi32>, vector<16xi32>, vector<16xi32>], vector<16xf32>,
        %get3A_1220 = arith.constant 0 : i32
        %get3A_1221 = arith.index_cast %get3A_1220 : i32 to index
        %get3A_1222 = arith.index_cast %add3A_1185 : i32 to index
        %get3A_1223 = arith.constant 32 : index
        %get3A_1224 = tpu.vector_load %arg6[%get3A_1221, %get3A_1222, %get3A_1223] {strides = array<i32>} : memref<2x128x64xf32, #tpu.memory_space<vmem>>, vector<16xf32>,
        %mul3A_1225 = arith.constant 8.000000e+00 : f32
        %mul3A_1226 = vector.broadcast %mul3A_1225 : f32 to vector<16xf32>
        %mul3A_1227 = arith.mulf %get3A_1224, %mul3A_1226 : vector<16xf32>
        %scatter3A_1228 = arith.constant 0 : i32
        %scatter3A_1229 = arith.constant 0 : i32
        %scatter3A_1230 = arith.constant 0 : i32
        %scatter3A_1231 = arith.constant 0 : i32
        %scatter3A_1232 = arith.constant 0 : i32
        %scatter3A_1233 = tpu.memref_slice %arg7[%scan3A_369, %scatter3A_1228, %scatter3A_1229, %scatter3A_1230, %scatter3A_1231, %scatter3A_1232] : memref<2x1x8x1x8x129xf32, #tpu.memory_space<vmem>> -> memref<1x1x8x1x8x129xf32, #tpu.memory_space<vmem>>
        %scatter3A_1234 = tpu.memref_squeeze %scatter3A_1233 : memref<1x1x8x1x8x129xf32, #tpu.memory_space<vmem>> -> memref<1x8x1x8x129xf32, #tpu.memory_space<vmem>>
        tpu.vector_store_idx %scatter3A_1234[%broadcast_in_dim3A_1, %select_n3A_95, %broadcast_in_dim3A_1, %select_n3A_202, %add3A_1189], %mul3A_1227 : memref<1x8x1x8x129xf32, #tpu.memory_space<vmem>>[vector<16xi32>, vector<16xi32>, vector<16xi32>, vector<16xi32>, vector<16xi32>], vector<16xf32>,
        %get3A_1235 = arith.constant 0 : i32
        %get3A_1236 = arith.index_cast %get3A_1235 : i32 to index
        %get3A_1237 = arith.index_cast %add3A_1185 : i32 to index
        %get3A_1238 = arith.constant 48 : index
        %get3A_1239 = tpu.vector_load %arg6[%get3A_1236, %get3A_1237, %get3A_1238] {strides = array<i32>} : memref<2x128x64xf32, #tpu.memory_space<vmem>>, vector<16xf32>,
        %mul3A_1240 = arith.constant 8.000000e+00 : f32
        %mul3A_1241 = vector.broadcast %mul3A_1240 : f32 to vector<16xf32>
        %mul3A_1242 = arith.mulf %get3A_1239, %mul3A_1241 : vector<16xf32>
        %scatter3A_1243 = arith.constant 0 : i32
        %scatter3A_1244 = arith.constant 0 : i32
        %scatter3A_1245 = arith.constant 0 : i32
        %scatter3A_1246 = arith.constant 0 : i32
        %scatter3A_1247 = arith.constant 0 : i32
        %scatter3A_1248 = tpu.memref_slice %arg7[%scan3A_369, %scatter3A_1243, %scatter3A_1244, %scatter3A_1245, %scatter3A_1246, %scatter3A_1247] : memref<2x1x8x1x8x129xf32, #tpu.memory_space<vmem>> -> memref<1x1x8x1x8x129xf32, #tpu.memory_space<vmem>>
        %scatter3A_1249 = tpu.memref_squeeze %scatter3A_1248 : memref<1x1x8x1x8x129xf32, #tpu.memory_space<vmem>> -> memref<1x8x1x8x129xf32, #tpu.memory_space<vmem>>
        tpu.vector_store_idx %scatter3A_1249[%broadcast_in_dim3A_1, %select_n3A_129, %broadcast_in_dim3A_1, %select_n3A_227, %add3A_1189], %mul3A_1242 : memref<1x8x1x8x129xf32, #tpu.memory_space<vmem>>[vector<16xi32>, vector<16xi32>, vector<16xi32>, vector<16xi32>, vector<16xi32>], vector<16xf32>,
        %mul3A_1250 = arith.constant 16 : i32
        %mul3A_1251 = arith.muli %scan3A_503, %mul3A_1250 : i32
        %add3A_1252 = arith.constant 11 : i32
        %add3A_1253 = arith.addi %mul3A_1251, %add3A_1252 : i32
        %broadcast_in_dim3A_1254 = arith.constant 0 : i32
        %broadcast_in_dim3A_1255 = vector.broadcast %broadcast_in_dim3A_1254 : i32 to vector<16xi32>
        %add3A_1256 = vector.broadcast %add3A_1253 : i32 to vector<16xi32>
        %add3A_1257 = arith.addi %broadcast_in_dim3A_1255, %add3A_1256 : vector<16xi32>
        %get3A_1258 = arith.constant 0 : i32
        %get3A_1259 = arith.index_cast %get3A_1258 : i32 to index
        %get3A_1260 = arith.index_cast %add3A_1253 : i32 to index
        %get3A_1261 = arith.constant 0 : index
        %get3A_1262 = tpu.vector_load %arg6[%get3A_1259, %get3A_1260, %get3A_1261] {strides = array<i32>} : memref<2x128x64xf32, #tpu.memory_space<vmem>>, vector<16xf32>,
        %mul3A_1263 = arith.constant 8.000000e+00 : f32
        %mul3A_1264 = vector.broadcast %mul3A_1263 : f32 to vector<16xf32>
        %mul3A_1265 = arith.mulf %get3A_1262, %mul3A_1264 : vector<16xf32>
        %scatter3A_1266 = arith.constant 0 : i32
        %scatter3A_1267 = arith.constant 0 : i32
        %scatter3A_1268 = arith.constant 0 : i32
        %scatter3A_1269 = arith.constant 0 : i32
        %scatter3A_1270 = arith.constant 0 : i32
        %scatter3A_1271 = tpu.memref_slice %arg7[%scan3A_369, %scatter3A_1266, %scatter3A_1267, %scatter3A_1268, %scatter3A_1269, %scatter3A_1270] : memref<2x1x8x1x8x129xf32, #tpu.memory_space<vmem>> -> memref<1x1x8x1x8x129xf32, #tpu.memory_space<vmem>>
        %scatter3A_1272 = tpu.memref_squeeze %scatter3A_1271 : memref<1x1x8x1x8x129xf32, #tpu.memory_space<vmem>> -> memref<1x8x1x8x129xf32, #tpu.memory_space<vmem>>
        tpu.vector_store_idx %scatter3A_1272[%broadcast_in_dim3A_1, %select_n3A, %broadcast_in_dim3A_1, %select_n3A_152, %add3A_1257], %mul3A_1265 : memref<1x8x1x8x129xf32, #tpu.memory_space<vmem>>[vector<16xi32>, vector<16xi32>, vector<16xi32>, vector<16xi32>, vector<16xi32>], vector<16xf32>,
        %get3A_1273 = arith.constant 0 : i32
        %get3A_1274 = arith.index_cast %get3A_1273 : i32 to index
        %get3A_1275 = arith.index_cast %add3A_1253 : i32 to index
        %get3A_1276 = arith.constant 16 : index
        %get3A_1277 = tpu.vector_load %arg6[%get3A_1274, %get3A_1275, %get3A_1276] {strides = array<i32>} : memref<2x128x64xf32, #tpu.memory_space<vmem>>, vector<16xf32>,
        %mul3A_1278 = arith.constant 8.000000e+00 : f32
        %mul3A_1279 = vector.broadcast %mul3A_1278 : f32 to vector<16xf32>
        %mul3A_1280 = arith.mulf %get3A_1277, %mul3A_1279 : vector<16xf32>
        %scatter3A_1281 = arith.constant 0 : i32
        %scatter3A_1282 = arith.constant 0 : i32
        %scatter3A_1283 = arith.constant 0 : i32
        %scatter3A_1284 = arith.constant 0 : i32
        %scatter3A_1285 = arith.constant 0 : i32
        %scatter3A_1286 = tpu.memref_slice %arg7[%scan3A_369, %scatter3A_1281, %scatter3A_1282, %scatter3A_1283, %scatter3A_1284, %scatter3A_1285] : memref<2x1x8x1x8x129xf32, #tpu.memory_space<vmem>> -> memref<1x1x8x1x8x129xf32, #tpu.memory_space<vmem>>
        %scatter3A_1287 = tpu.memref_squeeze %scatter3A_1286 : memref<1x1x8x1x8x129xf32, #tpu.memory_space<vmem>> -> memref<1x8x1x8x129xf32, #tpu.memory_space<vmem>>
        tpu.vector_store_idx %scatter3A_1287[%broadcast_in_dim3A_1, %select_n3A_61, %broadcast_in_dim3A_1, %select_n3A_177, %add3A_1257], %mul3A_1280 : memref<1x8x1x8x129xf32, #tpu.memory_space<vmem>>[vector<16xi32>, vector<16xi32>, vector<16xi32>, vector<16xi32>, vector<16xi32>], vector<16xf32>,
        %get3A_1288 = arith.constant 0 : i32
        %get3A_1289 = arith.index_cast %get3A_1288 : i32 to index
        %get3A_1290 = arith.index_cast %add3A_1253 : i32 to index
        %get3A_1291 = arith.constant 32 : index
        %get3A_1292 = tpu.vector_load %arg6[%get3A_1289, %get3A_1290, %get3A_1291] {strides = array<i32>} : memref<2x128x64xf32, #tpu.memory_space<vmem>>, vector<16xf32>,
        %mul3A_1293 = arith.constant 8.000000e+00 : f32
        %mul3A_1294 = vector.broadcast %mul3A_1293 : f32 to vector<16xf32>
        %mul3A_1295 = arith.mulf %get3A_1292, %mul3A_1294 : vector<16xf32>
        %scatter3A_1296 = arith.constant 0 : i32
        %scatter3A_1297 = arith.constant 0 : i32
        %scatter3A_1298 = arith.constant 0 : i32
        %scatter3A_1299 = arith.constant 0 : i32
        %scatter3A_1300 = arith.constant 0 : i32
        %scatter3A_1301 = tpu.memref_slice %arg7[%scan3A_369, %scatter3A_1296, %scatter3A_1297, %scatter3A_1298, %scatter3A_1299, %scatter3A_1300] : memref<2x1x8x1x8x129xf32, #tpu.memory_space<vmem>> -> memref<1x1x8x1x8x129xf32, #tpu.memory_space<vmem>>
        %scatter3A_1302 = tpu.memref_squeeze %scatter3A_1301 : memref<1x1x8x1x8x129xf32, #tpu.memory_space<vmem>> -> memref<1x8x1x8x129xf32, #tpu.memory_space<vmem>>
        tpu.vector_store_idx %scatter3A_1302[%broadcast_in_dim3A_1, %select_n3A_95, %broadcast_in_dim3A_1, %select_n3A_202, %add3A_1257], %mul3A_1295 : memref<1x8x1x8x129xf32, #tpu.memory_space<vmem>>[vector<16xi32>, vector<16xi32>, vector<16xi32>, vector<16xi32>, vector<16xi32>], vector<16xf32>,
        %get3A_1303 = arith.constant 0 : i32
        %get3A_1304 = arith.index_cast %get3A_1303 : i32 to index
        %get3A_1305 = arith.index_cast %add3A_1253 : i32 to index
        %get3A_1306 = arith.constant 48 : index
        %get3A_1307 = tpu.vector_load %arg6[%get3A_1304, %get3A_1305, %get3A_1306] {strides = array<i32>} : memref<2x128x64xf32, #tpu.memory_space<vmem>>, vector<16xf32>,
        %mul3A_1308 = arith.constant 8.000000e+00 : f32
        %mul3A_1309 = vector.broadcast %mul3A_1308 : f32 to vector<16xf32>
        %mul3A_1310 = arith.mulf %get3A_1307, %mul3A_1309 : vector<16xf32>
        %scatter3A_1311 = arith.constant 0 : i32
        %scatter3A_1312 = arith.constant 0 : i32
        %scatter3A_1313 = arith.constant 0 : i32
        %scatter3A_1314 = arith.constant 0 : i32
        %scatter3A_1315 = arith.constant 0 : i32
        %scatter3A_1316 = tpu.memref_slice %arg7[%scan3A_369, %scatter3A_1311, %scatter3A_1312, %scatter3A_1313, %scatter3A_1314, %scatter3A_1315] : memref<2x1x8x1x8x129xf32, #tpu.memory_space<vmem>> -> memref<1x1x8x1x8x129xf32, #tpu.memory_space<vmem>>
        %scatter3A_1317 = tpu.memref_squeeze %scatter3A_1316 : memref<1x1x8x1x8x129xf32, #tpu.memory_space<vmem>> -> memref<1x8x1x8x129xf32, #tpu.memory_space<vmem>>
        tpu.vector_store_idx %scatter3A_1317[%broadcast_in_dim3A_1, %select_n3A_129, %broadcast_in_dim3A_1, %select_n3A_227, %add3A_1257], %mul3A_1310 : memref<1x8x1x8x129xf32, #tpu.memory_space<vmem>>[vector<16xi32>, vector<16xi32>, vector<16xi32>, vector<16xi32>, vector<16xi32>], vector<16xf32>,
        %mul3A_1318 = arith.constant 16 : i32
        %mul3A_1319 = arith.muli %scan3A_503, %mul3A_1318 : i32
        %add3A_1320 = arith.constant 12 : i32
        %add3A_1321 = arith.addi %mul3A_1319, %add3A_1320 : i32
        %broadcast_in_dim3A_1322 = arith.constant 0 : i32
        %broadcast_in_dim3A_1323 = vector.broadcast %broadcast_in_dim3A_1322 : i32 to vector<16xi32>
        %add3A_1324 = vector.broadcast %add3A_1321 : i32 to vector<16xi32>
        %add3A_1325 = arith.addi %broadcast_in_dim3A_1323, %add3A_1324 : vector<16xi32>
        %get3A_1326 = arith.constant 0 : i32
        %get3A_1327 = arith.index_cast %get3A_1326 : i32 to index
        %get3A_1328 = arith.index_cast %add3A_1321 : i32 to index
        %get3A_1329 = arith.constant 0 : index
        %get3A_1330 = tpu.vector_load %arg6[%get3A_1327, %get3A_1328, %get3A_1329] {strides = array<i32>} : memref<2x128x64xf32, #tpu.memory_space<vmem>>, vector<16xf32>,
        %mul3A_1331 = arith.constant 8.000000e+00 : f32
        %mul3A_1332 = vector.broadcast %mul3A_1331 : f32 to vector<16xf32>
        %mul3A_1333 = arith.mulf %get3A_1330, %mul3A_1332 : vector<16xf32>
        %scatter3A_1334 = arith.constant 0 : i32
        %scatter3A_1335 = arith.constant 0 : i32
        %scatter3A_1336 = arith.constant 0 : i32
        %scatter3A_1337 = arith.constant 0 : i32
        %scatter3A_1338 = arith.constant 0 : i32
        %scatter3A_1339 = tpu.memref_slice %arg7[%scan3A_369, %scatter3A_1334, %scatter3A_1335, %scatter3A_1336, %scatter3A_1337, %scatter3A_1338] : memref<2x1x8x1x8x129xf32, #tpu.memory_space<vmem>> -> memref<1x1x8x1x8x129xf32, #tpu.memory_space<vmem>>
        %scatter3A_1340 = tpu.memref_squeeze %scatter3A_1339 : memref<1x1x8x1x8x129xf32, #tpu.memory_space<vmem>> -> memref<1x8x1x8x129xf32, #tpu.memory_space<vmem>>
        tpu.vector_store_idx %scatter3A_1340[%broadcast_in_dim3A_1, %select_n3A, %broadcast_in_dim3A_1, %select_n3A_152, %add3A_1325], %mul3A_1333 : memref<1x8x1x8x129xf32, #tpu.memory_space<vmem>>[vector<16xi32>, vector<16xi32>, vector<16xi32>, vector<16xi32>, vector<16xi32>], vector<16xf32>,
        %get3A_1341 = arith.constant 0 : i32
        %get3A_1342 = arith.index_cast %get3A_1341 : i32 to index
        %get3A_1343 = arith.index_cast %add3A_1321 : i32 to index
        %get3A_1344 = arith.constant 16 : index
        %get3A_1345 = tpu.vector_load %arg6[%get3A_1342, %get3A_1343, %get3A_1344] {strides = array<i32>} : memref<2x128x64xf32, #tpu.memory_space<vmem>>, vector<16xf32>,
        %mul3A_1346 = arith.constant 8.000000e+00 : f32
        %mul3A_1347 = vector.broadcast %mul3A_1346 : f32 to vector<16xf32>
        %mul3A_1348 = arith.mulf %get3A_1345, %mul3A_1347 : vector<16xf32>
        %scatter3A_1349 = arith.constant 0 : i32
        %scatter3A_1350 = arith.constant 0 : i32
        %scatter3A_1351 = arith.constant 0 : i32
        %scatter3A_1352 = arith.constant 0 : i32
        %scatter3A_1353 = arith.constant 0 : i32
        %scatter3A_1354 = tpu.memref_slice %arg7[%scan3A_369, %scatter3A_1349, %scatter3A_1350, %scatter3A_1351, %scatter3A_1352, %scatter3A_1353] : memref<2x1x8x1x8x129xf32, #tpu.memory_space<vmem>> -> memref<1x1x8x1x8x129xf32, #tpu.memory_space<vmem>>
        %scatter3A_1355 = tpu.memref_squeeze %scatter3A_1354 : memref<1x1x8x1x8x129xf32, #tpu.memory_space<vmem>> -> memref<1x8x1x8x129xf32, #tpu.memory_space<vmem>>
        tpu.vector_store_idx %scatter3A_1355[%broadcast_in_dim3A_1, %select_n3A_61, %broadcast_in_dim3A_1, %select_n3A_177, %add3A_1325], %mul3A_1348 : memref<1x8x1x8x129xf32, #tpu.memory_space<vmem>>[vector<16xi32>, vector<16xi32>, vector<16xi32>, vector<16xi32>, vector<16xi32>], vector<16xf32>,
        %get3A_1356 = arith.constant 0 : i32
        %get3A_1357 = arith.index_cast %get3A_1356 : i32 to index
        %get3A_1358 = arith.index_cast %add3A_1321 : i32 to index
        %get3A_1359 = arith.constant 32 : index
        %get3A_1360 = tpu.vector_load %arg6[%get3A_1357, %get3A_1358, %get3A_1359] {strides = array<i32>} : memref<2x128x64xf32, #tpu.memory_space<vmem>>, vector<16xf32>,
        %mul3A_1361 = arith.constant 8.000000e+00 : f32
        %mul3A_1362 = vector.broadcast %mul3A_1361 : f32 to vector<16xf32>
        %mul3A_1363 = arith.mulf %get3A_1360, %mul3A_1362 : vector<16xf32>
        %scatter3A_1364 = arith.constant 0 : i32
        %scatter3A_1365 = arith.constant 0 : i32
        %scatter3A_1366 = arith.constant 0 : i32
        %scatter3A_1367 = arith.constant 0 : i32
        %scatter3A_1368 = arith.constant 0 : i32
        %scatter3A_1369 = tpu.memref_slice %arg7[%scan3A_369, %scatter3A_1364, %scatter3A_1365, %scatter3A_1366, %scatter3A_1367, %scatter3A_1368] : memref<2x1x8x1x8x129xf32, #tpu.memory_space<vmem>> -> memref<1x1x8x1x8x129xf32, #tpu.memory_space<vmem>>
        %scatter3A_1370 = tpu.memref_squeeze %scatter3A_1369 : memref<1x1x8x1x8x129xf32, #tpu.memory_space<vmem>> -> memref<1x8x1x8x129xf32, #tpu.memory_space<vmem>>
        tpu.vector_store_idx %scatter3A_1370[%broadcast_in_dim3A_1, %select_n3A_95, %broadcast_in_dim3A_1, %select_n3A_202, %add3A_1325], %mul3A_1363 : memref<1x8x1x8x129xf32, #tpu.memory_space<vmem>>[vector<16xi32>, vector<16xi32>, vector<16xi32>, vector<16xi32>, vector<16xi32>], vector<16xf32>,
        %get3A_1371 = arith.constant 0 : i32
        %get3A_1372 = arith.index_cast %get3A_1371 : i32 to index
        %get3A_1373 = arith.index_cast %add3A_1321 : i32 to index
        %get3A_1374 = arith.constant 48 : index
        %get3A_1375 = tpu.vector_load %arg6[%get3A_1372, %get3A_1373, %get3A_1374] {strides = array<i32>} : memref<2x128x64xf32, #tpu.memory_space<vmem>>, vector<16xf32>,
        %mul3A_1376 = arith.constant 8.000000e+00 : f32
        %mul3A_1377 = vector.broadcast %mul3A_1376 : f32 to vector<16xf32>
        %mul3A_1378 = arith.mulf %get3A_1375, %mul3A_1377 : vector<16xf32>
        %scatter3A_1379 = arith.constant 0 : i32
        %scatter3A_1380 = arith.constant 0 : i32
        %scatter3A_1381 = arith.constant 0 : i32
        %scatter3A_1382 = arith.constant 0 : i32
        %scatter3A_1383 = arith.constant 0 : i32
        %scatter3A_1384 = tpu.memref_slice %arg7[%scan3A_369, %scatter3A_1379, %scatter3A_1380, %scatter3A_1381, %scatter3A_1382, %scatter3A_1383] : memref<2x1x8x1x8x129xf32, #tpu.memory_space<vmem>> -> memref<1x1x8x1x8x129xf32, #tpu.memory_space<vmem>>
        %scatter3A_1385 = tpu.memref_squeeze %scatter3A_1384 : memref<1x1x8x1x8x129xf32, #tpu.memory_space<vmem>> -> memref<1x8x1x8x129xf32, #tpu.memory_space<vmem>>
        tpu.vector_store_idx %scatter3A_1385[%broadcast_in_dim3A_1, %select_n3A_129, %broadcast_in_dim3A_1, %select_n3A_227, %add3A_1325], %mul3A_1378 : memref<1x8x1x8x129xf32, #tpu.memory_space<vmem>>[vector<16xi32>, vector<16xi32>, vector<16xi32>, vector<16xi32>, vector<16xi32>], vector<16xf32>,
        %mul3A_1386 = arith.constant 16 : i32
        %mul3A_1387 = arith.muli %scan3A_503, %mul3A_1386 : i32
        %add3A_1388 = arith.constant 13 : i32
        %add3A_1389 = arith.addi %mul3A_1387, %add3A_1388 : i32
        %broadcast_in_dim3A_1390 = arith.constant 0 : i32
        %broadcast_in_dim3A_1391 = vector.broadcast %broadcast_in_dim3A_1390 : i32 to vector<16xi32>
        %add3A_1392 = vector.broadcast %add3A_1389 : i32 to vector<16xi32>
        %add3A_1393 = arith.addi %broadcast_in_dim3A_1391, %add3A_1392 : vector<16xi32>
        %get3A_1394 = arith.constant 0 : i32
        %get3A_1395 = arith.index_cast %get3A_1394 : i32 to index
        %get3A_1396 = arith.index_cast %add3A_1389 : i32 to index
        %get3A_1397 = arith.constant 0 : index
        %get3A_1398 = tpu.vector_load %arg6[%get3A_1395, %get3A_1396, %get3A_1397] {strides = array<i32>} : memref<2x128x64xf32, #tpu.memory_space<vmem>>, vector<16xf32>,
        %mul3A_1399 = arith.constant 8.000000e+00 : f32
        %mul3A_1400 = vector.broadcast %mul3A_1399 : f32 to vector<16xf32>
        %mul3A_1401 = arith.mulf %get3A_1398, %mul3A_1400 : vector<16xf32>
        %scatter3A_1402 = arith.constant 0 : i32
        %scatter3A_1403 = arith.constant 0 : i32
        %scatter3A_1404 = arith.constant 0 : i32
        %scatter3A_1405 = arith.constant 0 : i32
        %scatter3A_1406 = arith.constant 0 : i32
        %scatter3A_1407 = tpu.memref_slice %arg7[%scan3A_369, %scatter3A_1402, %scatter3A_1403, %scatter3A_1404, %scatter3A_1405, %scatter3A_1406] : memref<2x1x8x1x8x129xf32, #tpu.memory_space<vmem>> -> memref<1x1x8x1x8x129xf32, #tpu.memory_space<vmem>>
        %scatter3A_1408 = tpu.memref_squeeze %scatter3A_1407 : memref<1x1x8x1x8x129xf32, #tpu.memory_space<vmem>> -> memref<1x8x1x8x129xf32, #tpu.memory_space<vmem>>
        tpu.vector_store_idx %scatter3A_1408[%broadcast_in_dim3A_1, %select_n3A, %broadcast_in_dim3A_1, %select_n3A_152, %add3A_1393], %mul3A_1401 : memref<1x8x1x8x129xf32, #tpu.memory_space<vmem>>[vector<16xi32>, vector<16xi32>, vector<16xi32>, vector<16xi32>, vector<16xi32>], vector<16xf32>,
        %get3A_1409 = arith.constant 0 : i32
        %get3A_1410 = arith.index_cast %get3A_1409 : i32 to index
        %get3A_1411 = arith.index_cast %add3A_1389 : i32 to index
        %get3A_1412 = arith.constant 16 : index
        %get3A_1413 = tpu.vector_load %arg6[%get3A_1410, %get3A_1411, %get3A_1412] {strides = array<i32>} : memref<2x128x64xf32, #tpu.memory_space<vmem>>, vector<16xf32>,
        %mul3A_1414 = arith.constant 8.000000e+00 : f32
        %mul3A_1415 = vector.broadcast %mul3A_1414 : f32 to vector<16xf32>
        %mul3A_1416 = arith.mulf %get3A_1413, %mul3A_1415 : vector<16xf32>
        %scatter3A_1417 = arith.constant 0 : i32
        %scatter3A_1418 = arith.constant 0 : i32
        %scatter3A_1419 = arith.constant 0 : i32
        %scatter3A_1420 = arith.constant 0 : i32
        %scatter3A_1421 = arith.constant 0 : i32
        %scatter3A_1422 = tpu.memref_slice %arg7[%scan3A_369, %scatter3A_1417, %scatter3A_1418, %scatter3A_1419, %scatter3A_1420, %scatter3A_1421] : memref<2x1x8x1x8x129xf32, #tpu.memory_space<vmem>> -> memref<1x1x8x1x8x129xf32, #tpu.memory_space<vmem>>
        %scatter3A_1423 = tpu.memref_squeeze %scatter3A_1422 : memref<1x1x8x1x8x129xf32, #tpu.memory_space<vmem>> -> memref<1x8x1x8x129xf32, #tpu.memory_space<vmem>>
        tpu.vector_store_idx %scatter3A_1423[%broadcast_in_dim3A_1, %select_n3A_61, %broadcast_in_dim3A_1, %select_n3A_177, %add3A_1393], %mul3A_1416 : memref<1x8x1x8x129xf32, #tpu.memory_space<vmem>>[vector<16xi32>, vector<16xi32>, vector<16xi32>, vector<16xi32>, vector<16xi32>], vector<16xf32>,
        %get3A_1424 = arith.constant 0 : i32
        %get3A_1425 = arith.index_cast %get3A_1424 : i32 to index
        %get3A_1426 = arith.index_cast %add3A_1389 : i32 to index
        %get3A_1427 = arith.constant 32 : index
        %get3A_1428 = tpu.vector_load %arg6[%get3A_1425, %get3A_1426, %get3A_1427] {strides = array<i32>} : memref<2x128x64xf32, #tpu.memory_space<vmem>>, vector<16xf32>,
        %mul3A_1429 = arith.constant 8.000000e+00 : f32
        %mul3A_1430 = vector.broadcast %mul3A_1429 : f32 to vector<16xf32>
        %mul3A_1431 = arith.mulf %get3A_1428, %mul3A_1430 : vector<16xf32>
        %scatter3A_1432 = arith.constant 0 : i32
        %scatter3A_1433 = arith.constant 0 : i32
        %scatter3A_1434 = arith.constant 0 : i32
        %scatter3A_1435 = arith.constant 0 : i32
        %scatter3A_1436 = arith.constant 0 : i32
        %scatter3A_1437 = tpu.memref_slice %arg7[%scan3A_369, %scatter3A_1432, %scatter3A_1433, %scatter3A_1434, %scatter3A_1435, %scatter3A_1436] : memref<2x1x8x1x8x129xf32, #tpu.memory_space<vmem>> -> memref<1x1x8x1x8x129xf32, #tpu.memory_space<vmem>>
        %scatter3A_1438 = tpu.memref_squeeze %scatter3A_1437 : memref<1x1x8x1x8x129xf32, #tpu.memory_space<vmem>> -> memref<1x8x1x8x129xf32, #tpu.memory_space<vmem>>
        tpu.vector_store_idx %scatter3A_1438[%broadcast_in_dim3A_1, %select_n3A_95, %broadcast_in_dim3A_1, %select_n3A_202, %add3A_1393], %mul3A_1431 : memref<1x8x1x8x129xf32, #tpu.memory_space<vmem>>[vector<16xi32>, vector<16xi32>, vector<16xi32>, vector<16xi32>, vector<16xi32>], vector<16xf32>,
        %get3A_1439 = arith.constant 0 : i32
        %get3A_1440 = arith.index_cast %get3A_1439 : i32 to index
        %get3A_1441 = arith.index_cast %add3A_1389 : i32 to index
        %get3A_1442 = arith.constant 48 : index
        %get3A_1443 = tpu.vector_load %arg6[%get3A_1440, %get3A_1441, %get3A_1442] {strides = array<i32>} : memref<2x128x64xf32, #tpu.memory_space<vmem>>, vector<16xf32>,
        %mul3A_1444 = arith.constant 8.000000e+00 : f32
        %mul3A_1445 = vector.broadcast %mul3A_1444 : f32 to vector<16xf32>
        %mul3A_1446 = arith.mulf %get3A_1443, %mul3A_1445 : vector<16xf32>
        %scatter3A_1447 = arith.constant 0 : i32
        %scatter3A_1448 = arith.constant 0 : i32
        %scatter3A_1449 = arith.constant 0 : i32
        %scatter3A_1450 = arith.constant 0 : i32
        %scatter3A_1451 = arith.constant 0 : i32
        %scatter3A_1452 = tpu.memref_slice %arg7[%scan3A_369, %scatter3A_1447, %scatter3A_1448, %scatter3A_1449, %scatter3A_1450, %scatter3A_1451] : memref<2x1x8x1x8x129xf32, #tpu.memory_space<vmem>> -> memref<1x1x8x1x8x129xf32, #tpu.memory_space<vmem>>
        %scatter3A_1453 = tpu.memref_squeeze %scatter3A_1452 : memref<1x1x8x1x8x129xf32, #tpu.memory_space<vmem>> -> memref<1x8x1x8x129xf32, #tpu.memory_space<vmem>>
        tpu.vector_store_idx %scatter3A_1453[%broadcast_in_dim3A_1, %select_n3A_129, %broadcast_in_dim3A_1, %select_n3A_227, %add3A_1393], %mul3A_1446 : memref<1x8x1x8x129xf32, #tpu.memory_space<vmem>>[vector<16xi32>, vector<16xi32>, vector<16xi32>, vector<16xi32>, vector<16xi32>], vector<16xf32>,
        %mul3A_1454 = arith.constant 16 : i32
        %mul3A_1455 = arith.muli %scan3A_503, %mul3A_1454 : i32
        %add3A_1456 = arith.constant 14 : i32
        %add3A_1457 = arith.addi %mul3A_1455, %add3A_1456 : i32
        %broadcast_in_dim3A_1458 = arith.constant 0 : i32
        %broadcast_in_dim3A_1459 = vector.broadcast %broadcast_in_dim3A_1458 : i32 to vector<16xi32>
        %add3A_1460 = vector.broadcast %add3A_1457 : i32 to vector<16xi32>
        %add3A_1461 = arith.addi %broadcast_in_dim3A_1459, %add3A_1460 : vector<16xi32>
        %get3A_1462 = arith.constant 0 : i32
        %get3A_1463 = arith.index_cast %get3A_1462 : i32 to index
        %get3A_1464 = arith.index_cast %add3A_1457 : i32 to index
        %get3A_1465 = arith.constant 0 : index
        %get3A_1466 = tpu.vector_load %arg6[%get3A_1463, %get3A_1464, %get3A_1465] {strides = array<i32>} : memref<2x128x64xf32, #tpu.memory_space<vmem>>, vector<16xf32>,
        %mul3A_1467 = arith.constant 8.000000e+00 : f32
        %mul3A_1468 = vector.broadcast %mul3A_1467 : f32 to vector<16xf32>
        %mul3A_1469 = arith.mulf %get3A_1466, %mul3A_1468 : vector<16xf32>
        %scatter3A_1470 = arith.constant 0 : i32
        %scatter3A_1471 = arith.constant 0 : i32
        %scatter3A_1472 = arith.constant 0 : i32
        %scatter3A_1473 = arith.constant 0 : i32
        %scatter3A_1474 = arith.constant 0 : i32
        %scatter3A_1475 = tpu.memref_slice %arg7[%scan3A_369, %scatter3A_1470, %scatter3A_1471, %scatter3A_1472, %scatter3A_1473, %scatter3A_1474] : memref<2x1x8x1x8x129xf32, #tpu.memory_space<vmem>> -> memref<1x1x8x1x8x129xf32, #tpu.memory_space<vmem>>
        %scatter3A_1476 = tpu.memref_squeeze %scatter3A_1475 : memref<1x1x8x1x8x129xf32, #tpu.memory_space<vmem>> -> memref<1x8x1x8x129xf32, #tpu.memory_space<vmem>>
        tpu.vector_store_idx %scatter3A_1476[%broadcast_in_dim3A_1, %select_n3A, %broadcast_in_dim3A_1, %select_n3A_152, %add3A_1461], %mul3A_1469 : memref<1x8x1x8x129xf32, #tpu.memory_space<vmem>>[vector<16xi32>, vector<16xi32>, vector<16xi32>, vector<16xi32>, vector<16xi32>], vector<16xf32>,
        %get3A_1477 = arith.constant 0 : i32
        %get3A_1478 = arith.index_cast %get3A_1477 : i32 to index
        %get3A_1479 = arith.index_cast %add3A_1457 : i32 to index
        %get3A_1480 = arith.constant 16 : index
        %get3A_1481 = tpu.vector_load %arg6[%get3A_1478, %get3A_1479, %get3A_1480] {strides = array<i32>} : memref<2x128x64xf32, #tpu.memory_space<vmem>>, vector<16xf32>,
        %mul3A_1482 = arith.constant 8.000000e+00 : f32
        %mul3A_1483 = vector.broadcast %mul3A_1482 : f32 to vector<16xf32>
        %mul3A_1484 = arith.mulf %get3A_1481, %mul3A_1483 : vector<16xf32>
        %scatter3A_1485 = arith.constant 0 : i32
        %scatter3A_1486 = arith.constant 0 : i32
        %scatter3A_1487 = arith.constant 0 : i32
        %scatter3A_1488 = arith.constant 0 : i32
        %scatter3A_1489 = arith.constant 0 : i32
        %scatter3A_1490 = tpu.memref_slice %arg7[%scan3A_369, %scatter3A_1485, %scatter3A_1486, %scatter3A_1487, %scatter3A_1488, %scatter3A_1489] : memref<2x1x8x1x8x129xf32, #tpu.memory_space<vmem>> -> memref<1x1x8x1x8x129xf32, #tpu.memory_space<vmem>>
        %scatter3A_1491 = tpu.memref_squeeze %scatter3A_1490 : memref<1x1x8x1x8x129xf32, #tpu.memory_space<vmem>> -> memref<1x8x1x8x129xf32, #tpu.memory_space<vmem>>
        tpu.vector_store_idx %scatter3A_1491[%broadcast_in_dim3A_1, %select_n3A_61, %broadcast_in_dim3A_1, %select_n3A_177, %add3A_1461], %mul3A_1484 : memref<1x8x1x8x129xf32, #tpu.memory_space<vmem>>[vector<16xi32>, vector<16xi32>, vector<16xi32>, vector<16xi32>, vector<16xi32>], vector<16xf32>,
        %get3A_1492 = arith.constant 0 : i32
        %get3A_1493 = arith.index_cast %get3A_1492 : i32 to index
        %get3A_1494 = arith.index_cast %add3A_1457 : i32 to index
        %get3A_1495 = arith.constant 32 : index
        %get3A_1496 = tpu.vector_load %arg6[%get3A_1493, %get3A_1494, %get3A_1495] {strides = array<i32>} : memref<2x128x64xf32, #tpu.memory_space<vmem>>, vector<16xf32>,
        %mul3A_1497 = arith.constant 8.000000e+00 : f32
        %mul3A_1498 = vector.broadcast %mul3A_1497 : f32 to vector<16xf32>
        %mul3A_1499 = arith.mulf %get3A_1496, %mul3A_1498 : vector<16xf32>
        %scatter3A_1500 = arith.constant 0 : i32
        %scatter3A_1501 = arith.constant 0 : i32
        %scatter3A_1502 = arith.constant 0 : i32
        %scatter3A_1503 = arith.constant 0 : i32
        %scatter3A_1504 = arith.constant 0 : i32
        %scatter3A_1505 = tpu.memref_slice %arg7[%scan3A_369, %scatter3A_1500, %scatter3A_1501, %scatter3A_1502, %scatter3A_1503, %scatter3A_1504] : memref<2x1x8x1x8x129xf32, #tpu.memory_space<vmem>> -> memref<1x1x8x1x8x129xf32, #tpu.memory_space<vmem>>
        %scatter3A_1506 = tpu.memref_squeeze %scatter3A_1505 : memref<1x1x8x1x8x129xf32, #tpu.memory_space<vmem>> -> memref<1x8x1x8x129xf32, #tpu.memory_space<vmem>>
        tpu.vector_store_idx %scatter3A_1506[%broadcast_in_dim3A_1, %select_n3A_95, %broadcast_in_dim3A_1, %select_n3A_202, %add3A_1461], %mul3A_1499 : memref<1x8x1x8x129xf32, #tpu.memory_space<vmem>>[vector<16xi32>, vector<16xi32>, vector<16xi32>, vector<16xi32>, vector<16xi32>], vector<16xf32>,
        %get3A_1507 = arith.constant 0 : i32
        %get3A_1508 = arith.index_cast %get3A_1507 : i32 to index
        %get3A_1509 = arith.index_cast %add3A_1457 : i32 to index
        %get3A_1510 = arith.constant 48 : index
        %get3A_1511 = tpu.vector_load %arg6[%get3A_1508, %get3A_1509, %get3A_1510] {strides = array<i32>} : memref<2x128x64xf32, #tpu.memory_space<vmem>>, vector<16xf32>,
        %mul3A_1512 = arith.constant 8.000000e+00 : f32
        %mul3A_1513 = vector.broadcast %mul3A_1512 : f32 to vector<16xf32>
        %mul3A_1514 = arith.mulf %get3A_1511, %mul3A_1513 : vector<16xf32>
        %scatter3A_1515 = arith.constant 0 : i32
        %scatter3A_1516 = arith.constant 0 : i32
        %scatter3A_1517 = arith.constant 0 : i32
        %scatter3A_1518 = arith.constant 0 : i32
        %scatter3A_1519 = arith.constant 0 : i32
        %scatter3A_1520 = tpu.memref_slice %arg7[%scan3A_369, %scatter3A_1515, %scatter3A_1516, %scatter3A_1517, %scatter3A_1518, %scatter3A_1519] : memref<2x1x8x1x8x129xf32, #tpu.memory_space<vmem>> -> memref<1x1x8x1x8x129xf32, #tpu.memory_space<vmem>>
        %scatter3A_1521 = tpu.memref_squeeze %scatter3A_1520 : memref<1x1x8x1x8x129xf32, #tpu.memory_space<vmem>> -> memref<1x8x1x8x129xf32, #tpu.memory_space<vmem>>
        tpu.vector_store_idx %scatter3A_1521[%broadcast_in_dim3A_1, %select_n3A_129, %broadcast_in_dim3A_1, %select_n3A_227, %add3A_1461], %mul3A_1514 : memref<1x8x1x8x129xf32, #tpu.memory_space<vmem>>[vector<16xi32>, vector<16xi32>, vector<16xi32>, vector<16xi32>, vector<16xi32>], vector<16xf32>,
        %mul3A_1522 = arith.constant 16 : i32
        %mul3A_1523 = arith.muli %scan3A_503, %mul3A_1522 : i32
        %add3A_1524 = arith.constant 15 : i32
        %add3A_1525 = arith.addi %mul3A_1523, %add3A_1524 : i32
        %broadcast_in_dim3A_1526 = arith.constant 0 : i32
        %broadcast_in_dim3A_1527 = vector.broadcast %broadcast_in_dim3A_1526 : i32 to vector<16xi32>
        %add3A_1528 = vector.broadcast %add3A_1525 : i32 to vector<16xi32>
        %add3A_1529 = arith.addi %broadcast_in_dim3A_1527, %add3A_1528 : vector<16xi32>
        %get3A_1530 = arith.constant 0 : i32
        %get3A_1531 = arith.index_cast %get3A_1530 : i32 to index
        %get3A_1532 = arith.index_cast %add3A_1525 : i32 to index
        %get3A_1533 = arith.constant 0 : index
        %get3A_1534 = tpu.vector_load %arg6[%get3A_1531, %get3A_1532, %get3A_1533] {strides = array<i32>} : memref<2x128x64xf32, #tpu.memory_space<vmem>>, vector<16xf32>,
        %mul3A_1535 = arith.constant 8.000000e+00 : f32
        %mul3A_1536 = vector.broadcast %mul3A_1535 : f32 to vector<16xf32>
        %mul3A_1537 = arith.mulf %get3A_1534, %mul3A_1536 : vector<16xf32>
        %scatter3A_1538 = arith.constant 0 : i32
        %scatter3A_1539 = arith.constant 0 : i32
        %scatter3A_1540 = arith.constant 0 : i32
        %scatter3A_1541 = arith.constant 0 : i32
        %scatter3A_1542 = arith.constant 0 : i32
        %scatter3A_1543 = tpu.memref_slice %arg7[%scan3A_369, %scatter3A_1538, %scatter3A_1539, %scatter3A_1540, %scatter3A_1541, %scatter3A_1542] : memref<2x1x8x1x8x129xf32, #tpu.memory_space<vmem>> -> memref<1x1x8x1x8x129xf32, #tpu.memory_space<vmem>>
        %scatter3A_1544 = tpu.memref_squeeze %scatter3A_1543 : memref<1x1x8x1x8x129xf32, #tpu.memory_space<vmem>> -> memref<1x8x1x8x129xf32, #tpu.memory_space<vmem>>
        tpu.vector_store_idx %scatter3A_1544[%broadcast_in_dim3A_1, %select_n3A, %broadcast_in_dim3A_1, %select_n3A_152, %add3A_1529], %mul3A_1537 : memref<1x8x1x8x129xf32, #tpu.memory_space<vmem>>[vector<16xi32>, vector<16xi32>, vector<16xi32>, vector<16xi32>, vector<16xi32>], vector<16xf32>,
        %get3A_1545 = arith.constant 0 : i32
        %get3A_1546 = arith.index_cast %get3A_1545 : i32 to index
        %get3A_1547 = arith.index_cast %add3A_1525 : i32 to index
        %get3A_1548 = arith.constant 16 : index
        %get3A_1549 = tpu.vector_load %arg6[%get3A_1546, %get3A_1547, %get3A_1548] {strides = array<i32>} : memref<2x128x64xf32, #tpu.memory_space<vmem>>, vector<16xf32>,
        %mul3A_1550 = arith.constant 8.000000e+00 : f32
        %mul3A_1551 = vector.broadcast %mul3A_1550 : f32 to vector<16xf32>
        %mul3A_1552 = arith.mulf %get3A_1549, %mul3A_1551 : vector<16xf32>
        %scatter3A_1553 = arith.constant 0 : i32
        %scatter3A_1554 = arith.constant 0 : i32
        %scatter3A_1555 = arith.constant 0 : i32
        %scatter3A_1556 = arith.constant 0 : i32
        %scatter3A_1557 = arith.constant 0 : i32
        %scatter3A_1558 = tpu.memref_slice %arg7[%scan3A_369, %scatter3A_1553, %scatter3A_1554, %scatter3A_1555, %scatter3A_1556, %scatter3A_1557] : memref<2x1x8x1x8x129xf32, #tpu.memory_space<vmem>> -> memref<1x1x8x1x8x129xf32, #tpu.memory_space<vmem>>
        %scatter3A_1559 = tpu.memref_squeeze %scatter3A_1558 : memref<1x1x8x1x8x129xf32, #tpu.memory_space<vmem>> -> memref<1x8x1x8x129xf32, #tpu.memory_space<vmem>>
        tpu.vector_store_idx %scatter3A_1559[%broadcast_in_dim3A_1, %select_n3A_61, %broadcast_in_dim3A_1, %select_n3A_177, %add3A_1529], %mul3A_1552 : memref<1x8x1x8x129xf32, #tpu.memory_space<vmem>>[vector<16xi32>, vector<16xi32>, vector<16xi32>, vector<16xi32>, vector<16xi32>], vector<16xf32>,
        %get3A_1560 = arith.constant 0 : i32
        %get3A_1561 = arith.index_cast %get3A_1560 : i32 to index
        %get3A_1562 = arith.index_cast %add3A_1525 : i32 to index
        %get3A_1563 = arith.constant 32 : index
        %get3A_1564 = tpu.vector_load %arg6[%get3A_1561, %get3A_1562, %get3A_1563] {strides = array<i32>} : memref<2x128x64xf32, #tpu.memory_space<vmem>>, vector<16xf32>,
        %mul3A_1565 = arith.constant 8.000000e+00 : f32
        %mul3A_1566 = vector.broadcast %mul3A_1565 : f32 to vector<16xf32>
        %mul3A_1567 = arith.mulf %get3A_1564, %mul3A_1566 : vector<16xf32>
        %scatter3A_1568 = arith.constant 0 : i32
        %scatter3A_1569 = arith.constant 0 : i32
        %scatter3A_1570 = arith.constant 0 : i32
        %scatter3A_1571 = arith.constant 0 : i32
        %scatter3A_1572 = arith.constant 0 : i32
        %scatter3A_1573 = tpu.memref_slice %arg7[%scan3A_369, %scatter3A_1568, %scatter3A_1569, %scatter3A_1570, %scatter3A_1571, %scatter3A_1572] : memref<2x1x8x1x8x129xf32, #tpu.memory_space<vmem>> -> memref<1x1x8x1x8x129xf32, #tpu.memory_space<vmem>>
        %scatter3A_1574 = tpu.memref_squeeze %scatter3A_1573 : memref<1x1x8x1x8x129xf32, #tpu.memory_space<vmem>> -> memref<1x8x1x8x129xf32, #tpu.memory_space<vmem>>
        tpu.vector_store_idx %scatter3A_1574[%broadcast_in_dim3A_1, %select_n3A_95, %broadcast_in_dim3A_1, %select_n3A_202, %add3A_1529], %mul3A_1567 : memref<1x8x1x8x129xf32, #tpu.memory_space<vmem>>[vector<16xi32>, vector<16xi32>, vector<16xi32>, vector<16xi32>, vector<16xi32>], vector<16xf32>,
        %get3A_1575 = arith.constant 0 : i32
        %get3A_1576 = arith.index_cast %get3A_1575 : i32 to index
        %get3A_1577 = arith.index_cast %add3A_1525 : i32 to index
        %get3A_1578 = arith.constant 48 : index
        %get3A_1579 = tpu.vector_load %arg6[%get3A_1576, %get3A_1577, %get3A_1578] {strides = array<i32>} : memref<2x128x64xf32, #tpu.memory_space<vmem>>, vector<16xf32>,
        %mul3A_1580 = arith.constant 8.000000e+00 : f32
        %mul3A_1581 = vector.broadcast %mul3A_1580 : f32 to vector<16xf32>
        %mul3A_1582 = arith.mulf %get3A_1579, %mul3A_1581 : vector<16xf32>
        %scatter3A_1583 = arith.constant 0 : i32
        %scatter3A_1584 = arith.constant 0 : i32
        %scatter3A_1585 = arith.constant 0 : i32
        %scatter3A_1586 = arith.constant 0 : i32
        %scatter3A_1587 = arith.constant 0 : i32
        %scatter3A_1588 = tpu.memref_slice %arg7[%scan3A_369, %scatter3A_1583, %scatter3A_1584, %scatter3A_1585, %scatter3A_1586, %scatter3A_1587] : memref<2x1x8x1x8x129xf32, #tpu.memory_space<vmem>> -> memref<1x1x8x1x8x129xf32, #tpu.memory_space<vmem>>
        %scatter3A_1589 = tpu.memref_squeeze %scatter3A_1588 : memref<1x1x8x1x8x129xf32, #tpu.memory_space<vmem>> -> memref<1x8x1x8x129xf32, #tpu.memory_space<vmem>>
        tpu.vector_store_idx %scatter3A_1589[%broadcast_in_dim3A_1, %select_n3A_129, %broadcast_in_dim3A_1, %select_n3A_227, %add3A_1529], %mul3A_1582 : memref<1x8x1x8x129xf32, #tpu.memory_space<vmem>>[vector<16xi32>, vector<16xi32>, vector<16xi32>, vector<16xi32>, vector<16xi32>], vector<16xf32>,
      }
      %scan3A_374 = arith.constant 8 : i32
      %dma_start3A_375 = arith.constant 0 : i32
      %dma_start3A_376 = arith.constant 0 : i32
      %dma_start3A_377 = arith.constant 0 : i32
      %dma_start3A_378 = arith.constant 0 : i32
      %dma_start3A_379 = arith.constant 0 : i32
      %dma_start3A_380 = arith.constant 0 : i32
      %dma_start3A_381 = tpu.memref_slice %arg7[%dma_start3A_375, %dma_start3A_376, %dma_start3A_377, %dma_start3A_378, %dma_start3A_379, %dma_start3A_380] : memref<2x1x8x1x8x129xf32, #tpu.memory_space<vmem>> -> memref<1x1x8x1x8x128xf32, #tpu.memory_space<vmem>>
      %dma_start3A_382 = tpu.memref_squeeze %dma_start3A_381 : memref<1x1x8x1x8x128xf32, #tpu.memory_space<vmem>> -> memref<1x8x1x8x128xf32, #tpu.memory_space<vmem>>
      %dma_start3A_383 = arith.constant 0 : i32
      %dma_start3A_384 = arith.constant 0 : i32
      %dma_start3A_385 = arith.constant 0 : i32
      %dma_start3A_386 = tpu.memref_slice %arg4[%add3A_313, %dma_start3A_383, %add3A, %dma_start3A_384, %dma_start3A_385] : memref<200x8x32x8x128xf32, #tpu.memory_space<hbm>> -> memref<1x8x1x8x128xf32, #tpu.memory_space<hbm>>
      %dma_start3A_387 = arith.constant 0 : i32
      %dma_start3A_388 = arith.constant 0 : i32
      %dma_start3A_389 = arith.constant 0 : i32
      %dma_start3A_390 = tpu.memref_slice %arg4[%add3A_313, %dma_start3A_387, %add3A, %dma_start3A_388, %dma_start3A_389] : memref<200x8x32x8x128xf32, #tpu.memory_space<hbm>> -> memref<1x8x1x8x128xf32, #tpu.memory_space<hbm>>
      %dma_start3A_391 = arith.constant 0 : i32
      %dma_start3A_392 = arith.constant 0 : i32
      %dma_start3A_393 = arith.constant 0 : i32
      %dma_start3A_394 = arith.constant 0 : i32
      %dma_start3A_395 = arith.constant 0 : i32
      %dma_start3A_396 = tpu.memref_slice %arg7[%dma_start3A_375, %dma_start3A_391, %dma_start3A_392, %dma_start3A_393, %dma_start3A_394, %dma_start3A_395] : memref<2x1x8x1x8x129xf32, #tpu.memory_space<vmem>> -> memref<1x1x8x1x8x128xf32, #tpu.memory_space<vmem>>
      %dma_start3A_397 = tpu.memref_squeeze %dma_start3A_396 : memref<1x1x8x1x8x128xf32, #tpu.memory_space<vmem>> -> memref<1x8x1x8x128xf32, #tpu.memory_space<vmem>>
      tpu.enqueue_dma source(%dma_start3A_397 : memref<1x8x1x8x128xf32, #tpu.memory_space<vmem>>) target(%dma_start3A_390 : memref<1x8x1x8x128xf32, #tpu.memory_space<hbm>>) target_semaphore(%arg10 : memref<!tpu.dma_semaphore, #tpu.memory_space<semaphore_mem>>)
      %add3A_398 = arith.constant 2 : i32
      %add3A_399 = arith.addi %add3A_313, %add3A_398 : i32
      %lt3A_400 = arith.constant 200 : i32
      %lt3A_401 = arith.cmpi slt, %add3A_399, %lt3A_400 : i32
      %convert_element_type3A_402 = arith.extui %lt3A_401 : i1 to i32
      %cond3A_403 = arith.constant 0 : i32
      %cond3A_404 = arith.cmpi ne, %convert_element_type3A_402, %cond3A_403 : i32
      scf.if %cond3A_404 {
        %add3A_503 = arith.constant 2 : i32
        %add3A_504 = arith.addi %add3A_313, %add3A_503 : i32
        %jit3A_505 = arith.constant 8 : i32
        %div3A_506 = arith.divsi %add3A_504, %jit3A_505 : i32
        %sign3A_507 = arith.constant 0 : i32
        %sign3A_508 = arith.cmpi sgt, %add3A_504, %sign3A_507 : i32
        %sign3A_509 = arith.extui %sign3A_508 : i1 to i32
        %sign3A_510 = arith.constant 0 : i32
        %sign3A_511 = arith.cmpi slt, %add3A_504, %sign3A_510 : i32
        %sign3A_512 = arith.extui %sign3A_511 : i1 to i32
        %sign3A_513 = arith.subi %sign3A_509, %sign3A_512 : i32
        %sign3A_514 = arith.constant 0 : i32
        %sign3A_515 = arith.cmpi sgt, %jit3A_505, %sign3A_514 : i32
        %sign3A_516 = arith.extui %sign3A_515 : i1 to i32
        %sign3A_517 = arith.constant 0 : i32
        %sign3A_518 = arith.cmpi slt, %jit3A_505, %sign3A_517 : i32
        %sign3A_519 = arith.extui %sign3A_518 : i1 to i32
        %sign3A_520 = arith.subi %sign3A_516, %sign3A_519 : i32
        %ne3A_521 = arith.cmpi ne, %sign3A_513, %sign3A_520 : i32
        %rem3A_522 = arith.remsi %add3A_504, %jit3A_505 : i32
        %ne3A_523 = arith.constant 0 : i32
        %ne3A_524 = arith.cmpi ne, %rem3A_522, %ne3A_523 : i32
        %and3A_525 = arith.andi %ne3A_521, %ne3A_524 : i1
        %sub3A_526 = arith.constant 1 : i32
        %sub3A_527 = arith.subi %div3A_506, %sub3A_526 : i32
        %select_n3A_528 = arith.select %and3A_525, %sub3A_527, %div3A_506 : i32
        %jit3A_529 = arith.constant 8 : i32
        %eq3A_530 = arith.constant 0 : i32
        %eq3A_531 = arith.cmpi eq, %jit3A_529, %eq3A_530 : i32
        %jit3A_532 = arith.constant 1 : i32
        %select_n3A_533 = arith.select %eq3A_531, %jit3A_532, %jit3A_529 : i32
        %rem3A_534 = arith.remsi %add3A_504, %select_n3A_533 : i32
        %ne3A_535 = arith.constant 0 : i32
        %ne3A_536 = arith.cmpi ne, %rem3A_534, %ne3A_535 : i32
        %lt3A_537 = arith.constant 0 : i32
        %lt3A_538 = arith.cmpi slt, %rem3A_534, %lt3A_537 : i32
        %lt3A_539 = arith.constant 0 : i32
        %lt3A_540 = arith.cmpi slt, %select_n3A_533, %lt3A_539 : i32
        %ne3A_541 = arith.xori %lt3A_538, %lt3A_540 : i1
        %and3A_542 = arith.andi %ne3A_541, %ne3A_536 : i1
        %add3A_543 = arith.addi %rem3A_534, %select_n3A_533 : i32
        %select_n3A_544 = arith.select %and3A_542, %add3A_543, %rem3A_534 : i32
        %dma_start3A_545 = arith.constant 0 : i32
        %dma_start3A_546 = arith.constant 0 : i32
        %dma_start3A_547 = arith.constant 0 : i32
        %dma_start3A_548 = arith.constant 0 : i32
        %dma_start3A_549 = tpu.memref_slice %arg6[%dma_start3A_546, %dma_start3A_547, %dma_start3A_548] : memref<2x128x64xf32, #tpu.memory_space<vmem>> -> memref<1x128x64xf32, #tpu.memory_space<vmem>>
        %dma_start3A_550 = tpu.memref_squeeze %dma_start3A_549 : memref<1x128x64xf32, #tpu.memory_space<vmem>> -> memref<128x64xf32, #tpu.memory_space<vmem>>
        %dma_start3A_551 = arith.constant 0 : i32
        %dma_start3A_552 = tpu.memref_slice %arg5[%select_n3A_528, %dma_start3A_545, %select_n3A_544, %dma_start3A_551] : memref<25x1x8x128xi32, #tpu.memory_space<vmem>> -> memref<1x1x1x128xi32, #tpu.memory_space<vmem>>
        %dma_start3A_553 = tpu.memref_squeeze %dma_start3A_552 : memref<1x1x1x128xi32, #tpu.memory_space<vmem>> -> memref<128xi32, #tpu.memory_space<vmem>>
        %dma_start3A_554 = arith.constant 0 : i32
        %dma_start3A_555 = arith.constant 0 : i32
        %dma_start3A_556 = tpu.memref_slice %arg3[%dma_start3A_554, %dma_start3A_555] : memref<1000000x64xf32, #tpu.memory_space<hbm>> -> memref<1000000x64xf32, #tpu.memory_space<hbm>>
        tpu.enqueue_indirect_dma source(%dma_start3A_556 : memref<1000000x64xf32, #tpu.memory_space<hbm>>) target(%dma_start3A_550 : memref<128x64xf32, #tpu.memory_space<vmem>>) offsets(%dma_start3A_553 : memref<128xi32, #tpu.memory_space<vmem>>) semaphore(%arg8 : memref<!tpu.dma_semaphore, #tpu.memory_space<semaphore_mem>>)
      } else {
      }
      %mul3A_405 = arith.constant 2 : i32
      %mul3A_406 = arith.muli %scan3A_309, %mul3A_405 : i32
      %add3A_407 = arith.constant 1 : i32
      %add3A_408 = arith.addi %mul3A_406, %add3A_407 : i32
      %jit3A_409 = arith.constant 8 : i32
      %div3A_410 = arith.divsi %add3A_408, %jit3A_409 : i32
      %sign3A_411 = arith.constant 0 : i32
      %sign3A_412 = arith.cmpi sgt, %add3A_408, %sign3A_411 : i32
      %sign3A_413 = arith.extui %sign3A_412 : i1 to i32
      %sign3A_414 = arith.constant 0 : i32
      %sign3A_415 = arith.cmpi slt, %add3A_408, %sign3A_414 : i32
      %sign3A_416 = arith.extui %sign3A_415 : i1 to i32
      %sign3A_417 = arith.subi %sign3A_413, %sign3A_416 : i32
      %sign3A_418 = arith.constant 0 : i32
      %sign3A_419 = arith.cmpi sgt, %jit3A_409, %sign3A_418 : i32
      %sign3A_420 = arith.extui %sign3A_419 : i1 to i32
      %sign3A_421 = arith.constant 0 : i32
      %sign3A_422 = arith.cmpi slt, %jit3A_409, %sign3A_421 : i32
      %sign3A_423 = arith.extui %sign3A_422 : i1 to i32
      %sign3A_424 = arith.subi %sign3A_420, %sign3A_423 : i32
      %ne3A_425 = arith.cmpi ne, %sign3A_417, %sign3A_424 : i32
      %rem3A_426 = arith.remsi %add3A_408, %jit3A_409 : i32
      %ne3A_427 = arith.constant 0 : i32
      %ne3A_428 = arith.cmpi ne, %rem3A_426, %ne3A_427 : i32
      %and3A_429 = arith.andi %ne3A_425, %ne3A_428 : i1
      %sub3A_430 = arith.constant 1 : i32
      %sub3A_431 = arith.subi %div3A_410, %sub3A_430 : i32
      %select_n3A_432 = arith.select %and3A_429, %sub3A_431, %div3A_410 : i32
      %jit3A_433 = arith.constant 8 : i32
      %eq3A_434 = arith.constant 0 : i32
      %eq3A_435 = arith.cmpi eq, %jit3A_433, %eq3A_434 : i32
      %jit3A_436 = arith.constant 1 : i32
      %select_n3A_437 = arith.select %eq3A_435, %jit3A_436, %jit3A_433 : i32
      %rem3A_438 = arith.remsi %add3A_408, %select_n3A_437 : i32
      %ne3A_439 = arith.constant 0 : i32
      %ne3A_440 = arith.cmpi ne, %rem3A_438, %ne3A_439 : i32
      %lt3A_441 = arith.constant 0 : i32
      %lt3A_442 = arith.cmpi slt, %rem3A_438, %lt3A_441 : i32
      %lt3A_443 = arith.constant 0 : i32
      %lt3A_444 = arith.cmpi slt, %select_n3A_437, %lt3A_443 : i32
      %ne3A_445 = arith.xori %lt3A_442, %lt3A_444 : i1
      %and3A_446 = arith.andi %ne3A_445, %ne3A_440 : i1
      %add3A_447 = arith.addi %rem3A_438, %select_n3A_437 : i32
      %select_n3A_448 = arith.select %and3A_446, %add3A_447, %rem3A_438 : i32
      %dma_wait3A_449 = arith.constant 0 : i32
      %dma_wait3A_450 = arith.constant 1 : i32
      %dma_wait3A_451 = arith.constant 0 : i32
      %dma_wait3A_452 = arith.constant 0 : i32
      %dma_wait3A_453 = tpu.memref_slice %arg6[%dma_wait3A_450, %dma_wait3A_451, %dma_wait3A_452] : memref<2x128x64xf32, #tpu.memory_space<vmem>> -> memref<1x128x64xf32, #tpu.memory_space<vmem>>
      %dma_wait3A_454 = tpu.memref_squeeze %dma_wait3A_453 : memref<1x128x64xf32, #tpu.memory_space<vmem>> -> memref<128x64xf32, #tpu.memory_space<vmem>>
      %dma_wait3A_455 = arith.constant 0 : i32
      %dma_wait3A_456 = tpu.memref_slice %arg5[%select_n3A_432, %dma_wait3A_449, %select_n3A_448, %dma_wait3A_455] : memref<25x1x8x128xi32, #tpu.memory_space<vmem>> -> memref<1x1x1x128xi32, #tpu.memory_space<vmem>>
      %dma_wait3A_457 = tpu.memref_squeeze %dma_wait3A_456 : memref<1x1x1x128xi32, #tpu.memory_space<vmem>> -> memref<128xi32, #tpu.memory_space<vmem>>
      %dma_wait3A_458 = arith.constant 0 : i32
      %dma_wait3A_459 = arith.constant 0 : i32
      %dma_wait3A_460 = tpu.memref_slice %arg3[%dma_wait3A_458, %dma_wait3A_459] : memref<1000000x64xf32, #tpu.memory_space<hbm>> -> memref<1000000x64xf32, #tpu.memory_space<hbm>>
      tpu.wait_indirect_dma semaphore(%arg9 : memref<!tpu.dma_semaphore, #tpu.memory_space<semaphore_mem>>) src(%dma_wait3A_460 : memref<1000000x64xf32, #tpu.memory_space<hbm>>) dst(%dma_wait3A_454 : memref<128x64xf32, #tpu.memory_space<vmem>>)
      %ge3A_461 = arith.constant 2 : i32
      %ge3A_462 = arith.cmpi sge, %add3A_408, %ge3A_461 : i32
      %convert_element_type3A_463 = arith.extui %ge3A_462 : i1 to i32
      %cond3A_464 = arith.constant 0 : i32
      %cond3A_465 = arith.cmpi ne, %convert_element_type3A_463, %cond3A_464 : i32
      scf.if %cond3A_465 {
        %sub3A_503 = arith.constant 2 : i32
        %sub3A_504 = arith.subi %add3A_408, %sub3A_503 : i32
        %dma_wait3A_505 = arith.constant 1 : i32
        %dma_wait3A_506 = arith.constant 0 : i32
        %dma_wait3A_507 = arith.constant 0 : i32
        %dma_wait3A_508 = arith.constant 0 : i32
        %dma_wait3A_509 = arith.constant 0 : i32
        %dma_wait3A_510 = arith.constant 0 : i32
        %dma_wait3A_511 = tpu.memref_slice %arg7[%dma_wait3A_505, %dma_wait3A_506, %dma_wait3A_507, %dma_wait3A_508, %dma_wait3A_509, %dma_wait3A_510] : memref<2x1x8x1x8x129xf32, #tpu.memory_space<vmem>> -> memref<1x1x8x1x8x128xf32, #tpu.memory_space<vmem>>
        %dma_wait3A_512 = tpu.memref_squeeze %dma_wait3A_511 : memref<1x1x8x1x8x128xf32, #tpu.memory_space<vmem>> -> memref<1x8x1x8x128xf32, #tpu.memory_space<vmem>>
        %dma_wait3A_513 = arith.constant 0 : i32
        %dma_wait3A_514 = arith.constant 0 : i32
        %dma_wait3A_515 = arith.constant 0 : i32
        %dma_wait3A_516 = tpu.memref_slice %arg4[%sub3A_504, %dma_wait3A_513, %add3A, %dma_wait3A_514, %dma_wait3A_515] : memref<200x8x32x8x128xf32, #tpu.memory_space<hbm>> -> memref<1x8x1x8x128xf32, #tpu.memory_space<hbm>>
        %dma_wait3A_517 = arith.constant 0 : i32
        %dma_wait3A_518 = arith.constant 0 : i32
        %dma_wait3A_519 = arith.constant 0 : i32
        %dma_wait3A_520 = tpu.memref_slice %arg4[%sub3A_504, %dma_wait3A_517, %add3A, %dma_wait3A_518, %dma_wait3A_519] : memref<200x8x32x8x128xf32, #tpu.memory_space<hbm>> -> memref<1x8x1x8x128xf32, #tpu.memory_space<hbm>>
        %dma_wait3A_521 = arith.constant 0 : i32
        %dma_wait3A_522 = arith.constant 0 : i32
        %dma_wait3A_523 = arith.constant 0 : i32
        %dma_wait3A_524 = arith.constant 0 : i32
        %dma_wait3A_525 = arith.constant 0 : i32
        %dma_wait3A_526 = tpu.memref_slice %arg7[%dma_wait3A_505, %dma_wait3A_521, %dma_wait3A_522, %dma_wait3A_523, %dma_wait3A_524, %dma_wait3A_525] : memref<2x1x8x1x8x129xf32, #tpu.memory_space<vmem>> -> memref<1x1x8x1x8x128xf32, #tpu.memory_space<vmem>>
        %dma_wait3A_527 = tpu.memref_squeeze %dma_wait3A_526 : memref<1x1x8x1x8x128xf32, #tpu.memory_space<vmem>> -> memref<1x8x1x8x128xf32, #tpu.memory_space<vmem>>
        tpu.wait_dma2 semaphore(%arg11 : memref<!tpu.dma_semaphore, #tpu.memory_space<semaphore_mem>>) src(%dma_wait3A_527 : memref<1x8x1x8x128xf32, #tpu.memory_space<vmem>>) dst(%dma_wait3A_520 : memref<1x8x1x8x128xf32, #tpu.memory_space<hbm>>)
      } else {
      }
      %scan3A_466 = arith.constant 0 : i32
      %scan3A_467 = arith.constant 1 : i32
      %scan3A_468 = arith.constant 0 : i32
      %scan3A_469 = arith.constant 8 : i32
      %scan3A_470 = arith.addi %scan3A_468, %scan3A_469 : i32
      %scan3A_471 = arith.constant 1 : i32
      scf.for %scan3A_503 = %scan3A_468 to %scan3A_470 step %scan3A_471  : i32 {
        %mul3A_504 = arith.constant 16 : i32
        %mul3A_505 = arith.muli %scan3A_503, %mul3A_504 : i32
        %add3A_506 = arith.constant 0 : i32
        %add3A_507 = arith.addi %mul3A_505, %add3A_506 : i32
        %broadcast_in_dim3A_508 = arith.constant 0 : i32
        %broadcast_in_dim3A_509 = vector.broadcast %broadcast_in_dim3A_508 : i32 to vector<16xi32>
        %add3A_510 = vector.broadcast %add3A_507 : i32 to vector<16xi32>
        %add3A_511 = arith.addi %broadcast_in_dim3A_509, %add3A_510 : vector<16xi32>
        %get3A = arith.constant 1 : i32
        %get3A_512 = arith.index_cast %get3A : i32 to index
        %get3A_513 = arith.index_cast %add3A_507 : i32 to index
        %get3A_514 = arith.constant 0 : index
        %get3A_515 = tpu.vector_load %arg6[%get3A_512, %get3A_513, %get3A_514] {strides = array<i32>} : memref<2x128x64xf32, #tpu.memory_space<vmem>>, vector<16xf32>,
        %mul3A_516 = arith.constant 8.000000e+00 : f32
        %mul3A_517 = vector.broadcast %mul3A_516 : f32 to vector<16xf32>
        %mul3A_518 = arith.mulf %get3A_515, %mul3A_517 : vector<16xf32>
        %scatter3A = arith.constant 0 : i32
        %scatter3A_519 = arith.constant 0 : i32
        %scatter3A_520 = arith.constant 0 : i32
        %scatter3A_521 = arith.constant 0 : i32
        %scatter3A_522 = arith.constant 0 : i32
        %scatter3A_523 = tpu.memref_slice %arg7[%scan3A_467, %scatter3A, %scatter3A_519, %scatter3A_520, %scatter3A_521, %scatter3A_522] : memref<2x1x8x1x8x129xf32, #tpu.memory_space<vmem>> -> memref<1x1x8x1x8x129xf32, #tpu.memory_space<vmem>>
        %scatter3A_524 = tpu.memref_squeeze %scatter3A_523 : memref<1x1x8x1x8x129xf32, #tpu.memory_space<vmem>> -> memref<1x8x1x8x129xf32, #tpu.memory_space<vmem>>
        tpu.vector_store_idx %scatter3A_524[%broadcast_in_dim3A_1, %select_n3A, %broadcast_in_dim3A_1, %select_n3A_152, %add3A_511], %mul3A_518 : memref<1x8x1x8x129xf32, #tpu.memory_space<vmem>>[vector<16xi32>, vector<16xi32>, vector<16xi32>, vector<16xi32>, vector<16xi32>], vector<16xf32>,
        %get3A_525 = arith.constant 1 : i32
        %get3A_526 = arith.index_cast %get3A_525 : i32 to index
        %get3A_527 = arith.index_cast %add3A_507 : i32 to index
        %get3A_528 = arith.constant 16 : index
        %get3A_529 = tpu.vector_load %arg6[%get3A_526, %get3A_527, %get3A_528] {strides = array<i32>} : memref<2x128x64xf32, #tpu.memory_space<vmem>>, vector<16xf32>,
        %mul3A_530 = arith.constant 8.000000e+00 : f32
        %mul3A_531 = vector.broadcast %mul3A_530 : f32 to vector<16xf32>
        %mul3A_532 = arith.mulf %get3A_529, %mul3A_531 : vector<16xf32>
        %scatter3A_533 = arith.constant 0 : i32
        %scatter3A_534 = arith.constant 0 : i32
        %scatter3A_535 = arith.constant 0 : i32
        %scatter3A_536 = arith.constant 0 : i32
        %scatter3A_537 = arith.constant 0 : i32
        %scatter3A_538 = tpu.memref_slice %arg7[%scan3A_467, %scatter3A_533, %scatter3A_534, %scatter3A_535, %scatter3A_536, %scatter3A_537] : memref<2x1x8x1x8x129xf32, #tpu.memory_space<vmem>> -> memref<1x1x8x1x8x129xf32, #tpu.memory_space<vmem>>
        %scatter3A_539 = tpu.memref_squeeze %scatter3A_538 : memref<1x1x8x1x8x129xf32, #tpu.memory_space<vmem>> -> memref<1x8x1x8x129xf32, #tpu.memory_space<vmem>>
        tpu.vector_store_idx %scatter3A_539[%broadcast_in_dim3A_1, %select_n3A_61, %broadcast_in_dim3A_1, %select_n3A_177, %add3A_511], %mul3A_532 : memref<1x8x1x8x129xf32, #tpu.memory_space<vmem>>[vector<16xi32>, vector<16xi32>, vector<16xi32>, vector<16xi32>, vector<16xi32>], vector<16xf32>,
        %get3A_540 = arith.constant 1 : i32
        %get3A_541 = arith.index_cast %get3A_540 : i32 to index
        %get3A_542 = arith.index_cast %add3A_507 : i32 to index
        %get3A_543 = arith.constant 32 : index
        %get3A_544 = tpu.vector_load %arg6[%get3A_541, %get3A_542, %get3A_543] {strides = array<i32>} : memref<2x128x64xf32, #tpu.memory_space<vmem>>, vector<16xf32>,
        %mul3A_545 = arith.constant 8.000000e+00 : f32
        %mul3A_546 = vector.broadcast %mul3A_545 : f32 to vector<16xf32>
        %mul3A_547 = arith.mulf %get3A_544, %mul3A_546 : vector<16xf32>
        %scatter3A_548 = arith.constant 0 : i32
        %scatter3A_549 = arith.constant 0 : i32
        %scatter3A_550 = arith.constant 0 : i32
        %scatter3A_551 = arith.constant 0 : i32
        %scatter3A_552 = arith.constant 0 : i32
        %scatter3A_553 = tpu.memref_slice %arg7[%scan3A_467, %scatter3A_548, %scatter3A_549, %scatter3A_550, %scatter3A_551, %scatter3A_552] : memref<2x1x8x1x8x129xf32, #tpu.memory_space<vmem>> -> memref<1x1x8x1x8x129xf32, #tpu.memory_space<vmem>>
        %scatter3A_554 = tpu.memref_squeeze %scatter3A_553 : memref<1x1x8x1x8x129xf32, #tpu.memory_space<vmem>> -> memref<1x8x1x8x129xf32, #tpu.memory_space<vmem>>
        tpu.vector_store_idx %scatter3A_554[%broadcast_in_dim3A_1, %select_n3A_95, %broadcast_in_dim3A_1, %select_n3A_202, %add3A_511], %mul3A_547 : memref<1x8x1x8x129xf32, #tpu.memory_space<vmem>>[vector<16xi32>, vector<16xi32>, vector<16xi32>, vector<16xi32>, vector<16xi32>], vector<16xf32>,
        %get3A_555 = arith.constant 1 : i32
        %get3A_556 = arith.index_cast %get3A_555 : i32 to index
        %get3A_557 = arith.index_cast %add3A_507 : i32 to index
        %get3A_558 = arith.constant 48 : index
        %get3A_559 = tpu.vector_load %arg6[%get3A_556, %get3A_557, %get3A_558] {strides = array<i32>} : memref<2x128x64xf32, #tpu.memory_space<vmem>>, vector<16xf32>,
        %mul3A_560 = arith.constant 8.000000e+00 : f32
        %mul3A_561 = vector.broadcast %mul3A_560 : f32 to vector<16xf32>
        %mul3A_562 = arith.mulf %get3A_559, %mul3A_561 : vector<16xf32>
        %scatter3A_563 = arith.constant 0 : i32
        %scatter3A_564 = arith.constant 0 : i32
        %scatter3A_565 = arith.constant 0 : i32
        %scatter3A_566 = arith.constant 0 : i32
        %scatter3A_567 = arith.constant 0 : i32
        %scatter3A_568 = tpu.memref_slice %arg7[%scan3A_467, %scatter3A_563, %scatter3A_564, %scatter3A_565, %scatter3A_566, %scatter3A_567] : memref<2x1x8x1x8x129xf32, #tpu.memory_space<vmem>> -> memref<1x1x8x1x8x129xf32, #tpu.memory_space<vmem>>
        %scatter3A_569 = tpu.memref_squeeze %scatter3A_568 : memref<1x1x8x1x8x129xf32, #tpu.memory_space<vmem>> -> memref<1x8x1x8x129xf32, #tpu.memory_space<vmem>>
        tpu.vector_store_idx %scatter3A_569[%broadcast_in_dim3A_1, %select_n3A_129, %broadcast_in_dim3A_1, %select_n3A_227, %add3A_511], %mul3A_562 : memref<1x8x1x8x129xf32, #tpu.memory_space<vmem>>[vector<16xi32>, vector<16xi32>, vector<16xi32>, vector<16xi32>, vector<16xi32>], vector<16xf32>,
        %mul3A_570 = arith.constant 16 : i32
        %mul3A_571 = arith.muli %scan3A_503, %mul3A_570 : i32
        %add3A_572 = arith.constant 1 : i32
        %add3A_573 = arith.addi %mul3A_571, %add3A_572 : i32
        %broadcast_in_dim3A_574 = arith.constant 0 : i32
        %broadcast_in_dim3A_575 = vector.broadcast %broadcast_in_dim3A_574 : i32 to vector<16xi32>
        %add3A_576 = vector.broadcast %add3A_573 : i32 to vector<16xi32>
        %add3A_577 = arith.addi %broadcast_in_dim3A_575, %add3A_576 : vector<16xi32>
        %get3A_578 = arith.constant 1 : i32
        %get3A_579 = arith.index_cast %get3A_578 : i32 to index
        %get3A_580 = arith.index_cast %add3A_573 : i32 to index
        %get3A_581 = arith.constant 0 : index
        %get3A_582 = tpu.vector_load %arg6[%get3A_579, %get3A_580, %get3A_581] {strides = array<i32>} : memref<2x128x64xf32, #tpu.memory_space<vmem>>, vector<16xf32>,
        %mul3A_583 = arith.constant 8.000000e+00 : f32
        %mul3A_584 = vector.broadcast %mul3A_583 : f32 to vector<16xf32>
        %mul3A_585 = arith.mulf %get3A_582, %mul3A_584 : vector<16xf32>
        %scatter3A_586 = arith.constant 0 : i32
        %scatter3A_587 = arith.constant 0 : i32
        %scatter3A_588 = arith.constant 0 : i32
        %scatter3A_589 = arith.constant 0 : i32
        %scatter3A_590 = arith.constant 0 : i32
        %scatter3A_591 = tpu.memref_slice %arg7[%scan3A_467, %scatter3A_586, %scatter3A_587, %scatter3A_588, %scatter3A_589, %scatter3A_590] : memref<2x1x8x1x8x129xf32, #tpu.memory_space<vmem>> -> memref<1x1x8x1x8x129xf32, #tpu.memory_space<vmem>>
        %scatter3A_592 = tpu.memref_squeeze %scatter3A_591 : memref<1x1x8x1x8x129xf32, #tpu.memory_space<vmem>> -> memref<1x8x1x8x129xf32, #tpu.memory_space<vmem>>
        tpu.vector_store_idx %scatter3A_592[%broadcast_in_dim3A_1, %select_n3A, %broadcast_in_dim3A_1, %select_n3A_152, %add3A_577], %mul3A_585 : memref<1x8x1x8x129xf32, #tpu.memory_space<vmem>>[vector<16xi32>, vector<16xi32>, vector<16xi32>, vector<16xi32>, vector<16xi32>], vector<16xf32>,
        %get3A_593 = arith.constant 1 : i32
        %get3A_594 = arith.index_cast %get3A_593 : i32 to index
        %get3A_595 = arith.index_cast %add3A_573 : i32 to index
        %get3A_596 = arith.constant 16 : index
        %get3A_597 = tpu.vector_load %arg6[%get3A_594, %get3A_595, %get3A_596] {strides = array<i32>} : memref<2x128x64xf32, #tpu.memory_space<vmem>>, vector<16xf32>,
        %mul3A_598 = arith.constant 8.000000e+00 : f32
        %mul3A_599 = vector.broadcast %mul3A_598 : f32 to vector<16xf32>
        %mul3A_600 = arith.mulf %get3A_597, %mul3A_599 : vector<16xf32>
        %scatter3A_601 = arith.constant 0 : i32
        %scatter3A_602 = arith.constant 0 : i32
        %scatter3A_603 = arith.constant 0 : i32
        %scatter3A_604 = arith.constant 0 : i32
        %scatter3A_605 = arith.constant 0 : i32
        %scatter3A_606 = tpu.memref_slice %arg7[%scan3A_467, %scatter3A_601, %scatter3A_602, %scatter3A_603, %scatter3A_604, %scatter3A_605] : memref<2x1x8x1x8x129xf32, #tpu.memory_space<vmem>> -> memref<1x1x8x1x8x129xf32, #tpu.memory_space<vmem>>
        %scatter3A_607 = tpu.memref_squeeze %scatter3A_606 : memref<1x1x8x1x8x129xf32, #tpu.memory_space<vmem>> -> memref<1x8x1x8x129xf32, #tpu.memory_space<vmem>>
        tpu.vector_store_idx %scatter3A_607[%broadcast_in_dim3A_1, %select_n3A_61, %broadcast_in_dim3A_1, %select_n3A_177, %add3A_577], %mul3A_600 : memref<1x8x1x8x129xf32, #tpu.memory_space<vmem>>[vector<16xi32>, vector<16xi32>, vector<16xi32>, vector<16xi32>, vector<16xi32>], vector<16xf32>,
        %get3A_608 = arith.constant 1 : i32
        %get3A_609 = arith.index_cast %get3A_608 : i32 to index
        %get3A_610 = arith.index_cast %add3A_573 : i32 to index
        %get3A_611 = arith.constant 32 : index
        %get3A_612 = tpu.vector_load %arg6[%get3A_609, %get3A_610, %get3A_611] {strides = array<i32>} : memref<2x128x64xf32, #tpu.memory_space<vmem>>, vector<16xf32>,
        %mul3A_613 = arith.constant 8.000000e+00 : f32
        %mul3A_614 = vector.broadcast %mul3A_613 : f32 to vector<16xf32>
        %mul3A_615 = arith.mulf %get3A_612, %mul3A_614 : vector<16xf32>
        %scatter3A_616 = arith.constant 0 : i32
        %scatter3A_617 = arith.constant 0 : i32
        %scatter3A_618 = arith.constant 0 : i32
        %scatter3A_619 = arith.constant 0 : i32
        %scatter3A_620 = arith.constant 0 : i32
        %scatter3A_621 = tpu.memref_slice %arg7[%scan3A_467, %scatter3A_616, %scatter3A_617, %scatter3A_618, %scatter3A_619, %scatter3A_620] : memref<2x1x8x1x8x129xf32, #tpu.memory_space<vmem>> -> memref<1x1x8x1x8x129xf32, #tpu.memory_space<vmem>>
        %scatter3A_622 = tpu.memref_squeeze %scatter3A_621 : memref<1x1x8x1x8x129xf32, #tpu.memory_space<vmem>> -> memref<1x8x1x8x129xf32, #tpu.memory_space<vmem>>
        tpu.vector_store_idx %scatter3A_622[%broadcast_in_dim3A_1, %select_n3A_95, %broadcast_in_dim3A_1, %select_n3A_202, %add3A_577], %mul3A_615 : memref<1x8x1x8x129xf32, #tpu.memory_space<vmem>>[vector<16xi32>, vector<16xi32>, vector<16xi32>, vector<16xi32>, vector<16xi32>], vector<16xf32>,
        %get3A_623 = arith.constant 1 : i32
        %get3A_624 = arith.index_cast %get3A_623 : i32 to index
        %get3A_625 = arith.index_cast %add3A_573 : i32 to index
        %get3A_626 = arith.constant 48 : index
        %get3A_627 = tpu.vector_load %arg6[%get3A_624, %get3A_625, %get3A_626] {strides = array<i32>} : memref<2x128x64xf32, #tpu.memory_space<vmem>>, vector<16xf32>,
        %mul3A_628 = arith.constant 8.000000e+00 : f32
        %mul3A_629 = vector.broadcast %mul3A_628 : f32 to vector<16xf32>
        %mul3A_630 = arith.mulf %get3A_627, %mul3A_629 : vector<16xf32>
        %scatter3A_631 = arith.constant 0 : i32
        %scatter3A_632 = arith.constant 0 : i32
        %scatter3A_633 = arith.constant 0 : i32
        %scatter3A_634 = arith.constant 0 : i32
        %scatter3A_635 = arith.constant 0 : i32
        %scatter3A_636 = tpu.memref_slice %arg7[%scan3A_467, %scatter3A_631, %scatter3A_632, %scatter3A_633, %scatter3A_634, %scatter3A_635] : memref<2x1x8x1x8x129xf32, #tpu.memory_space<vmem>> -> memref<1x1x8x1x8x129xf32, #tpu.memory_space<vmem>>
        %scatter3A_637 = tpu.memref_squeeze %scatter3A_636 : memref<1x1x8x1x8x129xf32, #tpu.memory_space<vmem>> -> memref<1x8x1x8x129xf32, #tpu.memory_space<vmem>>
        tpu.vector_store_idx %scatter3A_637[%broadcast_in_dim3A_1, %select_n3A_129, %broadcast_in_dim3A_1, %select_n3A_227, %add3A_577], %mul3A_630 : memref<1x8x1x8x129xf32, #tpu.memory_space<vmem>>[vector<16xi32>, vector<16xi32>, vector<16xi32>, vector<16xi32>, vector<16xi32>], vector<16xf32>,
        %mul3A_638 = arith.constant 16 : i32
        %mul3A_639 = arith.muli %scan3A_503, %mul3A_638 : i32
        %add3A_640 = arith.constant 2 : i32
        %add3A_641 = arith.addi %mul3A_639, %add3A_640 : i32
        %broadcast_in_dim3A_642 = arith.constant 0 : i32
        %broadcast_in_dim3A_643 = vector.broadcast %broadcast_in_dim3A_642 : i32 to vector<16xi32>
        %add3A_644 = vector.broadcast %add3A_641 : i32 to vector<16xi32>
        %add3A_645 = arith.addi %broadcast_in_dim3A_643, %add3A_644 : vector<16xi32>
        %get3A_646 = arith.constant 1 : i32
        %get3A_647 = arith.index_cast %get3A_646 : i32 to index
        %get3A_648 = arith.index_cast %add3A_641 : i32 to index
        %get3A_649 = arith.constant 0 : index
        %get3A_650 = tpu.vector_load %arg6[%get3A_647, %get3A_648, %get3A_649] {strides = array<i32>} : memref<2x128x64xf32, #tpu.memory_space<vmem>>, vector<16xf32>,
        %mul3A_651 = arith.constant 8.000000e+00 : f32
        %mul3A_652 = vector.broadcast %mul3A_651 : f32 to vector<16xf32>
        %mul3A_653 = arith.mulf %get3A_650, %mul3A_652 : vector<16xf32>
        %scatter3A_654 = arith.constant 0 : i32
        %scatter3A_655 = arith.constant 0 : i32
        %scatter3A_656 = arith.constant 0 : i32
        %scatter3A_657 = arith.constant 0 : i32
        %scatter3A_658 = arith.constant 0 : i32
        %scatter3A_659 = tpu.memref_slice %arg7[%scan3A_467, %scatter3A_654, %scatter3A_655, %scatter3A_656, %scatter3A_657, %scatter3A_658] : memref<2x1x8x1x8x129xf32, #tpu.memory_space<vmem>> -> memref<1x1x8x1x8x129xf32, #tpu.memory_space<vmem>>
        %scatter3A_660 = tpu.memref_squeeze %scatter3A_659 : memref<1x1x8x1x8x129xf32, #tpu.memory_space<vmem>> -> memref<1x8x1x8x129xf32, #tpu.memory_space<vmem>>
        tpu.vector_store_idx %scatter3A_660[%broadcast_in_dim3A_1, %select_n3A, %broadcast_in_dim3A_1, %select_n3A_152, %add3A_645], %mul3A_653 : memref<1x8x1x8x129xf32, #tpu.memory_space<vmem>>[vector<16xi32>, vector<16xi32>, vector<16xi32>, vector<16xi32>, vector<16xi32>], vector<16xf32>,
        %get3A_661 = arith.constant 1 : i32
        %get3A_662 = arith.index_cast %get3A_661 : i32 to index
        %get3A_663 = arith.index_cast %add3A_641 : i32 to index
        %get3A_664 = arith.constant 16 : index
        %get3A_665 = tpu.vector_load %arg6[%get3A_662, %get3A_663, %get3A_664] {strides = array<i32>} : memref<2x128x64xf32, #tpu.memory_space<vmem>>, vector<16xf32>,
        %mul3A_666 = arith.constant 8.000000e+00 : f32
        %mul3A_667 = vector.broadcast %mul3A_666 : f32 to vector<16xf32>
        %mul3A_668 = arith.mulf %get3A_665, %mul3A_667 : vector<16xf32>
        %scatter3A_669 = arith.constant 0 : i32
        %scatter3A_670 = arith.constant 0 : i32
        %scatter3A_671 = arith.constant 0 : i32
        %scatter3A_672 = arith.constant 0 : i32
        %scatter3A_673 = arith.constant 0 : i32
        %scatter3A_674 = tpu.memref_slice %arg7[%scan3A_467, %scatter3A_669, %scatter3A_670, %scatter3A_671, %scatter3A_672, %scatter3A_673] : memref<2x1x8x1x8x129xf32, #tpu.memory_space<vmem>> -> memref<1x1x8x1x8x129xf32, #tpu.memory_space<vmem>>
        %scatter3A_675 = tpu.memref_squeeze %scatter3A_674 : memref<1x1x8x1x8x129xf32, #tpu.memory_space<vmem>> -> memref<1x8x1x8x129xf32, #tpu.memory_space<vmem>>
        tpu.vector_store_idx %scatter3A_675[%broadcast_in_dim3A_1, %select_n3A_61, %broadcast_in_dim3A_1, %select_n3A_177, %add3A_645], %mul3A_668 : memref<1x8x1x8x129xf32, #tpu.memory_space<vmem>>[vector<16xi32>, vector<16xi32>, vector<16xi32>, vector<16xi32>, vector<16xi32>], vector<16xf32>,
        %get3A_676 = arith.constant 1 : i32
        %get3A_677 = arith.index_cast %get3A_676 : i32 to index
        %get3A_678 = arith.index_cast %add3A_641 : i32 to index
        %get3A_679 = arith.constant 32 : index
        %get3A_680 = tpu.vector_load %arg6[%get3A_677, %get3A_678, %get3A_679] {strides = array<i32>} : memref<2x128x64xf32, #tpu.memory_space<vmem>>, vector<16xf32>,
        %mul3A_681 = arith.constant 8.000000e+00 : f32
        %mul3A_682 = vector.broadcast %mul3A_681 : f32 to vector<16xf32>
        %mul3A_683 = arith.mulf %get3A_680, %mul3A_682 : vector<16xf32>
        %scatter3A_684 = arith.constant 0 : i32
        %scatter3A_685 = arith.constant 0 : i32
        %scatter3A_686 = arith.constant 0 : i32
        %scatter3A_687 = arith.constant 0 : i32
        %scatter3A_688 = arith.constant 0 : i32
        %scatter3A_689 = tpu.memref_slice %arg7[%scan3A_467, %scatter3A_684, %scatter3A_685, %scatter3A_686, %scatter3A_687, %scatter3A_688] : memref<2x1x8x1x8x129xf32, #tpu.memory_space<vmem>> -> memref<1x1x8x1x8x129xf32, #tpu.memory_space<vmem>>
        %scatter3A_690 = tpu.memref_squeeze %scatter3A_689 : memref<1x1x8x1x8x129xf32, #tpu.memory_space<vmem>> -> memref<1x8x1x8x129xf32, #tpu.memory_space<vmem>>
        tpu.vector_store_idx %scatter3A_690[%broadcast_in_dim3A_1, %select_n3A_95, %broadcast_in_dim3A_1, %select_n3A_202, %add3A_645], %mul3A_683 : memref<1x8x1x8x129xf32, #tpu.memory_space<vmem>>[vector<16xi32>, vector<16xi32>, vector<16xi32>, vector<16xi32>, vector<16xi32>], vector<16xf32>,
        %get3A_691 = arith.constant 1 : i32
        %get3A_692 = arith.index_cast %get3A_691 : i32 to index
        %get3A_693 = arith.index_cast %add3A_641 : i32 to index
        %get3A_694 = arith.constant 48 : index
        %get3A_695 = tpu.vector_load %arg6[%get3A_692, %get3A_693, %get3A_694] {strides = array<i32>} : memref<2x128x64xf32, #tpu.memory_space<vmem>>, vector<16xf32>,
        %mul3A_696 = arith.constant 8.000000e+00 : f32
        %mul3A_697 = vector.broadcast %mul3A_696 : f32 to vector<16xf32>
        %mul3A_698 = arith.mulf %get3A_695, %mul3A_697 : vector<16xf32>
        %scatter3A_699 = arith.constant 0 : i32
        %scatter3A_700 = arith.constant 0 : i32
        %scatter3A_701 = arith.constant 0 : i32
        %scatter3A_702 = arith.constant 0 : i32
        %scatter3A_703 = arith.constant 0 : i32
        %scatter3A_704 = tpu.memref_slice %arg7[%scan3A_467, %scatter3A_699, %scatter3A_700, %scatter3A_701, %scatter3A_702, %scatter3A_703] : memref<2x1x8x1x8x129xf32, #tpu.memory_space<vmem>> -> memref<1x1x8x1x8x129xf32, #tpu.memory_space<vmem>>
        %scatter3A_705 = tpu.memref_squeeze %scatter3A_704 : memref<1x1x8x1x8x129xf32, #tpu.memory_space<vmem>> -> memref<1x8x1x8x129xf32, #tpu.memory_space<vmem>>
        tpu.vector_store_idx %scatter3A_705[%broadcast_in_dim3A_1, %select_n3A_129, %broadcast_in_dim3A_1, %select_n3A_227, %add3A_645], %mul3A_698 : memref<1x8x1x8x129xf32, #tpu.memory_space<vmem>>[vector<16xi32>, vector<16xi32>, vector<16xi32>, vector<16xi32>, vector<16xi32>], vector<16xf32>,
        %mul3A_706 = arith.constant 16 : i32
        %mul3A_707 = arith.muli %scan3A_503, %mul3A_706 : i32
        %add3A_708 = arith.constant 3 : i32
        %add3A_709 = arith.addi %mul3A_707, %add3A_708 : i32
        %broadcast_in_dim3A_710 = arith.constant 0 : i32
        %broadcast_in_dim3A_711 = vector.broadcast %broadcast_in_dim3A_710 : i32 to vector<16xi32>
        %add3A_712 = vector.broadcast %add3A_709 : i32 to vector<16xi32>
        %add3A_713 = arith.addi %broadcast_in_dim3A_711, %add3A_712 : vector<16xi32>
        %get3A_714 = arith.constant 1 : i32
        %get3A_715 = arith.index_cast %get3A_714 : i32 to index
        %get3A_716 = arith.index_cast %add3A_709 : i32 to index
        %get3A_717 = arith.constant 0 : index
        %get3A_718 = tpu.vector_load %arg6[%get3A_715, %get3A_716, %get3A_717] {strides = array<i32>} : memref<2x128x64xf32, #tpu.memory_space<vmem>>, vector<16xf32>,
        %mul3A_719 = arith.constant 8.000000e+00 : f32
        %mul3A_720 = vector.broadcast %mul3A_719 : f32 to vector<16xf32>
        %mul3A_721 = arith.mulf %get3A_718, %mul3A_720 : vector<16xf32>
        %scatter3A_722 = arith.constant 0 : i32
        %scatter3A_723 = arith.constant 0 : i32
        %scatter3A_724 = arith.constant 0 : i32
        %scatter3A_725 = arith.constant 0 : i32
        %scatter3A_726 = arith.constant 0 : i32
        %scatter3A_727 = tpu.memref_slice %arg7[%scan3A_467, %scatter3A_722, %scatter3A_723, %scatter3A_724, %scatter3A_725, %scatter3A_726] : memref<2x1x8x1x8x129xf32, #tpu.memory_space<vmem>> -> memref<1x1x8x1x8x129xf32, #tpu.memory_space<vmem>>
        %scatter3A_728 = tpu.memref_squeeze %scatter3A_727 : memref<1x1x8x1x8x129xf32, #tpu.memory_space<vmem>> -> memref<1x8x1x8x129xf32, #tpu.memory_space<vmem>>
        tpu.vector_store_idx %scatter3A_728[%broadcast_in_dim3A_1, %select_n3A, %broadcast_in_dim3A_1, %select_n3A_152, %add3A_713], %mul3A_721 : memref<1x8x1x8x129xf32, #tpu.memory_space<vmem>>[vector<16xi32>, vector<16xi32>, vector<16xi32>, vector<16xi32>, vector<16xi32>], vector<16xf32>,
        %get3A_729 = arith.constant 1 : i32
        %get3A_730 = arith.index_cast %get3A_729 : i32 to index
        %get3A_731 = arith.index_cast %add3A_709 : i32 to index
        %get3A_732 = arith.constant 16 : index
        %get3A_733 = tpu.vector_load %arg6[%get3A_730, %get3A_731, %get3A_732] {strides = array<i32>} : memref<2x128x64xf32, #tpu.memory_space<vmem>>, vector<16xf32>,
        %mul3A_734 = arith.constant 8.000000e+00 : f32
        %mul3A_735 = vector.broadcast %mul3A_734 : f32 to vector<16xf32>
        %mul3A_736 = arith.mulf %get3A_733, %mul3A_735 : vector<16xf32>
        %scatter3A_737 = arith.constant 0 : i32
        %scatter3A_738 = arith.constant 0 : i32
        %scatter3A_739 = arith.constant 0 : i32
        %scatter3A_740 = arith.constant 0 : i32
        %scatter3A_741 = arith.constant 0 : i32
        %scatter3A_742 = tpu.memref_slice %arg7[%scan3A_467, %scatter3A_737, %scatter3A_738, %scatter3A_739, %scatter3A_740, %scatter3A_741] : memref<2x1x8x1x8x129xf32, #tpu.memory_space<vmem>> -> memref<1x1x8x1x8x129xf32, #tpu.memory_space<vmem>>
        %scatter3A_743 = tpu.memref_squeeze %scatter3A_742 : memref<1x1x8x1x8x129xf32, #tpu.memory_space<vmem>> -> memref<1x8x1x8x129xf32, #tpu.memory_space<vmem>>
        tpu.vector_store_idx %scatter3A_743[%broadcast_in_dim3A_1, %select_n3A_61, %broadcast_in_dim3A_1, %select_n3A_177, %add3A_713], %mul3A_736 : memref<1x8x1x8x129xf32, #tpu.memory_space<vmem>>[vector<16xi32>, vector<16xi32>, vector<16xi32>, vector<16xi32>, vector<16xi32>], vector<16xf32>,
        %get3A_744 = arith.constant 1 : i32
        %get3A_745 = arith.index_cast %get3A_744 : i32 to index
        %get3A_746 = arith.index_cast %add3A_709 : i32 to index
        %get3A_747 = arith.constant 32 : index
        %get3A_748 = tpu.vector_load %arg6[%get3A_745, %get3A_746, %get3A_747] {strides = array<i32>} : memref<2x128x64xf32, #tpu.memory_space<vmem>>, vector<16xf32>,
        %mul3A_749 = arith.constant 8.000000e+00 : f32
        %mul3A_750 = vector.broadcast %mul3A_749 : f32 to vector<16xf32>
        %mul3A_751 = arith.mulf %get3A_748, %mul3A_750 : vector<16xf32>
        %scatter3A_752 = arith.constant 0 : i32
        %scatter3A_753 = arith.constant 0 : i32
        %scatter3A_754 = arith.constant 0 : i32
        %scatter3A_755 = arith.constant 0 : i32
        %scatter3A_756 = arith.constant 0 : i32
        %scatter3A_757 = tpu.memref_slice %arg7[%scan3A_467, %scatter3A_752, %scatter3A_753, %scatter3A_754, %scatter3A_755, %scatter3A_756] : memref<2x1x8x1x8x129xf32, #tpu.memory_space<vmem>> -> memref<1x1x8x1x8x129xf32, #tpu.memory_space<vmem>>
        %scatter3A_758 = tpu.memref_squeeze %scatter3A_757 : memref<1x1x8x1x8x129xf32, #tpu.memory_space<vmem>> -> memref<1x8x1x8x129xf32, #tpu.memory_space<vmem>>
        tpu.vector_store_idx %scatter3A_758[%broadcast_in_dim3A_1, %select_n3A_95, %broadcast_in_dim3A_1, %select_n3A_202, %add3A_713], %mul3A_751 : memref<1x8x1x8x129xf32, #tpu.memory_space<vmem>>[vector<16xi32>, vector<16xi32>, vector<16xi32>, vector<16xi32>, vector<16xi32>], vector<16xf32>,
        %get3A_759 = arith.constant 1 : i32
        %get3A_760 = arith.index_cast %get3A_759 : i32 to index
        %get3A_761 = arith.index_cast %add3A_709 : i32 to index
        %get3A_762 = arith.constant 48 : index
        %get3A_763 = tpu.vector_load %arg6[%get3A_760, %get3A_761, %get3A_762] {strides = array<i32>} : memref<2x128x64xf32, #tpu.memory_space<vmem>>, vector<16xf32>,
        %mul3A_764 = arith.constant 8.000000e+00 : f32
        %mul3A_765 = vector.broadcast %mul3A_764 : f32 to vector<16xf32>
        %mul3A_766 = arith.mulf %get3A_763, %mul3A_765 : vector<16xf32>
        %scatter3A_767 = arith.constant 0 : i32
        %scatter3A_768 = arith.constant 0 : i32
        %scatter3A_769 = arith.constant 0 : i32
        %scatter3A_770 = arith.constant 0 : i32
        %scatter3A_771 = arith.constant 0 : i32
        %scatter3A_772 = tpu.memref_slice %arg7[%scan3A_467, %scatter3A_767, %scatter3A_768, %scatter3A_769, %scatter3A_770, %scatter3A_771] : memref<2x1x8x1x8x129xf32, #tpu.memory_space<vmem>> -> memref<1x1x8x1x8x129xf32, #tpu.memory_space<vmem>>
        %scatter3A_773 = tpu.memref_squeeze %scatter3A_772 : memref<1x1x8x1x8x129xf32, #tpu.memory_space<vmem>> -> memref<1x8x1x8x129xf32, #tpu.memory_space<vmem>>
        tpu.vector_store_idx %scatter3A_773[%broadcast_in_dim3A_1, %select_n3A_129, %broadcast_in_dim3A_1, %select_n3A_227, %add3A_713], %mul3A_766 : memref<1x8x1x8x129xf32, #tpu.memory_space<vmem>>[vector<16xi32>, vector<16xi32>, vector<16xi32>, vector<16xi32>, vector<16xi32>], vector<16xf32>,
        %mul3A_774 = arith.constant 16 : i32
        %mul3A_775 = arith.muli %scan3A_503, %mul3A_774 : i32
        %add3A_776 = arith.constant 4 : i32
        %add3A_777 = arith.addi %mul3A_775, %add3A_776 : i32
        %broadcast_in_dim3A_778 = arith.constant 0 : i32
        %broadcast_in_dim3A_779 = vector.broadcast %broadcast_in_dim3A_778 : i32 to vector<16xi32>
        %add3A_780 = vector.broadcast %add3A_777 : i32 to vector<16xi32>
        %add3A_781 = arith.addi %broadcast_in_dim3A_779, %add3A_780 : vector<16xi32>
        %get3A_782 = arith.constant 1 : i32
        %get3A_783 = arith.index_cast %get3A_782 : i32 to index
        %get3A_784 = arith.index_cast %add3A_777 : i32 to index
        %get3A_785 = arith.constant 0 : index
        %get3A_786 = tpu.vector_load %arg6[%get3A_783, %get3A_784, %get3A_785] {strides = array<i32>} : memref<2x128x64xf32, #tpu.memory_space<vmem>>, vector<16xf32>,
        %mul3A_787 = arith.constant 8.000000e+00 : f32
        %mul3A_788 = vector.broadcast %mul3A_787 : f32 to vector<16xf32>
        %mul3A_789 = arith.mulf %get3A_786, %mul3A_788 : vector<16xf32>
        %scatter3A_790 = arith.constant 0 : i32
        %scatter3A_791 = arith.constant 0 : i32
        %scatter3A_792 = arith.constant 0 : i32
        %scatter3A_793 = arith.constant 0 : i32
        %scatter3A_794 = arith.constant 0 : i32
        %scatter3A_795 = tpu.memref_slice %arg7[%scan3A_467, %scatter3A_790, %scatter3A_791, %scatter3A_792, %scatter3A_793, %scatter3A_794] : memref<2x1x8x1x8x129xf32, #tpu.memory_space<vmem>> -> memref<1x1x8x1x8x129xf32, #tpu.memory_space<vmem>>
        %scatter3A_796 = tpu.memref_squeeze %scatter3A_795 : memref<1x1x8x1x8x129xf32, #tpu.memory_space<vmem>> -> memref<1x8x1x8x129xf32, #tpu.memory_space<vmem>>
        tpu.vector_store_idx %scatter3A_796[%broadcast_in_dim3A_1, %select_n3A, %broadcast_in_dim3A_1, %select_n3A_152, %add3A_781], %mul3A_789 : memref<1x8x1x8x129xf32, #tpu.memory_space<vmem>>[vector<16xi32>, vector<16xi32>, vector<16xi32>, vector<16xi32>, vector<16xi32>], vector<16xf32>,
        %get3A_797 = arith.constant 1 : i32
        %get3A_798 = arith.index_cast %get3A_797 : i32 to index
        %get3A_799 = arith.index_cast %add3A_777 : i32 to index
        %get3A_800 = arith.constant 16 : index
        %get3A_801 = tpu.vector_load %arg6[%get3A_798, %get3A_799, %get3A_800] {strides = array<i32>} : memref<2x128x64xf32, #tpu.memory_space<vmem>>, vector<16xf32>,
        %mul3A_802 = arith.constant 8.000000e+00 : f32
        %mul3A_803 = vector.broadcast %mul3A_802 : f32 to vector<16xf32>
        %mul3A_804 = arith.mulf %get3A_801, %mul3A_803 : vector<16xf32>
        %scatter3A_805 = arith.constant 0 : i32
        %scatter3A_806 = arith.constant 0 : i32
        %scatter3A_807 = arith.constant 0 : i32
        %scatter3A_808 = arith.constant 0 : i32
        %scatter3A_809 = arith.constant 0 : i32
        %scatter3A_810 = tpu.memref_slice %arg7[%scan3A_467, %scatter3A_805, %scatter3A_806, %scatter3A_807, %scatter3A_808, %scatter3A_809] : memref<2x1x8x1x8x129xf32, #tpu.memory_space<vmem>> -> memref<1x1x8x1x8x129xf32, #tpu.memory_space<vmem>>
        %scatter3A_811 = tpu.memref_squeeze %scatter3A_810 : memref<1x1x8x1x8x129xf32, #tpu.memory_space<vmem>> -> memref<1x8x1x8x129xf32, #tpu.memory_space<vmem>>
        tpu.vector_store_idx %scatter3A_811[%broadcast_in_dim3A_1, %select_n3A_61, %broadcast_in_dim3A_1, %select_n3A_177, %add3A_781], %mul3A_804 : memref<1x8x1x8x129xf32, #tpu.memory_space<vmem>>[vector<16xi32>, vector<16xi32>, vector<16xi32>, vector<16xi32>, vector<16xi32>], vector<16xf32>,
        %get3A_812 = arith.constant 1 : i32
        %get3A_813 = arith.index_cast %get3A_812 : i32 to index
        %get3A_814 = arith.index_cast %add3A_777 : i32 to index
        %get3A_815 = arith.constant 32 : index
        %get3A_816 = tpu.vector_load %arg6[%get3A_813, %get3A_814, %get3A_815] {strides = array<i32>} : memref<2x128x64xf32, #tpu.memory_space<vmem>>, vector<16xf32>,
        %mul3A_817 = arith.constant 8.000000e+00 : f32
        %mul3A_818 = vector.broadcast %mul3A_817 : f32 to vector<16xf32>
        %mul3A_819 = arith.mulf %get3A_816, %mul3A_818 : vector<16xf32>
        %scatter3A_820 = arith.constant 0 : i32
        %scatter3A_821 = arith.constant 0 : i32
        %scatter3A_822 = arith.constant 0 : i32
        %scatter3A_823 = arith.constant 0 : i32
        %scatter3A_824 = arith.constant 0 : i32
        %scatter3A_825 = tpu.memref_slice %arg7[%scan3A_467, %scatter3A_820, %scatter3A_821, %scatter3A_822, %scatter3A_823, %scatter3A_824] : memref<2x1x8x1x8x129xf32, #tpu.memory_space<vmem>> -> memref<1x1x8x1x8x129xf32, #tpu.memory_space<vmem>>
        %scatter3A_826 = tpu.memref_squeeze %scatter3A_825 : memref<1x1x8x1x8x129xf32, #tpu.memory_space<vmem>> -> memref<1x8x1x8x129xf32, #tpu.memory_space<vmem>>
        tpu.vector_store_idx %scatter3A_826[%broadcast_in_dim3A_1, %select_n3A_95, %broadcast_in_dim3A_1, %select_n3A_202, %add3A_781], %mul3A_819 : memref<1x8x1x8x129xf32, #tpu.memory_space<vmem>>[vector<16xi32>, vector<16xi32>, vector<16xi32>, vector<16xi32>, vector<16xi32>], vector<16xf32>,
        %get3A_827 = arith.constant 1 : i32
        %get3A_828 = arith.index_cast %get3A_827 : i32 to index
        %get3A_829 = arith.index_cast %add3A_777 : i32 to index
        %get3A_830 = arith.constant 48 : index
        %get3A_831 = tpu.vector_load %arg6[%get3A_828, %get3A_829, %get3A_830] {strides = array<i32>} : memref<2x128x64xf32, #tpu.memory_space<vmem>>, vector<16xf32>,
        %mul3A_832 = arith.constant 8.000000e+00 : f32
        %mul3A_833 = vector.broadcast %mul3A_832 : f32 to vector<16xf32>
        %mul3A_834 = arith.mulf %get3A_831, %mul3A_833 : vector<16xf32>
        %scatter3A_835 = arith.constant 0 : i32
        %scatter3A_836 = arith.constant 0 : i32
        %scatter3A_837 = arith.constant 0 : i32
        %scatter3A_838 = arith.constant 0 : i32
        %scatter3A_839 = arith.constant 0 : i32
        %scatter3A_840 = tpu.memref_slice %arg7[%scan3A_467, %scatter3A_835, %scatter3A_836, %scatter3A_837, %scatter3A_838, %scatter3A_839] : memref<2x1x8x1x8x129xf32, #tpu.memory_space<vmem>> -> memref<1x1x8x1x8x129xf32, #tpu.memory_space<vmem>>
        %scatter3A_841 = tpu.memref_squeeze %scatter3A_840 : memref<1x1x8x1x8x129xf32, #tpu.memory_space<vmem>> -> memref<1x8x1x8x129xf32, #tpu.memory_space<vmem>>
        tpu.vector_store_idx %scatter3A_841[%broadcast_in_dim3A_1, %select_n3A_129, %broadcast_in_dim3A_1, %select_n3A_227, %add3A_781], %mul3A_834 : memref<1x8x1x8x129xf32, #tpu.memory_space<vmem>>[vector<16xi32>, vector<16xi32>, vector<16xi32>, vector<16xi32>, vector<16xi32>], vector<16xf32>,
        %mul3A_842 = arith.constant 16 : i32
        %mul3A_843 = arith.muli %scan3A_503, %mul3A_842 : i32
        %add3A_844 = arith.constant 5 : i32
        %add3A_845 = arith.addi %mul3A_843, %add3A_844 : i32
        %broadcast_in_dim3A_846 = arith.constant 0 : i32
        %broadcast_in_dim3A_847 = vector.broadcast %broadcast_in_dim3A_846 : i32 to vector<16xi32>
        %add3A_848 = vector.broadcast %add3A_845 : i32 to vector<16xi32>
        %add3A_849 = arith.addi %broadcast_in_dim3A_847, %add3A_848 : vector<16xi32>
        %get3A_850 = arith.constant 1 : i32
        %get3A_851 = arith.index_cast %get3A_850 : i32 to index
        %get3A_852 = arith.index_cast %add3A_845 : i32 to index
        %get3A_853 = arith.constant 0 : index
        %get3A_854 = tpu.vector_load %arg6[%get3A_851, %get3A_852, %get3A_853] {strides = array<i32>} : memref<2x128x64xf32, #tpu.memory_space<vmem>>, vector<16xf32>,
        %mul3A_855 = arith.constant 8.000000e+00 : f32
        %mul3A_856 = vector.broadcast %mul3A_855 : f32 to vector<16xf32>
        %mul3A_857 = arith.mulf %get3A_854, %mul3A_856 : vector<16xf32>
        %scatter3A_858 = arith.constant 0 : i32
        %scatter3A_859 = arith.constant 0 : i32
        %scatter3A_860 = arith.constant 0 : i32
        %scatter3A_861 = arith.constant 0 : i32
        %scatter3A_862 = arith.constant 0 : i32
        %scatter3A_863 = tpu.memref_slice %arg7[%scan3A_467, %scatter3A_858, %scatter3A_859, %scatter3A_860, %scatter3A_861, %scatter3A_862] : memref<2x1x8x1x8x129xf32, #tpu.memory_space<vmem>> -> memref<1x1x8x1x8x129xf32, #tpu.memory_space<vmem>>
        %scatter3A_864 = tpu.memref_squeeze %scatter3A_863 : memref<1x1x8x1x8x129xf32, #tpu.memory_space<vmem>> -> memref<1x8x1x8x129xf32, #tpu.memory_space<vmem>>
        tpu.vector_store_idx %scatter3A_864[%broadcast_in_dim3A_1, %select_n3A, %broadcast_in_dim3A_1, %select_n3A_152, %add3A_849], %mul3A_857 : memref<1x8x1x8x129xf32, #tpu.memory_space<vmem>>[vector<16xi32>, vector<16xi32>, vector<16xi32>, vector<16xi32>, vector<16xi32>], vector<16xf32>,
        %get3A_865 = arith.constant 1 : i32
        %get3A_866 = arith.index_cast %get3A_865 : i32 to index
        %get3A_867 = arith.index_cast %add3A_845 : i32 to index
        %get3A_868 = arith.constant 16 : index
        %get3A_869 = tpu.vector_load %arg6[%get3A_866, %get3A_867, %get3A_868] {strides = array<i32>} : memref<2x128x64xf32, #tpu.memory_space<vmem>>, vector<16xf32>,
        %mul3A_870 = arith.constant 8.000000e+00 : f32
        %mul3A_871 = vector.broadcast %mul3A_870 : f32 to vector<16xf32>
        %mul3A_872 = arith.mulf %get3A_869, %mul3A_871 : vector<16xf32>
        %scatter3A_873 = arith.constant 0 : i32
        %scatter3A_874 = arith.constant 0 : i32
        %scatter3A_875 = arith.constant 0 : i32
        %scatter3A_876 = arith.constant 0 : i32
        %scatter3A_877 = arith.constant 0 : i32
        %scatter3A_878 = tpu.memref_slice %arg7[%scan3A_467, %scatter3A_873, %scatter3A_874, %scatter3A_875, %scatter3A_876, %scatter3A_877] : memref<2x1x8x1x8x129xf32, #tpu.memory_space<vmem>> -> memref<1x1x8x1x8x129xf32, #tpu.memory_space<vmem>>
        %scatter3A_879 = tpu.memref_squeeze %scatter3A_878 : memref<1x1x8x1x8x129xf32, #tpu.memory_space<vmem>> -> memref<1x8x1x8x129xf32, #tpu.memory_space<vmem>>
        tpu.vector_store_idx %scatter3A_879[%broadcast_in_dim3A_1, %select_n3A_61, %broadcast_in_dim3A_1, %select_n3A_177, %add3A_849], %mul3A_872 : memref<1x8x1x8x129xf32, #tpu.memory_space<vmem>>[vector<16xi32>, vector<16xi32>, vector<16xi32>, vector<16xi32>, vector<16xi32>], vector<16xf32>,
        %get3A_880 = arith.constant 1 : i32
        %get3A_881 = arith.index_cast %get3A_880 : i32 to index
        %get3A_882 = arith.index_cast %add3A_845 : i32 to index
        %get3A_883 = arith.constant 32 : index
        %get3A_884 = tpu.vector_load %arg6[%get3A_881, %get3A_882, %get3A_883] {strides = array<i32>} : memref<2x128x64xf32, #tpu.memory_space<vmem>>, vector<16xf32>,
        %mul3A_885 = arith.constant 8.000000e+00 : f32
        %mul3A_886 = vector.broadcast %mul3A_885 : f32 to vector<16xf32>
        %mul3A_887 = arith.mulf %get3A_884, %mul3A_886 : vector<16xf32>
        %scatter3A_888 = arith.constant 0 : i32
        %scatter3A_889 = arith.constant 0 : i32
        %scatter3A_890 = arith.constant 0 : i32
        %scatter3A_891 = arith.constant 0 : i32
        %scatter3A_892 = arith.constant 0 : i32
        %scatter3A_893 = tpu.memref_slice %arg7[%scan3A_467, %scatter3A_888, %scatter3A_889, %scatter3A_890, %scatter3A_891, %scatter3A_892] : memref<2x1x8x1x8x129xf32, #tpu.memory_space<vmem>> -> memref<1x1x8x1x8x129xf32, #tpu.memory_space<vmem>>
        %scatter3A_894 = tpu.memref_squeeze %scatter3A_893 : memref<1x1x8x1x8x129xf32, #tpu.memory_space<vmem>> -> memref<1x8x1x8x129xf32, #tpu.memory_space<vmem>>
        tpu.vector_store_idx %scatter3A_894[%broadcast_in_dim3A_1, %select_n3A_95, %broadcast_in_dim3A_1, %select_n3A_202, %add3A_849], %mul3A_887 : memref<1x8x1x8x129xf32, #tpu.memory_space<vmem>>[vector<16xi32>, vector<16xi32>, vector<16xi32>, vector<16xi32>, vector<16xi32>], vector<16xf32>,
        %get3A_895 = arith.constant 1 : i32
        %get3A_896 = arith.index_cast %get3A_895 : i32 to index
        %get3A_897 = arith.index_cast %add3A_845 : i32 to index
        %get3A_898 = arith.constant 48 : index
        %get3A_899 = tpu.vector_load %arg6[%get3A_896, %get3A_897, %get3A_898] {strides = array<i32>} : memref<2x128x64xf32, #tpu.memory_space<vmem>>, vector<16xf32>,
        %mul3A_900 = arith.constant 8.000000e+00 : f32
        %mul3A_901 = vector.broadcast %mul3A_900 : f32 to vector<16xf32>
        %mul3A_902 = arith.mulf %get3A_899, %mul3A_901 : vector<16xf32>
        %scatter3A_903 = arith.constant 0 : i32
        %scatter3A_904 = arith.constant 0 : i32
        %scatter3A_905 = arith.constant 0 : i32
        %scatter3A_906 = arith.constant 0 : i32
        %scatter3A_907 = arith.constant 0 : i32
        %scatter3A_908 = tpu.memref_slice %arg7[%scan3A_467, %scatter3A_903, %scatter3A_904, %scatter3A_905, %scatter3A_906, %scatter3A_907] : memref<2x1x8x1x8x129xf32, #tpu.memory_space<vmem>> -> memref<1x1x8x1x8x129xf32, #tpu.memory_space<vmem>>
        %scatter3A_909 = tpu.memref_squeeze %scatter3A_908 : memref<1x1x8x1x8x129xf32, #tpu.memory_space<vmem>> -> memref<1x8x1x8x129xf32, #tpu.memory_space<vmem>>
        tpu.vector_store_idx %scatter3A_909[%broadcast_in_dim3A_1, %select_n3A_129, %broadcast_in_dim3A_1, %select_n3A_227, %add3A_849], %mul3A_902 : memref<1x8x1x8x129xf32, #tpu.memory_space<vmem>>[vector<16xi32>, vector<16xi32>, vector<16xi32>, vector<16xi32>, vector<16xi32>], vector<16xf32>,
        %mul3A_910 = arith.constant 16 : i32
        %mul3A_911 = arith.muli %scan3A_503, %mul3A_910 : i32
        %add3A_912 = arith.constant 6 : i32
        %add3A_913 = arith.addi %mul3A_911, %add3A_912 : i32
        %broadcast_in_dim3A_914 = arith.constant 0 : i32
        %broadcast_in_dim3A_915 = vector.broadcast %broadcast_in_dim3A_914 : i32 to vector<16xi32>
        %add3A_916 = vector.broadcast %add3A_913 : i32 to vector<16xi32>
        %add3A_917 = arith.addi %broadcast_in_dim3A_915, %add3A_916 : vector<16xi32>
        %get3A_918 = arith.constant 1 : i32
        %get3A_919 = arith.index_cast %get3A_918 : i32 to index
        %get3A_920 = arith.index_cast %add3A_913 : i32 to index
        %get3A_921 = arith.constant 0 : index
        %get3A_922 = tpu.vector_load %arg6[%get3A_919, %get3A_920, %get3A_921] {strides = array<i32>} : memref<2x128x64xf32, #tpu.memory_space<vmem>>, vector<16xf32>,
        %mul3A_923 = arith.constant 8.000000e+00 : f32
        %mul3A_924 = vector.broadcast %mul3A_923 : f32 to vector<16xf32>
        %mul3A_925 = arith.mulf %get3A_922, %mul3A_924 : vector<16xf32>
        %scatter3A_926 = arith.constant 0 : i32
        %scatter3A_927 = arith.constant 0 : i32
        %scatter3A_928 = arith.constant 0 : i32
        %scatter3A_929 = arith.constant 0 : i32
        %scatter3A_930 = arith.constant 0 : i32
        %scatter3A_931 = tpu.memref_slice %arg7[%scan3A_467, %scatter3A_926, %scatter3A_927, %scatter3A_928, %scatter3A_929, %scatter3A_930] : memref<2x1x8x1x8x129xf32, #tpu.memory_space<vmem>> -> memref<1x1x8x1x8x129xf32, #tpu.memory_space<vmem>>
        %scatter3A_932 = tpu.memref_squeeze %scatter3A_931 : memref<1x1x8x1x8x129xf32, #tpu.memory_space<vmem>> -> memref<1x8x1x8x129xf32, #tpu.memory_space<vmem>>
        tpu.vector_store_idx %scatter3A_932[%broadcast_in_dim3A_1, %select_n3A, %broadcast_in_dim3A_1, %select_n3A_152, %add3A_917], %mul3A_925 : memref<1x8x1x8x129xf32, #tpu.memory_space<vmem>>[vector<16xi32>, vector<16xi32>, vector<16xi32>, vector<16xi32>, vector<16xi32>], vector<16xf32>,
        %get3A_933 = arith.constant 1 : i32
        %get3A_934 = arith.index_cast %get3A_933 : i32 to index
        %get3A_935 = arith.index_cast %add3A_913 : i32 to index
        %get3A_936 = arith.constant 16 : index
        %get3A_937 = tpu.vector_load %arg6[%get3A_934, %get3A_935, %get3A_936] {strides = array<i32>} : memref<2x128x64xf32, #tpu.memory_space<vmem>>, vector<16xf32>,
        %mul3A_938 = arith.constant 8.000000e+00 : f32
        %mul3A_939 = vector.broadcast %mul3A_938 : f32 to vector<16xf32>
        %mul3A_940 = arith.mulf %get3A_937, %mul3A_939 : vector<16xf32>
        %scatter3A_941 = arith.constant 0 : i32
        %scatter3A_942 = arith.constant 0 : i32
        %scatter3A_943 = arith.constant 0 : i32
        %scatter3A_944 = arith.constant 0 : i32
        %scatter3A_945 = arith.constant 0 : i32
        %scatter3A_946 = tpu.memref_slice %arg7[%scan3A_467, %scatter3A_941, %scatter3A_942, %scatter3A_943, %scatter3A_944, %scatter3A_945] : memref<2x1x8x1x8x129xf32, #tpu.memory_space<vmem>> -> memref<1x1x8x1x8x129xf32, #tpu.memory_space<vmem>>
        %scatter3A_947 = tpu.memref_squeeze %scatter3A_946 : memref<1x1x8x1x8x129xf32, #tpu.memory_space<vmem>> -> memref<1x8x1x8x129xf32, #tpu.memory_space<vmem>>
        tpu.vector_store_idx %scatter3A_947[%broadcast_in_dim3A_1, %select_n3A_61, %broadcast_in_dim3A_1, %select_n3A_177, %add3A_917], %mul3A_940 : memref<1x8x1x8x129xf32, #tpu.memory_space<vmem>>[vector<16xi32>, vector<16xi32>, vector<16xi32>, vector<16xi32>, vector<16xi32>], vector<16xf32>,
        %get3A_948 = arith.constant 1 : i32
        %get3A_949 = arith.index_cast %get3A_948 : i32 to index
        %get3A_950 = arith.index_cast %add3A_913 : i32 to index
        %get3A_951 = arith.constant 32 : index
        %get3A_952 = tpu.vector_load %arg6[%get3A_949, %get3A_950, %get3A_951] {strides = array<i32>} : memref<2x128x64xf32, #tpu.memory_space<vmem>>, vector<16xf32>,
        %mul3A_953 = arith.constant 8.000000e+00 : f32
        %mul3A_954 = vector.broadcast %mul3A_953 : f32 to vector<16xf32>
        %mul3A_955 = arith.mulf %get3A_952, %mul3A_954 : vector<16xf32>
        %scatter3A_956 = arith.constant 0 : i32
        %scatter3A_957 = arith.constant 0 : i32
        %scatter3A_958 = arith.constant 0 : i32
        %scatter3A_959 = arith.constant 0 : i32
        %scatter3A_960 = arith.constant 0 : i32
        %scatter3A_961 = tpu.memref_slice %arg7[%scan3A_467, %scatter3A_956, %scatter3A_957, %scatter3A_958, %scatter3A_959, %scatter3A_960] : memref<2x1x8x1x8x129xf32, #tpu.memory_space<vmem>> -> memref<1x1x8x1x8x129xf32, #tpu.memory_space<vmem>>
        %scatter3A_962 = tpu.memref_squeeze %scatter3A_961 : memref<1x1x8x1x8x129xf32, #tpu.memory_space<vmem>> -> memref<1x8x1x8x129xf32, #tpu.memory_space<vmem>>
        tpu.vector_store_idx %scatter3A_962[%broadcast_in_dim3A_1, %select_n3A_95, %broadcast_in_dim3A_1, %select_n3A_202, %add3A_917], %mul3A_955 : memref<1x8x1x8x129xf32, #tpu.memory_space<vmem>>[vector<16xi32>, vector<16xi32>, vector<16xi32>, vector<16xi32>, vector<16xi32>], vector<16xf32>,
        %get3A_963 = arith.constant 1 : i32
        %get3A_964 = arith.index_cast %get3A_963 : i32 to index
        %get3A_965 = arith.index_cast %add3A_913 : i32 to index
        %get3A_966 = arith.constant 48 : index
        %get3A_967 = tpu.vector_load %arg6[%get3A_964, %get3A_965, %get3A_966] {strides = array<i32>} : memref<2x128x64xf32, #tpu.memory_space<vmem>>, vector<16xf32>,
        %mul3A_968 = arith.constant 8.000000e+00 : f32
        %mul3A_969 = vector.broadcast %mul3A_968 : f32 to vector<16xf32>
        %mul3A_970 = arith.mulf %get3A_967, %mul3A_969 : vector<16xf32>
        %scatter3A_971 = arith.constant 0 : i32
        %scatter3A_972 = arith.constant 0 : i32
        %scatter3A_973 = arith.constant 0 : i32
        %scatter3A_974 = arith.constant 0 : i32
        %scatter3A_975 = arith.constant 0 : i32
        %scatter3A_976 = tpu.memref_slice %arg7[%scan3A_467, %scatter3A_971, %scatter3A_972, %scatter3A_973, %scatter3A_974, %scatter3A_975] : memref<2x1x8x1x8x129xf32, #tpu.memory_space<vmem>> -> memref<1x1x8x1x8x129xf32, #tpu.memory_space<vmem>>
        %scatter3A_977 = tpu.memref_squeeze %scatter3A_976 : memref<1x1x8x1x8x129xf32, #tpu.memory_space<vmem>> -> memref<1x8x1x8x129xf32, #tpu.memory_space<vmem>>
        tpu.vector_store_idx %scatter3A_977[%broadcast_in_dim3A_1, %select_n3A_129, %broadcast_in_dim3A_1, %select_n3A_227, %add3A_917], %mul3A_970 : memref<1x8x1x8x129xf32, #tpu.memory_space<vmem>>[vector<16xi32>, vector<16xi32>, vector<16xi32>, vector<16xi32>, vector<16xi32>], vector<16xf32>,
        %mul3A_978 = arith.constant 16 : i32
        %mul3A_979 = arith.muli %scan3A_503, %mul3A_978 : i32
        %add3A_980 = arith.constant 7 : i32
        %add3A_981 = arith.addi %mul3A_979, %add3A_980 : i32
        %broadcast_in_dim3A_982 = arith.constant 0 : i32
        %broadcast_in_dim3A_983 = vector.broadcast %broadcast_in_dim3A_982 : i32 to vector<16xi32>
        %add3A_984 = vector.broadcast %add3A_981 : i32 to vector<16xi32>
        %add3A_985 = arith.addi %broadcast_in_dim3A_983, %add3A_984 : vector<16xi32>
        %get3A_986 = arith.constant 1 : i32
        %get3A_987 = arith.index_cast %get3A_986 : i32 to index
        %get3A_988 = arith.index_cast %add3A_981 : i32 to index
        %get3A_989 = arith.constant 0 : index
        %get3A_990 = tpu.vector_load %arg6[%get3A_987, %get3A_988, %get3A_989] {strides = array<i32>} : memref<2x128x64xf32, #tpu.memory_space<vmem>>, vector<16xf32>,
        %mul3A_991 = arith.constant 8.000000e+00 : f32
        %mul3A_992 = vector.broadcast %mul3A_991 : f32 to vector<16xf32>
        %mul3A_993 = arith.mulf %get3A_990, %mul3A_992 : vector<16xf32>
        %scatter3A_994 = arith.constant 0 : i32
        %scatter3A_995 = arith.constant 0 : i32
        %scatter3A_996 = arith.constant 0 : i32
        %scatter3A_997 = arith.constant 0 : i32
        %scatter3A_998 = arith.constant 0 : i32
        %scatter3A_999 = tpu.memref_slice %arg7[%scan3A_467, %scatter3A_994, %scatter3A_995, %scatter3A_996, %scatter3A_997, %scatter3A_998] : memref<2x1x8x1x8x129xf32, #tpu.memory_space<vmem>> -> memref<1x1x8x1x8x129xf32, #tpu.memory_space<vmem>>
        %scatter3A_1000 = tpu.memref_squeeze %scatter3A_999 : memref<1x1x8x1x8x129xf32, #tpu.memory_space<vmem>> -> memref<1x8x1x8x129xf32, #tpu.memory_space<vmem>>
        tpu.vector_store_idx %scatter3A_1000[%broadcast_in_dim3A_1, %select_n3A, %broadcast_in_dim3A_1, %select_n3A_152, %add3A_985], %mul3A_993 : memref<1x8x1x8x129xf32, #tpu.memory_space<vmem>>[vector<16xi32>, vector<16xi32>, vector<16xi32>, vector<16xi32>, vector<16xi32>], vector<16xf32>,
        %get3A_1001 = arith.constant 1 : i32
        %get3A_1002 = arith.index_cast %get3A_1001 : i32 to index
        %get3A_1003 = arith.index_cast %add3A_981 : i32 to index
        %get3A_1004 = arith.constant 16 : index
        %get3A_1005 = tpu.vector_load %arg6[%get3A_1002, %get3A_1003, %get3A_1004] {strides = array<i32>} : memref<2x128x64xf32, #tpu.memory_space<vmem>>, vector<16xf32>,
        %mul3A_1006 = arith.constant 8.000000e+00 : f32
        %mul3A_1007 = vector.broadcast %mul3A_1006 : f32 to vector<16xf32>
        %mul3A_1008 = arith.mulf %get3A_1005, %mul3A_1007 : vector<16xf32>
        %scatter3A_1009 = arith.constant 0 : i32
        %scatter3A_1010 = arith.constant 0 : i32
        %scatter3A_1011 = arith.constant 0 : i32
        %scatter3A_1012 = arith.constant 0 : i32
        %scatter3A_1013 = arith.constant 0 : i32
        %scatter3A_1014 = tpu.memref_slice %arg7[%scan3A_467, %scatter3A_1009, %scatter3A_1010, %scatter3A_1011, %scatter3A_1012, %scatter3A_1013] : memref<2x1x8x1x8x129xf32, #tpu.memory_space<vmem>> -> memref<1x1x8x1x8x129xf32, #tpu.memory_space<vmem>>
        %scatter3A_1015 = tpu.memref_squeeze %scatter3A_1014 : memref<1x1x8x1x8x129xf32, #tpu.memory_space<vmem>> -> memref<1x8x1x8x129xf32, #tpu.memory_space<vmem>>
        tpu.vector_store_idx %scatter3A_1015[%broadcast_in_dim3A_1, %select_n3A_61, %broadcast_in_dim3A_1, %select_n3A_177, %add3A_985], %mul3A_1008 : memref<1x8x1x8x129xf32, #tpu.memory_space<vmem>>[vector<16xi32>, vector<16xi32>, vector<16xi32>, vector<16xi32>, vector<16xi32>], vector<16xf32>,
        %get3A_1016 = arith.constant 1 : i32
        %get3A_1017 = arith.index_cast %get3A_1016 : i32 to index
        %get3A_1018 = arith.index_cast %add3A_981 : i32 to index
        %get3A_1019 = arith.constant 32 : index
        %get3A_1020 = tpu.vector_load %arg6[%get3A_1017, %get3A_1018, %get3A_1019] {strides = array<i32>} : memref<2x128x64xf32, #tpu.memory_space<vmem>>, vector<16xf32>,
        %mul3A_1021 = arith.constant 8.000000e+00 : f32
        %mul3A_1022 = vector.broadcast %mul3A_1021 : f32 to vector<16xf32>
        %mul3A_1023 = arith.mulf %get3A_1020, %mul3A_1022 : vector<16xf32>
        %scatter3A_1024 = arith.constant 0 : i32
        %scatter3A_1025 = arith.constant 0 : i32
        %scatter3A_1026 = arith.constant 0 : i32
        %scatter3A_1027 = arith.constant 0 : i32
        %scatter3A_1028 = arith.constant 0 : i32
        %scatter3A_1029 = tpu.memref_slice %arg7[%scan3A_467, %scatter3A_1024, %scatter3A_1025, %scatter3A_1026, %scatter3A_1027, %scatter3A_1028] : memref<2x1x8x1x8x129xf32, #tpu.memory_space<vmem>> -> memref<1x1x8x1x8x129xf32, #tpu.memory_space<vmem>>
        %scatter3A_1030 = tpu.memref_squeeze %scatter3A_1029 : memref<1x1x8x1x8x129xf32, #tpu.memory_space<vmem>> -> memref<1x8x1x8x129xf32, #tpu.memory_space<vmem>>
        tpu.vector_store_idx %scatter3A_1030[%broadcast_in_dim3A_1, %select_n3A_95, %broadcast_in_dim3A_1, %select_n3A_202, %add3A_985], %mul3A_1023 : memref<1x8x1x8x129xf32, #tpu.memory_space<vmem>>[vector<16xi32>, vector<16xi32>, vector<16xi32>, vector<16xi32>, vector<16xi32>], vector<16xf32>,
        %get3A_1031 = arith.constant 1 : i32
        %get3A_1032 = arith.index_cast %get3A_1031 : i32 to index
        %get3A_1033 = arith.index_cast %add3A_981 : i32 to index
        %get3A_1034 = arith.constant 48 : index
        %get3A_1035 = tpu.vector_load %arg6[%get3A_1032, %get3A_1033, %get3A_1034] {strides = array<i32>} : memref<2x128x64xf32, #tpu.memory_space<vmem>>, vector<16xf32>,
        %mul3A_1036 = arith.constant 8.000000e+00 : f32
        %mul3A_1037 = vector.broadcast %mul3A_1036 : f32 to vector<16xf32>
        %mul3A_1038 = arith.mulf %get3A_1035, %mul3A_1037 : vector<16xf32>
        %scatter3A_1039 = arith.constant 0 : i32
        %scatter3A_1040 = arith.constant 0 : i32
        %scatter3A_1041 = arith.constant 0 : i32
        %scatter3A_1042 = arith.constant 0 : i32
        %scatter3A_1043 = arith.constant 0 : i32
        %scatter3A_1044 = tpu.memref_slice %arg7[%scan3A_467, %scatter3A_1039, %scatter3A_1040, %scatter3A_1041, %scatter3A_1042, %scatter3A_1043] : memref<2x1x8x1x8x129xf32, #tpu.memory_space<vmem>> -> memref<1x1x8x1x8x129xf32, #tpu.memory_space<vmem>>
        %scatter3A_1045 = tpu.memref_squeeze %scatter3A_1044 : memref<1x1x8x1x8x129xf32, #tpu.memory_space<vmem>> -> memref<1x8x1x8x129xf32, #tpu.memory_space<vmem>>
        tpu.vector_store_idx %scatter3A_1045[%broadcast_in_dim3A_1, %select_n3A_129, %broadcast_in_dim3A_1, %select_n3A_227, %add3A_985], %mul3A_1038 : memref<1x8x1x8x129xf32, #tpu.memory_space<vmem>>[vector<16xi32>, vector<16xi32>, vector<16xi32>, vector<16xi32>, vector<16xi32>], vector<16xf32>,
        %mul3A_1046 = arith.constant 16 : i32
        %mul3A_1047 = arith.muli %scan3A_503, %mul3A_1046 : i32
        %add3A_1048 = arith.constant 8 : i32
        %add3A_1049 = arith.addi %mul3A_1047, %add3A_1048 : i32
        %broadcast_in_dim3A_1050 = arith.constant 0 : i32
        %broadcast_in_dim3A_1051 = vector.broadcast %broadcast_in_dim3A_1050 : i32 to vector<16xi32>
        %add3A_1052 = vector.broadcast %add3A_1049 : i32 to vector<16xi32>
        %add3A_1053 = arith.addi %broadcast_in_dim3A_1051, %add3A_1052 : vector<16xi32>
        %get3A_1054 = arith.constant 1 : i32
        %get3A_1055 = arith.index_cast %get3A_1054 : i32 to index
        %get3A_1056 = arith.index_cast %add3A_1049 : i32 to index
        %get3A_1057 = arith.constant 0 : index
        %get3A_1058 = tpu.vector_load %arg6[%get3A_1055, %get3A_1056, %get3A_1057] {strides = array<i32>} : memref<2x128x64xf32, #tpu.memory_space<vmem>>, vector<16xf32>,
        %mul3A_1059 = arith.constant 8.000000e+00 : f32
        %mul3A_1060 = vector.broadcast %mul3A_1059 : f32 to vector<16xf32>
        %mul3A_1061 = arith.mulf %get3A_1058, %mul3A_1060 : vector<16xf32>
        %scatter3A_1062 = arith.constant 0 : i32
        %scatter3A_1063 = arith.constant 0 : i32
        %scatter3A_1064 = arith.constant 0 : i32
        %scatter3A_1065 = arith.constant 0 : i32
        %scatter3A_1066 = arith.constant 0 : i32
        %scatter3A_1067 = tpu.memref_slice %arg7[%scan3A_467, %scatter3A_1062, %scatter3A_1063, %scatter3A_1064, %scatter3A_1065, %scatter3A_1066] : memref<2x1x8x1x8x129xf32, #tpu.memory_space<vmem>> -> memref<1x1x8x1x8x129xf32, #tpu.memory_space<vmem>>
        %scatter3A_1068 = tpu.memref_squeeze %scatter3A_1067 : memref<1x1x8x1x8x129xf32, #tpu.memory_space<vmem>> -> memref<1x8x1x8x129xf32, #tpu.memory_space<vmem>>
        tpu.vector_store_idx %scatter3A_1068[%broadcast_in_dim3A_1, %select_n3A, %broadcast_in_dim3A_1, %select_n3A_152, %add3A_1053], %mul3A_1061 : memref<1x8x1x8x129xf32, #tpu.memory_space<vmem>>[vector<16xi32>, vector<16xi32>, vector<16xi32>, vector<16xi32>, vector<16xi32>], vector<16xf32>,
        %get3A_1069 = arith.constant 1 : i32
        %get3A_1070 = arith.index_cast %get3A_1069 : i32 to index
        %get3A_1071 = arith.index_cast %add3A_1049 : i32 to index
        %get3A_1072 = arith.constant 16 : index
        %get3A_1073 = tpu.vector_load %arg6[%get3A_1070, %get3A_1071, %get3A_1072] {strides = array<i32>} : memref<2x128x64xf32, #tpu.memory_space<vmem>>, vector<16xf32>,
        %mul3A_1074 = arith.constant 8.000000e+00 : f32
        %mul3A_1075 = vector.broadcast %mul3A_1074 : f32 to vector<16xf32>
        %mul3A_1076 = arith.mulf %get3A_1073, %mul3A_1075 : vector<16xf32>
        %scatter3A_1077 = arith.constant 0 : i32
        %scatter3A_1078 = arith.constant 0 : i32
        %scatter3A_1079 = arith.constant 0 : i32
        %scatter3A_1080 = arith.constant 0 : i32
        %scatter3A_1081 = arith.constant 0 : i32
        %scatter3A_1082 = tpu.memref_slice %arg7[%scan3A_467, %scatter3A_1077, %scatter3A_1078, %scatter3A_1079, %scatter3A_1080, %scatter3A_1081] : memref<2x1x8x1x8x129xf32, #tpu.memory_space<vmem>> -> memref<1x1x8x1x8x129xf32, #tpu.memory_space<vmem>>
        %scatter3A_1083 = tpu.memref_squeeze %scatter3A_1082 : memref<1x1x8x1x8x129xf32, #tpu.memory_space<vmem>> -> memref<1x8x1x8x129xf32, #tpu.memory_space<vmem>>
        tpu.vector_store_idx %scatter3A_1083[%broadcast_in_dim3A_1, %select_n3A_61, %broadcast_in_dim3A_1, %select_n3A_177, %add3A_1053], %mul3A_1076 : memref<1x8x1x8x129xf32, #tpu.memory_space<vmem>>[vector<16xi32>, vector<16xi32>, vector<16xi32>, vector<16xi32>, vector<16xi32>], vector<16xf32>,
        %get3A_1084 = arith.constant 1 : i32
        %get3A_1085 = arith.index_cast %get3A_1084 : i32 to index
        %get3A_1086 = arith.index_cast %add3A_1049 : i32 to index
        %get3A_1087 = arith.constant 32 : index
        %get3A_1088 = tpu.vector_load %arg6[%get3A_1085, %get3A_1086, %get3A_1087] {strides = array<i32>} : memref<2x128x64xf32, #tpu.memory_space<vmem>>, vector<16xf32>,
        %mul3A_1089 = arith.constant 8.000000e+00 : f32
        %mul3A_1090 = vector.broadcast %mul3A_1089 : f32 to vector<16xf32>
        %mul3A_1091 = arith.mulf %get3A_1088, %mul3A_1090 : vector<16xf32>
        %scatter3A_1092 = arith.constant 0 : i32
        %scatter3A_1093 = arith.constant 0 : i32
        %scatter3A_1094 = arith.constant 0 : i32
        %scatter3A_1095 = arith.constant 0 : i32
        %scatter3A_1096 = arith.constant 0 : i32
        %scatter3A_1097 = tpu.memref_slice %arg7[%scan3A_467, %scatter3A_1092, %scatter3A_1093, %scatter3A_1094, %scatter3A_1095, %scatter3A_1096] : memref<2x1x8x1x8x129xf32, #tpu.memory_space<vmem>> -> memref<1x1x8x1x8x129xf32, #tpu.memory_space<vmem>>
        %scatter3A_1098 = tpu.memref_squeeze %scatter3A_1097 : memref<1x1x8x1x8x129xf32, #tpu.memory_space<vmem>> -> memref<1x8x1x8x129xf32, #tpu.memory_space<vmem>>
        tpu.vector_store_idx %scatter3A_1098[%broadcast_in_dim3A_1, %select_n3A_95, %broadcast_in_dim3A_1, %select_n3A_202, %add3A_1053], %mul3A_1091 : memref<1x8x1x8x129xf32, #tpu.memory_space<vmem>>[vector<16xi32>, vector<16xi32>, vector<16xi32>, vector<16xi32>, vector<16xi32>], vector<16xf32>,
        %get3A_1099 = arith.constant 1 : i32
        %get3A_1100 = arith.index_cast %get3A_1099 : i32 to index
        %get3A_1101 = arith.index_cast %add3A_1049 : i32 to index
        %get3A_1102 = arith.constant 48 : index
        %get3A_1103 = tpu.vector_load %arg6[%get3A_1100, %get3A_1101, %get3A_1102] {strides = array<i32>} : memref<2x128x64xf32, #tpu.memory_space<vmem>>, vector<16xf32>,
        %mul3A_1104 = arith.constant 8.000000e+00 : f32
        %mul3A_1105 = vector.broadcast %mul3A_1104 : f32 to vector<16xf32>
        %mul3A_1106 = arith.mulf %get3A_1103, %mul3A_1105 : vector<16xf32>
        %scatter3A_1107 = arith.constant 0 : i32
        %scatter3A_1108 = arith.constant 0 : i32
        %scatter3A_1109 = arith.constant 0 : i32
        %scatter3A_1110 = arith.constant 0 : i32
        %scatter3A_1111 = arith.constant 0 : i32
        %scatter3A_1112 = tpu.memref_slice %arg7[%scan3A_467, %scatter3A_1107, %scatter3A_1108, %scatter3A_1109, %scatter3A_1110, %scatter3A_1111] : memref<2x1x8x1x8x129xf32, #tpu.memory_space<vmem>> -> memref<1x1x8x1x8x129xf32, #tpu.memory_space<vmem>>
        %scatter3A_1113 = tpu.memref_squeeze %scatter3A_1112 : memref<1x1x8x1x8x129xf32, #tpu.memory_space<vmem>> -> memref<1x8x1x8x129xf32, #tpu.memory_space<vmem>>
        tpu.vector_store_idx %scatter3A_1113[%broadcast_in_dim3A_1, %select_n3A_129, %broadcast_in_dim3A_1, %select_n3A_227, %add3A_1053], %mul3A_1106 : memref<1x8x1x8x129xf32, #tpu.memory_space<vmem>>[vector<16xi32>, vector<16xi32>, vector<16xi32>, vector<16xi32>, vector<16xi32>], vector<16xf32>,
        %mul3A_1114 = arith.constant 16 : i32
        %mul3A_1115 = arith.muli %scan3A_503, %mul3A_1114 : i32
        %add3A_1116 = arith.constant 9 : i32
        %add3A_1117 = arith.addi %mul3A_1115, %add3A_1116 : i32
        %broadcast_in_dim3A_1118 = arith.constant 0 : i32
        %broadcast_in_dim3A_1119 = vector.broadcast %broadcast_in_dim3A_1118 : i32 to vector<16xi32>
        %add3A_1120 = vector.broadcast %add3A_1117 : i32 to vector<16xi32>
        %add3A_1121 = arith.addi %broadcast_in_dim3A_1119, %add3A_1120 : vector<16xi32>
        %get3A_1122 = arith.constant 1 : i32
        %get3A_1123 = arith.index_cast %get3A_1122 : i32 to index
        %get3A_1124 = arith.index_cast %add3A_1117 : i32 to index
        %get3A_1125 = arith.constant 0 : index
        %get3A_1126 = tpu.vector_load %arg6[%get3A_1123, %get3A_1124, %get3A_1125] {strides = array<i32>} : memref<2x128x64xf32, #tpu.memory_space<vmem>>, vector<16xf32>,
        %mul3A_1127 = arith.constant 8.000000e+00 : f32
        %mul3A_1128 = vector.broadcast %mul3A_1127 : f32 to vector<16xf32>
        %mul3A_1129 = arith.mulf %get3A_1126, %mul3A_1128 : vector<16xf32>
        %scatter3A_1130 = arith.constant 0 : i32
        %scatter3A_1131 = arith.constant 0 : i32
        %scatter3A_1132 = arith.constant 0 : i32
        %scatter3A_1133 = arith.constant 0 : i32
        %scatter3A_1134 = arith.constant 0 : i32
        %scatter3A_1135 = tpu.memref_slice %arg7[%scan3A_467, %scatter3A_1130, %scatter3A_1131, %scatter3A_1132, %scatter3A_1133, %scatter3A_1134] : memref<2x1x8x1x8x129xf32, #tpu.memory_space<vmem>> -> memref<1x1x8x1x8x129xf32, #tpu.memory_space<vmem>>
        %scatter3A_1136 = tpu.memref_squeeze %scatter3A_1135 : memref<1x1x8x1x8x129xf32, #tpu.memory_space<vmem>> -> memref<1x8x1x8x129xf32, #tpu.memory_space<vmem>>
        tpu.vector_store_idx %scatter3A_1136[%broadcast_in_dim3A_1, %select_n3A, %broadcast_in_dim3A_1, %select_n3A_152, %add3A_1121], %mul3A_1129 : memref<1x8x1x8x129xf32, #tpu.memory_space<vmem>>[vector<16xi32>, vector<16xi32>, vector<16xi32>, vector<16xi32>, vector<16xi32>], vector<16xf32>,
        %get3A_1137 = arith.constant 1 : i32
        %get3A_1138 = arith.index_cast %get3A_1137 : i32 to index
        %get3A_1139 = arith.index_cast %add3A_1117 : i32 to index
        %get3A_1140 = arith.constant 16 : index
        %get3A_1141 = tpu.vector_load %arg6[%get3A_1138, %get3A_1139, %get3A_1140] {strides = array<i32>} : memref<2x128x64xf32, #tpu.memory_space<vmem>>, vector<16xf32>,
        %mul3A_1142 = arith.constant 8.000000e+00 : f32
        %mul3A_1143 = vector.broadcast %mul3A_1142 : f32 to vector<16xf32>
        %mul3A_1144 = arith.mulf %get3A_1141, %mul3A_1143 : vector<16xf32>
        %scatter3A_1145 = arith.constant 0 : i32
        %scatter3A_1146 = arith.constant 0 : i32
        %scatter3A_1147 = arith.constant 0 : i32
        %scatter3A_1148 = arith.constant 0 : i32
        %scatter3A_1149 = arith.constant 0 : i32
        %scatter3A_1150 = tpu.memref_slice %arg7[%scan3A_467, %scatter3A_1145, %scatter3A_1146, %scatter3A_1147, %scatter3A_1148, %scatter3A_1149] : memref<2x1x8x1x8x129xf32, #tpu.memory_space<vmem>> -> memref<1x1x8x1x8x129xf32, #tpu.memory_space<vmem>>
        %scatter3A_1151 = tpu.memref_squeeze %scatter3A_1150 : memref<1x1x8x1x8x129xf32, #tpu.memory_space<vmem>> -> memref<1x8x1x8x129xf32, #tpu.memory_space<vmem>>
        tpu.vector_store_idx %scatter3A_1151[%broadcast_in_dim3A_1, %select_n3A_61, %broadcast_in_dim3A_1, %select_n3A_177, %add3A_1121], %mul3A_1144 : memref<1x8x1x8x129xf32, #tpu.memory_space<vmem>>[vector<16xi32>, vector<16xi32>, vector<16xi32>, vector<16xi32>, vector<16xi32>], vector<16xf32>,
        %get3A_1152 = arith.constant 1 : i32
        %get3A_1153 = arith.index_cast %get3A_1152 : i32 to index
        %get3A_1154 = arith.index_cast %add3A_1117 : i32 to index
        %get3A_1155 = arith.constant 32 : index
        %get3A_1156 = tpu.vector_load %arg6[%get3A_1153, %get3A_1154, %get3A_1155] {strides = array<i32>} : memref<2x128x64xf32, #tpu.memory_space<vmem>>, vector<16xf32>,
        %mul3A_1157 = arith.constant 8.000000e+00 : f32
        %mul3A_1158 = vector.broadcast %mul3A_1157 : f32 to vector<16xf32>
        %mul3A_1159 = arith.mulf %get3A_1156, %mul3A_1158 : vector<16xf32>
        %scatter3A_1160 = arith.constant 0 : i32
        %scatter3A_1161 = arith.constant 0 : i32
        %scatter3A_1162 = arith.constant 0 : i32
        %scatter3A_1163 = arith.constant 0 : i32
        %scatter3A_1164 = arith.constant 0 : i32
        %scatter3A_1165 = tpu.memref_slice %arg7[%scan3A_467, %scatter3A_1160, %scatter3A_1161, %scatter3A_1162, %scatter3A_1163, %scatter3A_1164] : memref<2x1x8x1x8x129xf32, #tpu.memory_space<vmem>> -> memref<1x1x8x1x8x129xf32, #tpu.memory_space<vmem>>
        %scatter3A_1166 = tpu.memref_squeeze %scatter3A_1165 : memref<1x1x8x1x8x129xf32, #tpu.memory_space<vmem>> -> memref<1x8x1x8x129xf32, #tpu.memory_space<vmem>>
        tpu.vector_store_idx %scatter3A_1166[%broadcast_in_dim3A_1, %select_n3A_95, %broadcast_in_dim3A_1, %select_n3A_202, %add3A_1121], %mul3A_1159 : memref<1x8x1x8x129xf32, #tpu.memory_space<vmem>>[vector<16xi32>, vector<16xi32>, vector<16xi32>, vector<16xi32>, vector<16xi32>], vector<16xf32>,
        %get3A_1167 = arith.constant 1 : i32
        %get3A_1168 = arith.index_cast %get3A_1167 : i32 to index
        %get3A_1169 = arith.index_cast %add3A_1117 : i32 to index
        %get3A_1170 = arith.constant 48 : index
        %get3A_1171 = tpu.vector_load %arg6[%get3A_1168, %get3A_1169, %get3A_1170] {strides = array<i32>} : memref<2x128x64xf32, #tpu.memory_space<vmem>>, vector<16xf32>,
        %mul3A_1172 = arith.constant 8.000000e+00 : f32
        %mul3A_1173 = vector.broadcast %mul3A_1172 : f32 to vector<16xf32>
        %mul3A_1174 = arith.mulf %get3A_1171, %mul3A_1173 : vector<16xf32>
        %scatter3A_1175 = arith.constant 0 : i32
        %scatter3A_1176 = arith.constant 0 : i32
        %scatter3A_1177 = arith.constant 0 : i32
        %scatter3A_1178 = arith.constant 0 : i32
        %scatter3A_1179 = arith.constant 0 : i32
        %scatter3A_1180 = tpu.memref_slice %arg7[%scan3A_467, %scatter3A_1175, %scatter3A_1176, %scatter3A_1177, %scatter3A_1178, %scatter3A_1179] : memref<2x1x8x1x8x129xf32, #tpu.memory_space<vmem>> -> memref<1x1x8x1x8x129xf32, #tpu.memory_space<vmem>>
        %scatter3A_1181 = tpu.memref_squeeze %scatter3A_1180 : memref<1x1x8x1x8x129xf32, #tpu.memory_space<vmem>> -> memref<1x8x1x8x129xf32, #tpu.memory_space<vmem>>
        tpu.vector_store_idx %scatter3A_1181[%broadcast_in_dim3A_1, %select_n3A_129, %broadcast_in_dim3A_1, %select_n3A_227, %add3A_1121], %mul3A_1174 : memref<1x8x1x8x129xf32, #tpu.memory_space<vmem>>[vector<16xi32>, vector<16xi32>, vector<16xi32>, vector<16xi32>, vector<16xi32>], vector<16xf32>,
        %mul3A_1182 = arith.constant 16 : i32
        %mul3A_1183 = arith.muli %scan3A_503, %mul3A_1182 : i32
        %add3A_1184 = arith.constant 10 : i32
        %add3A_1185 = arith.addi %mul3A_1183, %add3A_1184 : i32
        %broadcast_in_dim3A_1186 = arith.constant 0 : i32
        %broadcast_in_dim3A_1187 = vector.broadcast %broadcast_in_dim3A_1186 : i32 to vector<16xi32>
        %add3A_1188 = vector.broadcast %add3A_1185 : i32 to vector<16xi32>
        %add3A_1189 = arith.addi %broadcast_in_dim3A_1187, %add3A_1188 : vector<16xi32>
        %get3A_1190 = arith.constant 1 : i32
        %get3A_1191 = arith.index_cast %get3A_1190 : i32 to index
        %get3A_1192 = arith.index_cast %add3A_1185 : i32 to index
        %get3A_1193 = arith.constant 0 : index
        %get3A_1194 = tpu.vector_load %arg6[%get3A_1191, %get3A_1192, %get3A_1193] {strides = array<i32>} : memref<2x128x64xf32, #tpu.memory_space<vmem>>, vector<16xf32>,
        %mul3A_1195 = arith.constant 8.000000e+00 : f32
        %mul3A_1196 = vector.broadcast %mul3A_1195 : f32 to vector<16xf32>
        %mul3A_1197 = arith.mulf %get3A_1194, %mul3A_1196 : vector<16xf32>
        %scatter3A_1198 = arith.constant 0 : i32
        %scatter3A_1199 = arith.constant 0 : i32
        %scatter3A_1200 = arith.constant 0 : i32
        %scatter3A_1201 = arith.constant 0 : i32
        %scatter3A_1202 = arith.constant 0 : i32
        %scatter3A_1203 = tpu.memref_slice %arg7[%scan3A_467, %scatter3A_1198, %scatter3A_1199, %scatter3A_1200, %scatter3A_1201, %scatter3A_1202] : memref<2x1x8x1x8x129xf32, #tpu.memory_space<vmem>> -> memref<1x1x8x1x8x129xf32, #tpu.memory_space<vmem>>
        %scatter3A_1204 = tpu.memref_squeeze %scatter3A_1203 : memref<1x1x8x1x8x129xf32, #tpu.memory_space<vmem>> -> memref<1x8x1x8x129xf32, #tpu.memory_space<vmem>>
        tpu.vector_store_idx %scatter3A_1204[%broadcast_in_dim3A_1, %select_n3A, %broadcast_in_dim3A_1, %select_n3A_152, %add3A_1189], %mul3A_1197 : memref<1x8x1x8x129xf32, #tpu.memory_space<vmem>>[vector<16xi32>, vector<16xi32>, vector<16xi32>, vector<16xi32>, vector<16xi32>], vector<16xf32>,
        %get3A_1205 = arith.constant 1 : i32
        %get3A_1206 = arith.index_cast %get3A_1205 : i32 to index
        %get3A_1207 = arith.index_cast %add3A_1185 : i32 to index
        %get3A_1208 = arith.constant 16 : index
        %get3A_1209 = tpu.vector_load %arg6[%get3A_1206, %get3A_1207, %get3A_1208] {strides = array<i32>} : memref<2x128x64xf32, #tpu.memory_space<vmem>>, vector<16xf32>,
        %mul3A_1210 = arith.constant 8.000000e+00 : f32
        %mul3A_1211 = vector.broadcast %mul3A_1210 : f32 to vector<16xf32>
        %mul3A_1212 = arith.mulf %get3A_1209, %mul3A_1211 : vector<16xf32>
        %scatter3A_1213 = arith.constant 0 : i32
        %scatter3A_1214 = arith.constant 0 : i32
        %scatter3A_1215 = arith.constant 0 : i32
        %scatter3A_1216 = arith.constant 0 : i32
        %scatter3A_1217 = arith.constant 0 : i32
        %scatter3A_1218 = tpu.memref_slice %arg7[%scan3A_467, %scatter3A_1213, %scatter3A_1214, %scatter3A_1215, %scatter3A_1216, %scatter3A_1217] : memref<2x1x8x1x8x129xf32, #tpu.memory_space<vmem>> -> memref<1x1x8x1x8x129xf32, #tpu.memory_space<vmem>>
        %scatter3A_1219 = tpu.memref_squeeze %scatter3A_1218 : memref<1x1x8x1x8x129xf32, #tpu.memory_space<vmem>> -> memref<1x8x1x8x129xf32, #tpu.memory_space<vmem>>
        tpu.vector_store_idx %scatter3A_1219[%broadcast_in_dim3A_1, %select_n3A_61, %broadcast_in_dim3A_1, %select_n3A_177, %add3A_1189], %mul3A_1212 : memref<1x8x1x8x129xf32, #tpu.memory_space<vmem>>[vector<16xi32>, vector<16xi32>, vector<16xi32>, vector<16xi32>, vector<16xi32>], vector<16xf32>,
        %get3A_1220 = arith.constant 1 : i32
        %get3A_1221 = arith.index_cast %get3A_1220 : i32 to index
        %get3A_1222 = arith.index_cast %add3A_1185 : i32 to index
        %get3A_1223 = arith.constant 32 : index
        %get3A_1224 = tpu.vector_load %arg6[%get3A_1221, %get3A_1222, %get3A_1223] {strides = array<i32>} : memref<2x128x64xf32, #tpu.memory_space<vmem>>, vector<16xf32>,
        %mul3A_1225 = arith.constant 8.000000e+00 : f32
        %mul3A_1226 = vector.broadcast %mul3A_1225 : f32 to vector<16xf32>
        %mul3A_1227 = arith.mulf %get3A_1224, %mul3A_1226 : vector<16xf32>
        %scatter3A_1228 = arith.constant 0 : i32
        %scatter3A_1229 = arith.constant 0 : i32
        %scatter3A_1230 = arith.constant 0 : i32
        %scatter3A_1231 = arith.constant 0 : i32
        %scatter3A_1232 = arith.constant 0 : i32
        %scatter3A_1233 = tpu.memref_slice %arg7[%scan3A_467, %scatter3A_1228, %scatter3A_1229, %scatter3A_1230, %scatter3A_1231, %scatter3A_1232] : memref<2x1x8x1x8x129xf32, #tpu.memory_space<vmem>> -> memref<1x1x8x1x8x129xf32, #tpu.memory_space<vmem>>
        %scatter3A_1234 = tpu.memref_squeeze %scatter3A_1233 : memref<1x1x8x1x8x129xf32, #tpu.memory_space<vmem>> -> memref<1x8x1x8x129xf32, #tpu.memory_space<vmem>>
        tpu.vector_store_idx %scatter3A_1234[%broadcast_in_dim3A_1, %select_n3A_95, %broadcast_in_dim3A_1, %select_n3A_202, %add3A_1189], %mul3A_1227 : memref<1x8x1x8x129xf32, #tpu.memory_space<vmem>>[vector<16xi32>, vector<16xi32>, vector<16xi32>, vector<16xi32>, vector<16xi32>], vector<16xf32>,
        %get3A_1235 = arith.constant 1 : i32
        %get3A_1236 = arith.index_cast %get3A_1235 : i32 to index
        %get3A_1237 = arith.index_cast %add3A_1185 : i32 to index
        %get3A_1238 = arith.constant 48 : index
        %get3A_1239 = tpu.vector_load %arg6[%get3A_1236, %get3A_1237, %get3A_1238] {strides = array<i32>} : memref<2x128x64xf32, #tpu.memory_space<vmem>>, vector<16xf32>,
        %mul3A_1240 = arith.constant 8.000000e+00 : f32
        %mul3A_1241 = vector.broadcast %mul3A_1240 : f32 to vector<16xf32>
        %mul3A_1242 = arith.mulf %get3A_1239, %mul3A_1241 : vector<16xf32>
        %scatter3A_1243 = arith.constant 0 : i32
        %scatter3A_1244 = arith.constant 0 : i32
        %scatter3A_1245 = arith.constant 0 : i32
        %scatter3A_1246 = arith.constant 0 : i32
        %scatter3A_1247 = arith.constant 0 : i32
        %scatter3A_1248 = tpu.memref_slice %arg7[%scan3A_467, %scatter3A_1243, %scatter3A_1244, %scatter3A_1245, %scatter3A_1246, %scatter3A_1247] : memref<2x1x8x1x8x129xf32, #tpu.memory_space<vmem>> -> memref<1x1x8x1x8x129xf32, #tpu.memory_space<vmem>>
        %scatter3A_1249 = tpu.memref_squeeze %scatter3A_1248 : memref<1x1x8x1x8x129xf32, #tpu.memory_space<vmem>> -> memref<1x8x1x8x129xf32, #tpu.memory_space<vmem>>
        tpu.vector_store_idx %scatter3A_1249[%broadcast_in_dim3A_1, %select_n3A_129, %broadcast_in_dim3A_1, %select_n3A_227, %add3A_1189], %mul3A_1242 : memref<1x8x1x8x129xf32, #tpu.memory_space<vmem>>[vector<16xi32>, vector<16xi32>, vector<16xi32>, vector<16xi32>, vector<16xi32>], vector<16xf32>,
        %mul3A_1250 = arith.constant 16 : i32
        %mul3A_1251 = arith.muli %scan3A_503, %mul3A_1250 : i32
        %add3A_1252 = arith.constant 11 : i32
        %add3A_1253 = arith.addi %mul3A_1251, %add3A_1252 : i32
        %broadcast_in_dim3A_1254 = arith.constant 0 : i32
        %broadcast_in_dim3A_1255 = vector.broadcast %broadcast_in_dim3A_1254 : i32 to vector<16xi32>
        %add3A_1256 = vector.broadcast %add3A_1253 : i32 to vector<16xi32>
        %add3A_1257 = arith.addi %broadcast_in_dim3A_1255, %add3A_1256 : vector<16xi32>
        %get3A_1258 = arith.constant 1 : i32
        %get3A_1259 = arith.index_cast %get3A_1258 : i32 to index
        %get3A_1260 = arith.index_cast %add3A_1253 : i32 to index
        %get3A_1261 = arith.constant 0 : index
        %get3A_1262 = tpu.vector_load %arg6[%get3A_1259, %get3A_1260, %get3A_1261] {strides = array<i32>} : memref<2x128x64xf32, #tpu.memory_space<vmem>>, vector<16xf32>,
        %mul3A_1263 = arith.constant 8.000000e+00 : f32
        %mul3A_1264 = vector.broadcast %mul3A_1263 : f32 to vector<16xf32>
        %mul3A_1265 = arith.mulf %get3A_1262, %mul3A_1264 : vector<16xf32>
        %scatter3A_1266 = arith.constant 0 : i32
        %scatter3A_1267 = arith.constant 0 : i32
        %scatter3A_1268 = arith.constant 0 : i32
        %scatter3A_1269 = arith.constant 0 : i32
        %scatter3A_1270 = arith.constant 0 : i32
        %scatter3A_1271 = tpu.memref_slice %arg7[%scan3A_467, %scatter3A_1266, %scatter3A_1267, %scatter3A_1268, %scatter3A_1269, %scatter3A_1270] : memref<2x1x8x1x8x129xf32, #tpu.memory_space<vmem>> -> memref<1x1x8x1x8x129xf32, #tpu.memory_space<vmem>>
        %scatter3A_1272 = tpu.memref_squeeze %scatter3A_1271 : memref<1x1x8x1x8x129xf32, #tpu.memory_space<vmem>> -> memref<1x8x1x8x129xf32, #tpu.memory_space<vmem>>
        tpu.vector_store_idx %scatter3A_1272[%broadcast_in_dim3A_1, %select_n3A, %broadcast_in_dim3A_1, %select_n3A_152, %add3A_1257], %mul3A_1265 : memref<1x8x1x8x129xf32, #tpu.memory_space<vmem>>[vector<16xi32>, vector<16xi32>, vector<16xi32>, vector<16xi32>, vector<16xi32>], vector<16xf32>,
        %get3A_1273 = arith.constant 1 : i32
        %get3A_1274 = arith.index_cast %get3A_1273 : i32 to index
        %get3A_1275 = arith.index_cast %add3A_1253 : i32 to index
        %get3A_1276 = arith.constant 16 : index
        %get3A_1277 = tpu.vector_load %arg6[%get3A_1274, %get3A_1275, %get3A_1276] {strides = array<i32>} : memref<2x128x64xf32, #tpu.memory_space<vmem>>, vector<16xf32>,
        %mul3A_1278 = arith.constant 8.000000e+00 : f32
        %mul3A_1279 = vector.broadcast %mul3A_1278 : f32 to vector<16xf32>
        %mul3A_1280 = arith.mulf %get3A_1277, %mul3A_1279 : vector<16xf32>
        %scatter3A_1281 = arith.constant 0 : i32
        %scatter3A_1282 = arith.constant 0 : i32
        %scatter3A_1283 = arith.constant 0 : i32
        %scatter3A_1284 = arith.constant 0 : i32
        %scatter3A_1285 = arith.constant 0 : i32
        %scatter3A_1286 = tpu.memref_slice %arg7[%scan3A_467, %scatter3A_1281, %scatter3A_1282, %scatter3A_1283, %scatter3A_1284, %scatter3A_1285] : memref<2x1x8x1x8x129xf32, #tpu.memory_space<vmem>> -> memref<1x1x8x1x8x129xf32, #tpu.memory_space<vmem>>
        %scatter3A_1287 = tpu.memref_squeeze %scatter3A_1286 : memref<1x1x8x1x8x129xf32, #tpu.memory_space<vmem>> -> memref<1x8x1x8x129xf32, #tpu.memory_space<vmem>>
        tpu.vector_store_idx %scatter3A_1287[%broadcast_in_dim3A_1, %select_n3A_61, %broadcast_in_dim3A_1, %select_n3A_177, %add3A_1257], %mul3A_1280 : memref<1x8x1x8x129xf32, #tpu.memory_space<vmem>>[vector<16xi32>, vector<16xi32>, vector<16xi32>, vector<16xi32>, vector<16xi32>], vector<16xf32>,
        %get3A_1288 = arith.constant 1 : i32
        %get3A_1289 = arith.index_cast %get3A_1288 : i32 to index
        %get3A_1290 = arith.index_cast %add3A_1253 : i32 to index
        %get3A_1291 = arith.constant 32 : index
        %get3A_1292 = tpu.vector_load %arg6[%get3A_1289, %get3A_1290, %get3A_1291] {strides = array<i32>} : memref<2x128x64xf32, #tpu.memory_space<vmem>>, vector<16xf32>,
        %mul3A_1293 = arith.constant 8.000000e+00 : f32
        %mul3A_1294 = vector.broadcast %mul3A_1293 : f32 to vector<16xf32>
        %mul3A_1295 = arith.mulf %get3A_1292, %mul3A_1294 : vector<16xf32>
        %scatter3A_1296 = arith.constant 0 : i32
        %scatter3A_1297 = arith.constant 0 : i32
        %scatter3A_1298 = arith.constant 0 : i32
        %scatter3A_1299 = arith.constant 0 : i32
        %scatter3A_1300 = arith.constant 0 : i32
        %scatter3A_1301 = tpu.memref_slice %arg7[%scan3A_467, %scatter3A_1296, %scatter3A_1297, %scatter3A_1298, %scatter3A_1299, %scatter3A_1300] : memref<2x1x8x1x8x129xf32, #tpu.memory_space<vmem>> -> memref<1x1x8x1x8x129xf32, #tpu.memory_space<vmem>>
        %scatter3A_1302 = tpu.memref_squeeze %scatter3A_1301 : memref<1x1x8x1x8x129xf32, #tpu.memory_space<vmem>> -> memref<1x8x1x8x129xf32, #tpu.memory_space<vmem>>
        tpu.vector_store_idx %scatter3A_1302[%broadcast_in_dim3A_1, %select_n3A_95, %broadcast_in_dim3A_1, %select_n3A_202, %add3A_1257], %mul3A_1295 : memref<1x8x1x8x129xf32, #tpu.memory_space<vmem>>[vector<16xi32>, vector<16xi32>, vector<16xi32>, vector<16xi32>, vector<16xi32>], vector<16xf32>,
        %get3A_1303 = arith.constant 1 : i32
        %get3A_1304 = arith.index_cast %get3A_1303 : i32 to index
        %get3A_1305 = arith.index_cast %add3A_1253 : i32 to index
        %get3A_1306 = arith.constant 48 : index
        %get3A_1307 = tpu.vector_load %arg6[%get3A_1304, %get3A_1305, %get3A_1306] {strides = array<i32>} : memref<2x128x64xf32, #tpu.memory_space<vmem>>, vector<16xf32>,
        %mul3A_1308 = arith.constant 8.000000e+00 : f32
        %mul3A_1309 = vector.broadcast %mul3A_1308 : f32 to vector<16xf32>
        %mul3A_1310 = arith.mulf %get3A_1307, %mul3A_1309 : vector<16xf32>
        %scatter3A_1311 = arith.constant 0 : i32
        %scatter3A_1312 = arith.constant 0 : i32
        %scatter3A_1313 = arith.constant 0 : i32
        %scatter3A_1314 = arith.constant 0 : i32
        %scatter3A_1315 = arith.constant 0 : i32
        %scatter3A_1316 = tpu.memref_slice %arg7[%scan3A_467, %scatter3A_1311, %scatter3A_1312, %scatter3A_1313, %scatter3A_1314, %scatter3A_1315] : memref<2x1x8x1x8x129xf32, #tpu.memory_space<vmem>> -> memref<1x1x8x1x8x129xf32, #tpu.memory_space<vmem>>
        %scatter3A_1317 = tpu.memref_squeeze %scatter3A_1316 : memref<1x1x8x1x8x129xf32, #tpu.memory_space<vmem>> -> memref<1x8x1x8x129xf32, #tpu.memory_space<vmem>>
        tpu.vector_store_idx %scatter3A_1317[%broadcast_in_dim3A_1, %select_n3A_129, %broadcast_in_dim3A_1, %select_n3A_227, %add3A_1257], %mul3A_1310 : memref<1x8x1x8x129xf32, #tpu.memory_space<vmem>>[vector<16xi32>, vector<16xi32>, vector<16xi32>, vector<16xi32>, vector<16xi32>], vector<16xf32>,
        %mul3A_1318 = arith.constant 16 : i32
        %mul3A_1319 = arith.muli %scan3A_503, %mul3A_1318 : i32
        %add3A_1320 = arith.constant 12 : i32
        %add3A_1321 = arith.addi %mul3A_1319, %add3A_1320 : i32
        %broadcast_in_dim3A_1322 = arith.constant 0 : i32
        %broadcast_in_dim3A_1323 = vector.broadcast %broadcast_in_dim3A_1322 : i32 to vector<16xi32>
        %add3A_1324 = vector.broadcast %add3A_1321 : i32 to vector<16xi32>
        %add3A_1325 = arith.addi %broadcast_in_dim3A_1323, %add3A_1324 : vector<16xi32>
        %get3A_1326 = arith.constant 1 : i32
        %get3A_1327 = arith.index_cast %get3A_1326 : i32 to index
        %get3A_1328 = arith.index_cast %add3A_1321 : i32 to index
        %get3A_1329 = arith.constant 0 : index
        %get3A_1330 = tpu.vector_load %arg6[%get3A_1327, %get3A_1328, %get3A_1329] {strides = array<i32>} : memref<2x128x64xf32, #tpu.memory_space<vmem>>, vector<16xf32>,
        %mul3A_1331 = arith.constant 8.000000e+00 : f32
        %mul3A_1332 = vector.broadcast %mul3A_1331 : f32 to vector<16xf32>
        %mul3A_1333 = arith.mulf %get3A_1330, %mul3A_1332 : vector<16xf32>
        %scatter3A_1334 = arith.constant 0 : i32
        %scatter3A_1335 = arith.constant 0 : i32
        %scatter3A_1336 = arith.constant 0 : i32
        %scatter3A_1337 = arith.constant 0 : i32
        %scatter3A_1338 = arith.constant 0 : i32
        %scatter3A_1339 = tpu.memref_slice %arg7[%scan3A_467, %scatter3A_1334, %scatter3A_1335, %scatter3A_1336, %scatter3A_1337, %scatter3A_1338] : memref<2x1x8x1x8x129xf32, #tpu.memory_space<vmem>> -> memref<1x1x8x1x8x129xf32, #tpu.memory_space<vmem>>
        %scatter3A_1340 = tpu.memref_squeeze %scatter3A_1339 : memref<1x1x8x1x8x129xf32, #tpu.memory_space<vmem>> -> memref<1x8x1x8x129xf32, #tpu.memory_space<vmem>>
        tpu.vector_store_idx %scatter3A_1340[%broadcast_in_dim3A_1, %select_n3A, %broadcast_in_dim3A_1, %select_n3A_152, %add3A_1325], %mul3A_1333 : memref<1x8x1x8x129xf32, #tpu.memory_space<vmem>>[vector<16xi32>, vector<16xi32>, vector<16xi32>, vector<16xi32>, vector<16xi32>], vector<16xf32>,
        %get3A_1341 = arith.constant 1 : i32
        %get3A_1342 = arith.index_cast %get3A_1341 : i32 to index
        %get3A_1343 = arith.index_cast %add3A_1321 : i32 to index
        %get3A_1344 = arith.constant 16 : index
        %get3A_1345 = tpu.vector_load %arg6[%get3A_1342, %get3A_1343, %get3A_1344] {strides = array<i32>} : memref<2x128x64xf32, #tpu.memory_space<vmem>>, vector<16xf32>,
        %mul3A_1346 = arith.constant 8.000000e+00 : f32
        %mul3A_1347 = vector.broadcast %mul3A_1346 : f32 to vector<16xf32>
        %mul3A_1348 = arith.mulf %get3A_1345, %mul3A_1347 : vector<16xf32>
        %scatter3A_1349 = arith.constant 0 : i32
        %scatter3A_1350 = arith.constant 0 : i32
        %scatter3A_1351 = arith.constant 0 : i32
        %scatter3A_1352 = arith.constant 0 : i32
        %scatter3A_1353 = arith.constant 0 : i32
        %scatter3A_1354 = tpu.memref_slice %arg7[%scan3A_467, %scatter3A_1349, %scatter3A_1350, %scatter3A_1351, %scatter3A_1352, %scatter3A_1353] : memref<2x1x8x1x8x129xf32, #tpu.memory_space<vmem>> -> memref<1x1x8x1x8x129xf32, #tpu.memory_space<vmem>>
        %scatter3A_1355 = tpu.memref_squeeze %scatter3A_1354 : memref<1x1x8x1x8x129xf32, #tpu.memory_space<vmem>> -> memref<1x8x1x8x129xf32, #tpu.memory_space<vmem>>
        tpu.vector_store_idx %scatter3A_1355[%broadcast_in_dim3A_1, %select_n3A_61, %broadcast_in_dim3A_1, %select_n3A_177, %add3A_1325], %mul3A_1348 : memref<1x8x1x8x129xf32, #tpu.memory_space<vmem>>[vector<16xi32>, vector<16xi32>, vector<16xi32>, vector<16xi32>, vector<16xi32>], vector<16xf32>,
        %get3A_1356 = arith.constant 1 : i32
        %get3A_1357 = arith.index_cast %get3A_1356 : i32 to index
        %get3A_1358 = arith.index_cast %add3A_1321 : i32 to index
        %get3A_1359 = arith.constant 32 : index
        %get3A_1360 = tpu.vector_load %arg6[%get3A_1357, %get3A_1358, %get3A_1359] {strides = array<i32>} : memref<2x128x64xf32, #tpu.memory_space<vmem>>, vector<16xf32>,
        %mul3A_1361 = arith.constant 8.000000e+00 : f32
        %mul3A_1362 = vector.broadcast %mul3A_1361 : f32 to vector<16xf32>
        %mul3A_1363 = arith.mulf %get3A_1360, %mul3A_1362 : vector<16xf32>
        %scatter3A_1364 = arith.constant 0 : i32
        %scatter3A_1365 = arith.constant 0 : i32
        %scatter3A_1366 = arith.constant 0 : i32
        %scatter3A_1367 = arith.constant 0 : i32
        %scatter3A_1368 = arith.constant 0 : i32
        %scatter3A_1369 = tpu.memref_slice %arg7[%scan3A_467, %scatter3A_1364, %scatter3A_1365, %scatter3A_1366, %scatter3A_1367, %scatter3A_1368] : memref<2x1x8x1x8x129xf32, #tpu.memory_space<vmem>> -> memref<1x1x8x1x8x129xf32, #tpu.memory_space<vmem>>
        %scatter3A_1370 = tpu.memref_squeeze %scatter3A_1369 : memref<1x1x8x1x8x129xf32, #tpu.memory_space<vmem>> -> memref<1x8x1x8x129xf32, #tpu.memory_space<vmem>>
        tpu.vector_store_idx %scatter3A_1370[%broadcast_in_dim3A_1, %select_n3A_95, %broadcast_in_dim3A_1, %select_n3A_202, %add3A_1325], %mul3A_1363 : memref<1x8x1x8x129xf32, #tpu.memory_space<vmem>>[vector<16xi32>, vector<16xi32>, vector<16xi32>, vector<16xi32>, vector<16xi32>], vector<16xf32>,
        %get3A_1371 = arith.constant 1 : i32
        %get3A_1372 = arith.index_cast %get3A_1371 : i32 to index
        %get3A_1373 = arith.index_cast %add3A_1321 : i32 to index
        %get3A_1374 = arith.constant 48 : index
        %get3A_1375 = tpu.vector_load %arg6[%get3A_1372, %get3A_1373, %get3A_1374] {strides = array<i32>} : memref<2x128x64xf32, #tpu.memory_space<vmem>>, vector<16xf32>,
        %mul3A_1376 = arith.constant 8.000000e+00 : f32
        %mul3A_1377 = vector.broadcast %mul3A_1376 : f32 to vector<16xf32>
        %mul3A_1378 = arith.mulf %get3A_1375, %mul3A_1377 : vector<16xf32>
        %scatter3A_1379 = arith.constant 0 : i32
        %scatter3A_1380 = arith.constant 0 : i32
        %scatter3A_1381 = arith.constant 0 : i32
        %scatter3A_1382 = arith.constant 0 : i32
        %scatter3A_1383 = arith.constant 0 : i32
        %scatter3A_1384 = tpu.memref_slice %arg7[%scan3A_467, %scatter3A_1379, %scatter3A_1380, %scatter3A_1381, %scatter3A_1382, %scatter3A_1383] : memref<2x1x8x1x8x129xf32, #tpu.memory_space<vmem>> -> memref<1x1x8x1x8x129xf32, #tpu.memory_space<vmem>>
        %scatter3A_1385 = tpu.memref_squeeze %scatter3A_1384 : memref<1x1x8x1x8x129xf32, #tpu.memory_space<vmem>> -> memref<1x8x1x8x129xf32, #tpu.memory_space<vmem>>
        tpu.vector_store_idx %scatter3A_1385[%broadcast_in_dim3A_1, %select_n3A_129, %broadcast_in_dim3A_1, %select_n3A_227, %add3A_1325], %mul3A_1378 : memref<1x8x1x8x129xf32, #tpu.memory_space<vmem>>[vector<16xi32>, vector<16xi32>, vector<16xi32>, vector<16xi32>, vector<16xi32>], vector<16xf32>,
        %mul3A_1386 = arith.constant 16 : i32
        %mul3A_1387 = arith.muli %scan3A_503, %mul3A_1386 : i32
        %add3A_1388 = arith.constant 13 : i32
        %add3A_1389 = arith.addi %mul3A_1387, %add3A_1388 : i32
        %broadcast_in_dim3A_1390 = arith.constant 0 : i32
        %broadcast_in_dim3A_1391 = vector.broadcast %broadcast_in_dim3A_1390 : i32 to vector<16xi32>
        %add3A_1392 = vector.broadcast %add3A_1389 : i32 to vector<16xi32>
        %add3A_1393 = arith.addi %broadcast_in_dim3A_1391, %add3A_1392 : vector<16xi32>
        %get3A_1394 = arith.constant 1 : i32
        %get3A_1395 = arith.index_cast %get3A_1394 : i32 to index
        %get3A_1396 = arith.index_cast %add3A_1389 : i32 to index
        %get3A_1397 = arith.constant 0 : index
        %get3A_1398 = tpu.vector_load %arg6[%get3A_1395, %get3A_1396, %get3A_1397] {strides = array<i32>} : memref<2x128x64xf32, #tpu.memory_space<vmem>>, vector<16xf32>,
        %mul3A_1399 = arith.constant 8.000000e+00 : f32
        %mul3A_1400 = vector.broadcast %mul3A_1399 : f32 to vector<16xf32>
        %mul3A_1401 = arith.mulf %get3A_1398, %mul3A_1400 : vector<16xf32>
        %scatter3A_1402 = arith.constant 0 : i32
        %scatter3A_1403 = arith.constant 0 : i32
        %scatter3A_1404 = arith.constant 0 : i32
        %scatter3A_1405 = arith.constant 0 : i32
        %scatter3A_1406 = arith.constant 0 : i32
        %scatter3A_1407 = tpu.memref_slice %arg7[%scan3A_467, %scatter3A_1402, %scatter3A_1403, %scatter3A_1404, %scatter3A_1405, %scatter3A_1406] : memref<2x1x8x1x8x129xf32, #tpu.memory_space<vmem>> -> memref<1x1x8x1x8x129xf32, #tpu.memory_space<vmem>>
        %scatter3A_1408 = tpu.memref_squeeze %scatter3A_1407 : memref<1x1x8x1x8x129xf32, #tpu.memory_space<vmem>> -> memref<1x8x1x8x129xf32, #tpu.memory_space<vmem>>
        tpu.vector_store_idx %scatter3A_1408[%broadcast_in_dim3A_1, %select_n3A, %broadcast_in_dim3A_1, %select_n3A_152, %add3A_1393], %mul3A_1401 : memref<1x8x1x8x129xf32, #tpu.memory_space<vmem>>[vector<16xi32>, vector<16xi32>, vector<16xi32>, vector<16xi32>, vector<16xi32>], vector<16xf32>,
        %get3A_1409 = arith.constant 1 : i32
        %get3A_1410 = arith.index_cast %get3A_1409 : i32 to index
        %get3A_1411 = arith.index_cast %add3A_1389 : i32 to index
        %get3A_1412 = arith.constant 16 : index
        %get3A_1413 = tpu.vector_load %arg6[%get3A_1410, %get3A_1411, %get3A_1412] {strides = array<i32>} : memref<2x128x64xf32, #tpu.memory_space<vmem>>, vector<16xf32>,
        %mul3A_1414 = arith.constant 8.000000e+00 : f32
        %mul3A_1415 = vector.broadcast %mul3A_1414 : f32 to vector<16xf32>
        %mul3A_1416 = arith.mulf %get3A_1413, %mul3A_1415 : vector<16xf32>
        %scatter3A_1417 = arith.constant 0 : i32
        %scatter3A_1418 = arith.constant 0 : i32
        %scatter3A_1419 = arith.constant 0 : i32
        %scatter3A_1420 = arith.constant 0 : i32
        %scatter3A_1421 = arith.constant 0 : i32
        %scatter3A_1422 = tpu.memref_slice %arg7[%scan3A_467, %scatter3A_1417, %scatter3A_1418, %scatter3A_1419, %scatter3A_1420, %scatter3A_1421] : memref<2x1x8x1x8x129xf32, #tpu.memory_space<vmem>> -> memref<1x1x8x1x8x129xf32, #tpu.memory_space<vmem>>
        %scatter3A_1423 = tpu.memref_squeeze %scatter3A_1422 : memref<1x1x8x1x8x129xf32, #tpu.memory_space<vmem>> -> memref<1x8x1x8x129xf32, #tpu.memory_space<vmem>>
        tpu.vector_store_idx %scatter3A_1423[%broadcast_in_dim3A_1, %select_n3A_61, %broadcast_in_dim3A_1, %select_n3A_177, %add3A_1393], %mul3A_1416 : memref<1x8x1x8x129xf32, #tpu.memory_space<vmem>>[vector<16xi32>, vector<16xi32>, vector<16xi32>, vector<16xi32>, vector<16xi32>], vector<16xf32>,
        %get3A_1424 = arith.constant 1 : i32
        %get3A_1425 = arith.index_cast %get3A_1424 : i32 to index
        %get3A_1426 = arith.index_cast %add3A_1389 : i32 to index
        %get3A_1427 = arith.constant 32 : index
        %get3A_1428 = tpu.vector_load %arg6[%get3A_1425, %get3A_1426, %get3A_1427] {strides = array<i32>} : memref<2x128x64xf32, #tpu.memory_space<vmem>>, vector<16xf32>,
        %mul3A_1429 = arith.constant 8.000000e+00 : f32
        %mul3A_1430 = vector.broadcast %mul3A_1429 : f32 to vector<16xf32>
        %mul3A_1431 = arith.mulf %get3A_1428, %mul3A_1430 : vector<16xf32>
        %scatter3A_1432 = arith.constant 0 : i32
        %scatter3A_1433 = arith.constant 0 : i32
        %scatter3A_1434 = arith.constant 0 : i32
        %scatter3A_1435 = arith.constant 0 : i32
        %scatter3A_1436 = arith.constant 0 : i32
        %scatter3A_1437 = tpu.memref_slice %arg7[%scan3A_467, %scatter3A_1432, %scatter3A_1433, %scatter3A_1434, %scatter3A_1435, %scatter3A_1436] : memref<2x1x8x1x8x129xf32, #tpu.memory_space<vmem>> -> memref<1x1x8x1x8x129xf32, #tpu.memory_space<vmem>>
        %scatter3A_1438 = tpu.memref_squeeze %scatter3A_1437 : memref<1x1x8x1x8x129xf32, #tpu.memory_space<vmem>> -> memref<1x8x1x8x129xf32, #tpu.memory_space<vmem>>
        tpu.vector_store_idx %scatter3A_1438[%broadcast_in_dim3A_1, %select_n3A_95, %broadcast_in_dim3A_1, %select_n3A_202, %add3A_1393], %mul3A_1431 : memref<1x8x1x8x129xf32, #tpu.memory_space<vmem>>[vector<16xi32>, vector<16xi32>, vector<16xi32>, vector<16xi32>, vector<16xi32>], vector<16xf32>,
        %get3A_1439 = arith.constant 1 : i32
        %get3A_1440 = arith.index_cast %get3A_1439 : i32 to index
        %get3A_1441 = arith.index_cast %add3A_1389 : i32 to index
        %get3A_1442 = arith.constant 48 : index
        %get3A_1443 = tpu.vector_load %arg6[%get3A_1440, %get3A_1441, %get3A_1442] {strides = array<i32>} : memref<2x128x64xf32, #tpu.memory_space<vmem>>, vector<16xf32>,
        %mul3A_1444 = arith.constant 8.000000e+00 : f32
        %mul3A_1445 = vector.broadcast %mul3A_1444 : f32 to vector<16xf32>
        %mul3A_1446 = arith.mulf %get3A_1443, %mul3A_1445 : vector<16xf32>
        %scatter3A_1447 = arith.constant 0 : i32
        %scatter3A_1448 = arith.constant 0 : i32
        %scatter3A_1449 = arith.constant 0 : i32
        %scatter3A_1450 = arith.constant 0 : i32
        %scatter3A_1451 = arith.constant 0 : i32
        %scatter3A_1452 = tpu.memref_slice %arg7[%scan3A_467, %scatter3A_1447, %scatter3A_1448, %scatter3A_1449, %scatter3A_1450, %scatter3A_1451] : memref<2x1x8x1x8x129xf32, #tpu.memory_space<vmem>> -> memref<1x1x8x1x8x129xf32, #tpu.memory_space<vmem>>
        %scatter3A_1453 = tpu.memref_squeeze %scatter3A_1452 : memref<1x1x8x1x8x129xf32, #tpu.memory_space<vmem>> -> memref<1x8x1x8x129xf32, #tpu.memory_space<vmem>>
        tpu.vector_store_idx %scatter3A_1453[%broadcast_in_dim3A_1, %select_n3A_129, %broadcast_in_dim3A_1, %select_n3A_227, %add3A_1393], %mul3A_1446 : memref<1x8x1x8x129xf32, #tpu.memory_space<vmem>>[vector<16xi32>, vector<16xi32>, vector<16xi32>, vector<16xi32>, vector<16xi32>], vector<16xf32>,
        %mul3A_1454 = arith.constant 16 : i32
        %mul3A_1455 = arith.muli %scan3A_503, %mul3A_1454 : i32
        %add3A_1456 = arith.constant 14 : i32
        %add3A_1457 = arith.addi %mul3A_1455, %add3A_1456 : i32
        %broadcast_in_dim3A_1458 = arith.constant 0 : i32
        %broadcast_in_dim3A_1459 = vector.broadcast %broadcast_in_dim3A_1458 : i32 to vector<16xi32>
        %add3A_1460 = vector.broadcast %add3A_1457 : i32 to vector<16xi32>
        %add3A_1461 = arith.addi %broadcast_in_dim3A_1459, %add3A_1460 : vector<16xi32>
        %get3A_1462 = arith.constant 1 : i32
        %get3A_1463 = arith.index_cast %get3A_1462 : i32 to index
        %get3A_1464 = arith.index_cast %add3A_1457 : i32 to index
        %get3A_1465 = arith.constant 0 : index
        %get3A_1466 = tpu.vector_load %arg6[%get3A_1463, %get3A_1464, %get3A_1465] {strides = array<i32>} : memref<2x128x64xf32, #tpu.memory_space<vmem>>, vector<16xf32>,
        %mul3A_1467 = arith.constant 8.000000e+00 : f32
        %mul3A_1468 = vector.broadcast %mul3A_1467 : f32 to vector<16xf32>
        %mul3A_1469 = arith.mulf %get3A_1466, %mul3A_1468 : vector<16xf32>
        %scatter3A_1470 = arith.constant 0 : i32
        %scatter3A_1471 = arith.constant 0 : i32
        %scatter3A_1472 = arith.constant 0 : i32
        %scatter3A_1473 = arith.constant 0 : i32
        %scatter3A_1474 = arith.constant 0 : i32
        %scatter3A_1475 = tpu.memref_slice %arg7[%scan3A_467, %scatter3A_1470, %scatter3A_1471, %scatter3A_1472, %scatter3A_1473, %scatter3A_1474] : memref<2x1x8x1x8x129xf32, #tpu.memory_space<vmem>> -> memref<1x1x8x1x8x129xf32, #tpu.memory_space<vmem>>
        %scatter3A_1476 = tpu.memref_squeeze %scatter3A_1475 : memref<1x1x8x1x8x129xf32, #tpu.memory_space<vmem>> -> memref<1x8x1x8x129xf32, #tpu.memory_space<vmem>>
        tpu.vector_store_idx %scatter3A_1476[%broadcast_in_dim3A_1, %select_n3A, %broadcast_in_dim3A_1, %select_n3A_152, %add3A_1461], %mul3A_1469 : memref<1x8x1x8x129xf32, #tpu.memory_space<vmem>>[vector<16xi32>, vector<16xi32>, vector<16xi32>, vector<16xi32>, vector<16xi32>], vector<16xf32>,
        %get3A_1477 = arith.constant 1 : i32
        %get3A_1478 = arith.index_cast %get3A_1477 : i32 to index
        %get3A_1479 = arith.index_cast %add3A_1457 : i32 to index
        %get3A_1480 = arith.constant 16 : index
        %get3A_1481 = tpu.vector_load %arg6[%get3A_1478, %get3A_1479, %get3A_1480] {strides = array<i32>} : memref<2x128x64xf32, #tpu.memory_space<vmem>>, vector<16xf32>,
        %mul3A_1482 = arith.constant 8.000000e+00 : f32
        %mul3A_1483 = vector.broadcast %mul3A_1482 : f32 to vector<16xf32>
        %mul3A_1484 = arith.mulf %get3A_1481, %mul3A_1483 : vector<16xf32>
        %scatter3A_1485 = arith.constant 0 : i32
        %scatter3A_1486 = arith.constant 0 : i32
        %scatter3A_1487 = arith.constant 0 : i32
        %scatter3A_1488 = arith.constant 0 : i32
        %scatter3A_1489 = arith.constant 0 : i32
        %scatter3A_1490 = tpu.memref_slice %arg7[%scan3A_467, %scatter3A_1485, %scatter3A_1486, %scatter3A_1487, %scatter3A_1488, %scatter3A_1489] : memref<2x1x8x1x8x129xf32, #tpu.memory_space<vmem>> -> memref<1x1x8x1x8x129xf32, #tpu.memory_space<vmem>>
        %scatter3A_1491 = tpu.memref_squeeze %scatter3A_1490 : memref<1x1x8x1x8x129xf32, #tpu.memory_space<vmem>> -> memref<1x8x1x8x129xf32, #tpu.memory_space<vmem>>
        tpu.vector_store_idx %scatter3A_1491[%broadcast_in_dim3A_1, %select_n3A_61, %broadcast_in_dim3A_1, %select_n3A_177, %add3A_1461], %mul3A_1484 : memref<1x8x1x8x129xf32, #tpu.memory_space<vmem>>[vector<16xi32>, vector<16xi32>, vector<16xi32>, vector<16xi32>, vector<16xi32>], vector<16xf32>,
        %get3A_1492 = arith.constant 1 : i32
        %get3A_1493 = arith.index_cast %get3A_1492 : i32 to index
        %get3A_1494 = arith.index_cast %add3A_1457 : i32 to index
        %get3A_1495 = arith.constant 32 : index
        %get3A_1496 = tpu.vector_load %arg6[%get3A_1493, %get3A_1494, %get3A_1495] {strides = array<i32>} : memref<2x128x64xf32, #tpu.memory_space<vmem>>, vector<16xf32>,
        %mul3A_1497 = arith.constant 8.000000e+00 : f32
        %mul3A_1498 = vector.broadcast %mul3A_1497 : f32 to vector<16xf32>
        %mul3A_1499 = arith.mulf %get3A_1496, %mul3A_1498 : vector<16xf32>
        %scatter3A_1500 = arith.constant 0 : i32
        %scatter3A_1501 = arith.constant 0 : i32
        %scatter3A_1502 = arith.constant 0 : i32
        %scatter3A_1503 = arith.constant 0 : i32
        %scatter3A_1504 = arith.constant 0 : i32
        %scatter3A_1505 = tpu.memref_slice %arg7[%scan3A_467, %scatter3A_1500, %scatter3A_1501, %scatter3A_1502, %scatter3A_1503, %scatter3A_1504] : memref<2x1x8x1x8x129xf32, #tpu.memory_space<vmem>> -> memref<1x1x8x1x8x129xf32, #tpu.memory_space<vmem>>
        %scatter3A_1506 = tpu.memref_squeeze %scatter3A_1505 : memref<1x1x8x1x8x129xf32, #tpu.memory_space<vmem>> -> memref<1x8x1x8x129xf32, #tpu.memory_space<vmem>>
        tpu.vector_store_idx %scatter3A_1506[%broadcast_in_dim3A_1, %select_n3A_95, %broadcast_in_dim3A_1, %select_n3A_202, %add3A_1461], %mul3A_1499 : memref<1x8x1x8x129xf32, #tpu.memory_space<vmem>>[vector<16xi32>, vector<16xi32>, vector<16xi32>, vector<16xi32>, vector<16xi32>], vector<16xf32>,
        %get3A_1507 = arith.constant 1 : i32
        %get3A_1508 = arith.index_cast %get3A_1507 : i32 to index
        %get3A_1509 = arith.index_cast %add3A_1457 : i32 to index
        %get3A_1510 = arith.constant 48 : index
        %get3A_1511 = tpu.vector_load %arg6[%get3A_1508, %get3A_1509, %get3A_1510] {strides = array<i32>} : memref<2x128x64xf32, #tpu.memory_space<vmem>>, vector<16xf32>,
        %mul3A_1512 = arith.constant 8.000000e+00 : f32
        %mul3A_1513 = vector.broadcast %mul3A_1512 : f32 to vector<16xf32>
        %mul3A_1514 = arith.mulf %get3A_1511, %mul3A_1513 : vector<16xf32>
        %scatter3A_1515 = arith.constant 0 : i32
        %scatter3A_1516 = arith.constant 0 : i32
        %scatter3A_1517 = arith.constant 0 : i32
        %scatter3A_1518 = arith.constant 0 : i32
        %scatter3A_1519 = arith.constant 0 : i32
        %scatter3A_1520 = tpu.memref_slice %arg7[%scan3A_467, %scatter3A_1515, %scatter3A_1516, %scatter3A_1517, %scatter3A_1518, %scatter3A_1519] : memref<2x1x8x1x8x129xf32, #tpu.memory_space<vmem>> -> memref<1x1x8x1x8x129xf32, #tpu.memory_space<vmem>>
        %scatter3A_1521 = tpu.memref_squeeze %scatter3A_1520 : memref<1x1x8x1x8x129xf32, #tpu.memory_space<vmem>> -> memref<1x8x1x8x129xf32, #tpu.memory_space<vmem>>
        tpu.vector_store_idx %scatter3A_1521[%broadcast_in_dim3A_1, %select_n3A_129, %broadcast_in_dim3A_1, %select_n3A_227, %add3A_1461], %mul3A_1514 : memref<1x8x1x8x129xf32, #tpu.memory_space<vmem>>[vector<16xi32>, vector<16xi32>, vector<16xi32>, vector<16xi32>, vector<16xi32>], vector<16xf32>,
        %mul3A_1522 = arith.constant 16 : i32
        %mul3A_1523 = arith.muli %scan3A_503, %mul3A_1522 : i32
        %add3A_1524 = arith.constant 15 : i32
        %add3A_1525 = arith.addi %mul3A_1523, %add3A_1524 : i32
        %broadcast_in_dim3A_1526 = arith.constant 0 : i32
        %broadcast_in_dim3A_1527 = vector.broadcast %broadcast_in_dim3A_1526 : i32 to vector<16xi32>
        %add3A_1528 = vector.broadcast %add3A_1525 : i32 to vector<16xi32>
        %add3A_1529 = arith.addi %broadcast_in_dim3A_1527, %add3A_1528 : vector<16xi32>
        %get3A_1530 = arith.constant 1 : i32
        %get3A_1531 = arith.index_cast %get3A_1530 : i32 to index
        %get3A_1532 = arith.index_cast %add3A_1525 : i32 to index
        %get3A_1533 = arith.constant 0 : index
        %get3A_1534 = tpu.vector_load %arg6[%get3A_1531, %get3A_1532, %get3A_1533] {strides = array<i32>} : memref<2x128x64xf32, #tpu.memory_space<vmem>>, vector<16xf32>,
        %mul3A_1535 = arith.constant 8.000000e+00 : f32
        %mul3A_1536 = vector.broadcast %mul3A_1535 : f32 to vector<16xf32>
        %mul3A_1537 = arith.mulf %get3A_1534, %mul3A_1536 : vector<16xf32>
        %scatter3A_1538 = arith.constant 0 : i32
        %scatter3A_1539 = arith.constant 0 : i32
        %scatter3A_1540 = arith.constant 0 : i32
        %scatter3A_1541 = arith.constant 0 : i32
        %scatter3A_1542 = arith.constant 0 : i32
        %scatter3A_1543 = tpu.memref_slice %arg7[%scan3A_467, %scatter3A_1538, %scatter3A_1539, %scatter3A_1540, %scatter3A_1541, %scatter3A_1542] : memref<2x1x8x1x8x129xf32, #tpu.memory_space<vmem>> -> memref<1x1x8x1x8x129xf32, #tpu.memory_space<vmem>>
        %scatter3A_1544 = tpu.memref_squeeze %scatter3A_1543 : memref<1x1x8x1x8x129xf32, #tpu.memory_space<vmem>> -> memref<1x8x1x8x129xf32, #tpu.memory_space<vmem>>
        tpu.vector_store_idx %scatter3A_1544[%broadcast_in_dim3A_1, %select_n3A, %broadcast_in_dim3A_1, %select_n3A_152, %add3A_1529], %mul3A_1537 : memref<1x8x1x8x129xf32, #tpu.memory_space<vmem>>[vector<16xi32>, vector<16xi32>, vector<16xi32>, vector<16xi32>, vector<16xi32>], vector<16xf32>,
        %get3A_1545 = arith.constant 1 : i32
        %get3A_1546 = arith.index_cast %get3A_1545 : i32 to index
        %get3A_1547 = arith.index_cast %add3A_1525 : i32 to index
        %get3A_1548 = arith.constant 16 : index
        %get3A_1549 = tpu.vector_load %arg6[%get3A_1546, %get3A_1547, %get3A_1548] {strides = array<i32>} : memref<2x128x64xf32, #tpu.memory_space<vmem>>, vector<16xf32>,
        %mul3A_1550 = arith.constant 8.000000e+00 : f32
        %mul3A_1551 = vector.broadcast %mul3A_1550 : f32 to vector<16xf32>
        %mul3A_1552 = arith.mulf %get3A_1549, %mul3A_1551 : vector<16xf32>
        %scatter3A_1553 = arith.constant 0 : i32
        %scatter3A_1554 = arith.constant 0 : i32
        %scatter3A_1555 = arith.constant 0 : i32
        %scatter3A_1556 = arith.constant 0 : i32
        %scatter3A_1557 = arith.constant 0 : i32
        %scatter3A_1558 = tpu.memref_slice %arg7[%scan3A_467, %scatter3A_1553, %scatter3A_1554, %scatter3A_1555, %scatter3A_1556, %scatter3A_1557] : memref<2x1x8x1x8x129xf32, #tpu.memory_space<vmem>> -> memref<1x1x8x1x8x129xf32, #tpu.memory_space<vmem>>
        %scatter3A_1559 = tpu.memref_squeeze %scatter3A_1558 : memref<1x1x8x1x8x129xf32, #tpu.memory_space<vmem>> -> memref<1x8x1x8x129xf32, #tpu.memory_space<vmem>>
        tpu.vector_store_idx %scatter3A_1559[%broadcast_in_dim3A_1, %select_n3A_61, %broadcast_in_dim3A_1, %select_n3A_177, %add3A_1529], %mul3A_1552 : memref<1x8x1x8x129xf32, #tpu.memory_space<vmem>>[vector<16xi32>, vector<16xi32>, vector<16xi32>, vector<16xi32>, vector<16xi32>], vector<16xf32>,
        %get3A_1560 = arith.constant 1 : i32
        %get3A_1561 = arith.index_cast %get3A_1560 : i32 to index
        %get3A_1562 = arith.index_cast %add3A_1525 : i32 to index
        %get3A_1563 = arith.constant 32 : index
        %get3A_1564 = tpu.vector_load %arg6[%get3A_1561, %get3A_1562, %get3A_1563] {strides = array<i32>} : memref<2x128x64xf32, #tpu.memory_space<vmem>>, vector<16xf32>,
        %mul3A_1565 = arith.constant 8.000000e+00 : f32
        %mul3A_1566 = vector.broadcast %mul3A_1565 : f32 to vector<16xf32>
        %mul3A_1567 = arith.mulf %get3A_1564, %mul3A_1566 : vector<16xf32>
        %scatter3A_1568 = arith.constant 0 : i32
        %scatter3A_1569 = arith.constant 0 : i32
        %scatter3A_1570 = arith.constant 0 : i32
        %scatter3A_1571 = arith.constant 0 : i32
        %scatter3A_1572 = arith.constant 0 : i32
        %scatter3A_1573 = tpu.memref_slice %arg7[%scan3A_467, %scatter3A_1568, %scatter3A_1569, %scatter3A_1570, %scatter3A_1571, %scatter3A_1572] : memref<2x1x8x1x8x129xf32, #tpu.memory_space<vmem>> -> memref<1x1x8x1x8x129xf32, #tpu.memory_space<vmem>>
        %scatter3A_1574 = tpu.memref_squeeze %scatter3A_1573 : memref<1x1x8x1x8x129xf32, #tpu.memory_space<vmem>> -> memref<1x8x1x8x129xf32, #tpu.memory_space<vmem>>
        tpu.vector_store_idx %scatter3A_1574[%broadcast_in_dim3A_1, %select_n3A_95, %broadcast_in_dim3A_1, %select_n3A_202, %add3A_1529], %mul3A_1567 : memref<1x8x1x8x129xf32, #tpu.memory_space<vmem>>[vector<16xi32>, vector<16xi32>, vector<16xi32>, vector<16xi32>, vector<16xi32>], vector<16xf32>,
        %get3A_1575 = arith.constant 1 : i32
        %get3A_1576 = arith.index_cast %get3A_1575 : i32 to index
        %get3A_1577 = arith.index_cast %add3A_1525 : i32 to index
        %get3A_1578 = arith.constant 48 : index
        %get3A_1579 = tpu.vector_load %arg6[%get3A_1576, %get3A_1577, %get3A_1578] {strides = array<i32>} : memref<2x128x64xf32, #tpu.memory_space<vmem>>, vector<16xf32>,
        %mul3A_1580 = arith.constant 8.000000e+00 : f32
        %mul3A_1581 = vector.broadcast %mul3A_1580 : f32 to vector<16xf32>
        %mul3A_1582 = arith.mulf %get3A_1579, %mul3A_1581 : vector<16xf32>
        %scatter3A_1583 = arith.constant 0 : i32
        %scatter3A_1584 = arith.constant 0 : i32
        %scatter3A_1585 = arith.constant 0 : i32
        %scatter3A_1586 = arith.constant 0 : i32
        %scatter3A_1587 = arith.constant 0 : i32
        %scatter3A_1588 = tpu.memref_slice %arg7[%scan3A_467, %scatter3A_1583, %scatter3A_1584, %scatter3A_1585, %scatter3A_1586, %scatter3A_1587] : memref<2x1x8x1x8x129xf32, #tpu.memory_space<vmem>> -> memref<1x1x8x1x8x129xf32, #tpu.memory_space<vmem>>
        %scatter3A_1589 = tpu.memref_squeeze %scatter3A_1588 : memref<1x1x8x1x8x129xf32, #tpu.memory_space<vmem>> -> memref<1x8x1x8x129xf32, #tpu.memory_space<vmem>>
        tpu.vector_store_idx %scatter3A_1589[%broadcast_in_dim3A_1, %select_n3A_129, %broadcast_in_dim3A_1, %select_n3A_227, %add3A_1529], %mul3A_1582 : memref<1x8x1x8x129xf32, #tpu.memory_space<vmem>>[vector<16xi32>, vector<16xi32>, vector<16xi32>, vector<16xi32>, vector<16xi32>], vector<16xf32>,
      }
      %scan3A_472 = arith.constant 8 : i32
      %dma_start3A_473 = arith.constant 1 : i32
      %dma_start3A_474 = arith.constant 0 : i32
      %dma_start3A_475 = arith.constant 0 : i32
      %dma_start3A_476 = arith.constant 0 : i32
      %dma_start3A_477 = arith.constant 0 : i32
      %dma_start3A_478 = arith.constant 0 : i32
      %dma_start3A_479 = tpu.memref_slice %arg7[%dma_start3A_473, %dma_start3A_474, %dma_start3A_475, %dma_start3A_476, %dma_start3A_477, %dma_start3A_478] : memref<2x1x8x1x8x129xf32, #tpu.memory_space<vmem>> -> memref<1x1x8x1x8x128xf32, #tpu.memory_space<vmem>>
      %dma_start3A_480 = tpu.memref_squeeze %dma_start3A_479 : memref<1x1x8x1x8x128xf32, #tpu.memory_space<vmem>> -> memref<1x8x1x8x128xf32, #tpu.memory_space<vmem>>
      %dma_start3A_481 = arith.constant 0 : i32
      %dma_start3A_482 = arith.constant 0 : i32
      %dma_start3A_483 = arith.constant 0 : i32
      %dma_start3A_484 = tpu.memref_slice %arg4[%add3A_408, %dma_start3A_481, %add3A, %dma_start3A_482, %dma_start3A_483] : memref<200x8x32x8x128xf32, #tpu.memory_space<hbm>> -> memref<1x8x1x8x128xf32, #tpu.memory_space<hbm>>
      %dma_start3A_485 = arith.constant 0 : i32
      %dma_start3A_486 = arith.constant 0 : i32
      %dma_start3A_487 = arith.constant 0 : i32
      %dma_start3A_488 = tpu.memref_slice %arg4[%add3A_408, %dma_start3A_485, %add3A, %dma_start3A_486, %dma_start3A_487] : memref<200x8x32x8x128xf32, #tpu.memory_space<hbm>> -> memref<1x8x1x8x128xf32, #tpu.memory_space<hbm>>
      %dma_start3A_489 = arith.constant 0 : i32
      %dma_start3A_490 = arith.constant 0 : i32
      %dma_start3A_491 = arith.constant 0 : i32
      %dma_start3A_492 = arith.constant 0 : i32
      %dma_start3A_493 = arith.constant 0 : i32
      %dma_start3A_494 = tpu.memref_slice %arg7[%dma_start3A_473, %dma_start3A_489, %dma_start3A_490, %dma_start3A_491, %dma_start3A_492, %dma_start3A_493] : memref<2x1x8x1x8x129xf32, #tpu.memory_space<vmem>> -> memref<1x1x8x1x8x128xf32, #tpu.memory_space<vmem>>
      %dma_start3A_495 = tpu.memref_squeeze %dma_start3A_494 : memref<1x1x8x1x8x128xf32, #tpu.memory_space<vmem>> -> memref<1x8x1x8x128xf32, #tpu.memory_space<vmem>>
      tpu.enqueue_dma source(%dma_start3A_495 : memref<1x8x1x8x128xf32, #tpu.memory_space<vmem>>) target(%dma_start3A_488 : memref<1x8x1x8x128xf32, #tpu.memory_space<hbm>>) target_semaphore(%arg11 : memref<!tpu.dma_semaphore, #tpu.memory_space<semaphore_mem>>)
      %add3A_496 = arith.constant 2 : i32
      %add3A_497 = arith.addi %add3A_408, %add3A_496 : i32
      %lt3A_498 = arith.constant 200 : i32
      %lt3A_499 = arith.cmpi slt, %add3A_497, %lt3A_498 : i32
      %convert_element_type3A_500 = arith.extui %lt3A_499 : i1 to i32
      %cond3A_501 = arith.constant 0 : i32
      %cond3A_502 = arith.cmpi ne, %convert_element_type3A_500, %cond3A_501 : i32
      scf.if %cond3A_502 {
        %add3A_503 = arith.constant 2 : i32
        %add3A_504 = arith.addi %add3A_408, %add3A_503 : i32
        %jit3A_505 = arith.constant 8 : i32
        %div3A_506 = arith.divsi %add3A_504, %jit3A_505 : i32
        %sign3A_507 = arith.constant 0 : i32
        %sign3A_508 = arith.cmpi sgt, %add3A_504, %sign3A_507 : i32
        %sign3A_509 = arith.extui %sign3A_508 : i1 to i32
        %sign3A_510 = arith.constant 0 : i32
        %sign3A_511 = arith.cmpi slt, %add3A_504, %sign3A_510 : i32
        %sign3A_512 = arith.extui %sign3A_511 : i1 to i32
        %sign3A_513 = arith.subi %sign3A_509, %sign3A_512 : i32
        %sign3A_514 = arith.constant 0 : i32
        %sign3A_515 = arith.cmpi sgt, %jit3A_505, %sign3A_514 : i32
        %sign3A_516 = arith.extui %sign3A_515 : i1 to i32
        %sign3A_517 = arith.constant 0 : i32
        %sign3A_518 = arith.cmpi slt, %jit3A_505, %sign3A_517 : i32
        %sign3A_519 = arith.extui %sign3A_518 : i1 to i32
        %sign3A_520 = arith.subi %sign3A_516, %sign3A_519 : i32
        %ne3A_521 = arith.cmpi ne, %sign3A_513, %sign3A_520 : i32
        %rem3A_522 = arith.remsi %add3A_504, %jit3A_505 : i32
        %ne3A_523 = arith.constant 0 : i32
        %ne3A_524 = arith.cmpi ne, %rem3A_522, %ne3A_523 : i32
        %and3A_525 = arith.andi %ne3A_521, %ne3A_524 : i1
        %sub3A_526 = arith.constant 1 : i32
        %sub3A_527 = arith.subi %div3A_506, %sub3A_526 : i32
        %select_n3A_528 = arith.select %and3A_525, %sub3A_527, %div3A_506 : i32
        %jit3A_529 = arith.constant 8 : i32
        %eq3A_530 = arith.constant 0 : i32
        %eq3A_531 = arith.cmpi eq, %jit3A_529, %eq3A_530 : i32
        %jit3A_532 = arith.constant 1 : i32
        %select_n3A_533 = arith.select %eq3A_531, %jit3A_532, %jit3A_529 : i32
        %rem3A_534 = arith.remsi %add3A_504, %select_n3A_533 : i32
        %ne3A_535 = arith.constant 0 : i32
        %ne3A_536 = arith.cmpi ne, %rem3A_534, %ne3A_535 : i32
        %lt3A_537 = arith.constant 0 : i32
        %lt3A_538 = arith.cmpi slt, %rem3A_534, %lt3A_537 : i32
        %lt3A_539 = arith.constant 0 : i32
        %lt3A_540 = arith.cmpi slt, %select_n3A_533, %lt3A_539 : i32
        %ne3A_541 = arith.xori %lt3A_538, %lt3A_540 : i1
        %and3A_542 = arith.andi %ne3A_541, %ne3A_536 : i1
        %add3A_543 = arith.addi %rem3A_534, %select_n3A_533 : i32
        %select_n3A_544 = arith.select %and3A_542, %add3A_543, %rem3A_534 : i32
        %dma_start3A_545 = arith.constant 0 : i32
        %dma_start3A_546 = arith.constant 1 : i32
        %dma_start3A_547 = arith.constant 0 : i32
        %dma_start3A_548 = arith.constant 0 : i32
        %dma_start3A_549 = tpu.memref_slice %arg6[%dma_start3A_546, %dma_start3A_547, %dma_start3A_548] : memref<2x128x64xf32, #tpu.memory_space<vmem>> -> memref<1x128x64xf32, #tpu.memory_space<vmem>>
        %dma_start3A_550 = tpu.memref_squeeze %dma_start3A_549 : memref<1x128x64xf32, #tpu.memory_space<vmem>> -> memref<128x64xf32, #tpu.memory_space<vmem>>
        %dma_start3A_551 = arith.constant 0 : i32
        %dma_start3A_552 = tpu.memref_slice %arg5[%select_n3A_528, %dma_start3A_545, %select_n3A_544, %dma_start3A_551] : memref<25x1x8x128xi32, #tpu.memory_space<vmem>> -> memref<1x1x1x128xi32, #tpu.memory_space<vmem>>
        %dma_start3A_553 = tpu.memref_squeeze %dma_start3A_552 : memref<1x1x1x128xi32, #tpu.memory_space<vmem>> -> memref<128xi32, #tpu.memory_space<vmem>>
        %dma_start3A_554 = arith.constant 0 : i32
        %dma_start3A_555 = arith.constant 0 : i32
        %dma_start3A_556 = tpu.memref_slice %arg3[%dma_start3A_554, %dma_start3A_555] : memref<1000000x64xf32, #tpu.memory_space<hbm>> -> memref<1000000x64xf32, #tpu.memory_space<hbm>>
        tpu.enqueue_indirect_dma source(%dma_start3A_556 : memref<1000000x64xf32, #tpu.memory_space<hbm>>) target(%dma_start3A_550 : memref<128x64xf32, #tpu.memory_space<vmem>>) offsets(%dma_start3A_553 : memref<128xi32, #tpu.memory_space<vmem>>) semaphore(%arg9 : memref<!tpu.dma_semaphore, #tpu.memory_space<semaphore_mem>>)
      } else {
      }
    }
    %scan3A_259 = arith.constant 100 : i32
    %dma_wait3A = arith.constant 0 : i32
    %dma_wait3A_260 = arith.constant 0 : i32
    %dma_wait3A_261 = arith.constant 0 : i32
    %dma_wait3A_262 = arith.constant 0 : i32
    %dma_wait3A_263 = arith.constant 0 : i32
    %dma_wait3A_264 = arith.constant 0 : i32
    %dma_wait3A_265 = tpu.memref_slice %arg7[%dma_wait3A, %dma_wait3A_260, %dma_wait3A_261, %dma_wait3A_262, %dma_wait3A_263, %dma_wait3A_264] : memref<2x1x8x1x8x129xf32, #tpu.memory_space<vmem>> -> memref<1x1x8x1x8x128xf32, #tpu.memory_space<vmem>>
    %dma_wait3A_266 = tpu.memref_squeeze %dma_wait3A_265 : memref<1x1x8x1x8x128xf32, #tpu.memory_space<vmem>> -> memref<1x8x1x8x128xf32, #tpu.memory_space<vmem>>
    %dma_wait3A_267 = arith.constant 198 : i32
    %dma_wait3A_268 = arith.constant 0 : i32
    %dma_wait3A_269 = arith.constant 0 : i32
    %dma_wait3A_270 = arith.constant 0 : i32
    %dma_wait3A_271 = tpu.memref_slice %arg4[%dma_wait3A_267, %dma_wait3A_268, %add3A, %dma_wait3A_269, %dma_wait3A_270] : memref<200x8x32x8x128xf32, #tpu.memory_space<hbm>> -> memref<1x8x1x8x128xf32, #tpu.memory_space<hbm>>
    %dma_wait3A_272 = arith.constant 198 : i32
    %dma_wait3A_273 = arith.constant 0 : i32
    %dma_wait3A_274 = arith.constant 0 : i32
    %dma_wait3A_275 = arith.constant 0 : i32
    %dma_wait3A_276 = tpu.memref_slice %arg4[%dma_wait3A_272, %dma_wait3A_273, %add3A, %dma_wait3A_274, %dma_wait3A_275] : memref<200x8x32x8x128xf32, #tpu.memory_space<hbm>> -> memref<1x8x1x8x128xf32, #tpu.memory_space<hbm>>
    %dma_wait3A_277 = arith.constant 0 : i32
    %dma_wait3A_278 = arith.constant 0 : i32
    %dma_wait3A_279 = arith.constant 0 : i32
    %dma_wait3A_280 = arith.constant 0 : i32
    %dma_wait3A_281 = arith.constant 0 : i32
    %dma_wait3A_282 = tpu.memref_slice %arg7[%dma_wait3A, %dma_wait3A_277, %dma_wait3A_278, %dma_wait3A_279, %dma_wait3A_280, %dma_wait3A_281] : memref<2x1x8x1x8x129xf32, #tpu.memory_space<vmem>> -> memref<1x1x8x1x8x128xf32, #tpu.memory_space<vmem>>
    %dma_wait3A_283 = tpu.memref_squeeze %dma_wait3A_282 : memref<1x1x8x1x8x128xf32, #tpu.memory_space<vmem>> -> memref<1x8x1x8x128xf32, #tpu.memory_space<vmem>>
    tpu.wait_dma2 semaphore(%arg10 : memref<!tpu.dma_semaphore, #tpu.memory_space<semaphore_mem>>) src(%dma_wait3A_283 : memref<1x8x1x8x128xf32, #tpu.memory_space<vmem>>) dst(%dma_wait3A_276 : memref<1x8x1x8x128xf32, #tpu.memory_space<hbm>>)
    %dma_wait3A_284 = arith.constant 1 : i32
    %dma_wait3A_285 = arith.constant 0 : i32
    %dma_wait3A_286 = arith.constant 0 : i32
    %dma_wait3A_287 = arith.constant 0 : i32
    %dma_wait3A_288 = arith.constant 0 : i32
    %dma_wait3A_289 = arith.constant 0 : i32
    %dma_wait3A_290 = tpu.memref_slice %arg7[%dma_wait3A_284, %dma_wait3A_285, %dma_wait3A_286, %dma_wait3A_287, %dma_wait3A_288, %dma_wait3A_289] : memref<2x1x8x1x8x129xf32, #tpu.memory_space<vmem>> -> memref<1x1x8x1x8x128xf32, #tpu.memory_space<vmem>>
    %dma_wait3A_291 = tpu.memref_squeeze %dma_wait3A_290 : memref<1x1x8x1x8x128xf32, #tpu.memory_space<vmem>> -> memref<1x8x1x8x128xf32, #tpu.memory_space<vmem>>
    %dma_wait3A_292 = arith.constant 199 : i32
    %dma_wait3A_293 = arith.constant 0 : i32
    %dma_wait3A_294 = arith.constant 0 : i32
    %dma_wait3A_295 = arith.constant 0 : i32
    %dma_wait3A_296 = tpu.memref_slice %arg4[%dma_wait3A_292, %dma_wait3A_293, %add3A, %dma_wait3A_294, %dma_wait3A_295] : memref<200x8x32x8x128xf32, #tpu.memory_space<hbm>> -> memref<1x8x1x8x128xf32, #tpu.memory_space<hbm>>
    %dma_wait3A_297 = arith.constant 199 : i32
    %dma_wait3A_298 = arith.constant 0 : i32
    %dma_wait3A_299 = arith.constant 0 : i32
    %dma_wait3A_300 = arith.constant 0 : i32
    %dma_wait3A_301 = tpu.memref_slice %arg4[%dma_wait3A_297, %dma_wait3A_298, %add3A, %dma_wait3A_299, %dma_wait3A_300] : memref<200x8x32x8x128xf32, #tpu.memory_space<hbm>> -> memref<1x8x1x8x128xf32, #tpu.memory_space<hbm>>
    %dma_wait3A_302 = arith.constant 0 : i32
    %dma_wait3A_303 = arith.constant 0 : i32
    %dma_wait3A_304 = arith.constant 0 : i32
    %dma_wait3A_305 = arith.constant 0 : i32
    %dma_wait3A_306 = arith.constant 0 : i32
    %dma_wait3A_307 = tpu.memref_slice %arg7[%dma_wait3A_284, %dma_wait3A_302, %dma_wait3A_303, %dma_wait3A_304, %dma_wait3A_305, %dma_wait3A_306] : memref<2x1x8x1x8x129xf32, #tpu.memory_space<vmem>> -> memref<1x1x8x1x8x128xf32, #tpu.memory_space<vmem>>
    %dma_wait3A_308 = tpu.memref_squeeze %dma_wait3A_307 : memref<1x1x8x1x8x128xf32, #tpu.memory_space<vmem>> -> memref<1x8x1x8x128xf32, #tpu.memory_space<vmem>>
    tpu.wait_dma2 semaphore(%arg11 : memref<!tpu.dma_semaphore, #tpu.memory_space<semaphore_mem>>) src(%dma_wait3A_308 : memref<1x8x1x8x128xf32, #tpu.memory_space<vmem>>) dst(%dma_wait3A_301 : memref<1x8x1x8x128xf32, #tpu.memory_space<hbm>>)
    return
  }
}

</mosaic_0001>

<sc_bundles>
// kernel: kernel.3.cloned.1.call-start
scs
__scs_entry_jumppad:
0x0: {  	(pc) =	sbr.rel $0x88, $3  }
0x1: {  	(tag) =	ssettag $0x0;
	lr =	simm.s32 $0x1  }
0x2: {  	[smem:$0x3F9F] =	sst lr;
	_ =	strace $0xD0000000  }
0x3: {  	_ = 	snop  }
0x4: {  	_ = 	snop  }
0x5: {  	_ = 	snop  }
0x6: {  	_ = 	snop  }
0x7: {  	_ = 	snop  }
__scs_overlays_trampoline_lowered:
0x8: {  	[smem:$0x3FAE] =	sst s0  }
0x9: {  	[smem:$0x3FAF] =	sst s1  }
0xa: {  	[smem:$0x3FB0] =	sst s2  }
0xb: {  	[smem:$0x3FB1] =	sst s3  }
0xc: {  	[smem:$0x3FB2] =	sst s4  }
0xd: {  	[smem:$0x3FB3] =	sst s5  }
0xe: {  	[smem:$0x3FB4] =	sst s6  }
0xf: {  	[smem:$0x3FB5] =	sst s7  }
0x10: {  	[smem:$0x3FB6] =	sst s8  }
0x11: {  	[smem:$0x3FB7] =	sst s9;
	s0 =	simm.s32 @!p0 $0x0  }
0x12: {  	s1 =	sld [smem:$0x3F9D];
	s0 =	simm.s32 @p0 $0x1  }
0x13: {  	[smem:$0x3FB8] =	sst s0;
	s0 =	simm.s32 @!p1 $0x0  }
0x14: {  	s2 =	sld [smem:$0x3F9C];
	s0 =	simm.s32 @p1 $0x1  }
0x15: {  	[smem:$0x3FB9] =	sst s0;
	s0 =	simm.s32 @!p2 $0x0  }
0x16: {  	s3 =	sld [smem:$0x3FDB];
	s0 =	simm.s32 @p2 $0x1  }
0x17: {  	s4 =	simm.s32 $0x1BF5;
	[smem:$0x3FBB] =	sst s0  }
0x18: {  	s0 =	sld [smem:$0x3F9E];
	_ =	swait.ge [sflag:s4], $0x0  }
0x19: {  	s7 =	sld [smem:$0x3F9F]  }
0x1a: {  	s8 =	sadd.s32 $0xFFFFE003, lr  }
0x1b: {  	s9 =	sadd.s32 $0xFFFFFEF7, lr;
	s5 =	simm.s32 $0xFFFFFFFF;
	p2 =	slt.u32 s8, $0xFFFFF086  }
0x1c: {  	p1 =	slt.u32 s9, $0xF7A;
	s5 =	simm.s32 @!p2 $0x0  }
0x1d: {  	s5 =	simm.s32 @p1 $0x1;
	p0 =	seq.s32 s7, s2  }
0x1e: {  	s7 =	smul.u32 @!p0 $0xF7A, s2;
	p2 =	seq.s32 @!p0 s5, $0x0  }
0x1f: {  	s9 =	smul.u32 $0xF7A, s1;
	s8 =	simm.s32 @!p0 $0x1BF5;
	p2 =	por !p2, p0  }
0x20: {  	[sflag:s8] =	ssyncset.s32 @!p0 $0xFFFFF086;
	s6 =	sadd.s32 @!p0 s3, s7;
	s7 =	simm.s32 @!p0 $0x108  }
0x21: {  	s3 =	sadd.s32 s3, s9;
	s6 =	sadd.s32 @!p0 $0x88, s6;
	s7 =	simm.s32 @p2 $0x1082  }
0x22: {  	[simem:s7], [sflag:s8] =	dma.local @!p0 [hbm:s6], $0xF7A  }
0x23: {  	s9 =	sor.u32 $0xD0000000, s2;
	s6 =	simm.s32 $0x108;
	_ =	swait.ge @!p0 [sflag:s8], $0x0  }
0x24: {  	s3 =	sadd.s32 $0x88, s3;
	s6 =	simm.s32 @!p1 $0x1082;
	[sflag:s4] =	ssyncset.s32 $0xFFFFF086  }
0x25: {  	[simem:s6], [sflag:s4] =	dma.local [hbm:s3], $0xF7A  }
0x26: {  	[smem:$0x3F9F] =	sst s1;
	(tag) =	ssettag s2;
	_ =	strace s9  }
0x27: {  	s1 =	sld [smem:$0x3FAF]  }
0x28: {  	s2 =	sld [smem:$0x3FB0]  }
0x29: {  	s4 =	sld [smem:$0x3FB2]  }
0x2a: {  	p0 =	seq.s32 s5, $0x0;
	s5 =	sld [smem:$0x3FB3]  }
0x2b: {  	s6 =	sld [smem:$0x3FB4]  }
0x2c: {  	s7 =	sld [smem:$0x3FB5]  }
0x2d: {  	s3 =	simm.s32 $0x108;
	s8 =	sld [smem:$0x3FB6]  }
0x2e: {  	s3 =	simm.s32 @!p0 $0x1082;
	s9 =	sld [smem:$0x3FB7]  }
0x2f: {  	lr =	sadd.s32 s0, s3;
	s0 =	sld [smem:$0x3FAE]  }
0x30: {  	s3 =	sld [smem:$0x3FB1]  }
0x31: {  	[smem:$0x3FBA] =	sst s10  }
0x32: {  	s10 =	sld [smem:$0x3FB8];
	_ =	sdelay $0x3  }
0x33: {  	p0 =	seq.s32 s10, $0x1;
	s10 =	sld [smem:$0x3FBA];
	_ =	sdelay $0x3  }
0x34: {  	[smem:$0x3FBA] =	sst s10  }
0x35: {  	s10 =	sld [smem:$0x3FB9];
	_ =	sdelay $0x3  }
0x36: {  	p1 =	seq.s32 s10, $0x1;
	s10 =	sld [smem:$0x3FBA];
	_ =	sdelay $0x3  }
0x37: {  	[smem:$0x3FBA] =	sst s10  }
0x38: {  	s10 =	sld [smem:$0x3FBB]  }
0x39: {  	_ = 	snop;
	(pc) =	sbr.ind lr, $3  }
0x3a: {  	_ = 	snop  }
0x3b: {  	_ = 	snop  }
0x3c: {  	p2 =	seq.s32 s10, $0x1;
	s10 =	sld [smem:$0x3FBA]  }
0x3d: {  	_ =	shalt  }
0x3e: {  	_ =	shalt  }
0x3f: {  	_ =	shalt  }
0x40: {  	_ =	shalt  }
0x41: {  	_ =	shalt  }
0x42: {  	_ =	shalt  }
0x43: {  	_ =	shalt  }
0x44: {  	_ =	shalt  }
0x45: {  	_ =	shalt  }
0x46: {  	_ =	shalt  }
0x47: {  	_ =	shalt  }
0x48: {  	_ =	shalt  }
0x49: {  	_ =	shalt  }
0x4a: {  	_ =	shalt  }
0x4b: {  	_ =	shalt  }
0x4c: {  	_ =	shalt  }
0x4d: {  	_ =	shalt  }
0x4e: {  	_ =	shalt  }
0x4f: {  	_ =	shalt  }
0x50: {  	_ =	shalt  }
0x51: {  	_ =	shalt  }
0x52: {  	_ =	shalt  }
0x53: {  	_ =	shalt  }
0x54: {  	_ =	shalt  }
0x55: {  	_ =	shalt  }
0x56: {  	_ =	shalt  }
0x57: {  	_ =	shalt  }
0x58: {  	_ =	shalt  }
0x59: {  	_ =	shalt  }
0x5a: {  	_ =	shalt  }
0x5b: {  	_ =	shalt  }
0x5c: {  	_ =	shalt  }
0x5d: {  	_ =	shalt  }
0x5e: {  	_ =	shalt  }
0x5f: {  	_ =	shalt  }
0x60: {  	_ =	shalt  }
0x61: {  	_ =	shalt  }
0x62: {  	_ =	shalt  }
0x63: {  	_ =	shalt  }
0x64: {  	_ =	shalt  }
0x65: {  	_ =	shalt  }
0x66: {  	_ =	shalt  }
0x67: {  	_ =	shalt  }
0x68: {  	_ =	shalt  }
0x69: {  	_ =	shalt  }
0x6a: {  	_ =	shalt  }
0x6b: {  	_ =	shalt  }
0x6c: {  	_ =	shalt  }
0x6d: {  	_ =	shalt  }
0x6e: {  	_ =	shalt  }
0x6f: {  	_ =	shalt  }
0x70: {  	_ =	shalt  }
0x71: {  	_ =	shalt  }
0x72: {  	_ =	shalt  }
0x73: {  	_ =	shalt  }
0x74: {  	_ =	shalt  }
0x75: {  	_ =	shalt  }
0x76: {  	_ =	shalt  }
0x77: {  	_ =	shalt  }
0x78: {  	_ =	shalt  }
0x79: {  	_ =	shalt  }
0x7a: {  	_ =	shalt  }
0x7b: {  	_ =	shalt  }
0x7c: {  	_ =	shalt  }
0x7d: {  	_ =	shalt  }
0x7e: {  	_ =	shalt  }
0x7f: {  	_ =	shalt  }
0x80: {  	_ =	shalt  }
0x81: {  	_ =	shalt  }
0x82: {  	_ =	shalt  }
0x83: {  	_ =	shalt  }
0x84: {  	_ =	shalt  }
0x85: {  	_ =	shalt  }
0x86: {  	_ =	shalt  }
0x87: {  	_ =	shalt  }
.Lfunc_end0:
.L_simem_size_0:
called_computation_lowered:
.L_overlay_start_0:
0x88: {  	s2 =	sld [smem:$0x3FD9]  }
0x89: {  	s3 =	sld [smem:$0x3FFE];
	_ =	sdelay $0x1  }
0x8a: {  	s1 =	srdreg.scid  }
0x8b: {  	s0 =	sand.u32 $0x1, s1  }
0x8c: {  	s17 =	sshll.u32 s0, $0xA;
	s2 =	sadd.s32 s3, s2  }
0x8d: {  	s2 =	sadd.s32 s2, s17  }
0x8e: {  	[smem:$0x3FC6] =	sst s2  }
0x8f: {  	_ = 	snop  }
0x90: {  	s2 =	sld [smem:$0x3FC9]  }
0x91: {  	s18 =	sld [smem:$0x3FD0];
	(tm) =	ssettm $0x1  }
0x92: {  	s4 =	sld [smem:$0x3FFB];
	_ =	sdelay $0x3  }
0x93: {  	_ =	strace s4  }
0x94: {  	s4 =	sld [smem:$0x3FFC];
	_ =	sdelay $0x3  }
0x95: {  	_ =	strace s4  }
0x96: {  	s4 =	sld [smem:$0x3FFD];
	_ =	sdelay $0x3  }
0x97: {  	_ =	strace s4  }
0x98: {  	_ =	strace $0x8FFFFFFF  }
0x99: {  	s19 =	sld [smem:$0x3FDB];
	_ =	sdelay $0x1  }
0x9a: {  	s5 =	simm.s32 $_scs_section_size  }
0x9b: {  	s6 =	simm.s32 $_size__tile_overlayer_lowered;
	s7 =	simm.s32 $_tile_overlayer_lowered  }
0x9c: {  	s22 =	simm.s32 $0x1BFF;
	s21 =	sshll.u32 s7, $0x1;
	s4 =	sadd.s32 s5, s19  }
0x9d: {  	s8 =	simm.s32 $0x0;
	s20 =	sshll.u32 s6, $0x1;
	s6 =	sadd.s32 s21, s4  }
0x9e: {  	[timem:s8], [sflag:s22] =	dma.local [hbm:s6], s20  }
0x9f: {  	_ =	swait.ge [sflag:s22], s20  }
0xa0: {  	s5 =	ssub.s32 $0x0, s20;
	[sflag:s22] =	ssyncset.done $0x0  }
0xa1: {  	[sflag:s22] =	ssyncadd.s32 s5;
	_ =	sdelay $0x1  }
0xa2: {  	s23 =	simm.s32 $0x1B8B  }
0xa3: {  	_ =	swait.ge [sflag:s23], $0x1  }
0xa4: {  	[sflag:s23] =	ssyncset.done $0x0  }
0xa5: {  	s25 =	simm.s32 $0x1B8E;
	s24 =	sld [smem:$0x3FFE];
	[sflag:s23] =	ssyncadd.s32 $0xFFFFFFFF  }
0xa6: {  	s26 =	simm.s32 $execute0_lowered;
	[smem:$0x3FD2] =	sst s25  }
0xa7: {  	s6 =	sshll.u32 s26, $0x1;
	_ =	strace $0x80000046;
	[dreg:$0x1] =	wrdreg $0xFFFFFFFF  }
0xa8: {  	s28 =	simm.s32 $_size_execute0_lowered;
	s4 =	sadd.s32 s4, s6;
	[dreg:$0x0] =	wrdreg $0x0  }
0xa9: {  	s6 =	sshll.u32 s28, $0x1;
	[dreg:$0x2] =	wrdreg s4  }
0xaa: {  	[dreg:$0x3] =	wrdreg s6  }
0xab: {  	[dreg:$0x4] =	wrdreg $0xC0  }
0xac: {  	_ =	task [dreg:s8], $0x5FFFF  }
0xad: {  	[dreg:$0x1] =	wrdreg $0xFFFFFFFF  }
0xae: {  	[dreg:$0x0] =	wrdreg $0x60  }
0xaf: {  	[dreg:$0x2] =	wrdreg s2  }
0xb0: {  	[dreg:$0x3] =	wrdreg s24  }
0xb1: {  	[dreg:$0x4] =	wrdreg s18  }
0xb2: {  	[dreg:$0x5] =	wrdreg $0x9  }
0xb3: {  	_ =	task.clear_ibuf [dreg:s8], $0x6FFFF;
	_ =	strace $0x90000046  }
0xb4: {  	s29 =	simm.s32 $0x9;
	_ =	strace $0x80000048  }
0xb5: {  	_ =	swait.ge [sflag:s29], $0x1  }
0xb6: {  	[sflag:s29] =	ssyncadd.s32 $0xFFFFFFFF  }
0xb7: {  	_ =	strace $0x90000048  }
0xb8: {  	_ =	sfence  }
0xb9: {  	s30 =	sld [smem:$0x0];
	_ =	sdelay $0x2  }
0xba: {  	s31 =	sshll.u32 s1, $0xD;
	s1 =	sshrl.u32 s1, $0x2  }
0xbb: {  	s3 =	sand.u32 $0x4000, s31;
	s1 =	sadd.s32 s1, s30  }
0xbc: {  	s0 =	sor.u32 s3, s0;
	s1 =	sshll.u32 s1, $0x11  }
0xbd: {  	s0 =	sor.u32 s1, s0  }
0xbe: {  	s0 =	sadd.s32 $0x8F2B, s0  }
0xbf: {  	[sflag:s0] =	ssyncadd.remote.s32 $0x1  }
0xc0: {  	_ =	sfence.sel $0xFFFF  }
0xc1: {  	[dreg:$0x0] =	wrdreg $0xFFFFFFFF;
	(pc) =	sbr.abs _section_cstart, $3  }
0xc2: {  	[dreg:$0x1] =	wrdreg $0xFFFFFFFF  }
0xc3: {  	_ =	task.clear_ibuf [dreg:s8], $0x2FFFF;
	_ =	strace $0x9FFFFFFF  }
0xc4: {  	(tm) =	ssettm $0x7FFFFFFF  }
0xc5: {  	_ =	shalt  }
tec
execute0_lowered:
.L_overlay_start_1:
0x0: {  	(tag) =	ssettag $0x1  }
0x1: {  	v0 =	vlaneseq.u32;
	s6 =	rddreg [dreg:$0x0]  }
0x2: {  	s5 =	rddreg [dreg:$0x1];
	v0 =	vmul.u32 $0x88, v0  }
0x3: {  	v1 =	vimm.s32 $0x0;
	vm0 =	vcmask $0x300;
	s1 =	rddreg [dreg:$0x2]  }
0x4: {  	s3 =	srdreg.scid;
	s0 =	rddreg [dreg:$0x3];
	v1 =	vsel vm0, $0x3, v1;
	v2 =	vadd.s32 $0x880, v0  }
0x5: {  	s2 =	stileid.u32;
	s10 =	simm.s32 $0x8000;
	s11 =	simm.s32 $0x5;
	v3 =	vadd.s32 $0x1100, v0;
	v4 =	vadd.s32 $0x1980, v0;
	v5 =	vor.u32 $0x1, v0  }
0x6: {  	s12 =	simm.s32 $0x80;
	s13 =	simm.s32 $0x6400;
	s14 =	simm.s32 $0x8400;
	v6 =	vadd.s32 $0x881, v0;
	v7 =	vadd.s32 $0x1101, v0;
	v8 =	vadd.s32 $0x1981, v0  }
0x7: {  	s15 =	simm.s32 $0x1;
	s16 =	simm.s32 $0xA400;
	s17 =	simm.s32 $0x2;
	v9 =	vor.u32 $0x2, v0;
	v10 =	vadd.s32 $0x882, v0;
	v11 =	vadd.s32 $0x1102, v0  }
0x8: {  	s18 =	simm.s32 $0x4;
	s19 =	simm.s32 $0xC600;
	s20 =	simm.s32 $0x3;
	v12 =	vadd.s32 $0x1982, v0;
	v13 =	vor.u32 $0x3, v0;
	v14 =	vadd.s32 $0x883, v0  }
0x9: {  	s21 =	simm.s32 $0x0;
	s4 =	sand.u32 $0x1, s3;
	s7 =	sshll.u32 s2, $0xB;
	v15 =	vadd.s32 $0x1103, v0;
	v16 =	vadd.s32 $0x1983, v0;
	v17 =	vor.u32 $0x4, v0  }
.Ltmp0:
0xa: {  	s3 =	simm.s32 $0x0;
	s5 =	sadd.s32 $0xF42800, s5;
	v18 =	vadd.s32 $0x884, v0;
	v19 =	vadd.s32 $0x1104, v0;
	v20 =	vadd.s32 $0x1984, v0;
	(pc) =	sbr.rel .LBB2_1-.Ltmp0, $4  }
0xb: {  	s8 =	sshll.u32 s4, $0xA;
	[smem:$0x7FF] =	sst s3;
	s9 =	ssub.s32 $0x2, s4;
	v21 =	vor.u32 $0x5, v0;
	v22 =	vadd.s32 $0x885, v0;
	v23 =	vadd.s32 $0x1105, v0  }
0xc: {  	s4 =	sor.u32 s8, s7;
	_ =	strace $0x80000047;
	s31 =	sshrl.u32 s9, $0x1;
	v24 =	vadd.s32 $0x1985, v0;
	v25 =	vor.u32 $0x6, v0;
	v26 =	vadd.s32 $0x886, v0  }
0xd: {  	s7 =	sadd.s32 $0x8000, s1;
	v27 =	vadd.s32 $0x1106, v0;
	v28 =	vadd.s32 $0x1986, v0;
	v29 =	vor.u32 $0x7, v0;
	s8 =	sshrl.u32 s4, $0x3;
	s9 =	ssub.s32 s9, s31  }
0xe: {  	v30 =	vadd.s32 $0x887, v0;
	v31 =	vadd.s32 $0x1107, v0;
	v32 =	vadd.s32 $0x1987, v0;
	s6 =	sadd.s32 s6, s8;
	s8 =	smax.u32 s9, $0x1;
	s9 =	simm.s32 $0x400  }
.LBB2_16:
0xf: {  	s21 =	sadd.s32 $0x1, s21  }
0x10: {  	_ =	swait.ge [sflag:s20], $0x2000;
	p0 =	sne.s32 s21, s8  }
.Ltmp1:
0x11: {  	[sflag:s20] =	ssyncset.done $0x0;
	(pc) =	sbr.rel @!p0 .LBB2_17-.Ltmp1, $4  }
0x12: {  	[sflag:s20] =	ssyncadd.s32 $0xFFFFE000  }
0x13: {  	_ =	swait.ge [sflag:s18], $0x2000  }
0x14: {  	[sflag:s18] =	ssyncset.done $0x0  }
0x15: {  	[sflag:s18] =	ssyncadd.s32 $0xFFFFE000  }
.LBB2_1:
0x16: {  	[tilespmem:s3], [sflag:$0x5] =	stream.strided.gather [hbm4b:s6+s9], $0x6400, s10, s9, $0x38;
	[tilespmem:$0xE800] =	vst v63  }
0x17: {  	_ =	swait.ge [sflag:s11], $0x6400  }
0x18: {  	[sflag:s11] =	ssyncset.done $0x0  }
0x19: {  	[sflag:s11] =	ssyncadd.s32 $0xFFFF9C00  }
0x1a: {  	[tilespmem:s13], [sflag:$0x1] =	stream.indirect.gather [hbm4b:s5+s12], $0x40, s3, s12, $0xb8;
	[tilespmem:$0xE800] =	vst v63  }
0x1b: {  	s22 =	simm.s32 $0x0  }
0x1c: {  	[tilespmem:s14], [sflag:$0x2] =	stream.indirect.gather [hbm4b:s5+s12], $0x40, s12, s12, $0xb8;
	[tilespmem:$0xE800] =	vst v63  }
.LBB2_2:
0x1d: {  	_ =	swait.ge [sflag:s15], $0x2000  }
0x1e: {  	p0 =	seq.s32 s22, $0x0;
	[sflag:s15] =	ssyncset.done $0x0  }
0x1f: {  	s24 =	simm.s32 @!p0 $0x3;
	[sflag:s15] =	ssyncadd.s32 $0xFFFFE000  }
0x20: {  	_ =	swait.ge @!p0 [sflag:s24], $0x2000  }
0x21: {  	s23 =	sshll.u32 s22, $0x1;
	[sflag:s24] =	ssyncset.done @!p0 $0x0  }
0x22: {  	s25 =	simm.s32 $0x6600;
	[sflag:s24] =	ssyncadd.s32 @!p0 $0xFFFFE000;
	s24 =	simm.s32 $0xF  }
.LBB2_3:
0x23: {  	s26 =	sadd.s32 $0xFFFFFFF1, s24  }
0x24: {  	v33 =	vmov s26  }
0x25: {  	v33 =	vshrl.u32 v33, $0x3  }
0x26: {  	v33 =	vshll.u32 v33, v1  }
0x27: {  	v34 =	vld [tilespmem:s25+$0xFFFFFE00];
	v33 =	vbroadcast v33, $0x0;
	_ =	sdelay $0x1  }
0x28: {  	v35 =	vadd.s32 v0, v33;
	_ =	sdelay $0x2  }
0x29: {  	v34 =	vmul.f32 $8.000000000e+00, v34;
	_ =	sdelay $0x1  }
0x2a: {  	[tilespmem:v35+s16+$0x0] =	vst.idx.msk $0xffff, v34  }
0x2b: {  	v34 =	vld [tilespmem:s25+$0xFFFFFE10];
	_ =	sdelay $0x1  }
0x2c: {  	v43 =	vadd.s32 v2, v33;
	_ =	sdelay $0x2  }
0x2d: {  	v34 =	vmul.f32 $8.000000000e+00, v34;
	_ =	sdelay $0x1  }
0x2e: {  	[tilespmem:v43+s16+$0x0] =	vst.idx.msk $0xffff, v34  }
0x2f: {  	v34 =	vld [tilespmem:s25+$0xFFFFFE20];
	_ =	sdelay $0x1  }
0x30: {  	v44 =	vadd.s32 v3, v33;
	_ =	sdelay $0x2  }
0x31: {  	v34 =	vmul.f32 $8.000000000e+00, v34;
	_ =	sdelay $0x1  }
0x32: {  	[tilespmem:v44+s16+$0x0] =	vst.idx.msk $0xffff, v34  }
0x33: {  	v34 =	vld [tilespmem:s25+$0xFFFFFE30];
	_ =	sdelay $0x1  }
0x34: {  	v33 =	vadd.s32 v4, v33;
	_ =	sdelay $0x1  }
0x35: {  	s30 =	sadd.s32 $0xFFFFFFF2, s24  }
0x36: {  	v45 =	vmov s30;
	v34 =	vmul.f32 $8.000000000e+00, v34  }
0x37: {  	v35 =	vshrl.u32 v45, $0x3  }
0x38: {  	v46 =	vshll.u32 v35, v1;
	[tilespmem:v33+s16+$0x0] =	vst.idx.msk $0xffff, v34  }
0x39: {  	v33 =	vbroadcast v46, $0x0;
	v34 =	vld [tilespmem:s25+$0xFFFFFE40];
	_ =	sdelay $0x1  }
0x3a: {  	v47 =	vadd.s32 v5, v33;
	_ =	sdelay $0x2  }
0x3b: {  	v34 =	vmul.f32 $8.000000000e+00, v34;
	_ =	sdelay $0x1  }
0x3c: {  	[tilespmem:v47+s16+$0x0] =	vst.idx.msk $0xffff, v34  }
0x3d: {  	v34 =	vld [tilespmem:s25+$0xFFFFFE50];
	_ =	sdelay $0x1  }
0x3e: {  	v48 =	vadd.s32 v6, v33;
	_ =	sdelay $0x2  }
0x3f: {  	v34 =	vmul.f32 $8.000000000e+00, v34;
	_ =	sdelay $0x1  }
0x40: {  	[tilespmem:v48+s16+$0x0] =	vst.idx.msk $0xffff, v34  }
0x41: {  	v34 =	vld [tilespmem:s25+$0xFFFFFE60];
	_ =	sdelay $0x1  }
0x42: {  	v49 =	vadd.s32 v7, v33;
	_ =	sdelay $0x2  }
0x43: {  	v34 =	vmul.f32 $8.000000000e+00, v34;
	_ =	sdelay $0x1  }
0x44: {  	[tilespmem:v49+s16+$0x0] =	vst.idx.msk $0xffff, v34  }
0x45: {  	v34 =	vld [tilespmem:s25+$0xFFFFFE70];
	_ =	sdelay $0x1  }
0x46: {  	v33 =	vadd.s32 v8, v33;
	_ =	sdelay $0x1  }
0x47: {  	s31 =	sadd.s32 $0xFFFFFFF3, s24  }
0x48: {  	v50 =	vmov s31;
	v34 =	vmul.f32 $8.000000000e+00, v34  }
0x49: {  	v35 =	vshrl.u32 v50, $0x3  }
0x4a: {  	v51 =	vshll.u32 v35, v1;
	[tilespmem:v33+s16+$0x0] =	vst.idx.msk $0xffff, v34  }
0x4b: {  	v33 =	vbroadcast v51, $0x0;
	v34 =	vld [tilespmem:s25+$0xFFFFFE80];
	_ =	sdelay $0x1  }
0x4c: {  	v52 =	vadd.s32 v9, v33;
	_ =	sdelay $0x2  }
0x4d: {  	v34 =	vmul.f32 $8.000000000e+00, v34;
	_ =	sdelay $0x1  }
0x4e: {  	[tilespmem:v52+s16+$0x0] =	vst.idx.msk $0xffff, v34  }
0x4f: {  	v34 =	vld [tilespmem:s25+$0xFFFFFE90];
	_ =	sdelay $0x1  }
0x50: {  	v53 =	vadd.s32 v10, v33;
	_ =	sdelay $0x2  }
0x51: {  	v34 =	vmul.f32 $8.000000000e+00, v34;
	_ =	sdelay $0x1  }
0x52: {  	[tilespmem:v53+s16+$0x0] =	vst.idx.msk $0xffff, v34  }
0x53: {  	v34 =	vld [tilespmem:s25+$0xFFFFFEA0];
	_ =	sdelay $0x1  }
0x54: {  	v54 =	vadd.s32 v11, v33;
	_ =	sdelay $0x2  }
0x55: {  	v34 =	vmul.f32 $8.000000000e+00, v34;
	_ =	sdelay $0x1  }
0x56: {  	[tilespmem:v54+s16+$0x0] =	vst.idx.msk $0xffff, v34  }
0x57: {  	v34 =	vld [tilespmem:s25+$0xFFFFFEB0];
	_ =	sdelay $0x1  }
0x58: {  	v33 =	vadd.s32 v12, v33;
	_ =	sdelay $0x1  }
0x59: {  	s28 =	sadd.s32 $0xFFFFFFF4, s24  }
0x5a: {  	v55 =	vmov s28;
	v34 =	vmul.f32 $8.000000000e+00, v34  }
0x5b: {  	v35 =	vshrl.u32 v55, $0x3  }
0x5c: {  	v56 =	vshll.u32 v35, v1;
	[tilespmem:v33+s16+$0x0] =	vst.idx.msk $0xffff, v34  }
0x5d: {  	v33 =	vbroadcast v56, $0x0;
	v34 =	vld [tilespmem:s25+$0xFFFFFEC0];
	_ =	sdelay $0x1  }
0x5e: {  	v57 =	vadd.s32 v13, v33;
	_ =	sdelay $0x2  }
0x5f: {  	v34 =	vmul.f32 $8.000000000e+00, v34;
	_ =	sdelay $0x1  }
0x60: {  	[tilespmem:v57+s16+$0x0] =	vst.idx.msk $0xffff, v34  }
0x61: {  	v34 =	vld [tilespmem:s25+$0xFFFFFED0];
	_ =	sdelay $0x1  }
0x62: {  	v58 =	vadd.s32 v14, v33;
	_ =	sdelay $0x2  }
0x63: {  	v34 =	vmul.f32 $8.000000000e+00, v34;
	_ =	sdelay $0x1  }
0x64: {  	[tilespmem:v58+s16+$0x0] =	vst.idx.msk $0xffff, v34  }
0x65: {  	v34 =	vld [tilespmem:s25+$0xFFFFFEE0];
	_ =	sdelay $0x1  }
0x66: {  	v59 =	vadd.s32 v15, v33;
	_ =	sdelay $0x2  }
0x67: {  	v34 =	vmul.f32 $8.000000000e+00, v34;
	_ =	sdelay $0x1  }
0x68: {  	[tilespmem:v59+s16+$0x0] =	vst.idx.msk $0xffff, v34  }
0x69: {  	v34 =	vld [tilespmem:s25+$0xFFFFFEF0];
	_ =	sdelay $0x1  }
0x6a: {  	v33 =	vadd.s32 v16, v33;
	_ =	sdelay $0x1  }
0x6b: {  	s29 =	sadd.s32 $0xFFFFFFF5, s24  }
0x6c: {  	v60 =	vmov s29;
	v34 =	vmul.f32 $8.000000000e+00, v34  }
0x6d: {  	v35 =	vshrl.u32 v60, $0x3  }
0x6e: {  	v61 =	vshll.u32 v35, v1;
	[tilespmem:v33+s16+$0x0] =	vst.idx.msk $0xffff, v34  }
0x6f: {  	v33 =	vbroadcast v61, $0x0;
	v34 =	vld [tilespmem:s25+$0xFFFFFF00];
	_ =	sdelay $0x1  }
0x70: {  	v62 =	vadd.s32 v17, v33;
	_ =	sdelay $0x2  }
0x71: {  	v34 =	vmul.f32 $8.000000000e+00, v34;
	_ =	sdelay $0x1  }
0x72: {  	[tilespmem:v62+s16+$0x0] =	vst.idx.msk $0xffff, v34  }
0x73: {  	v34 =	vld [tilespmem:s25+$0xFFFFFF10];
	_ =	sdelay $0x1  }
0x74: {  	v63 =	vadd.s32 v18, v33;
	_ =	sdelay $0x2  }
0x75: {  	v34 =	vmul.f32 $8.000000000e+00, v34;
	_ =	sdelay $0x1  }
0x76: {  	[tilespmem:v63+s16+$0x0] =	vst.idx.msk $0xffff, v34  }
0x77: {  	v34 =	vld [tilespmem:s25+$0xFFFFFF20];
	_ =	sdelay $0x1  }
0x78: {  	v36 =	vadd.s32 v19, v33;
	_ =	sdelay $0x2  }
0x79: {  	v34 =	vmul.f32 $8.000000000e+00, v34;
	_ =	sdelay $0x1  }
0x7a: {  	[tilespmem:v36+s16+$0x0] =	vst.idx.msk $0xffff, v34  }
0x7b: {  	v34 =	vld [tilespmem:s25+$0xFFFFFF30];
	_ =	sdelay $0x1  }
0x7c: {  	v33 =	vadd.s32 v20, v33;
	_ =	sdelay $0x1  }
0x7d: {  	s30 =	sadd.s32 $0xFFFFFFF6, s24  }
0x7e: {  	v37 =	vmov s30;
	v34 =	vmul.f32 $8.000000000e+00, v34  }
0x7f: {  	v35 =	vshrl.u32 v37, $0x3  }
0x80: {  	v38 =	vshll.u32 v35, v1;
	[tilespmem:v33+s16+$0x0] =	vst.idx.msk $0xffff, v34  }
0x81: {  	v33 =	vbroadcast v38, $0x0;
	v34 =	vld [tilespmem:s25+$0xFFFFFF40];
	_ =	sdelay $0x1  }
0x82: {  	v39 =	vadd.s32 v21, v33;
	_ =	sdelay $0x2  }
0x83: {  	v34 =	vmul.f32 $8.000000000e+00, v34;
	_ =	sdelay $0x1  }
0x84: {  	[tilespmem:v39+s16+$0x0] =	vst.idx.msk $0xffff, v34  }
0x85: {  	v34 =	vld [tilespmem:s25+$0xFFFFFF50];
	_ =	sdelay $0x1  }
0x86: {  	v40 =	vadd.s32 v22, v33;
	_ =	sdelay $0x2  }
0x87: {  	v34 =	vmul.f32 $8.000000000e+00, v34;
	_ =	sdelay $0x1  }
0x88: {  	[tilespmem:v40+s16+$0x0] =	vst.idx.msk $0xffff, v34  }
0x89: {  	v34 =	vld [tilespmem:s25+$0xFFFFFF60];
	_ =	sdelay $0x1  }
0x8a: {  	v41 =	vadd.s32 v23, v33;
	_ =	sdelay $0x2  }
0x8b: {  	v34 =	vmul.f32 $8.000000000e+00, v34;
	_ =	sdelay $0x1  }
0x8c: {  	[tilespmem:v41+s16+$0x0] =	vst.idx.msk $0xffff, v34  }
0x8d: {  	v34 =	vld [tilespmem:s25+$0xFFFFFF70];
	_ =	sdelay $0x1  }
0x8e: {  	v33 =	vadd.s32 v24, v33;
	_ =	sdelay $0x1  }
0x8f: {  	s31 =	sadd.s32 $0xFFFFFFF7, s24  }
0x90: {  	v42 =	vmov s31;
	v34 =	vmul.f32 $8.000000000e+00, v34  }
0x91: {  	v35 =	vshrl.u32 v42, $0x3  }
0x92: {  	v43 =	vshll.u32 v35, v1;
	[tilespmem:v33+s16+$0x0] =	vst.idx.msk $0xffff, v34  }
0x93: {  	v33 =	vbroadcast v43, $0x0;
	v34 =	vld [tilespmem:s25+$0xFFFFFF80];
	_ =	sdelay $0x1  }
0x94: {  	v44 =	vadd.s32 v25, v33;
	_ =	sdelay $0x2  }
0x95: {  	v34 =	vmul.f32 $8.000000000e+00, v34;
	_ =	sdelay $0x1  }
0x96: {  	[tilespmem:v44+s16+$0x0] =	vst.idx.msk $0xffff, v34  }
0x97: {  	v34 =	vld [tilespmem:s25+$0xFFFFFF90];
	_ =	sdelay $0x1  }
0x98: {  	v45 =	vadd.s32 v26, v33;
	_ =	sdelay $0x2  }
0x99: {  	v34 =	vmul.f32 $8.000000000e+00, v34;
	_ =	sdelay $0x1  }
0x9a: {  	[tilespmem:v45+s16+$0x0] =	vst.idx.msk $0xffff, v34  }
0x9b: {  	v34 =	vld [tilespmem:s25+$0xFFFFFFA0];
	_ =	sdelay $0x1  }
0x9c: {  	v46 =	vadd.s32 v27, v33;
	_ =	sdelay $0x2  }
0x9d: {  	v34 =	vmul.f32 $8.000000000e+00, v34;
	_ =	sdelay $0x1  }
0x9e: {  	[tilespmem:v46+s16+$0x0] =	vst.idx.msk $0xffff, v34  }
0x9f: {  	v34 =	vld [tilespmem:s25+$0xFFFFFFB0];
	_ =	sdelay $0x1  }
0xa0: {  	v33 =	vadd.s32 v28, v33;
	_ =	sdelay $0x1  }
0xa1: {  	s28 =	sadd.s32 $0xFFFFFFF8, s24  }
0xa2: {  	v47 =	vmov s28;
	v34 =	vmul.f32 $8.000000000e+00, v34  }
0xa3: {  	v35 =	vshrl.u32 v47, $0x3  }
0xa4: {  	v48 =	vshll.u32 v35, v1;
	[tilespmem:v33+s16+$0x0] =	vst.idx.msk $0xffff, v34  }
0xa5: {  	v33 =	vbroadcast v48, $0x0;
	v34 =	vld [tilespmem:s25+$0xFFFFFFC0];
	_ =	sdelay $0x1  }
0xa6: {  	v49 =	vadd.s32 v29, v33;
	_ =	sdelay $0x2  }
0xa7: {  	v34 =	vmul.f32 $8.000000000e+00, v34;
	_ =	sdelay $0x1  }
0xa8: {  	[tilespmem:v49+s16+$0x0] =	vst.idx.msk $0xffff, v34  }
0xa9: {  	v34 =	vld [tilespmem:s25+$0xFFFFFFD0];
	_ =	sdelay $0x1  }
0xaa: {  	v50 =	vadd.s32 v30, v33;
	_ =	sdelay $0x2  }
0xab: {  	v34 =	vmul.f32 $8.000000000e+00, v34;
	_ =	sdelay $0x1  }
0xac: {  	[tilespmem:v50+s16+$0x0] =	vst.idx.msk $0xffff, v34  }
0xad: {  	v34 =	vld [tilespmem:s25+$0xFFFFFFE0];
	_ =	sdelay $0x1  }
0xae: {  	v51 =	vadd.s32 v31, v33;
	_ =	sdelay $0x2  }
0xaf: {  	v34 =	vmul.f32 $8.000000000e+00, v34;
	_ =	sdelay $0x1  }
0xb0: {  	[tilespmem:v51+s16+$0x0] =	vst.idx.msk $0xffff, v34  }
0xb1: {  	v34 =	vld [tilespmem:s25+$0xFFFFFFF0];
	_ =	sdelay $0x1  }
0xb2: {  	v33 =	vadd.s32 v32, v33;
	_ =	sdelay $0x1  }
0xb3: {  	s29 =	sadd.s32 $0xFFFFFFF9, s24  }
0xb4: {  	v52 =	vmov s29;
	v34 =	vmul.f32 $8.000000000e+00, v34  }
0xb5: {  	v35 =	vshrl.u32 v52, $0x3  }
0xb6: {  	v53 =	vshll.u32 v35, v1;
	[tilespmem:v33+s16+$0x0] =	vst.idx.msk $0xffff, v34  }
0xb7: {  	v33 =	vbroadcast v53, $0x0;
	v34 =	vld [tilespmem:s25+$0x0];
	_ =	sdelay $0x1  }
0xb8: {  	v54 =	vadd.s32 v0, v33;
	_ =	sdelay $0x2  }
0xb9: {  	v34 =	vmul.f32 $8.000000000e+00, v34;
	_ =	sdelay $0x1  }
0xba: {  	[tilespmem:v54+s16+$0x0] =	vst.idx.msk $0xffff, v34  }
0xbb: {  	v34 =	vld [tilespmem:s25+$0x10];
	_ =	sdelay $0x1  }
0xbc: {  	v55 =	vadd.s32 v2, v33;
	_ =	sdelay $0x2  }
0xbd: {  	v34 =	vmul.f32 $8.000000000e+00, v34;
	_ =	sdelay $0x1  }
0xbe: {  	[tilespmem:v55+s16+$0x0] =	vst.idx.msk $0xffff, v34  }
0xbf: {  	v34 =	vld [tilespmem:s25+$0x20];
	_ =	sdelay $0x1  }
0xc0: {  	v56 =	vadd.s32 v3, v33;
	_ =	sdelay $0x2  }
0xc1: {  	v34 =	vmul.f32 $8.000000000e+00, v34;
	_ =	sdelay $0x1  }
0xc2: {  	[tilespmem:v56+s16+$0x0] =	vst.idx.msk $0xffff, v34  }
0xc3: {  	v34 =	vld [tilespmem:s25+$0x30];
	_ =	sdelay $0x1  }
0xc4: {  	v33 =	vadd.s32 v4, v33;
	_ =	sdelay $0x1  }
0xc5: {  	s30 =	sadd.s32 $0xFFFFFFFA, s24  }
0xc6: {  	v57 =	vmov s30;
	v34 =	vmul.f32 $8.000000000e+00, v34  }
0xc7: {  	v35 =	vshrl.u32 v57, $0x3  }
0xc8: {  	v58 =	vshll.u32 v35, v1;
	[tilespmem:v33+s16+$0x0] =	vst.idx.msk $0xffff, v34  }
0xc9: {  	v33 =	vbroadcast v58, $0x0;
	v34 =	vld [tilespmem:s25+$0x40];
	_ =	sdelay $0x1  }
0xca: {  	v59 =	vadd.s32 v5, v33;
	_ =	sdelay $0x2  }
0xcb: {  	v34 =	vmul.f32 $8.000000000e+00, v34;
	_ =	sdelay $0x1  }
0xcc: {  	[tilespmem:v59+s16+$0x0] =	vst.idx.msk $0xffff, v34  }
0xcd: {  	v34 =	vld [tilespmem:s25+$0x50];
	_ =	sdelay $0x1  }
0xce: {  	v60 =	vadd.s32 v6, v33;
	_ =	sdelay $0x2  }
0xcf: {  	v34 =	vmul.f32 $8.000000000e+00, v34;
	_ =	sdelay $0x1  }
0xd0: {  	[tilespmem:v60+s16+$0x0] =	vst.idx.msk $0xffff, v34  }
0xd1: {  	v34 =	vld [tilespmem:s25+$0x60];
	_ =	sdelay $0x1  }
0xd2: {  	v61 =	vadd.s32 v7, v33;
	_ =	sdelay $0x2  }
0xd3: {  	v34 =	vmul.f32 $8.000000000e+00, v34;
	_ =	sdelay $0x1  }
0xd4: {  	[tilespmem:v61+s16+$0x0] =	vst.idx.msk $0xffff, v34  }
0xd5: {  	v34 =	vld [tilespmem:s25+$0x70];
	_ =	sdelay $0x1  }
0xd6: {  	v33 =	vadd.s32 v8, v33;
	_ =	sdelay $0x1  }
0xd7: {  	s31 =	sadd.s32 $0xFFFFFFFB, s24  }
0xd8: {  	v62 =	vmov s31;
	v34 =	vmul.f32 $8.000000000e+00, v34  }
0xd9: {  	v35 =	vshrl.u32 v62, $0x3  }
0xda: {  	v63 =	vshll.u32 v35, v1;
	[tilespmem:v33+s16+$0x0] =	vst.idx.msk $0xffff, v34  }
0xdb: {  	v33 =	vbroadcast v63, $0x0;
	v34 =	vld [tilespmem:s25+$0x80];
	_ =	sdelay $0x1  }
0xdc: {  	v36 =	vadd.s32 v9, v33;
	_ =	sdelay $0x2  }
0xdd: {  	v34 =	vmul.f32 $8.000000000e+00, v34;
	_ =	sdelay $0x1  }
0xde: {  	[tilespmem:v36+s16+$0x0] =	vst.idx.msk $0xffff, v34  }
0xdf: {  	v34 =	vld [tilespmem:s25+$0x90];
	_ =	sdelay $0x1  }
0xe0: {  	v37 =	vadd.s32 v10, v33;
	_ =	sdelay $0x2  }
0xe1: {  	v34 =	vmul.f32 $8.000000000e+00, v34;
	_ =	sdelay $0x1  }
0xe2: {  	[tilespmem:v37+s16+$0x0] =	vst.idx.msk $0xffff, v34  }
0xe3: {  	v34 =	vld [tilespmem:s25+$0xA0];
	_ =	sdelay $0x1  }
0xe4: {  	v38 =	vadd.s32 v11, v33;
	_ =	sdelay $0x2  }
0xe5: {  	v34 =	vmul.f32 $8.000000000e+00, v34;
	_ =	sdelay $0x1  }
0xe6: {  	[tilespmem:v38+s16+$0x0] =	vst.idx.msk $0xffff, v34  }
0xe7: {  	v34 =	vld [tilespmem:s25+$0xB0];
	_ =	sdelay $0x1  }
0xe8: {  	v33 =	vadd.s32 v12, v33;
	_ =	sdelay $0x1  }
0xe9: {  	s28 =	sadd.s32 $0xFFFFFFFC, s24  }
0xea: {  	v39 =	vmov s28;
	v34 =	vmul.f32 $8.000000000e+00, v34  }
0xeb: {  	v35 =	vshrl.u32 v39, $0x3  }
0xec: {  	v40 =	vshll.u32 v35, v1;
	[tilespmem:v33+s16+$0x0] =	vst.idx.msk $0xffff, v34  }
0xed: {  	v33 =	vbroadcast v40, $0x0;
	v34 =	vld [tilespmem:s25+$0xC0];
	_ =	sdelay $0x1  }
0xee: {  	v41 =	vadd.s32 v13, v33;
	_ =	sdelay $0x2  }
0xef: {  	v34 =	vmul.f32 $8.000000000e+00, v34;
	_ =	sdelay $0x1  }
0xf0: {  	[tilespmem:v41+s16+$0x0] =	vst.idx.msk $0xffff, v34  }
0xf1: {  	v34 =	vld [tilespmem:s25+$0xD0];
	_ =	sdelay $0x1  }
0xf2: {  	v42 =	vadd.s32 v14, v33;
	_ =	sdelay $0x2  }
0xf3: {  	v34 =	vmul.f32 $8.000000000e+00, v34;
	_ =	sdelay $0x1  }
0xf4: {  	[tilespmem:v42+s16+$0x0] =	vst.idx.msk $0xffff, v34  }
0xf5: {  	v34 =	vld [tilespmem:s25+$0xE0];
	_ =	sdelay $0x1  }
0xf6: {  	v43 =	vadd.s32 v15, v33;
	_ =	sdelay $0x2  }
0xf7: {  	v34 =	vmul.f32 $8.000000000e+00, v34;
	_ =	sdelay $0x1  }
0xf8: {  	[tilespmem:v43+s16+$0x0] =	vst.idx.msk $0xffff, v34  }
0xf9: {  	v34 =	vld [tilespmem:s25+$0xF0];
	_ =	sdelay $0x1  }
0xfa: {  	v33 =	vadd.s32 v16, v33;
	_ =	sdelay $0x1  }
0xfb: {  	s29 =	sadd.s32 $0xFFFFFFFD, s24  }
0xfc: {  	v44 =	vmov s29;
	v34 =	vmul.f32 $8.000000000e+00, v34  }
0xfd: {  	v35 =	vshrl.u32 v44, $0x3  }
0xfe: {  	v45 =	vshll.u32 v35, v1;
	[tilespmem:v33+s16+$0x0] =	vst.idx.msk $0xffff, v34  }
0xff: {  	v33 =	vbroadcast v45, $0x0;
	v34 =	vld [tilespmem:s25+$0x100];
	_ =	sdelay $0x1  }
0x100: {  	v46 =	vadd.s32 v17, v33;
	_ =	sdelay $0x2  }
0x101: {  	v34 =	vmul.f32 $8.000000000e+00, v34;
	_ =	sdelay $0x1  }
0x102: {  	[tilespmem:v46+s16+$0x0] =	vst.idx.msk $0xffff, v34  }
0x103: {  	v34 =	vld [tilespmem:s25+$0x110];
	_ =	sdelay $0x1  }
0x104: {  	v47 =	vadd.s32 v18, v33;
	_ =	sdelay $0x2  }
0x105: {  	v34 =	vmul.f32 $8.000000000e+00, v34;
	_ =	sdelay $0x1  }
0x106: {  	[tilespmem:v47+s16+$0x0] =	vst.idx.msk $0xffff, v34  }
0x107: {  	v34 =	vld [tilespmem:s25+$0x120];
	_ =	sdelay $0x1  }
0x108: {  	v48 =	vadd.s32 v19, v33;
	_ =	sdelay $0x2  }
0x109: {  	v34 =	vmul.f32 $8.000000000e+00, v34;
	_ =	sdelay $0x1  }
0x10a: {  	[tilespmem:v48+s16+$0x0] =	vst.idx.msk $0xffff, v34  }
0x10b: {  	v34 =	vld [tilespmem:s25+$0x130];
	_ =	sdelay $0x1  }
0x10c: {  	v33 =	vadd.s32 v20, v33;
	_ =	sdelay $0x1  }
0x10d: {  	s30 =	sadd.s32 $0xFFFFFFFE, s24  }
0x10e: {  	v49 =	vmov s30;
	v34 =	vmul.f32 $8.000000000e+00, v34  }
0x10f: {  	v35 =	vshrl.u32 v49, $0x3  }
0x110: {  	v50 =	vshll.u32 v35, v1;
	[tilespmem:v33+s16+$0x0] =	vst.idx.msk $0xffff, v34  }
0x111: {  	v33 =	vbroadcast v50, $0x0;
	v34 =	vld [tilespmem:s25+$0x140];
	_ =	sdelay $0x1  }
0x112: {  	v51 =	vadd.s32 v21, v33;
	_ =	sdelay $0x2  }
0x113: {  	v34 =	vmul.f32 $8.000000000e+00, v34;
	_ =	sdelay $0x1  }
0x114: {  	[tilespmem:v51+s16+$0x0] =	vst.idx.msk $0xffff, v34  }
0x115: {  	v34 =	vld [tilespmem:s25+$0x150];
	_ =	sdelay $0x1  }
0x116: {  	v52 =	vadd.s32 v22, v33;
	_ =	sdelay $0x2  }
0x117: {  	v34 =	vmul.f32 $8.000000000e+00, v34;
	_ =	sdelay $0x1  }
0x118: {  	[tilespmem:v52+s16+$0x0] =	vst.idx.msk $0xffff, v34  }
0x119: {  	v34 =	vld [tilespmem:s25+$0x160];
	_ =	sdelay $0x1  }
0x11a: {  	v53 =	vadd.s32 v23, v33;
	_ =	sdelay $0x2  }
0x11b: {  	v34 =	vmul.f32 $8.000000000e+00, v34;
	_ =	sdelay $0x1  }
0x11c: {  	[tilespmem:v53+s16+$0x0] =	vst.idx.msk $0xffff, v34  }
0x11d: {  	v34 =	vld [tilespmem:s25+$0x170];
	_ =	sdelay $0x1  }
0x11e: {  	v33 =	vadd.s32 v24, v33;
	_ =	sdelay $0x1  }
0x11f: {  	s31 =	sadd.s32 $0xFFFFFFFF, s24  }
0x120: {  	v54 =	vmov s31;
	v34 =	vmul.f32 $8.000000000e+00, v34  }
0x121: {  	v35 =	vshrl.u32 v54, $0x3  }
0x122: {  	v55 =	vshll.u32 v35, v1;
	[tilespmem:v33+s16+$0x0] =	vst.idx.msk $0xffff, v34  }
0x123: {  	v33 =	vbroadcast v55, $0x0;
	v34 =	vld [tilespmem:s25+$0x180];
	_ =	sdelay $0x1  }
0x124: {  	v56 =	vadd.s32 v25, v33;
	_ =	sdelay $0x2  }
0x125: {  	v34 =	vmul.f32 $8.000000000e+00, v34;
	_ =	sdelay $0x1  }
0x126: {  	[tilespmem:v56+s16+$0x0] =	vst.idx.msk $0xffff, v34  }
0x127: {  	v34 =	vld [tilespmem:s25+$0x190];
	_ =	sdelay $0x1  }
0x128: {  	v57 =	vadd.s32 v26, v33;
	_ =	sdelay $0x2  }
0x129: {  	v34 =	vmul.f32 $8.000000000e+00, v34;
	_ =	sdelay $0x1  }
0x12a: {  	[tilespmem:v57+s16+$0x0] =	vst.idx.msk $0xffff, v34  }
0x12b: {  	v34 =	vld [tilespmem:s25+$0x1A0];
	_ =	sdelay $0x1  }
0x12c: {  	v58 =	vadd.s32 v27, v33;
	_ =	sdelay $0x2  }
0x12d: {  	v34 =	vmul.f32 $8.000000000e+00, v34;
	_ =	sdelay $0x1  }
0x12e: {  	[tilespmem:v58+s16+$0x0] =	vst.idx.msk $0xffff, v34  }
0x12f: {  	v34 =	vld [tilespmem:s25+$0x1B0];
	_ =	sdelay $0x1  }
0x130: {  	v33 =	vadd.s32 v28, v33;
	_ =	sdelay $0x2  }
0x131: {  	v59 =	vmov s24;
	v34 =	vmul.f32 $8.000000000e+00, v34  }
0x132: {  	v35 =	vshrl.u32 v59, $0x3  }
0x133: {  	v60 =	vshll.u32 v35, v1;
	[tilespmem:v33+s16+$0x0] =	vst.idx.msk $0xffff, v34  }
0x134: {  	v33 =	vbroadcast v60, $0x0;
	v34 =	vld [tilespmem:s25+$0x1C0];
	_ =	sdelay $0x1  }
0x135: {  	v61 =	vadd.s32 v29, v33;
	_ =	sdelay $0x2  }
0x136: {  	v34 =	vmul.f32 $8.000000000e+00, v34;
	_ =	sdelay $0x1  }
0x137: {  	[tilespmem:v61+s16+$0x0] =	vst.idx.msk $0xffff, v34  }
0x138: {  	v34 =	vld [tilespmem:s25+$0x1D0];
	_ =	sdelay $0x1  }
0x139: {  	v62 =	vadd.s32 v30, v33;
	_ =	sdelay $0x2  }
0x13a: {  	v34 =	vmul.f32 $8.000000000e+00, v34;
	_ =	sdelay $0x1  }
0x13b: {  	[tilespmem:v62+s16+$0x0] =	vst.idx.msk $0xffff, v34  }
0x13c: {  	v34 =	vld [tilespmem:s25+$0x1E0];
	_ =	sdelay $0x1  }
0x13d: {  	v63 =	vadd.s32 v31, v33;
	_ =	sdelay $0x2  }
0x13e: {  	v34 =	vmul.f32 $8.000000000e+00, v34;
	_ =	sdelay $0x1  }
0x13f: {  	[tilespmem:v63+s16+$0x0] =	vst.idx.msk $0xffff, v34  }
0x140: {  	v34 =	vld [tilespmem:s25+$0x1F0];
	_ =	sdelay $0x1  }
0x141: {  	p1 =	sne.s32 s24, $0x7F;
	v33 =	vadd.s32 v32, v33  }
.Ltmp2:
0x142: {  	_ = 	snop;
	(pc) =	sbr.rel @p1 .LBB2_3-.Ltmp2, $3  }
0x143: {  	_ = 	snop  }
0x144: {  	v34 =	vmul.f32 $8.000000000e+00, v34;
	_ =	sdelay $0x1  }
0x145: {  	s24 =	sadd.s32 $0x10, s24;
	s25 =	sadd.s32 $0x400, s25;
	[tilespmem:v33+s16+$0x0] =	vst.idx.msk $0xffff, v34  }
0x146: {  	s24 =	sshll.u32 s22, $0x13  }
0x147: {  	s24 =	sor.u32 s4, s24  }
0x148: {  	s24 =	sshrl.u32 s24, $0x3  }
0x149: {  	s25 =	simm.s32 $0xA400;
	s26 =	sadd.s32 s1, s24  }
0x14a: {  	[hbm4b:s26+s3] =	stream.linear.scatter [tilespmem:s25], [sflag:$0x3], $0x80, $0x38;
	[tilespmem:$0xE800] =	vst v63  }
0x14b: {  	s31 =	simm.s32 $0xA488;
	s28 =	sadd.s32 $0x10, s26  }
0x14c: {  	[hbm4b:s28+s3] =	stream.linear.scatter [tilespmem:s31], [sflag:$0x3], $0x80, $0x38;
	[tilespmem:$0xE800] =	vst v63  }
0x14d: {  	s31 =	simm.s32 $0xA510;
	s28 =	sadd.s32 $0x20, s26  }
0x14e: {  	[hbm4b:s28+s3] =	stream.linear.scatter [tilespmem:s31], [sflag:$0x3], $0x80, $0x38;
	[tilespmem:$0xE800] =	vst v63  }
0x14f: {  	s31 =	simm.s32 $0xA598;
	s28 =	sadd.s32 $0x30, s26  }
0x150: {  	[hbm4b:s28+s3] =	stream.linear.scatter [tilespmem:s31], [sflag:$0x3], $0x80, $0x38;
	[tilespmem:$0xE800] =	vst v63  }
0x151: {  	s31 =	simm.s32 $0xA620;
	s28 =	sadd.s32 $0x40, s26  }
0x152: {  	[hbm4b:s28+s3] =	stream.linear.scatter [tilespmem:s31], [sflag:$0x3], $0x80, $0x38;
	[tilespmem:$0xE800] =	vst v63  }
0x153: {  	s29 =	simm.s32 $0xA7B8;
	s31 =	simm.s32 $0xA6A8;
	s28 =	sadd.s32 $0x50, s26  }
0x154: {  	[hbm4b:s28+s3] =	stream.linear.scatter [tilespmem:s31], [sflag:$0x3], $0x80, $0x38;
	[tilespmem:$0xE800] =	vst v63  }
0x155: {  	s25 =	simm.s32 $0x440;
	s31 =	simm.s32 $0xA730;
	s28 =	sadd.s32 $0x60, s26  }
0x156: {  	[hbm4b:s28+s3] =	stream.linear.scatter [tilespmem:s31], [sflag:$0x3], $0x80, $0x38;
	[tilespmem:$0xE800] =	vst v63  }
0x157: {  	s30 =	sadd.s32 $0x70, s26;
	s26 =	sadd.s32 $0x1000, s26;
	s28 =	simm.s32 $0x2200  }
.LBB2_5:
0x158: {  	[hbm4b:s30+s3] =	stream.linear.scatter [tilespmem:s29], [sflag:$0x3], $0x80, $0x38;
	[tilespmem:$0xE800] =	vst v63  }
0x159: {  	s29 =	smov.u32 s25;
	s25 =	smov.u32 s28  }
0x15a: {  	s31 =	sadd.s32 $0x1100, s28;
	s25 =	sshra.s32 s25, $0x2;
	s30 =	sadd.s32 $0xA400, s29  }
0x15b: {  	[hbm4b:s26+s3] =	stream.linear.scatter [tilespmem:s30], [sflag:$0x3], $0x80, $0x38;
	[tilespmem:$0xE800] =	vst v63  }
0x15c: {  	p1 =	sne.s32 s28, $0x7700;
	s28 =	sadd.s32 $0xA488, s29;
	s30 =	sadd.s32 $0x10, s26  }
0x15d: {  	[hbm4b:s30+s3] =	stream.linear.scatter [tilespmem:s28], [sflag:$0x3], $0x80, $0x38;
	[tilespmem:$0xE800] =	vst v63  }
0x15e: {  	s28 =	sadd.s32 $0xA510, s29;
	s30 =	sadd.s32 $0x20, s26  }
0x15f: {  	[hbm4b:s30+s3] =	stream.linear.scatter [tilespmem:s28], [sflag:$0x3], $0x80, $0x38;
	[tilespmem:$0xE800] =	vst v63  }
0x160: {  	s28 =	sadd.s32 $0xA598, s29;
	s30 =	sadd.s32 $0x30, s26  }
0x161: {  	[hbm4b:s30+s3] =	stream.linear.scatter [tilespmem:s28], [sflag:$0x3], $0x80, $0x38;
	[tilespmem:$0xE800] =	vst v63  }
0x162: {  	s28 =	sadd.s32 $0xA620, s29;
	s30 =	sadd.s32 $0x40, s26  }
0x163: {  	[hbm4b:s30+s3] =	stream.linear.scatter [tilespmem:s28], [sflag:$0x3], $0x80, $0x38;
	[tilespmem:$0xE800] =	vst v63  }
.Ltmp3:
0x164: {  	s28 =	sadd.s32 $0xA6A8, s29;
	s30 =	sadd.s32 $0x50, s26;
	(pc) =	sbr.rel @p1 .LBB2_5-.Ltmp3, $4  }
0x165: {  	[hbm4b:s30+s3] =	stream.linear.scatter [tilespmem:s28], [sflag:$0x3], $0x80, $0x38;
	[tilespmem:$0xE800] =	vst v63  }
0x166: {  	s28 =	sadd.s32 $0xA730, s29;
	s30 =	sadd.s32 $0x60, s26;
	s29 =	sadd.s32 $0xA7B8, s29  }
0x167: {  	[hbm4b:s30+s3] =	stream.linear.scatter [tilespmem:s28], [sflag:$0x3], $0x80, $0x38;
	[tilespmem:$0xE800] =	vst v63  }
0x168: {  	s30 =	sadd.s32 $0x70, s26;
	s26 =	sadd.s32 $0x1000, s26;
	s28 =	smov.u32 s31  }
0x169: {  	[hbm4b:s30+s3] =	stream.linear.scatter [tilespmem:s29], [sflag:$0x3], $0x80, $0x38;
	[tilespmem:$0xE800] =	vst v63  }
0x16a: {  	s28 =	sadd.s32 $0xA400, s25  }
0x16b: {  	[hbm4b:s26+s3] =	stream.linear.scatter [tilespmem:s28], [sflag:$0x3], $0x80, $0x38;
	[tilespmem:$0xE800] =	vst v63  }
0x16c: {  	s30 =	sadd.s32 $0xA488, s25;
	s31 =	sadd.s32 $0x10, s26  }
0x16d: {  	[hbm4b:s31+s3] =	stream.linear.scatter [tilespmem:s30], [sflag:$0x3], $0x80, $0x38;
	[tilespmem:$0xE800] =	vst v63  }
0x16e: {  	s30 =	sadd.s32 $0xA510, s25;
	s31 =	sadd.s32 $0x20, s26  }
0x16f: {  	[hbm4b:s31+s3] =	stream.linear.scatter [tilespmem:s30], [sflag:$0x3], $0x80, $0x38;
	[tilespmem:$0xE800] =	vst v63  }
0x170: {  	s30 =	sadd.s32 $0xA598, s25;
	s31 =	sadd.s32 $0x30, s26  }
0x171: {  	[hbm4b:s31+s3] =	stream.linear.scatter [tilespmem:s30], [sflag:$0x3], $0x80, $0x38;
	[tilespmem:$0xE800] =	vst v63  }
0x172: {  	s30 =	sadd.s32 $0xA620, s25;
	s31 =	sadd.s32 $0x40, s26  }
0x173: {  	[hbm4b:s31+s3] =	stream.linear.scatter [tilespmem:s30], [sflag:$0x3], $0x80, $0x38;
	[tilespmem:$0xE800] =	vst v63  }
0x174: {  	p1 =	sne.s32 s22, $0x63;
	s30 =	sadd.s32 $0xA6A8, s25;
	s31 =	sadd.s32 $0x50, s26  }
0x175: {  	[hbm4b:s31+s3] =	stream.linear.scatter [tilespmem:s30], [sflag:$0x3], $0x80, $0x38;
	[tilespmem:$0xE800] =	vst v63  }
.Ltmp4:
0x176: {  	_ = 	snop;
	(pc) =	sbr.rel @p1 .LBB2_8-.Ltmp4, $4  }
0x177: {  	s30 =	sadd.s32 $0xA730, s25;
	s31 =	sadd.s32 $0x60, s26  }
0x178: {  	[hbm4b:s31+s3] =	stream.linear.scatter [tilespmem:s30], [sflag:$0x3], $0x80, $0x38;
	[tilespmem:$0xE800] =	vst v63  }
0x179: {  	s30 =	sadd.s32 $0xA7B8, s25;
	s31 =	sadd.s32 $0x70, s26  }
0x17a: {  	[hbm4b:s31+s3] =	stream.linear.scatter [tilespmem:s30], [sflag:$0x3], $0x80, $0x38;
	[tilespmem:$0xE800] =	vst v63  }
.Ltmp5:
0x17b: {  	(pc) =	sbr.rel .LBB2_9-.Ltmp5, $4  }
0x17c: {  	_ = 	snop  }
0x17d: {  	_ =	swait.ge [sflag:s17], $0x2000  }
0x17e: {  	[sflag:s17] =	ssyncset.done $0x0  }
0x17f: {  	[sflag:s17] =	ssyncadd.s32 $0xFFFFE000  }
.LBB2_8:
0x180: {  	s25 =	sshll.u32 s23, $0x7  }
0x181: {  	s25 =	sadd.s32 $0x100, s25  }
.Ltmp6:
0x182: {  	s25 =	sand.u32 $0xFF00, s25;
	(pc) =	sbr.rel @p0 .LBB2_10-.Ltmp6, $4  }
0x183: {  	[tilespmem:s13], [sflag:$0x1] =	stream.indirect.gather [hbm4b:s5+s12], $0x40, s25, s12, $0xb8;
	[tilespmem:$0xE800] =	vst v63  }
0x184: {  	_ =	swait.ge [sflag:s17], $0x2000  }
0x185: {  	[sflag:s17] =	ssyncset.done $0x0  }
0x186: {  	[sflag:s17] =	ssyncadd.s32 $0xFFFFE000  }
.LBB2_9:
0x187: {  	_ =	swait.ge [sflag:s18], $0x2000  }
0x188: {  	[sflag:s18] =	ssyncset.done $0x0  }
0x189: {  	[sflag:s18] =	ssyncadd.s32 $0xFFFFE000  }
.LBB2_10:
0x18a: {  	s25 =	simm.s32 $0xF;
	s26 =	simm.s32 $0x87F0  }
.LBB2_11:
0x18b: {  	s28 =	sadd.s32 $0xFFFFFFF1, s25  }
0x18c: {  	v33 =	vmov s28  }
0x18d: {  	v33 =	vshrl.u32 v33, $0x3  }
0x18e: {  	v33 =	vshll.u32 v33, v1  }
0x18f: {  	v34 =	vld [tilespmem:s26+$0xFFFFFC10];
	v33 =	vbroadcast v33, $0x0;
	_ =	sdelay $0x1  }
0x190: {  	v35 =	vadd.s32 v0, v33;
	_ =	sdelay $0x2  }
0x191: {  	v34 =	vmul.f32 $8.000000000e+00, v34;
	_ =	sdelay $0x1  }
0x192: {  	[tilespmem:v35+s19+$0x0] =	vst.idx.msk $0xffff, v34  }
0x193: {  	v34 =	vld [tilespmem:s26+$0xFFFFFC20];
	_ =	sdelay $0x1  }
0x194: {  	v43 =	vadd.s32 v2, v33;
	_ =	sdelay $0x2  }
0x195: {  	v34 =	vmul.f32 $8.000000000e+00, v34;
	_ =	sdelay $0x1  }
0x196: {  	[tilespmem:v43+s19+$0x0] =	vst.idx.msk $0xffff, v34  }
0x197: {  	v34 =	vld [tilespmem:s26+$0xFFFFFC30];
	_ =	sdelay $0x1  }
0x198: {  	v44 =	vadd.s32 v3, v33;
	_ =	sdelay $0x2  }
0x199: {  	v34 =	vmul.f32 $8.000000000e+00, v34;
	_ =	sdelay $0x1  }
0x19a: {  	[tilespmem:v44+s19+$0x0] =	vst.idx.msk $0xffff, v34  }
0x19b: {  	v34 =	vld [tilespmem:s26+$0xFFFFFC40];
	_ =	sdelay $0x1  }
0x19c: {  	v33 =	vadd.s32 v4, v33;
	_ =	sdelay $0x1  }
0x19d: {  	s30 =	sadd.s32 $0xFFFFFFF2, s25  }
0x19e: {  	v45 =	vmov s30;
	v34 =	vmul.f32 $8.000000000e+00, v34  }
0x19f: {  	v35 =	vshrl.u32 v45, $0x3  }
0x1a0: {  	v46 =	vshll.u32 v35, v1;
	[tilespmem:v33+s19+$0x0] =	vst.idx.msk $0xffff, v34  }
0x1a1: {  	v33 =	vbroadcast v46, $0x0;
	v34 =	vld [tilespmem:s26+$0xFFFFFC50];
	_ =	sdelay $0x1  }
0x1a2: {  	v47 =	vadd.s32 v5, v33;
	_ =	sdelay $0x2  }
0x1a3: {  	v34 =	vmul.f32 $8.000000000e+00, v34;
	_ =	sdelay $0x1  }
0x1a4: {  	[tilespmem:v47+s19+$0x0] =	vst.idx.msk $0xffff, v34  }
0x1a5: {  	v34 =	vld [tilespmem:s26+$0xFFFFFC60];
	_ =	sdelay $0x1  }
0x1a6: {  	v48 =	vadd.s32 v6, v33;
	_ =	sdelay $0x2  }
0x1a7: {  	v34 =	vmul.f32 $8.000000000e+00, v34;
	_ =	sdelay $0x1  }
0x1a8: {  	[tilespmem:v48+s19+$0x0] =	vst.idx.msk $0xffff, v34  }
0x1a9: {  	v34 =	vld [tilespmem:s26+$0xFFFFFC70];
	_ =	sdelay $0x1  }
0x1aa: {  	v49 =	vadd.s32 v7, v33;
	_ =	sdelay $0x2  }
0x1ab: {  	v34 =	vmul.f32 $8.000000000e+00, v34;
	_ =	sdelay $0x1  }
0x1ac: {  	[tilespmem:v49+s19+$0x0] =	vst.idx.msk $0xffff, v34  }
0x1ad: {  	v34 =	vld [tilespmem:s26+$0xFFFFFC80];
	_ =	sdelay $0x1  }
0x1ae: {  	v33 =	vadd.s32 v8, v33;
	_ =	sdelay $0x1  }
0x1af: {  	s31 =	sadd.s32 $0xFFFFFFF3, s25  }
0x1b0: {  	v50 =	vmov s31;
	v34 =	vmul.f32 $8.000000000e+00, v34  }
0x1b1: {  	v35 =	vshrl.u32 v50, $0x3  }
0x1b2: {  	v51 =	vshll.u32 v35, v1;
	[tilespmem:v33+s19+$0x0] =	vst.idx.msk $0xffff, v34  }
0x1b3: {  	v33 =	vbroadcast v51, $0x0;
	v34 =	vld [tilespmem:s26+$0xFFFFFC90];
	_ =	sdelay $0x1  }
0x1b4: {  	v52 =	vadd.s32 v9, v33;
	_ =	sdelay $0x2  }
0x1b5: {  	v34 =	vmul.f32 $8.000000000e+00, v34;
	_ =	sdelay $0x1  }
0x1b6: {  	[tilespmem:v52+s19+$0x0] =	vst.idx.msk $0xffff, v34  }
0x1b7: {  	v34 =	vld [tilespmem:s26+$0xFFFFFCA0];
	_ =	sdelay $0x1  }
0x1b8: {  	v53 =	vadd.s32 v10, v33;
	_ =	sdelay $0x2  }
0x1b9: {  	v34 =	vmul.f32 $8.000000000e+00, v34;
	_ =	sdelay $0x1  }
0x1ba: {  	[tilespmem:v53+s19+$0x0] =	vst.idx.msk $0xffff, v34  }
0x1bb: {  	v34 =	vld [tilespmem:s26+$0xFFFFFCB0];
	_ =	sdelay $0x1  }
0x1bc: {  	v54 =	vadd.s32 v11, v33;
	_ =	sdelay $0x2  }
0x1bd: {  	v34 =	vmul.f32 $8.000000000e+00, v34;
	_ =	sdelay $0x1  }
0x1be: {  	[tilespmem:v54+s19+$0x0] =	vst.idx.msk $0xffff, v34  }
0x1bf: {  	v34 =	vld [tilespmem:s26+$0xFFFFFCC0];
	_ =	sdelay $0x1  }
0x1c0: {  	v33 =	vadd.s32 v12, v33;
	_ =	sdelay $0x1  }
0x1c1: {  	s29 =	sadd.s32 $0xFFFFFFF4, s25  }
0x1c2: {  	v55 =	vmov s29;
	v34 =	vmul.f32 $8.000000000e+00, v34  }
0x1c3: {  	v35 =	vshrl.u32 v55, $0x3  }
0x1c4: {  	v56 =	vshll.u32 v35, v1;
	[tilespmem:v33+s19+$0x0] =	vst.idx.msk $0xffff, v34  }
0x1c5: {  	v33 =	vbroadcast v56, $0x0;
	v34 =	vld [tilespmem:s26+$0xFFFFFCD0];
	_ =	sdelay $0x1  }
0x1c6: {  	v57 =	vadd.s32 v13, v33;
	_ =	sdelay $0x2  }
0x1c7: {  	v34 =	vmul.f32 $8.000000000e+00, v34;
	_ =	sdelay $0x1  }
0x1c8: {  	[tilespmem:v57+s19+$0x0] =	vst.idx.msk $0xffff, v34  }
0x1c9: {  	v34 =	vld [tilespmem:s26+$0xFFFFFCE0];
	_ =	sdelay $0x1  }
0x1ca: {  	v58 =	vadd.s32 v14, v33;
	_ =	sdelay $0x2  }
0x1cb: {  	v34 =	vmul.f32 $8.000000000e+00, v34;
	_ =	sdelay $0x1  }
0x1cc: {  	[tilespmem:v58+s19+$0x0] =	vst.idx.msk $0xffff, v34  }
0x1cd: {  	v34 =	vld [tilespmem:s26+$0xFFFFFCF0];
	_ =	sdelay $0x1  }
0x1ce: {  	v59 =	vadd.s32 v15, v33;
	_ =	sdelay $0x2  }
0x1cf: {  	v34 =	vmul.f32 $8.000000000e+00, v34;
	_ =	sdelay $0x1  }
0x1d0: {  	[tilespmem:v59+s19+$0x0] =	vst.idx.msk $0xffff, v34  }
0x1d1: {  	v34 =	vld [tilespmem:s26+$0xFFFFFD00];
	_ =	sdelay $0x1  }
0x1d2: {  	v33 =	vadd.s32 v16, v33;
	_ =	sdelay $0x1  }
0x1d3: {  	s30 =	sadd.s32 $0xFFFFFFF5, s25  }
0x1d4: {  	v60 =	vmov s30;
	v34 =	vmul.f32 $8.000000000e+00, v34  }
0x1d5: {  	v35 =	vshrl.u32 v60, $0x3  }
0x1d6: {  	v61 =	vshll.u32 v35, v1;
	[tilespmem:v33+s19+$0x0] =	vst.idx.msk $0xffff, v34  }
0x1d7: {  	v33 =	vbroadcast v61, $0x0;
	v34 =	vld [tilespmem:s26+$0xFFFFFD10];
	_ =	sdelay $0x1  }
0x1d8: {  	v62 =	vadd.s32 v17, v33;
	_ =	sdelay $0x2  }
0x1d9: {  	v34 =	vmul.f32 $8.000000000e+00, v34;
	_ =	sdelay $0x1  }
0x1da: {  	[tilespmem:v62+s19+$0x0] =	vst.idx.msk $0xffff, v34  }
0x1db: {  	v34 =	vld [tilespmem:s26+$0xFFFFFD20];
	_ =	sdelay $0x1  }
0x1dc: {  	v63 =	vadd.s32 v18, v33;
	_ =	sdelay $0x2  }
0x1dd: {  	v34 =	vmul.f32 $8.000000000e+00, v34;
	_ =	sdelay $0x1  }
0x1de: {  	[tilespmem:v63+s19+$0x0] =	vst.idx.msk $0xffff, v34  }
0x1df: {  	v34 =	vld [tilespmem:s26+$0xFFFFFD30];
	_ =	sdelay $0x1  }
0x1e0: {  	v36 =	vadd.s32 v19, v33;
	_ =	sdelay $0x2  }
0x1e1: {  	v34 =	vmul.f32 $8.000000000e+00, v34;
	_ =	sdelay $0x1  }
0x1e2: {  	[tilespmem:v36+s19+$0x0] =	vst.idx.msk $0xffff, v34  }
0x1e3: {  	v34 =	vld [tilespmem:s26+$0xFFFFFD40];
	_ =	sdelay $0x1  }
0x1e4: {  	v33 =	vadd.s32 v20, v33;
	_ =	sdelay $0x1  }
0x1e5: {  	s31 =	sadd.s32 $0xFFFFFFF6, s25  }
0x1e6: {  	v37 =	vmov s31;
	v34 =	vmul.f32 $8.000000000e+00, v34  }
0x1e7: {  	v35 =	vshrl.u32 v37, $0x3  }
0x1e8: {  	v38 =	vshll.u32 v35, v1;
	[tilespmem:v33+s19+$0x0] =	vst.idx.msk $0xffff, v34  }
0x1e9: {  	v33 =	vbroadcast v38, $0x0;
	v34 =	vld [tilespmem:s26+$0xFFFFFD50];
	_ =	sdelay $0x1  }
0x1ea: {  	v39 =	vadd.s32 v21, v33;
	_ =	sdelay $0x2  }
0x1eb: {  	v34 =	vmul.f32 $8.000000000e+00, v34;
	_ =	sdelay $0x1  }
0x1ec: {  	[tilespmem:v39+s19+$0x0] =	vst.idx.msk $0xffff, v34  }
0x1ed: {  	v34 =	vld [tilespmem:s26+$0xFFFFFD60];
	_ =	sdelay $0x1  }
0x1ee: {  	v40 =	vadd.s32 v22, v33;
	_ =	sdelay $0x2  }
0x1ef: {  	v34 =	vmul.f32 $8.000000000e+00, v34;
	_ =	sdelay $0x1  }
0x1f0: {  	[tilespmem:v40+s19+$0x0] =	vst.idx.msk $0xffff, v34  }
0x1f1: {  	v34 =	vld [tilespmem:s26+$0xFFFFFD70];
	_ =	sdelay $0x1  }
0x1f2: {  	v41 =	vadd.s32 v23, v33;
	_ =	sdelay $0x2  }
0x1f3: {  	v34 =	vmul.f32 $8.000000000e+00, v34;
	_ =	sdelay $0x1  }
0x1f4: {  	[tilespmem:v41+s19+$0x0] =	vst.idx.msk $0xffff, v34  }
0x1f5: {  	v34 =	vld [tilespmem:s26+$0xFFFFFD80];
	_ =	sdelay $0x1  }
0x1f6: {  	v33 =	vadd.s32 v24, v33;
	_ =	sdelay $0x1  }
0x1f7: {  	s29 =	sadd.s32 $0xFFFFFFF7, s25  }
0x1f8: {  	v42 =	vmov s29;
	v34 =	vmul.f32 $8.000000000e+00, v34  }
0x1f9: {  	v35 =	vshrl.u32 v42, $0x3  }
0x1fa: {  	v43 =	vshll.u32 v35, v1;
	[tilespmem:v33+s19+$0x0] =	vst.idx.msk $0xffff, v34  }
0x1fb: {  	v33 =	vbroadcast v43, $0x0;
	v34 =	vld [tilespmem:s26+$0xFFFFFD90];
	_ =	sdelay $0x1  }
0x1fc: {  	v44 =	vadd.s32 v25, v33;
	_ =	sdelay $0x2  }
0x1fd: {  	v34 =	vmul.f32 $8.000000000e+00, v34;
	_ =	sdelay $0x1  }
0x1fe: {  	[tilespmem:v44+s19+$0x0] =	vst.idx.msk $0xffff, v34  }
0x1ff: {  	v34 =	vld [tilespmem:s26+$0xFFFFFDA0];
	_ =	sdelay $0x1  }
0x200: {  	v45 =	vadd.s32 v26, v33;
	_ =	sdelay $0x2  }
0x201: {  	v34 =	vmul.f32 $8.000000000e+00, v34;
	_ =	sdelay $0x1  }
0x202: {  	[tilespmem:v45+s19+$0x0] =	vst.idx.msk $0xffff, v34  }
0x203: {  	v34 =	vld [tilespmem:s26+$0xFFFFFDB0];
	_ =	sdelay $0x1  }
0x204: {  	v46 =	vadd.s32 v27, v33;
	_ =	sdelay $0x2  }
0x205: {  	v34 =	vmul.f32 $8.000000000e+00, v34;
	_ =	sdelay $0x1  }
0x206: {  	[tilespmem:v46+s19+$0x0] =	vst.idx.msk $0xffff, v34  }
0x207: {  	v34 =	vld [tilespmem:s26+$0xFFFFFDC0];
	_ =	sdelay $0x1  }
0x208: {  	v33 =	vadd.s32 v28, v33;
	_ =	sdelay $0x1  }
0x209: {  	s30 =	sadd.s32 $0xFFFFFFF8, s25  }
0x20a: {  	v47 =	vmov s30;
	v34 =	vmul.f32 $8.000000000e+00, v34  }
0x20b: {  	v35 =	vshrl.u32 v47, $0x3  }
0x20c: {  	v48 =	vshll.u32 v35, v1;
	[tilespmem:v33+s19+$0x0] =	vst.idx.msk $0xffff, v34  }
0x20d: {  	v33 =	vbroadcast v48, $0x0;
	v34 =	vld [tilespmem:s26+$0xFFFFFDD0];
	_ =	sdelay $0x1  }
0x20e: {  	v49 =	vadd.s32 v29, v33;
	_ =	sdelay $0x2  }
0x20f: {  	v34 =	vmul.f32 $8.000000000e+00, v34;
	_ =	sdelay $0x1  }
0x210: {  	[tilespmem:v49+s19+$0x0] =	vst.idx.msk $0xffff, v34  }
0x211: {  	v34 =	vld [tilespmem:s26+$0xFFFFFDE0];
	_ =	sdelay $0x1  }
0x212: {  	v50 =	vadd.s32 v30, v33;
	_ =	sdelay $0x2  }
0x213: {  	v34 =	vmul.f32 $8.000000000e+00, v34;
	_ =	sdelay $0x1  }
0x214: {  	[tilespmem:v50+s19+$0x0] =	vst.idx.msk $0xffff, v34  }
0x215: {  	v34 =	vld [tilespmem:s26+$0xFFFFFDF0];
	_ =	sdelay $0x1  }
0x216: {  	v51 =	vadd.s32 v31, v33;
	_ =	sdelay $0x2  }
0x217: {  	v34 =	vmul.f32 $8.000000000e+00, v34;
	_ =	sdelay $0x1  }
0x218: {  	[tilespmem:v51+s19+$0x0] =	vst.idx.msk $0xffff, v34  }
0x219: {  	v34 =	vld [tilespmem:s26+$0xFFFFFE00];
	_ =	sdelay $0x1  }
0x21a: {  	v33 =	vadd.s32 v32, v33;
	_ =	sdelay $0x1  }
0x21b: {  	s31 =	sadd.s32 $0xFFFFFFF9, s25  }
0x21c: {  	v52 =	vmov s31;
	v34 =	vmul.f32 $8.000000000e+00, v34  }
0x21d: {  	v35 =	vshrl.u32 v52, $0x3  }
0x21e: {  	v53 =	vshll.u32 v35, v1;
	[tilespmem:v33+s19+$0x0] =	vst.idx.msk $0xffff, v34  }
0x21f: {  	v33 =	vbroadcast v53, $0x0;
	v34 =	vld [tilespmem:s26+$0xFFFFFE10];
	_ =	sdelay $0x1  }
0x220: {  	v54 =	vadd.s32 v0, v33;
	_ =	sdelay $0x2  }
0x221: {  	v34 =	vmul.f32 $8.000000000e+00, v34;
	_ =	sdelay $0x1  }
0x222: {  	[tilespmem:v54+s19+$0x0] =	vst.idx.msk $0xffff, v34  }
0x223: {  	v34 =	vld [tilespmem:s26+$0xFFFFFE20];
	_ =	sdelay $0x1  }
0x224: {  	v55 =	vadd.s32 v2, v33;
	_ =	sdelay $0x2  }
0x225: {  	v34 =	vmul.f32 $8.000000000e+00, v34;
	_ =	sdelay $0x1  }
0x226: {  	[tilespmem:v55+s19+$0x0] =	vst.idx.msk $0xffff, v34  }
0x227: {  	v34 =	vld [tilespmem:s26+$0xFFFFFE30];
	_ =	sdelay $0x1  }
0x228: {  	v56 =	vadd.s32 v3, v33;
	_ =	sdelay $0x2  }
0x229: {  	v34 =	vmul.f32 $8.000000000e+00, v34;
	_ =	sdelay $0x1  }
0x22a: {  	[tilespmem:v56+s19+$0x0] =	vst.idx.msk $0xffff, v34  }
0x22b: {  	v34 =	vld [tilespmem:s26+$0xFFFFFE40];
	_ =	sdelay $0x1  }
0x22c: {  	v33 =	vadd.s32 v4, v33;
	_ =	sdelay $0x1  }
0x22d: {  	s29 =	sadd.s32 $0xFFFFFFFA, s25  }
0x22e: {  	v57 =	vmov s29;
	v34 =	vmul.f32 $8.000000000e+00, v34  }
0x22f: {  	v35 =	vshrl.u32 v57, $0x3  }
0x230: {  	v58 =	vshll.u32 v35, v1;
	[tilespmem:v33+s19+$0x0] =	vst.idx.msk $0xffff, v34  }
0x231: {  	v33 =	vbroadcast v58, $0x0;
	v34 =	vld [tilespmem:s26+$0xFFFFFE50];
	_ =	sdelay $0x1  }
0x232: {  	v59 =	vadd.s32 v5, v33;
	_ =	sdelay $0x2  }
0x233: {  	v34 =	vmul.f32 $8.000000000e+00, v34;
	_ =	sdelay $0x1  }
0x234: {  	[tilespmem:v59+s19+$0x0] =	vst.idx.msk $0xffff, v34  }
0x235: {  	v34 =	vld [tilespmem:s26+$0xFFFFFE60];
	_ =	sdelay $0x1  }
0x236: {  	v60 =	vadd.s32 v6, v33;
	_ =	sdelay $0x2  }
0x237: {  	v34 =	vmul.f32 $8.000000000e+00, v34;
	_ =	sdelay $0x1  }
0x238: {  	[tilespmem:v60+s19+$0x0] =	vst.idx.msk $0xffff, v34  }
0x239: {  	v34 =	vld [tilespmem:s26+$0xFFFFFE70];
	_ =	sdelay $0x1  }
0x23a: {  	v61 =	vadd.s32 v7, v33;
	_ =	sdelay $0x2  }
0x23b: {  	v34 =	vmul.f32 $8.000000000e+00, v34;
	_ =	sdelay $0x1  }
0x23c: {  	[tilespmem:v61+s19+$0x0] =	vst.idx.msk $0xffff, v34  }
0x23d: {  	v34 =	vld [tilespmem:s26+$0xFFFFFE80];
	_ =	sdelay $0x1  }
0x23e: {  	v33 =	vadd.s32 v8, v33;
	_ =	sdelay $0x1  }
0x23f: {  	s30 =	sadd.s32 $0xFFFFFFFB, s25  }
0x240: {  	v62 =	vmov s30;
	v34 =	vmul.f32 $8.000000000e+00, v34  }
0x241: {  	v35 =	vshrl.u32 v62, $0x3  }
0x242: {  	v63 =	vshll.u32 v35, v1;
	[tilespmem:v33+s19+$0x0] =	vst.idx.msk $0xffff, v34  }
0x243: {  	v33 =	vbroadcast v63, $0x0;
	v34 =	vld [tilespmem:s26+$0xFFFFFE90];
	_ =	sdelay $0x1  }
0x244: {  	v36 =	vadd.s32 v9, v33;
	_ =	sdelay $0x2  }
0x245: {  	v34 =	vmul.f32 $8.000000000e+00, v34;
	_ =	sdelay $0x1  }
0x246: {  	[tilespmem:v36+s19+$0x0] =	vst.idx.msk $0xffff, v34  }
0x247: {  	v34 =	vld [tilespmem:s26+$0xFFFFFEA0];
	_ =	sdelay $0x1  }
0x248: {  	v37 =	vadd.s32 v10, v33;
	_ =	sdelay $0x2  }
0x249: {  	v34 =	vmul.f32 $8.000000000e+00, v34;
	_ =	sdelay $0x1  }
0x24a: {  	[tilespmem:v37+s19+$0x0] =	vst.idx.msk $0xffff, v34  }
0x24b: {  	v34 =	vld [tilespmem:s26+$0xFFFFFEB0];
	_ =	sdelay $0x1  }
0x24c: {  	v38 =	vadd.s32 v11, v33;
	_ =	sdelay $0x2  }
0x24d: {  	v34 =	vmul.f32 $8.000000000e+00, v34;
	_ =	sdelay $0x1  }
0x24e: {  	[tilespmem:v38+s19+$0x0] =	vst.idx.msk $0xffff, v34  }
0x24f: {  	v34 =	vld [tilespmem:s26+$0xFFFFFEC0];
	_ =	sdelay $0x1  }
0x250: {  	v33 =	vadd.s32 v12, v33;
	_ =	sdelay $0x1  }
0x251: {  	s31 =	sadd.s32 $0xFFFFFFFC, s25  }
0x252: {  	v39 =	vmov s31;
	v34 =	vmul.f32 $8.000000000e+00, v34  }
0x253: {  	v35 =	vshrl.u32 v39, $0x3  }
0x254: {  	v40 =	vshll.u32 v35, v1;
	[tilespmem:v33+s19+$0x0] =	vst.idx.msk $0xffff, v34  }
0x255: {  	v33 =	vbroadcast v40, $0x0;
	v34 =	vld [tilespmem:s26+$0xFFFFFED0];
	_ =	sdelay $0x1  }
0x256: {  	v41 =	vadd.s32 v13, v33;
	_ =	sdelay $0x2  }
0x257: {  	v34 =	vmul.f32 $8.000000000e+00, v34;
	_ =	sdelay $0x1  }
0x258: {  	[tilespmem:v41+s19+$0x0] =	vst.idx.msk $0xffff, v34  }
0x259: {  	v34 =	vld [tilespmem:s26+$0xFFFFFEE0];
	_ =	sdelay $0x1  }
0x25a: {  	v42 =	vadd.s32 v14, v33;
	_ =	sdelay $0x2  }
0x25b: {  	v34 =	vmul.f32 $8.000000000e+00, v34;
	_ =	sdelay $0x1  }
0x25c: {  	[tilespmem:v42+s19+$0x0] =	vst.idx.msk $0xffff, v34  }
0x25d: {  	v34 =	vld [tilespmem:s26+$0xFFFFFEF0];
	_ =	sdelay $0x1  }
0x25e: {  	v43 =	vadd.s32 v15, v33;
	_ =	sdelay $0x2  }
0x25f: {  	v34 =	vmul.f32 $8.000000000e+00, v34;
	_ =	sdelay $0x1  }
0x260: {  	[tilespmem:v43+s19+$0x0] =	vst.idx.msk $0xffff, v34  }
0x261: {  	v34 =	vld [tilespmem:s26+$0xFFFFFF00];
	_ =	sdelay $0x1  }
0x262: {  	v33 =	vadd.s32 v16, v33;
	_ =	sdelay $0x1  }
0x263: {  	s29 =	sadd.s32 $0xFFFFFFFD, s25  }
0x264: {  	v44 =	vmov s29;
	v34 =	vmul.f32 $8.000000000e+00, v34  }
0x265: {  	v35 =	vshrl.u32 v44, $0x3  }
0x266: {  	v45 =	vshll.u32 v35, v1;
	[tilespmem:v33+s19+$0x0] =	vst.idx.msk $0xffff, v34  }
0x267: {  	v33 =	vbroadcast v45, $0x0;
	v34 =	vld [tilespmem:s26+$0xFFFFFF10];
	_ =	sdelay $0x1  }
0x268: {  	v46 =	vadd.s32 v17, v33;
	_ =	sdelay $0x2  }
0x269: {  	v34 =	vmul.f32 $8.000000000e+00, v34;
	_ =	sdelay $0x1  }
0x26a: {  	[tilespmem:v46+s19+$0x0] =	vst.idx.msk $0xffff, v34  }
0x26b: {  	v34 =	vld [tilespmem:s26+$0xFFFFFF20];
	_ =	sdelay $0x1  }
0x26c: {  	v47 =	vadd.s32 v18, v33;
	_ =	sdelay $0x2  }
0x26d: {  	v34 =	vmul.f32 $8.000000000e+00, v34;
	_ =	sdelay $0x1  }
0x26e: {  	[tilespmem:v47+s19+$0x0] =	vst.idx.msk $0xffff, v34  }
0x26f: {  	v34 =	vld [tilespmem:s26+$0xFFFFFF30];
	_ =	sdelay $0x1  }
0x270: {  	v48 =	vadd.s32 v19, v33;
	_ =	sdelay $0x2  }
0x271: {  	v34 =	vmul.f32 $8.000000000e+00, v34;
	_ =	sdelay $0x1  }
0x272: {  	[tilespmem:v48+s19+$0x0] =	vst.idx.msk $0xffff, v34  }
0x273: {  	v34 =	vld [tilespmem:s26+$0xFFFFFF40];
	_ =	sdelay $0x1  }
0x274: {  	v33 =	vadd.s32 v20, v33;
	_ =	sdelay $0x1  }
0x275: {  	s30 =	sadd.s32 $0xFFFFFFFE, s25  }
0x276: {  	v49 =	vmov s30;
	v34 =	vmul.f32 $8.000000000e+00, v34  }
0x277: {  	v35 =	vshrl.u32 v49, $0x3  }
0x278: {  	v50 =	vshll.u32 v35, v1;
	[tilespmem:v33+s19+$0x0] =	vst.idx.msk $0xffff, v34  }
0x279: {  	v33 =	vbroadcast v50, $0x0;
	v34 =	vld [tilespmem:s26+$0xFFFFFF50];
	_ =	sdelay $0x1  }
0x27a: {  	v51 =	vadd.s32 v21, v33;
	_ =	sdelay $0x2  }
0x27b: {  	v34 =	vmul.f32 $8.000000000e+00, v34;
	_ =	sdelay $0x1  }
0x27c: {  	[tilespmem:v51+s19+$0x0] =	vst.idx.msk $0xffff, v34  }
0x27d: {  	v34 =	vld [tilespmem:s26+$0xFFFFFF60];
	_ =	sdelay $0x1  }
0x27e: {  	v52 =	vadd.s32 v22, v33;
	_ =	sdelay $0x2  }
0x27f: {  	v34 =	vmul.f32 $8.000000000e+00, v34;
	_ =	sdelay $0x1  }
0x280: {  	[tilespmem:v52+s19+$0x0] =	vst.idx.msk $0xffff, v34  }
0x281: {  	v34 =	vld [tilespmem:s26+$0xFFFFFF70];
	_ =	sdelay $0x1  }
0x282: {  	v53 =	vadd.s32 v23, v33;
	_ =	sdelay $0x2  }
0x283: {  	v34 =	vmul.f32 $8.000000000e+00, v34;
	_ =	sdelay $0x1  }
0x284: {  	[tilespmem:v53+s19+$0x0] =	vst.idx.msk $0xffff, v34  }
0x285: {  	v34 =	vld [tilespmem:s26+$0xFFFFFF80];
	_ =	sdelay $0x1  }
0x286: {  	v33 =	vadd.s32 v24, v33;
	_ =	sdelay $0x1  }
0x287: {  	s31 =	sadd.s32 $0xFFFFFFFF, s25  }
0x288: {  	v54 =	vmov s31;
	v34 =	vmul.f32 $8.000000000e+00, v34  }
0x289: {  	v35 =	vshrl.u32 v54, $0x3  }
0x28a: {  	v55 =	vshll.u32 v35, v1;
	[tilespmem:v33+s19+$0x0] =	vst.idx.msk $0xffff, v34  }
0x28b: {  	v33 =	vbroadcast v55, $0x0;
	v34 =	vld [tilespmem:s26+$0xFFFFFF90];
	_ =	sdelay $0x1  }
0x28c: {  	v56 =	vadd.s32 v25, v33;
	_ =	sdelay $0x2  }
0x28d: {  	v34 =	vmul.f32 $8.000000000e+00, v34;
	_ =	sdelay $0x1  }
0x28e: {  	[tilespmem:v56+s19+$0x0] =	vst.idx.msk $0xffff, v34  }
0x28f: {  	v34 =	vld [tilespmem:s26+$0xFFFFFFA0];
	_ =	sdelay $0x1  }
0x290: {  	v57 =	vadd.s32 v26, v33;
	_ =	sdelay $0x2  }
0x291: {  	v34 =	vmul.f32 $8.000000000e+00, v34;
	_ =	sdelay $0x1  }
0x292: {  	[tilespmem:v57+s19+$0x0] =	vst.idx.msk $0xffff, v34  }
0x293: {  	v34 =	vld [tilespmem:s26+$0xFFFFFFB0];
	_ =	sdelay $0x1  }
0x294: {  	v58 =	vadd.s32 v27, v33;
	_ =	sdelay $0x2  }
0x295: {  	v34 =	vmul.f32 $8.000000000e+00, v34;
	_ =	sdelay $0x1  }
0x296: {  	[tilespmem:v58+s19+$0x0] =	vst.idx.msk $0xffff, v34  }
0x297: {  	v34 =	vld [tilespmem:s26+$0xFFFFFFC0];
	_ =	sdelay $0x1  }
0x298: {  	v33 =	vadd.s32 v28, v33;
	_ =	sdelay $0x2  }
0x299: {  	v59 =	vmov s25;
	v34 =	vmul.f32 $8.000000000e+00, v34  }
0x29a: {  	v35 =	vshrl.u32 v59, $0x3  }
0x29b: {  	v60 =	vshll.u32 v35, v1;
	[tilespmem:v33+s19+$0x0] =	vst.idx.msk $0xffff, v34  }
0x29c: {  	v33 =	vbroadcast v60, $0x0;
	v34 =	vld [tilespmem:s26+$0xFFFFFFD0];
	_ =	sdelay $0x1  }
0x29d: {  	v61 =	vadd.s32 v29, v33;
	_ =	sdelay $0x2  }
0x29e: {  	v34 =	vmul.f32 $8.000000000e+00, v34;
	_ =	sdelay $0x1  }
0x29f: {  	[tilespmem:v61+s19+$0x0] =	vst.idx.msk $0xffff, v34  }
0x2a0: {  	v34 =	vld [tilespmem:s26+$0xFFFFFFE0];
	_ =	sdelay $0x1  }
0x2a1: {  	v62 =	vadd.s32 v30, v33;
	_ =	sdelay $0x2  }
0x2a2: {  	v34 =	vmul.f32 $8.000000000e+00, v34;
	_ =	sdelay $0x1  }
0x2a3: {  	[tilespmem:v62+s19+$0x0] =	vst.idx.msk $0xffff, v34  }
0x2a4: {  	v34 =	vld [tilespmem:s26+$0xFFFFFFF0];
	_ =	sdelay $0x1  }
0x2a5: {  	v63 =	vadd.s32 v31, v33;
	_ =	sdelay $0x2  }
0x2a6: {  	v34 =	vmul.f32 $8.000000000e+00, v34;
	_ =	sdelay $0x1  }
0x2a7: {  	[tilespmem:v63+s19+$0x0] =	vst.idx.msk $0xffff, v34  }
0x2a8: {  	v34 =	vld [tilespmem:s26+$0x0];
	_ =	sdelay $0x1  }
0x2a9: {  	p0 =	sne.s32 s25, $0x7F;
	v33 =	vadd.s32 v32, v33  }
.Ltmp7:
0x2aa: {  	_ = 	snop;
	(pc) =	sbr.rel @p0 .LBB2_11-.Ltmp7, $3  }
0x2ab: {  	_ = 	snop  }
0x2ac: {  	v34 =	vmul.f32 $8.000000000e+00, v34;
	_ =	sdelay $0x1  }
0x2ad: {  	s25 =	sadd.s32 $0x10, s25;
	s26 =	sadd.s32 $0x400, s26;
	[tilespmem:v33+s19+$0x0] =	vst.idx.msk $0xffff, v34  }
0x2ae: {  	s25 =	sadd.s32 s24, s7;
	s30 =	simm.s32 $0xC600  }
0x2af: {  	[hbm4b:s25+s3] =	stream.linear.scatter [tilespmem:s30], [sflag:$0x4], $0x80, $0x38;
	[tilespmem:$0xE800] =	vst v63  }
0x2b0: {  	s31 =	simm.s32 $0xC688;
	s26 =	sadd.s32 $0x10, s25  }
0x2b1: {  	[hbm4b:s26+s3] =	stream.linear.scatter [tilespmem:s31], [sflag:$0x4], $0x80, $0x38;
	[tilespmem:$0xE800] =	vst v63  }
0x2b2: {  	s24 =	simm.s32 $0x440;
	s30 =	simm.s32 $0xC710;
	s31 =	sadd.s32 $0x20, s25  }
0x2b3: {  	[hbm4b:s31+s3] =	stream.linear.scatter [tilespmem:s30], [sflag:$0x4], $0x80, $0x38;
	[tilespmem:$0xE800] =	vst v63  }
0x2b4: {  	s28 =	simm.s32 $0xC9B8;
	s30 =	simm.s32 $0xC798;
	s31 =	sadd.s32 $0x30, s25  }
0x2b5: {  	[hbm4b:s31+s3] =	stream.linear.scatter [tilespmem:s30], [sflag:$0x4], $0x80, $0x38;
	[tilespmem:$0xE800] =	vst v63  }
0x2b6: {  	s29 =	sadd.s32 $0x70, s25;
	s30 =	simm.s32 $0xC820;
	s31 =	sadd.s32 $0x40, s25  }
0x2b7: {  	[hbm4b:s31+s3] =	stream.linear.scatter [tilespmem:s30], [sflag:$0x4], $0x80, $0x38;
	[tilespmem:$0xE800] =	vst v63  }
0x2b8: {  	s26 =	simm.s32 $0x2200;
	s30 =	simm.s32 $0xC8A8;
	s31 =	sadd.s32 $0x50, s25  }
0x2b9: {  	[hbm4b:s31+s3] =	stream.linear.scatter [tilespmem:s30], [sflag:$0x4], $0x80, $0x38;
	[tilespmem:$0xE800] =	vst v63  }
0x2ba: {  	s30 =	simm.s32 $0xC930;
	s31 =	sadd.s32 $0x60, s25;
	s25 =	sadd.s32 $0x1000, s25  }
0x2bb: {  	[hbm4b:s31+s3] =	stream.linear.scatter [tilespmem:s30], [sflag:$0x4], $0x80, $0x38;
	[tilespmem:$0xE800] =	vst v63  }
.LBB2_13:
0x2bc: {  	[hbm4b:s29+s3] =	stream.linear.scatter [tilespmem:s28], [sflag:$0x4], $0x80, $0x38;
	[tilespmem:$0xE800] =	vst v63  }
0x2bd: {  	s28 =	smov.u32 s24;
	s24 =	smov.u32 s26  }
0x2be: {  	s30 =	sadd.s32 $0x1100, s26;
	s24 =	sshra.s32 s24, $0x2;
	s29 =	sadd.s32 $0xC600, s28  }
0x2bf: {  	[hbm4b:s25+s3] =	stream.linear.scatter [tilespmem:s29], [sflag:$0x4], $0x80, $0x38;
	[tilespmem:$0xE800] =	vst v63  }
0x2c0: {  	p0 =	sne.s32 s26, $0x7700;
	s26 =	sadd.s32 $0xC688, s28;
	s29 =	sadd.s32 $0x10, s25  }
0x2c1: {  	[hbm4b:s29+s3] =	stream.linear.scatter [tilespmem:s26], [sflag:$0x4], $0x80, $0x38;
	[tilespmem:$0xE800] =	vst v63  }
0x2c2: {  	s26 =	sadd.s32 $0xC710, s28;
	s29 =	sadd.s32 $0x20, s25  }
0x2c3: {  	[hbm4b:s29+s3] =	stream.linear.scatter [tilespmem:s26], [sflag:$0x4], $0x80, $0x38;
	[tilespmem:$0xE800] =	vst v63  }
0x2c4: {  	s26 =	sadd.s32 $0xC798, s28;
	s29 =	sadd.s32 $0x30, s25  }
0x2c5: {  	[hbm4b:s29+s3] =	stream.linear.scatter [tilespmem:s26], [sflag:$0x4], $0x80, $0x38;
	[tilespmem:$0xE800] =	vst v63  }
0x2c6: {  	s26 =	sadd.s32 $0xC820, s28;
	s29 =	sadd.s32 $0x40, s25  }
0x2c7: {  	[hbm4b:s29+s3] =	stream.linear.scatter [tilespmem:s26], [sflag:$0x4], $0x80, $0x38;
	[tilespmem:$0xE800] =	vst v63  }
.Ltmp8:
0x2c8: {  	s26 =	sadd.s32 $0xC8A8, s28;
	s29 =	sadd.s32 $0x50, s25;
	(pc) =	sbr.rel @p0 .LBB2_13-.Ltmp8, $4  }
0x2c9: {  	[hbm4b:s29+s3] =	stream.linear.scatter [tilespmem:s26], [sflag:$0x4], $0x80, $0x38;
	[tilespmem:$0xE800] =	vst v63  }
0x2ca: {  	s26 =	sadd.s32 $0xC930, s28;
	s29 =	sadd.s32 $0x60, s25;
	s28 =	sadd.s32 $0xC9B8, s28  }
0x2cb: {  	[hbm4b:s29+s3] =	stream.linear.scatter [tilespmem:s26], [sflag:$0x4], $0x80, $0x38;
	[tilespmem:$0xE800] =	vst v63  }
0x2cc: {  	s29 =	sadd.s32 $0x70, s25;
	s25 =	sadd.s32 $0x1000, s25;
	s26 =	smov.u32 s30  }
0x2cd: {  	[hbm4b:s29+s3] =	stream.linear.scatter [tilespmem:s28], [sflag:$0x4], $0x80, $0x38;
	[tilespmem:$0xE800] =	vst v63  }
0x2ce: {  	s26 =	sadd.s32 $0xC600, s24  }
0x2cf: {  	[hbm4b:s25+s3] =	stream.linear.scatter [tilespmem:s26], [sflag:$0x4], $0x80, $0x38;
	[tilespmem:$0xE800] =	vst v63  }
0x2d0: {  	s30 =	sadd.s32 $0xC688, s24;
	s31 =	sadd.s32 $0x10, s25  }
0x2d1: {  	[hbm4b:s31+s3] =	stream.linear.scatter [tilespmem:s30], [sflag:$0x4], $0x80, $0x38;
	[tilespmem:$0xE800] =	vst v63  }
0x2d2: {  	s29 =	sadd.s32 $0xC710, s24;
	s30 =	sadd.s32 $0x20, s25  }
0x2d3: {  	[hbm4b:s30+s3] =	stream.linear.scatter [tilespmem:s29], [sflag:$0x4], $0x80, $0x38;
	[tilespmem:$0xE800] =	vst v63  }
0x2d4: {  	s31 =	sadd.s32 $0xC798, s24;
	s29 =	sadd.s32 $0x30, s25  }
0x2d5: {  	[hbm4b:s29+s3] =	stream.linear.scatter [tilespmem:s31], [sflag:$0x4], $0x80, $0x38;
	[tilespmem:$0xE800] =	vst v63  }
0x2d6: {  	s30 =	sadd.s32 $0xC820, s24;
	s31 =	sadd.s32 $0x40, s25  }
0x2d7: {  	[hbm4b:s31+s3] =	stream.linear.scatter [tilespmem:s30], [sflag:$0x4], $0x80, $0x38;
	[tilespmem:$0xE800] =	vst v63  }
0x2d8: {  	p0 =	seq.s32 s22, $0x63;
	s29 =	sadd.s32 $0xC8A8, s24;
	s30 =	sadd.s32 $0x50, s25  }
0x2d9: {  	[hbm4b:s30+s3] =	stream.linear.scatter [tilespmem:s29], [sflag:$0x4], $0x80, $0x38;
	[tilespmem:$0xE800] =	vst v63  }
.Ltmp9:
0x2da: {  	_ = 	snop;
	(pc) =	sbr.rel @p0 .LBB2_16-.Ltmp9, $4  }
0x2db: {  	s31 =	sadd.s32 $0xC930, s24;
	s29 =	sadd.s32 $0x60, s25  }
0x2dc: {  	[hbm4b:s29+s3] =	stream.linear.scatter [tilespmem:s31], [sflag:$0x4], $0x80, $0x38;
	[tilespmem:$0xE800] =	vst v63  }
0x2dd: {  	s30 =	sadd.s32 $0xC9B8, s24;
	s31 =	sadd.s32 $0x70, s25  }
0x2de: {  	[hbm4b:s31+s3] =	stream.linear.scatter [tilespmem:s30], [sflag:$0x4], $0x80, $0x38;
	[tilespmem:$0xE800] =	vst v63  }
.Ltmp10:
0x2df: {  	(pc) =	sbr.rel .LBB2_2-.Ltmp10, $4  }
0x2e0: {  	s23 =	sshll.u32 s23, $0x7  }
0x2e1: {  	s23 =	sadd.s32 $0x180, s23  }
0x2e2: {  	s22 =	sadd.s32 $0x1, s22;
	s23 =	sand.u32 $0xFF80, s23  }
0x2e3: {  	[tilespmem:s14], [sflag:$0x2] =	stream.indirect.gather [hbm4b:s5+s12], $0x40, s23, s12, $0xb8;
	[tilespmem:$0xE800] =	vst v63  }
.LBB2_17:
0x2e4: {  	_ =	sfence.sel $0x180000  }
0x2e5: {  	[bflag:$0x0] =	sbarrier.arrive $0xFFFF  }
0x2e6: {  	p0 =	sne.s32 s2, $0x0;
	_ =	strace $0x90000047  }
0x2e7: {  	s0 =	sadd.s32 @!p0 $0x100000, s0;
	[bflag:$0x2] =	sbarrier.arrive $0xFFFF  }
0x2e8: {  	[sflag:s0] =	ssyncadd.tile.s32 @!p0 $0x1;
	_ =	shalt  }
.Lfunc_end2:
_tile_overlayer_lowered:
.L_overlay_start_2:
0x2e9: {  	(tag) =	ssettag $0x2  }
0x2ea: {  	s0 =	rddreg [dreg:$0x0];
	s2 =	stileid.u32  }
0x2eb: {  	s1 =	rddreg [dreg:$0x1];
	p0 =	sne.s32 s2, $0x0  }
0x2ec: {  	s3 =	rddreg [dreg:$0x2];
	[bflag:$0x3] =	sbarrier.arrive $0xFFFF;
	s2 =	simm.s32 @!p0 $0x1C05  }
0x2ed: {  	[timem:s3], [sflag:s2] =	dma.local @!p0 [hbm:s0], s1  }
0x2ee: {  	s0 =	simm.s32 @!p0 $0x5  }
0x2ef: {  	_ =	swait.ge @!p0 [sflag:s0], s1  }
0x2f0: {  	s1 =	ssub.s32 @!p0 $0x0, s1;
	[sflag:s0] =	ssyncset.done @!p0 $0x0  }
0x2f1: {  	[sflag:s0] =	ssyncadd.s32 @!p0 s1  }
0x2f2: {  	[bflag:$0x3] =	sbarrier.arrive $0xFFFF  }
0x2f3: {  	_ =	shalt  }

</sc_bundles>
